<compile_context>
chip_gen: v7x
topology: tpu7x:2x2x1
jax: 0.10.2.dev20260603
libtpu: 0.0.44.dev20260713+nightly
codegen_flags: <defaults>
</compile_context>

<pallas_src>
import functools

import jax
import jax.numpy as jnp
from jax import lax
from jax.experimental import pallas as pl
from jax.experimental.pallas import tpu as pltpu
from jax.experimental.pallas import tpu_sc as plsc

NC = 2
NS = 16
NW = NC * NS
STREAM = 128
NBUF = 5
NCHUNK = 4


def _make_sc_pool(Bc, S, E):
    b_per_w = Bc // NW
    rows_per_w = b_per_w * S
    ns = rows_per_w // STREAM
    assert ns % NBUF == 0 and b_per_w == STREAM

    mesh = plsc.VectorSubcoreMesh(core_axis_name="c", subcore_axis_name="s")

    @functools.partial(
        pl.kernel,
        out_type=jax.ShapeDtypeStruct((Bc, E), jnp.float32),
        mesh=mesh,
        scratch_types=(
            [pltpu.VMEM((ns, STREAM), jnp.int32),
             pltpu.VMEM((ns, STREAM), jnp.int32)]
            + [pltpu.VMEM((STREAM, E), jnp.float32) for _ in range(NBUF)]
            + [pltpu.VMEM_SHARED((NS * b_per_w, E), jnp.float32)]
            + [pltpu.SemaphoreType.DMA for _ in range(2 * NBUF + 1)]
        ),
    )
    def sc_pool(tokens_hbm, rowmap_hbm, table_hbm, out_hbm,
                idx_v, map_v, *rest):
        bufs = list(rest[:NBUF])
        pooled = rest[NBUF]
        gsems = list(rest[NBUF + 1:2 * NBUF + 1])
        ssems = list(rest[2 * NBUF + 1:3 * NBUF + 1])
        osem = rest[3 * NBUF + 1]
        c = lax.axis_index("c")
        s = lax.axis_index("s")
        w = c * NS + s
        base = s * b_per_w

        pltpu.sync_copy(tokens_hbm.at[w], idx_v)

        zero = jnp.zeros((16,), jnp.float32)

        def zbody(r, carry):
            for kk in range(E // 16):
                bufs[0][r, pl.ds(kk * 16, 16)] = zero
            return carry

        lax.fori_loop(0, STREAM, zbody, 0)
        pltpu.sync_copy(bufs[0], pooled.at[pl.ds(base, b_per_w)])

        for b in range(NBUF):
            pltpu.async_copy(table_hbm.at[idx_v.at[b]], bufs[b], gsems[b])

        pltpu.sync_copy(rowmap_hbm.at[s], map_v)

        def step(j, b, first):
            pltpu.make_async_copy(
                table_hbm.at[idx_v.at[j]], bufs[b], gsems[b]).wait()
            pltpu.async_copy(
                bufs[b], pooled.at[map_v.at[j]], ssems[b], add=True)
            if not first:
                bp = (b - 1) % NBUF
                pltpu.make_async_copy(
                    bufs[bp], pooled.at[map_v.at[j]], ssems[bp]).wait()
                nxt = j + NBUF - 1

                @pl.when(nxt < ns)
                def _():
                    pltpu.async_copy(
                        table_hbm.at[idx_v.at[nxt]], bufs[bp], gsems[bp])

        for b in range(NBUF):
            step(b, b, first=(b == 0))

        n_iters = ns // NBUF
        cuts = [0]
        for i in range(1, n_iters):
            fin = ((i * NBUF + NBUF - 1) * STREAM) // S
            cuts.append(min(fin - fin % 8, b_per_w))
        cuts.append(b_per_w)
        pieces = [(cuts[i - 1], cuts[i] - cuts[i - 1])
                  for i in range(1, n_iters + 1)]

        def chunk(i, carry):
            for b in range(NBUF):
                step(i * NBUF + b, b, first=False)
            for ii in range(1, n_iters):
                off, ln = pieces[ii - 1]
                if ln <= 0:
                    continue

                @pl.when(i == ii)
                def _(off=off, ln=ln):
                    pltpu.async_copy(
                        pooled.at[pl.ds(base + off, ln)],
                        out_hbm.at[pl.ds(w * b_per_w + off, ln)], osem)
            return carry

        lax.fori_loop(1, n_iters, chunk, 0)
        last = (ns - 1) % NBUF
        pltpu.make_async_copy(
            bufs[last], pooled.at[map_v.at[0]], ssems[last]).wait()

        off, ln = pieces[-1]
        pltpu.sync_copy(pooled.at[pl.ds(base + off, ln)],
                        out_hbm.at[pl.ds(w * b_per_w + off, ln)])
        for off, ln in pieces[:-1]:
            if ln > 0:
                pltpu.make_async_copy(
                    pooled.at[pl.ds(base + off, ln)],
                    out_hbm.at[pl.ds(w * b_per_w + off, ln)], osem).wait()

    return sc_pool


def _mlp_body(x_ref, w1_ref, b1_ref, w2_ref, b2_ref, o_ref, *, inv_s):
    x = x_ref[...] * inv_s
    h = jnp.dot(x, w1_ref[...], preferred_element_type=jnp.float32)
    h = jnp.maximum(h + b1_ref[...], 0.0)
    o = jnp.dot(h, w2_ref[...], preferred_element_type=jnp.float32)
    o_ref[...] = jax.nn.sigmoid(o + b2_ref[...])


def kernel(tokens, emb_table, W1, b1, W2, b2):
    B, S = tokens.shape
    V, E = emb_table.shape
    H = W1.shape[1]
    Bc = B // NCHUNK
    b_per_w = Bc // NW
    rows_per_w = b_per_w * S
    n_streams = rows_per_w // STREAM

    tokens = tokens.astype(jnp.int32)
    t = jnp.arange(rows_per_w, dtype=jnp.int32) // S
    rowmap = (jnp.arange(NS, dtype=jnp.int32)[:, None] * b_per_w + t[None, :]
              ).reshape(NS, n_streams, STREAM)

    sc_pool = _make_sc_pool(Bc, S, E)
    b1r = b1.reshape(1, H)
    b2r = b2.reshape(1, 1)

    BT = 512
    mlp = pl.pallas_call(
        functools.partial(_mlp_body, inv_s=1.0 / S),
        grid=(Bc // BT,),
        in_specs=[
            pl.BlockSpec((BT, E), lambda i: (i, 0)),
            pl.BlockSpec((E, H), lambda i: (0, 0)),
            pl.BlockSpec((1, H), lambda i: (0, 0)),
            pl.BlockSpec((H, 1), lambda i: (0, 0)),
            pl.BlockSpec((1, 1), lambda i: (0, 0)),
        ],
        out_specs=pl.BlockSpec((BT, 1), lambda i: (i, 0)),
        out_shape=jax.ShapeDtypeStruct((Bc, 1), jnp.float32),
    )

    outs = []
    for ck in range(NCHUNK):
        tokens_c = lax.slice_in_dim(tokens, ck * Bc, (ck + 1) * Bc, axis=0)
        tokens_r = tokens_c.reshape(NW, n_streams, STREAM)
        pooled = sc_pool(tokens_r, rowmap, emb_table)
        outs.append(mlp(pooled, W1, b1r, W2, b2r))
    return jnp.concatenate(outs, axis=0)

# --- scband reference (transcript-rebuilt; emitter-appended) ---
"""Pipeline reference for scband-neural-network-35845797052843 (READ-ONLY COPY).

The authoritative reference and input builder live on the scoring server;
editing this copy changes nothing except your own understanding.
"""

import jax, jax.numpy as jnp
import numpy as np

VOCAB = 100000
EMBED = 128
SEQ = 20
HIDDEN = 1024
BATCH = 16384

def setup_inputs(seed: int = 0) -> dict:
    key = jax.random.key(seed)
    k0, k1, k2, k3 = jax.random.split(key, 4)
    tokens = jax.random.randint(k0, (BATCH, SEQ), 0, VOCAB, dtype=jnp.int64 if jax.config.jax_enable_x64 else jnp.int32)
    emb_table = jax.random.normal(k1, (VOCAB, EMBED), dtype=jnp.float32) * 0.02
    W1 = jax.random.normal(k2, (EMBED, HIDDEN), dtype=jnp.float32) * (1.0 / np.sqrt(EMBED))
    b1 = jnp.zeros((HIDDEN,), dtype=jnp.float32)
    W2 = jax.random.normal(k3, (HIDDEN, 1), dtype=jnp.float32) * (1.0 / np.sqrt(HIDDEN))
    b2 = jnp.zeros((1,), dtype=jnp.float32)
    return {"tokens": tokens, "emb_table": emb_table, "W1": W1, "b1": b1, "W2": W2, "b2": b2}

def reference(tokens, emb_table, W1, b1, W2, b2):
    # Embedding(vocab, embed_dim) lookup
    x = jnp.take(emb_table, tokens, axis=0)          # [B, S, E]
    # GlobalAveragePooling1D over the sequence axis
    pooled = jnp.mean(x, axis=1)                      # [B, E]
    # Dense(hidden, relu)
    h = jax.nn.relu(pooled @ W1 + b1)                 # [B, H]
    # Dense(1, sigmoid)
    out = jax.nn.sigmoid(h @ W2 + b2)                 # [B, 1]
    return out

if __name__ == "__main__":
    import jax
    _d = setup_inputs()
    print(jax.jit(kernel)(*tuple(_d.values())))

</pallas_src>

<mosaic_0001>
#map = affine_map<(d0, d1) -> (0, 0, 0)>
#map1 = affine_map<(d0, d1) -> (0, 0)>
module attributes {stable_mosaic.version = 14 : i64} {
  func.func @sc_pool(%arg0: i32, %arg1: i32, %arg2: memref<32x20x128xi32, #tpu.memory_space<hbm>>, %arg3: memref<16x20x128xi32, #tpu.memory_space<hbm>>, %arg4: memref<100000x128xf32, #tpu.memory_space<hbm>>, %arg5: memref<4096x128xf32, #tpu.memory_space<hbm>>, %arg6: memref<20x128xi32, #tpu.memory_space<vmem>>, %arg7: memref<20x128xi32, #tpu.memory_space<vmem>>, %arg8: memref<128x128xf32, #tpu.memory_space<vmem>>, %arg9: memref<128x128xf32, #tpu.memory_space<vmem>>, %arg10: memref<128x128xf32, #tpu.memory_space<vmem>>, %arg11: memref<128x128xf32, #tpu.memory_space<vmem>>, %arg12: memref<128x128xf32, #tpu.memory_space<vmem>>, %arg13: memref<2048x128xf32, #tpu.memory_space<vmem_shared>>, %arg14: memref<!tpu.dma_semaphore, #tpu.memory_space<semaphore_mem>>, %arg15: memref<!tpu.dma_semaphore, #tpu.memory_space<semaphore_mem>>, %arg16: memref<!tpu.dma_semaphore, #tpu.memory_space<semaphore_mem>>, %arg17: memref<!tpu.dma_semaphore, #tpu.memory_space<semaphore_mem>>, %arg18: memref<!tpu.dma_semaphore, #tpu.memory_space<semaphore_mem>>, %arg19: memref<!tpu.dma_semaphore, #tpu.memory_space<semaphore_mem>>, %arg20: memref<!tpu.dma_semaphore, #tpu.memory_space<semaphore_mem>>, %arg21: memref<!tpu.dma_semaphore, #tpu.memory_space<semaphore_mem>>, %arg22: memref<!tpu.dma_semaphore, #tpu.memory_space<semaphore_mem>>, %arg23: memref<!tpu.dma_semaphore, #tpu.memory_space<semaphore_mem>>, %arg24: memref<!tpu.dma_semaphore, #tpu.memory_space<semaphore_mem>>) attributes {dimension_semantics = [#tpu.dimension_semantics<core_parallel>, #tpu.dimension_semantics<subcore_parallel>], iteration_bounds = array<i64: 2, 16>, scalar_prefetch = 0 : i64, scratch_operands = 19 : i64, tpu.core_type = #tpu.core_type<sc_vector_subcore>, window_params = [{transform_indices = #map}, {transform_indices = #map}, {transform_indices = #map1}, {transform_indices = #map1}]} {
    %mul3A = arith.constant 16 : i32
    %mul3A_0 = arith.muli %arg0, %mul3A : i32
    %add3A = arith.addi %mul3A_0, %arg1 : i32
    %mul3A_1 = arith.constant 128 : i32
    %mul3A_2 = arith.muli %arg1, %mul3A_1 : i32
    "tpu.region"() ({
      %run_scoped3A = tpu.sem_alloc : memref<!tpu.dma_semaphore, #tpu.memory_space<semaphore_mem>>
      %dma_start3A_217 = arith.constant 0 : i32
      %dma_start3A_218 = arith.constant 0 : i32
      %dma_start3A_219 = tpu.memref_slice %arg2[%add3A, %dma_start3A_217, %dma_start3A_218] : memref<32x20x128xi32, #tpu.memory_space<hbm>> -> memref<1x20x128xi32, #tpu.memory_space<hbm>>
      %dma_start3A_220 = tpu.memref_squeeze %dma_start3A_219 : memref<1x20x128xi32, #tpu.memory_space<hbm>> -> memref<20x128xi32, #tpu.memory_space<hbm>>
      %dma_start3A_221 = arith.constant 0 : i32
      %dma_start3A_222 = arith.constant 0 : i32
      %dma_start3A_223 = tpu.memref_slice %arg2[%add3A, %dma_start3A_221, %dma_start3A_222] : memref<32x20x128xi32, #tpu.memory_space<hbm>> -> memref<1x20x128xi32, #tpu.memory_space<hbm>>
      %dma_start3A_224 = tpu.memref_squeeze %dma_start3A_223 : memref<1x20x128xi32, #tpu.memory_space<hbm>> -> memref<20x128xi32, #tpu.memory_space<hbm>>
      tpu.enqueue_dma source(%dma_start3A_224 : memref<20x128xi32, #tpu.memory_space<hbm>>) target(%arg6 : memref<20x128xi32, #tpu.memory_space<vmem>>) target_semaphore(%run_scoped3A : memref<!tpu.dma_semaphore, #tpu.memory_space<semaphore_mem>>)
      %dma_wait3A_225 = arith.constant 0 : i32
      %dma_wait3A_226 = arith.constant 0 : i32
      %dma_wait3A_227 = tpu.memref_slice %arg2[%add3A, %dma_wait3A_225, %dma_wait3A_226] : memref<32x20x128xi32, #tpu.memory_space<hbm>> -> memref<1x20x128xi32, #tpu.memory_space<hbm>>
      %dma_wait3A_228 = tpu.memref_squeeze %dma_wait3A_227 : memref<1x20x128xi32, #tpu.memory_space<hbm>> -> memref<20x128xi32, #tpu.memory_space<hbm>>
      %dma_wait3A_229 = arith.constant 0 : i32
      %dma_wait3A_230 = arith.constant 0 : i32
      %dma_wait3A_231 = tpu.memref_slice %arg2[%add3A, %dma_wait3A_229, %dma_wait3A_230] : memref<32x20x128xi32, #tpu.memory_space<hbm>> -> memref<1x20x128xi32, #tpu.memory_space<hbm>>
      %dma_wait3A_232 = tpu.memref_squeeze %dma_wait3A_231 : memref<1x20x128xi32, #tpu.memory_space<hbm>> -> memref<20x128xi32, #tpu.memory_space<hbm>>
      tpu.wait_dma2 semaphore(%run_scoped3A : memref<!tpu.dma_semaphore, #tpu.memory_space<semaphore_mem>>) src(%dma_wait3A_232 : memref<20x128xi32, #tpu.memory_space<hbm>>) dst(%arg6 : memref<20x128xi32, #tpu.memory_space<vmem>>)
      tpu.yield
    }) : () -> ()
    %broadcast_in_dim3A = arith.constant 0.000000e+00 : f32
    %broadcast_in_dim3A_3 = vector.broadcast %broadcast_in_dim3A : f32 to vector<16xf32>
    %scan3A = arith.constant 0 : i32
    %scan3A_4 = arith.constant 0 : i32
    %scan3A_5 = arith.constant 128 : i32
    %scan3A_6 = arith.addi %scan3A_4, %scan3A_5 : i32
    %scan3A_7 = arith.constant 1 : i32
    scf.for %scan3A_217 = %scan3A_4 to %scan3A_6 step %scan3A_7  : i32 {
      %swap3A = arith.index_cast %scan3A_217 : i32 to index
      %swap3A_218 = arith.constant 0 : index
      %swap3A_219 = tpu.vector_load %arg8[%swap3A, %swap3A_218] {strides = array<i32>} : memref<128x128xf32, #tpu.memory_space<vmem>>, vector<1x16xf32>,
      %swap3A_220 = vector.shape_cast %swap3A_219 : vector<1x16xf32> to vector<16xf32>
      %swap3A_221 = vector.shape_cast %broadcast_in_dim3A_3 : vector<16xf32> to vector<1x16xf32>
      tpu.vector_store %arg8[%swap3A, %swap3A_218], %swap3A_221 {strides = array<i32>} : memref<128x128xf32, #tpu.memory_space<vmem>>, vector<1x16xf32>,
      %swap3A_222 = arith.index_cast %scan3A_217 : i32 to index
      %swap3A_223 = arith.constant 16 : index
      %swap3A_224 = tpu.vector_load %arg8[%swap3A_222, %swap3A_223] {strides = array<i32>} : memref<128x128xf32, #tpu.memory_space<vmem>>, vector<1x16xf32>,
      %swap3A_225 = vector.shape_cast %swap3A_224 : vector<1x16xf32> to vector<16xf32>
      %swap3A_226 = vector.shape_cast %broadcast_in_dim3A_3 : vector<16xf32> to vector<1x16xf32>
      tpu.vector_store %arg8[%swap3A_222, %swap3A_223], %swap3A_226 {strides = array<i32>} : memref<128x128xf32, #tpu.memory_space<vmem>>, vector<1x16xf32>,
      %swap3A_227 = arith.index_cast %scan3A_217 : i32 to index
      %swap3A_228 = arith.constant 32 : index
      %swap3A_229 = tpu.vector_load %arg8[%swap3A_227, %swap3A_228] {strides = array<i32>} : memref<128x128xf32, #tpu.memory_space<vmem>>, vector<1x16xf32>,
      %swap3A_230 = vector.shape_cast %swap3A_229 : vector<1x16xf32> to vector<16xf32>
      %swap3A_231 = vector.shape_cast %broadcast_in_dim3A_3 : vector<16xf32> to vector<1x16xf32>
      tpu.vector_store %arg8[%swap3A_227, %swap3A_228], %swap3A_231 {strides = array<i32>} : memref<128x128xf32, #tpu.memory_space<vmem>>, vector<1x16xf32>,
      %swap3A_232 = arith.index_cast %scan3A_217 : i32 to index
      %swap3A_233 = arith.constant 48 : index
      %swap3A_234 = tpu.vector_load %arg8[%swap3A_232, %swap3A_233] {strides = array<i32>} : memref<128x128xf32, #tpu.memory_space<vmem>>, vector<1x16xf32>,
      %swap3A_235 = vector.shape_cast %swap3A_234 : vector<1x16xf32> to vector<16xf32>
      %swap3A_236 = vector.shape_cast %broadcast_in_dim3A_3 : vector<16xf32> to vector<1x16xf32>
      tpu.vector_store %arg8[%swap3A_232, %swap3A_233], %swap3A_236 {strides = array<i32>} : memref<128x128xf32, #tpu.memory_space<vmem>>, vector<1x16xf32>,
      %swap3A_237 = arith.index_cast %scan3A_217 : i32 to index
      %swap3A_238 = arith.constant 64 : index
      %swap3A_239 = tpu.vector_load %arg8[%swap3A_237, %swap3A_238] {strides = array<i32>} : memref<128x128xf32, #tpu.memory_space<vmem>>, vector<1x16xf32>,
      %swap3A_240 = vector.shape_cast %swap3A_239 : vector<1x16xf32> to vector<16xf32>
      %swap3A_241 = vector.shape_cast %broadcast_in_dim3A_3 : vector<16xf32> to vector<1x16xf32>
      tpu.vector_store %arg8[%swap3A_237, %swap3A_238], %swap3A_241 {strides = array<i32>} : memref<128x128xf32, #tpu.memory_space<vmem>>, vector<1x16xf32>,
      %swap3A_242 = arith.index_cast %scan3A_217 : i32 to index
      %swap3A_243 = arith.constant 80 : index
      %swap3A_244 = tpu.vector_load %arg8[%swap3A_242, %swap3A_243] {strides = array<i32>} : memref<128x128xf32, #tpu.memory_space<vmem>>, vector<1x16xf32>,
      %swap3A_245 = vector.shape_cast %swap3A_244 : vector<1x16xf32> to vector<16xf32>
      %swap3A_246 = vector.shape_cast %broadcast_in_dim3A_3 : vector<16xf32> to vector<1x16xf32>
      tpu.vector_store %arg8[%swap3A_242, %swap3A_243], %swap3A_246 {strides = array<i32>} : memref<128x128xf32, #tpu.memory_space<vmem>>, vector<1x16xf32>,
      %swap3A_247 = arith.index_cast %scan3A_217 : i32 to index
      %swap3A_248 = arith.constant 96 : index
      %swap3A_249 = tpu.vector_load %arg8[%swap3A_247, %swap3A_248] {strides = array<i32>} : memref<128x128xf32, #tpu.memory_space<vmem>>, vector<1x16xf32>,
      %swap3A_250 = vector.shape_cast %swap3A_249 : vector<1x16xf32> to vector<16xf32>
      %swap3A_251 = vector.shape_cast %broadcast_in_dim3A_3 : vector<16xf32> to vector<1x16xf32>
      tpu.vector_store %arg8[%swap3A_247, %swap3A_248], %swap3A_251 {strides = array<i32>} : memref<128x128xf32, #tpu.memory_space<vmem>>, vector<1x16xf32>,
      %swap3A_252 = arith.index_cast %scan3A_217 : i32 to index
      %swap3A_253 = arith.constant 112 : index
      %swap3A_254 = tpu.vector_load %arg8[%swap3A_252, %swap3A_253] {strides = array<i32>} : memref<128x128xf32, #tpu.memory_space<vmem>>, vector<1x16xf32>,
      %swap3A_255 = vector.shape_cast %swap3A_254 : vector<1x16xf32> to vector<16xf32>
      %swap3A_256 = vector.shape_cast %broadcast_in_dim3A_3 : vector<16xf32> to vector<1x16xf32>
      tpu.vector_store %arg8[%swap3A_252, %swap3A_253], %swap3A_256 {strides = array<i32>} : memref<128x128xf32, #tpu.memory_space<vmem>>, vector<1x16xf32>,
    }
    %scan3A_8 = arith.constant 128 : i32
    "tpu.region"() ({
      %run_scoped3A = tpu.sem_alloc : memref<!tpu.dma_semaphore, #tpu.memory_space<semaphore_mem>>
      %dma_start3A_217 = arith.constant 0 : i32
      %dma_start3A_218 = tpu.memref_slice %arg13[%mul3A_2, %dma_start3A_217] : memref<2048x128xf32, #tpu.memory_space<vmem_shared>> -> memref<128x128xf32, #tpu.memory_space<vmem_shared>>
      %dma_start3A_219 = arith.constant 0 : i32
      %dma_start3A_220 = tpu.memref_slice %arg13[%mul3A_2, %dma_start3A_219] : memref<2048x128xf32, #tpu.memory_space<vmem_shared>> -> memref<128x128xf32, #tpu.memory_space<vmem_shared>>
      tpu.enqueue_dma source(%arg8 : memref<128x128xf32, #tpu.memory_space<vmem>>) target(%dma_start3A_220 : memref<128x128xf32, #tpu.memory_space<vmem_shared>>) target_semaphore(%run_scoped3A : memref<!tpu.dma_semaphore, #tpu.memory_space<semaphore_mem>>)
      %dma_wait3A_221 = arith.constant 0 : i32
      %dma_wait3A_222 = tpu.memref_slice %arg13[%mul3A_2, %dma_wait3A_221] : memref<2048x128xf32, #tpu.memory_space<vmem_shared>> -> memref<128x128xf32, #tpu.memory_space<vmem_shared>>
      %dma_wait3A_223 = arith.constant 0 : i32
      %dma_wait3A_224 = tpu.memref_slice %arg13[%mul3A_2, %dma_wait3A_223] : memref<2048x128xf32, #tpu.memory_space<vmem_shared>> -> memref<128x128xf32, #tpu.memory_space<vmem_shared>>
      tpu.wait_dma2 semaphore(%run_scoped3A : memref<!tpu.dma_semaphore, #tpu.memory_space<semaphore_mem>>) src(%arg8 : memref<128x128xf32, #tpu.memory_space<vmem>>) dst(%dma_wait3A_224 : memref<128x128xf32, #tpu.memory_space<vmem_shared>>)
      tpu.yield
    }) : () -> ()
    %dma_start3A = arith.constant 0 : i32
    %dma_start3A_9 = arith.constant 0 : i32
    %dma_start3A_10 = tpu.memref_slice %arg6[%dma_start3A, %dma_start3A_9] : memref<20x128xi32, #tpu.memory_space<vmem>> -> memref<1x128xi32, #tpu.memory_space<vmem>>
    %dma_start3A_11 = tpu.memref_squeeze %dma_start3A_10 : memref<1x128xi32, #tpu.memory_space<vmem>> -> memref<128xi32, #tpu.memory_space<vmem>>
    %dma_start3A_12 = arith.constant 0 : i32
    %dma_start3A_13 = arith.constant 0 : i32
    %dma_start3A_14 = tpu.memref_slice %arg4[%dma_start3A_12, %dma_start3A_13] : memref<100000x128xf32, #tpu.memory_space<hbm>> -> memref<100000x128xf32, #tpu.memory_space<hbm>>
    tpu.enqueue_indirect_dma source(%dma_start3A_14 : memref<100000x128xf32, #tpu.memory_space<hbm>>) target(%arg8 : memref<128x128xf32, #tpu.memory_space<vmem>>) offsets(%dma_start3A_11 : memref<128xi32, #tpu.memory_space<vmem>>) semaphore(%arg14 : memref<!tpu.dma_semaphore, #tpu.memory_space<semaphore_mem>>)
    %dma_start3A_15 = arith.constant 1 : i32
    %dma_start3A_16 = arith.constant 0 : i32
    %dma_start3A_17 = tpu.memref_slice %arg6[%dma_start3A_15, %dma_start3A_16] : memref<20x128xi32, #tpu.memory_space<vmem>> -> memref<1x128xi32, #tpu.memory_space<vmem>>
    %dma_start3A_18 = tpu.memref_squeeze %dma_start3A_17 : memref<1x128xi32, #tpu.memory_space<vmem>> -> memref<128xi32, #tpu.memory_space<vmem>>
    %dma_start3A_19 = arith.constant 0 : i32
    %dma_start3A_20 = arith.constant 0 : i32
    %dma_start3A_21 = tpu.memref_slice %arg4[%dma_start3A_19, %dma_start3A_20] : memref<100000x128xf32, #tpu.memory_space<hbm>> -> memref<100000x128xf32, #tpu.memory_space<hbm>>
    tpu.enqueue_indirect_dma source(%dma_start3A_21 : memref<100000x128xf32, #tpu.memory_space<hbm>>) target(%arg9 : memref<128x128xf32, #tpu.memory_space<vmem>>) offsets(%dma_start3A_18 : memref<128xi32, #tpu.memory_space<vmem>>) semaphore(%arg15 : memref<!tpu.dma_semaphore, #tpu.memory_space<semaphore_mem>>)
    %dma_start3A_22 = arith.constant 2 : i32
    %dma_start3A_23 = arith.constant 0 : i32
    %dma_start3A_24 = tpu.memref_slice %arg6[%dma_start3A_22, %dma_start3A_23] : memref<20x128xi32, #tpu.memory_space<vmem>> -> memref<1x128xi32, #tpu.memory_space<vmem>>
    %dma_start3A_25 = tpu.memref_squeeze %dma_start3A_24 : memref<1x128xi32, #tpu.memory_space<vmem>> -> memref<128xi32, #tpu.memory_space<vmem>>
    %dma_start3A_26 = arith.constant 0 : i32
    %dma_start3A_27 = arith.constant 0 : i32
    %dma_start3A_28 = tpu.memref_slice %arg4[%dma_start3A_26, %dma_start3A_27] : memref<100000x128xf32, #tpu.memory_space<hbm>> -> memref<100000x128xf32, #tpu.memory_space<hbm>>
    tpu.enqueue_indirect_dma source(%dma_start3A_28 : memref<100000x128xf32, #tpu.memory_space<hbm>>) target(%arg10 : memref<128x128xf32, #tpu.memory_space<vmem>>) offsets(%dma_start3A_25 : memref<128xi32, #tpu.memory_space<vmem>>) semaphore(%arg16 : memref<!tpu.dma_semaphore, #tpu.memory_space<semaphore_mem>>)
    %dma_start3A_29 = arith.constant 3 : i32
    %dma_start3A_30 = arith.constant 0 : i32
    %dma_start3A_31 = tpu.memref_slice %arg6[%dma_start3A_29, %dma_start3A_30] : memref<20x128xi32, #tpu.memory_space<vmem>> -> memref<1x128xi32, #tpu.memory_space<vmem>>
    %dma_start3A_32 = tpu.memref_squeeze %dma_start3A_31 : memref<1x128xi32, #tpu.memory_space<vmem>> -> memref<128xi32, #tpu.memory_space<vmem>>
    %dma_start3A_33 = arith.constant 0 : i32
    %dma_start3A_34 = arith.constant 0 : i32
    %dma_start3A_35 = tpu.memref_slice %arg4[%dma_start3A_33, %dma_start3A_34] : memref<100000x128xf32, #tpu.memory_space<hbm>> -> memref<100000x128xf32, #tpu.memory_space<hbm>>
    tpu.enqueue_indirect_dma source(%dma_start3A_35 : memref<100000x128xf32, #tpu.memory_space<hbm>>) target(%arg11 : memref<128x128xf32, #tpu.memory_space<vmem>>) offsets(%dma_start3A_32 : memref<128xi32, #tpu.memory_space<vmem>>) semaphore(%arg17 : memref<!tpu.dma_semaphore, #tpu.memory_space<semaphore_mem>>)
    %dma_start3A_36 = arith.constant 4 : i32
    %dma_start3A_37 = arith.constant 0 : i32
    %dma_start3A_38 = tpu.memref_slice %arg6[%dma_start3A_36, %dma_start3A_37] : memref<20x128xi32, #tpu.memory_space<vmem>> -> memref<1x128xi32, #tpu.memory_space<vmem>>
    %dma_start3A_39 = tpu.memref_squeeze %dma_start3A_38 : memref<1x128xi32, #tpu.memory_space<vmem>> -> memref<128xi32, #tpu.memory_space<vmem>>
    %dma_start3A_40 = arith.constant 0 : i32
    %dma_start3A_41 = arith.constant 0 : i32
    %dma_start3A_42 = tpu.memref_slice %arg4[%dma_start3A_40, %dma_start3A_41] : memref<100000x128xf32, #tpu.memory_space<hbm>> -> memref<100000x128xf32, #tpu.memory_space<hbm>>
    tpu.enqueue_indirect_dma source(%dma_start3A_42 : memref<100000x128xf32, #tpu.memory_space<hbm>>) target(%arg12 : memref<128x128xf32, #tpu.memory_space<vmem>>) offsets(%dma_start3A_39 : memref<128xi32, #tpu.memory_space<vmem>>) semaphore(%arg18 : memref<!tpu.dma_semaphore, #tpu.memory_space<semaphore_mem>>)
    "tpu.region"() ({
      %run_scoped3A = tpu.sem_alloc : memref<!tpu.dma_semaphore, #tpu.memory_space<semaphore_mem>>
      %dma_start3A_217 = arith.constant 0 : i32
      %dma_start3A_218 = arith.constant 0 : i32
      %dma_start3A_219 = tpu.memref_slice %arg3[%arg1, %dma_start3A_217, %dma_start3A_218] : memref<16x20x128xi32, #tpu.memory_space<hbm>> -> memref<1x20x128xi32, #tpu.memory_space<hbm>>
      %dma_start3A_220 = tpu.memref_squeeze %dma_start3A_219 : memref<1x20x128xi32, #tpu.memory_space<hbm>> -> memref<20x128xi32, #tpu.memory_space<hbm>>
      %dma_start3A_221 = arith.constant 0 : i32
      %dma_start3A_222 = arith.constant 0 : i32
      %dma_start3A_223 = tpu.memref_slice %arg3[%arg1, %dma_start3A_221, %dma_start3A_222] : memref<16x20x128xi32, #tpu.memory_space<hbm>> -> memref<1x20x128xi32, #tpu.memory_space<hbm>>
      %dma_start3A_224 = tpu.memref_squeeze %dma_start3A_223 : memref<1x20x128xi32, #tpu.memory_space<hbm>> -> memref<20x128xi32, #tpu.memory_space<hbm>>
      tpu.enqueue_dma source(%dma_start3A_224 : memref<20x128xi32, #tpu.memory_space<hbm>>) target(%arg7 : memref<20x128xi32, #tpu.memory_space<vmem>>) target_semaphore(%run_scoped3A : memref<!tpu.dma_semaphore, #tpu.memory_space<semaphore_mem>>)
      %dma_wait3A_225 = arith.constant 0 : i32
      %dma_wait3A_226 = arith.constant 0 : i32
      %dma_wait3A_227 = tpu.memref_slice %arg3[%arg1, %dma_wait3A_225, %dma_wait3A_226] : memref<16x20x128xi32, #tpu.memory_space<hbm>> -> memref<1x20x128xi32, #tpu.memory_space<hbm>>
      %dma_wait3A_228 = tpu.memref_squeeze %dma_wait3A_227 : memref<1x20x128xi32, #tpu.memory_space<hbm>> -> memref<20x128xi32, #tpu.memory_space<hbm>>
      %dma_wait3A_229 = arith.constant 0 : i32
      %dma_wait3A_230 = arith.constant 0 : i32
      %dma_wait3A_231 = tpu.memref_slice %arg3[%arg1, %dma_wait3A_229, %dma_wait3A_230] : memref<16x20x128xi32, #tpu.memory_space<hbm>> -> memref<1x20x128xi32, #tpu.memory_space<hbm>>
      %dma_wait3A_232 = tpu.memref_squeeze %dma_wait3A_231 : memref<1x20x128xi32, #tpu.memory_space<hbm>> -> memref<20x128xi32, #tpu.memory_space<hbm>>
      tpu.wait_dma2 semaphore(%run_scoped3A : memref<!tpu.dma_semaphore, #tpu.memory_space<semaphore_mem>>) src(%dma_wait3A_232 : memref<20x128xi32, #tpu.memory_space<hbm>>) dst(%arg7 : memref<20x128xi32, #tpu.memory_space<vmem>>)
      tpu.yield
    }) : () -> ()
    %dma_wait3A = arith.constant 0 : i32
    %dma_wait3A_43 = arith.constant 0 : i32
    %dma_wait3A_44 = tpu.memref_slice %arg6[%dma_wait3A, %dma_wait3A_43] : memref<20x128xi32, #tpu.memory_space<vmem>> -> memref<1x128xi32, #tpu.memory_space<vmem>>
    %dma_wait3A_45 = tpu.memref_squeeze %dma_wait3A_44 : memref<1x128xi32, #tpu.memory_space<vmem>> -> memref<128xi32, #tpu.memory_space<vmem>>
    %dma_wait3A_46 = arith.constant 0 : i32
    %dma_wait3A_47 = arith.constant 0 : i32
    %dma_wait3A_48 = tpu.memref_slice %arg4[%dma_wait3A_46, %dma_wait3A_47] : memref<100000x128xf32, #tpu.memory_space<hbm>> -> memref<100000x128xf32, #tpu.memory_space<hbm>>
    tpu.wait_indirect_dma semaphore(%arg14 : memref<!tpu.dma_semaphore, #tpu.memory_space<semaphore_mem>>) src(%dma_wait3A_48 : memref<100000x128xf32, #tpu.memory_space<hbm>>) dst(%arg8 : memref<128x128xf32, #tpu.memory_space<vmem>>)
    %dma_start3A_49 = arith.constant 0 : i32
    %dma_start3A_50 = arith.constant 0 : i32
    %dma_start3A_51 = tpu.memref_slice %arg7[%dma_start3A_49, %dma_start3A_50] : memref<20x128xi32, #tpu.memory_space<vmem>> -> memref<1x128xi32, #tpu.memory_space<vmem>>
    %dma_start3A_52 = tpu.memref_squeeze %dma_start3A_51 : memref<1x128xi32, #tpu.memory_space<vmem>> -> memref<128xi32, #tpu.memory_space<vmem>>
    %dma_start3A_53 = arith.constant 0 : i32
    %dma_start3A_54 = arith.constant 0 : i32
    %dma_start3A_55 = tpu.memref_slice %arg13[%dma_start3A_53, %dma_start3A_54] : memref<2048x128xf32, #tpu.memory_space<vmem_shared>> -> memref<2048x128xf32, #tpu.memory_space<vmem_shared>>
    tpu.enqueue_indirect_dma source(%arg8 : memref<128x128xf32, #tpu.memory_space<vmem>>) target(%dma_start3A_55 : memref<2048x128xf32, #tpu.memory_space<vmem_shared>>) offsets(%dma_start3A_52 : memref<128xi32, #tpu.memory_space<vmem>>) semaphore(%arg19 : memref<!tpu.dma_semaphore, #tpu.memory_space<semaphore_mem>>) {add = true}
    %dma_wait3A_56 = arith.constant 1 : i32
    %dma_wait3A_57 = arith.constant 0 : i32
    %dma_wait3A_58 = tpu.memref_slice %arg6[%dma_wait3A_56, %dma_wait3A_57] : memref<20x128xi32, #tpu.memory_space<vmem>> -> memref<1x128xi32, #tpu.memory_space<vmem>>
    %dma_wait3A_59 = tpu.memref_squeeze %dma_wait3A_58 : memref<1x128xi32, #tpu.memory_space<vmem>> -> memref<128xi32, #tpu.memory_space<vmem>>
    %dma_wait3A_60 = arith.constant 0 : i32
    %dma_wait3A_61 = arith.constant 0 : i32
    %dma_wait3A_62 = tpu.memref_slice %arg4[%dma_wait3A_60, %dma_wait3A_61] : memref<100000x128xf32, #tpu.memory_space<hbm>> -> memref<100000x128xf32, #tpu.memory_space<hbm>>
    tpu.wait_indirect_dma semaphore(%arg15 : memref<!tpu.dma_semaphore, #tpu.memory_space<semaphore_mem>>) src(%dma_wait3A_62 : memref<100000x128xf32, #tpu.memory_space<hbm>>) dst(%arg9 : memref<128x128xf32, #tpu.memory_space<vmem>>)
    %dma_start3A_63 = arith.constant 1 : i32
    %dma_start3A_64 = arith.constant 0 : i32
    %dma_start3A_65 = tpu.memref_slice %arg7[%dma_start3A_63, %dma_start3A_64] : memref<20x128xi32, #tpu.memory_space<vmem>> -> memref<1x128xi32, #tpu.memory_space<vmem>>
    %dma_start3A_66 = tpu.memref_squeeze %dma_start3A_65 : memref<1x128xi32, #tpu.memory_space<vmem>> -> memref<128xi32, #tpu.memory_space<vmem>>
    %dma_start3A_67 = arith.constant 0 : i32
    %dma_start3A_68 = arith.constant 0 : i32
    %dma_start3A_69 = tpu.memref_slice %arg13[%dma_start3A_67, %dma_start3A_68] : memref<2048x128xf32, #tpu.memory_space<vmem_shared>> -> memref<2048x128xf32, #tpu.memory_space<vmem_shared>>
    tpu.enqueue_indirect_dma source(%arg9 : memref<128x128xf32, #tpu.memory_space<vmem>>) target(%dma_start3A_69 : memref<2048x128xf32, #tpu.memory_space<vmem_shared>>) offsets(%dma_start3A_66 : memref<128xi32, #tpu.memory_space<vmem>>) semaphore(%arg20 : memref<!tpu.dma_semaphore, #tpu.memory_space<semaphore_mem>>) {add = true}
    %dma_wait3A_70 = arith.constant 1 : i32
    %dma_wait3A_71 = arith.constant 0 : i32
    %dma_wait3A_72 = tpu.memref_slice %arg7[%dma_wait3A_70, %dma_wait3A_71] : memref<20x128xi32, #tpu.memory_space<vmem>> -> memref<1x128xi32, #tpu.memory_space<vmem>>
    %dma_wait3A_73 = tpu.memref_squeeze %dma_wait3A_72 : memref<1x128xi32, #tpu.memory_space<vmem>> -> memref<128xi32, #tpu.memory_space<vmem>>
    %dma_wait3A_74 = arith.constant 0 : i32
    %dma_wait3A_75 = arith.constant 0 : i32
    %dma_wait3A_76 = tpu.memref_slice %arg13[%dma_wait3A_74, %dma_wait3A_75] : memref<2048x128xf32, #tpu.memory_space<vmem_shared>> -> memref<2048x128xf32, #tpu.memory_space<vmem_shared>>
    tpu.wait_indirect_dma semaphore(%arg19 : memref<!tpu.dma_semaphore, #tpu.memory_space<semaphore_mem>>) src(%arg8 : memref<128x128xf32, #tpu.memory_space<vmem>>) dst(%dma_wait3A_76 : memref<2048x128xf32, #tpu.memory_space<vmem_shared>>)
    %dma_start3A_77 = arith.constant 5 : i32
    %dma_start3A_78 = arith.constant 0 : i32
    %dma_start3A_79 = tpu.memref_slice %arg6[%dma_start3A_77, %dma_start3A_78] : memref<20x128xi32, #tpu.memory_space<vmem>> -> memref<1x128xi32, #tpu.memory_space<vmem>>
    %dma_start3A_80 = tpu.memref_squeeze %dma_start3A_79 : memref<1x128xi32, #tpu.memory_space<vmem>> -> memref<128xi32, #tpu.memory_space<vmem>>
    %dma_start3A_81 = arith.constant 0 : i32
    %dma_start3A_82 = arith.constant 0 : i32
    %dma_start3A_83 = tpu.memref_slice %arg4[%dma_start3A_81, %dma_start3A_82] : memref<100000x128xf32, #tpu.memory_space<hbm>> -> memref<100000x128xf32, #tpu.memory_space<hbm>>
    tpu.enqueue_indirect_dma source(%dma_start3A_83 : memref<100000x128xf32, #tpu.memory_space<hbm>>) target(%arg8 : memref<128x128xf32, #tpu.memory_space<vmem>>) offsets(%dma_start3A_80 : memref<128xi32, #tpu.memory_space<vmem>>) semaphore(%arg14 : memref<!tpu.dma_semaphore, #tpu.memory_space<semaphore_mem>>)
    %dma_wait3A_84 = arith.constant 2 : i32
    %dma_wait3A_85 = arith.constant 0 : i32
    %dma_wait3A_86 = tpu.memref_slice %arg6[%dma_wait3A_84, %dma_wait3A_85] : memref<20x128xi32, #tpu.memory_space<vmem>> -> memref<1x128xi32, #tpu.memory_space<vmem>>
    %dma_wait3A_87 = tpu.memref_squeeze %dma_wait3A_86 : memref<1x128xi32, #tpu.memory_space<vmem>> -> memref<128xi32, #tpu.memory_space<vmem>>
    %dma_wait3A_88 = arith.constant 0 : i32
    %dma_wait3A_89 = arith.constant 0 : i32
    %dma_wait3A_90 = tpu.memref_slice %arg4[%dma_wait3A_88, %dma_wait3A_89] : memref<100000x128xf32, #tpu.memory_space<hbm>> -> memref<100000x128xf32, #tpu.memory_space<hbm>>
    tpu.wait_indirect_dma semaphore(%arg16 : memref<!tpu.dma_semaphore, #tpu.memory_space<semaphore_mem>>) src(%dma_wait3A_90 : memref<100000x128xf32, #tpu.memory_space<hbm>>) dst(%arg10 : memref<128x128xf32, #tpu.memory_space<vmem>>)
    %dma_start3A_91 = arith.constant 2 : i32
    %dma_start3A_92 = arith.constant 0 : i32
    %dma_start3A_93 = tpu.memref_slice %arg7[%dma_start3A_91, %dma_start3A_92] : memref<20x128xi32, #tpu.memory_space<vmem>> -> memref<1x128xi32, #tpu.memory_space<vmem>>
    %dma_start3A_94 = tpu.memref_squeeze %dma_start3A_93 : memref<1x128xi32, #tpu.memory_space<vmem>> -> memref<128xi32, #tpu.memory_space<vmem>>
    %dma_start3A_95 = arith.constant 0 : i32
    %dma_start3A_96 = arith.constant 0 : i32
    %dma_start3A_97 = tpu.memref_slice %arg13[%dma_start3A_95, %dma_start3A_96] : memref<2048x128xf32, #tpu.memory_space<vmem_shared>> -> memref<2048x128xf32, #tpu.memory_space<vmem_shared>>
    tpu.enqueue_indirect_dma source(%arg10 : memref<128x128xf32, #tpu.memory_space<vmem>>) target(%dma_start3A_97 : memref<2048x128xf32, #tpu.memory_space<vmem_shared>>) offsets(%dma_start3A_94 : memref<128xi32, #tpu.memory_space<vmem>>) semaphore(%arg21 : memref<!tpu.dma_semaphore, #tpu.memory_space<semaphore_mem>>) {add = true}
    %dma_wait3A_98 = arith.constant 2 : i32
    %dma_wait3A_99 = arith.constant 0 : i32
    %dma_wait3A_100 = tpu.memref_slice %arg7[%dma_wait3A_98, %dma_wait3A_99] : memref<20x128xi32, #tpu.memory_space<vmem>> -> memref<1x128xi32, #tpu.memory_space<vmem>>
    %dma_wait3A_101 = tpu.memref_squeeze %dma_wait3A_100 : memref<1x128xi32, #tpu.memory_space<vmem>> -> memref<128xi32, #tpu.memory_space<vmem>>
    %dma_wait3A_102 = arith.constant 0 : i32
    %dma_wait3A_103 = arith.constant 0 : i32
    %dma_wait3A_104 = tpu.memref_slice %arg13[%dma_wait3A_102, %dma_wait3A_103] : memref<2048x128xf32, #tpu.memory_space<vmem_shared>> -> memref<2048x128xf32, #tpu.memory_space<vmem_shared>>
    tpu.wait_indirect_dma semaphore(%arg20 : memref<!tpu.dma_semaphore, #tpu.memory_space<semaphore_mem>>) src(%arg9 : memref<128x128xf32, #tpu.memory_space<vmem>>) dst(%dma_wait3A_104 : memref<2048x128xf32, #tpu.memory_space<vmem_shared>>)
    %dma_start3A_105 = arith.constant 6 : i32
    %dma_start3A_106 = arith.constant 0 : i32
    %dma_start3A_107 = tpu.memref_slice %arg6[%dma_start3A_105, %dma_start3A_106] : memref<20x128xi32, #tpu.memory_space<vmem>> -> memref<1x128xi32, #tpu.memory_space<vmem>>
    %dma_start3A_108 = tpu.memref_squeeze %dma_start3A_107 : memref<1x128xi32, #tpu.memory_space<vmem>> -> memref<128xi32, #tpu.memory_space<vmem>>
    %dma_start3A_109 = arith.constant 0 : i32
    %dma_start3A_110 = arith.constant 0 : i32
    %dma_start3A_111 = tpu.memref_slice %arg4[%dma_start3A_109, %dma_start3A_110] : memref<100000x128xf32, #tpu.memory_space<hbm>> -> memref<100000x128xf32, #tpu.memory_space<hbm>>
    tpu.enqueue_indirect_dma source(%dma_start3A_111 : memref<100000x128xf32, #tpu.memory_space<hbm>>) target(%arg9 : memref<128x128xf32, #tpu.memory_space<vmem>>) offsets(%dma_start3A_108 : memref<128xi32, #tpu.memory_space<vmem>>) semaphore(%arg15 : memref<!tpu.dma_semaphore, #tpu.memory_space<semaphore_mem>>)
    %dma_wait3A_112 = arith.constant 3 : i32
    %dma_wait3A_113 = arith.constant 0 : i32
    %dma_wait3A_114 = tpu.memref_slice %arg6[%dma_wait3A_112, %dma_wait3A_113] : memref<20x128xi32, #tpu.memory_space<vmem>> -> memref<1x128xi32, #tpu.memory_space<vmem>>
    %dma_wait3A_115 = tpu.memref_squeeze %dma_wait3A_114 : memref<1x128xi32, #tpu.memory_space<vmem>> -> memref<128xi32, #tpu.memory_space<vmem>>
    %dma_wait3A_116 = arith.constant 0 : i32
    %dma_wait3A_117 = arith.constant 0 : i32
    %dma_wait3A_118 = tpu.memref_slice %arg4[%dma_wait3A_116, %dma_wait3A_117] : memref<100000x128xf32, #tpu.memory_space<hbm>> -> memref<100000x128xf32, #tpu.memory_space<hbm>>
    tpu.wait_indirect_dma semaphore(%arg17 : memref<!tpu.dma_semaphore, #tpu.memory_space<semaphore_mem>>) src(%dma_wait3A_118 : memref<100000x128xf32, #tpu.memory_space<hbm>>) dst(%arg11 : memref<128x128xf32, #tpu.memory_space<vmem>>)
    %dma_start3A_119 = arith.constant 3 : i32
    %dma_start3A_120 = arith.constant 0 : i32
    %dma_start3A_121 = tpu.memref_slice %arg7[%dma_start3A_119, %dma_start3A_120] : memref<20x128xi32, #tpu.memory_space<vmem>> -> memref<1x128xi32, #tpu.memory_space<vmem>>
    %dma_start3A_122 = tpu.memref_squeeze %dma_start3A_121 : memref<1x128xi32, #tpu.memory_space<vmem>> -> memref<128xi32, #tpu.memory_space<vmem>>
    %dma_start3A_123 = arith.constant 0 : i32
    %dma_start3A_124 = arith.constant 0 : i32
    %dma_start3A_125 = tpu.memref_slice %arg13[%dma_start3A_123, %dma_start3A_124] : memref<2048x128xf32, #tpu.memory_space<vmem_shared>> -> memref<2048x128xf32, #tpu.memory_space<vmem_shared>>
    tpu.enqueue_indirect_dma source(%arg11 : memref<128x128xf32, #tpu.memory_space<vmem>>) target(%dma_start3A_125 : memref<2048x128xf32, #tpu.memory_space<vmem_shared>>) offsets(%dma_start3A_122 : memref<128xi32, #tpu.memory_space<vmem>>) semaphore(%arg22 : memref<!tpu.dma_semaphore, #tpu.memory_space<semaphore_mem>>) {add = true}
    %dma_wait3A_126 = arith.constant 3 : i32
    %dma_wait3A_127 = arith.constant 0 : i32
    %dma_wait3A_128 = tpu.memref_slice %arg7[%dma_wait3A_126, %dma_wait3A_127] : memref<20x128xi32, #tpu.memory_space<vmem>> -> memref<1x128xi32, #tpu.memory_space<vmem>>
    %dma_wait3A_129 = tpu.memref_squeeze %dma_wait3A_128 : memref<1x128xi32, #tpu.memory_space<vmem>> -> memref<128xi32, #tpu.memory_space<vmem>>
    %dma_wait3A_130 = arith.constant 0 : i32
    %dma_wait3A_131 = arith.constant 0 : i32
    %dma_wait3A_132 = tpu.memref_slice %arg13[%dma_wait3A_130, %dma_wait3A_131] : memref<2048x128xf32, #tpu.memory_space<vmem_shared>> -> memref<2048x128xf32, #tpu.memory_space<vmem_shared>>
    tpu.wait_indirect_dma semaphore(%arg21 : memref<!tpu.dma_semaphore, #tpu.memory_space<semaphore_mem>>) src(%arg10 : memref<128x128xf32, #tpu.memory_space<vmem>>) dst(%dma_wait3A_132 : memref<2048x128xf32, #tpu.memory_space<vmem_shared>>)
    %dma_start3A_133 = arith.constant 7 : i32
    %dma_start3A_134 = arith.constant 0 : i32
    %dma_start3A_135 = tpu.memref_slice %arg6[%dma_start3A_133, %dma_start3A_134] : memref<20x128xi32, #tpu.memory_space<vmem>> -> memref<1x128xi32, #tpu.memory_space<vmem>>
    %dma_start3A_136 = tpu.memref_squeeze %dma_start3A_135 : memref<1x128xi32, #tpu.memory_space<vmem>> -> memref<128xi32, #tpu.memory_space<vmem>>
    %dma_start3A_137 = arith.constant 0 : i32
    %dma_start3A_138 = arith.constant 0 : i32
    %dma_start3A_139 = tpu.memref_slice %arg4[%dma_start3A_137, %dma_start3A_138] : memref<100000x128xf32, #tpu.memory_space<hbm>> -> memref<100000x128xf32, #tpu.memory_space<hbm>>
    tpu.enqueue_indirect_dma source(%dma_start3A_139 : memref<100000x128xf32, #tpu.memory_space<hbm>>) target(%arg10 : memref<128x128xf32, #tpu.memory_space<vmem>>) offsets(%dma_start3A_136 : memref<128xi32, #tpu.memory_space<vmem>>) semaphore(%arg16 : memref<!tpu.dma_semaphore, #tpu.memory_space<semaphore_mem>>)
    %dma_wait3A_140 = arith.constant 4 : i32
    %dma_wait3A_141 = arith.constant 0 : i32
    %dma_wait3A_142 = tpu.memref_slice %arg6[%dma_wait3A_140, %dma_wait3A_141] : memref<20x128xi32, #tpu.memory_space<vmem>> -> memref<1x128xi32, #tpu.memory_space<vmem>>
    %dma_wait3A_143 = tpu.memref_squeeze %dma_wait3A_142 : memref<1x128xi32, #tpu.memory_space<vmem>> -> memref<128xi32, #tpu.memory_space<vmem>>
    %dma_wait3A_144 = arith.constant 0 : i32
    %dma_wait3A_145 = arith.constant 0 : i32
    %dma_wait3A_146 = tpu.memref_slice %arg4[%dma_wait3A_144, %dma_wait3A_145] : memref<100000x128xf32, #tpu.memory_space<hbm>> -> memref<100000x128xf32, #tpu.memory_space<hbm>>
    tpu.wait_indirect_dma semaphore(%arg18 : memref<!tpu.dma_semaphore, #tpu.memory_space<semaphore_mem>>) src(%dma_wait3A_146 : memref<100000x128xf32, #tpu.memory_space<hbm>>) dst(%arg12 : memref<128x128xf32, #tpu.memory_space<vmem>>)
    %dma_start3A_147 = arith.constant 4 : i32
    %dma_start3A_148 = arith.constant 0 : i32
    %dma_start3A_149 = tpu.memref_slice %arg7[%dma_start3A_147, %dma_start3A_148] : memref<20x128xi32, #tpu.memory_space<vmem>> -> memref<1x128xi32, #tpu.memory_space<vmem>>
    %dma_start3A_150 = tpu.memref_squeeze %dma_start3A_149 : memref<1x128xi32, #tpu.memory_space<vmem>> -> memref<128xi32, #tpu.memory_space<vmem>>
    %dma_start3A_151 = arith.constant 0 : i32
    %dma_start3A_152 = arith.constant 0 : i32
    %dma_start3A_153 = tpu.memref_slice %arg13[%dma_start3A_151, %dma_start3A_152] : memref<2048x128xf32, #tpu.memory_space<vmem_shared>> -> memref<2048x128xf32, #tpu.memory_space<vmem_shared>>
    tpu.enqueue_indirect_dma source(%arg12 : memref<128x128xf32, #tpu.memory_space<vmem>>) target(%dma_start3A_153 : memref<2048x128xf32, #tpu.memory_space<vmem_shared>>) offsets(%dma_start3A_150 : memref<128xi32, #tpu.memory_space<vmem>>) semaphore(%arg23 : memref<!tpu.dma_semaphore, #tpu.memory_space<semaphore_mem>>) {add = true}
    %dma_wait3A_154 = arith.constant 4 : i32
    %dma_wait3A_155 = arith.constant 0 : i32
    %dma_wait3A_156 = tpu.memref_slice %arg7[%dma_wait3A_154, %dma_wait3A_155] : memref<20x128xi32, #tpu.memory_space<vmem>> -> memref<1x128xi32, #tpu.memory_space<vmem>>
    %dma_wait3A_157 = tpu.memref_squeeze %dma_wait3A_156 : memref<1x128xi32, #tpu.memory_space<vmem>> -> memref<128xi32, #tpu.memory_space<vmem>>
    %dma_wait3A_158 = arith.constant 0 : i32
    %dma_wait3A_159 = arith.constant 0 : i32
    %dma_wait3A_160 = tpu.memref_slice %arg13[%dma_wait3A_158, %dma_wait3A_159] : memref<2048x128xf32, #tpu.memory_space<vmem_shared>> -> memref<2048x128xf32, #tpu.memory_space<vmem_shared>>
    tpu.wait_indirect_dma semaphore(%arg22 : memref<!tpu.dma_semaphore, #tpu.memory_space<semaphore_mem>>) src(%arg11 : memref<128x128xf32, #tpu.memory_space<vmem>>) dst(%dma_wait3A_160 : memref<2048x128xf32, #tpu.memory_space<vmem_shared>>)
    %dma_start3A_161 = arith.constant 8 : i32
    %dma_start3A_162 = arith.constant 0 : i32
    %dma_start3A_163 = tpu.memref_slice %arg6[%dma_start3A_161, %dma_start3A_162] : memref<20x128xi32, #tpu.memory_space<vmem>> -> memref<1x128xi32, #tpu.memory_space<vmem>>
    %dma_start3A_164 = tpu.memref_squeeze %dma_start3A_163 : memref<1x128xi32, #tpu.memory_space<vmem>> -> memref<128xi32, #tpu.memory_space<vmem>>
    %dma_start3A_165 = arith.constant 0 : i32
    %dma_start3A_166 = arith.constant 0 : i32
    %dma_start3A_167 = tpu.memref_slice %arg4[%dma_start3A_165, %dma_start3A_166] : memref<100000x128xf32, #tpu.memory_space<hbm>> -> memref<100000x128xf32, #tpu.memory_space<hbm>>
    tpu.enqueue_indirect_dma source(%dma_start3A_167 : memref<100000x128xf32, #tpu.memory_space<hbm>>) target(%arg11 : memref<128x128xf32, #tpu.memory_space<vmem>>) offsets(%dma_start3A_164 : memref<128xi32, #tpu.memory_space<vmem>>) semaphore(%arg17 : memref<!tpu.dma_semaphore, #tpu.memory_space<semaphore_mem>>)
    %scan3A_168 = arith.constant 0 : i32
    %scan3A_169 = arith.constant 1 : i32
    %scan3A_170 = arith.constant 3 : i32
    %scan3A_171 = arith.addi %scan3A_169, %scan3A_170 : i32
    %scan3A_172 = arith.constant 1 : i32
    scf.for %scan3A_217 = %scan3A_169 to %scan3A_171 step %scan3A_172  : i32 {
      %mul3A_218 = arith.constant 5 : i32
      %mul3A_219 = arith.muli %scan3A_217, %mul3A_218 : i32
      %add3A_220 = arith.constant 0 : i32
      %add3A_221 = arith.addi %mul3A_219, %add3A_220 : i32
      %dma_wait3A_222 = arith.constant 0 : i32
      %dma_wait3A_223 = tpu.memref_slice %arg6[%add3A_221, %dma_wait3A_222] : memref<20x128xi32, #tpu.memory_space<vmem>> -> memref<1x128xi32, #tpu.memory_space<vmem>>
      %dma_wait3A_224 = tpu.memref_squeeze %dma_wait3A_223 : memref<1x128xi32, #tpu.memory_space<vmem>> -> memref<128xi32, #tpu.memory_space<vmem>>
      %dma_wait3A_225 = arith.constant 0 : i32
      %dma_wait3A_226 = arith.constant 0 : i32
      %dma_wait3A_227 = tpu.memref_slice %arg4[%dma_wait3A_225, %dma_wait3A_226] : memref<100000x128xf32, #tpu.memory_space<hbm>> -> memref<100000x128xf32, #tpu.memory_space<hbm>>
      tpu.wait_indirect_dma semaphore(%arg14 : memref<!tpu.dma_semaphore, #tpu.memory_space<semaphore_mem>>) src(%dma_wait3A_227 : memref<100000x128xf32, #tpu.memory_space<hbm>>) dst(%arg8 : memref<128x128xf32, #tpu.memory_space<vmem>>)
      %dma_start3A_228 = arith.constant 0 : i32
      %dma_start3A_229 = tpu.memref_slice %arg7[%add3A_221, %dma_start3A_228] : memref<20x128xi32, #tpu.memory_space<vmem>> -> memref<1x128xi32, #tpu.memory_space<vmem>>
      %dma_start3A_230 = tpu.memref_squeeze %dma_start3A_229 : memref<1x128xi32, #tpu.memory_space<vmem>> -> memref<128xi32, #tpu.memory_space<vmem>>
      %dma_start3A_231 = arith.constant 0 : i32
      %dma_start3A_232 = arith.constant 0 : i32
      %dma_start3A_233 = tpu.memref_slice %arg13[%dma_start3A_231, %dma_start3A_232] : memref<2048x128xf32, #tpu.memory_space<vmem_shared>> -> memref<2048x128xf32, #tpu.memory_space<vmem_shared>>
      tpu.enqueue_indirect_dma source(%arg8 : memref<128x128xf32, #tpu.memory_space<vmem>>) target(%dma_start3A_233 : memref<2048x128xf32, #tpu.memory_space<vmem_shared>>) offsets(%dma_start3A_230 : memref<128xi32, #tpu.memory_space<vmem>>) semaphore(%arg19 : memref<!tpu.dma_semaphore, #tpu.memory_space<semaphore_mem>>) {add = true}
      %dma_wait3A_234 = arith.constant 0 : i32
      %dma_wait3A_235 = tpu.memref_slice %arg7[%add3A_221, %dma_wait3A_234] : memref<20x128xi32, #tpu.memory_space<vmem>> -> memref<1x128xi32, #tpu.memory_space<vmem>>
      %dma_wait3A_236 = tpu.memref_squeeze %dma_wait3A_235 : memref<1x128xi32, #tpu.memory_space<vmem>> -> memref<128xi32, #tpu.memory_space<vmem>>
      %dma_wait3A_237 = arith.constant 0 : i32
      %dma_wait3A_238 = arith.constant 0 : i32
      %dma_wait3A_239 = tpu.memref_slice %arg13[%dma_wait3A_237, %dma_wait3A_238] : memref<2048x128xf32, #tpu.memory_space<vmem_shared>> -> memref<2048x128xf32, #tpu.memory_space<vmem_shared>>
      tpu.wait_indirect_dma semaphore(%arg23 : memref<!tpu.dma_semaphore, #tpu.memory_space<semaphore_mem>>) src(%arg12 : memref<128x128xf32, #tpu.memory_space<vmem>>) dst(%dma_wait3A_239 : memref<2048x128xf32, #tpu.memory_space<vmem_shared>>)
      %add3A_240 = arith.constant 5 : i32
      %add3A_241 = arith.addi %add3A_221, %add3A_240 : i32
      %sub3A = arith.constant 1 : i32
      %sub3A_242 = arith.subi %add3A_241, %sub3A : i32
      %lt3A = arith.constant 20 : i32
      %lt3A_243 = arith.cmpi slt, %sub3A_242, %lt3A : i32
      %convert_element_type3A = arith.extui %lt3A_243 : i1 to i32
      %cond3A = arith.constant 0 : i32
      %cond3A_244 = arith.cmpi ne, %convert_element_type3A, %cond3A : i32
      scf.if %cond3A_244 {
        %dma_start3A_383 = arith.constant 0 : i32
        %dma_start3A_384 = tpu.memref_slice %arg6[%sub3A_242, %dma_start3A_383] : memref<20x128xi32, #tpu.memory_space<vmem>> -> memref<1x128xi32, #tpu.memory_space<vmem>>
        %dma_start3A_385 = tpu.memref_squeeze %dma_start3A_384 : memref<1x128xi32, #tpu.memory_space<vmem>> -> memref<128xi32, #tpu.memory_space<vmem>>
        %dma_start3A_386 = arith.constant 0 : i32
        %dma_start3A_387 = arith.constant 0 : i32
        %dma_start3A_388 = tpu.memref_slice %arg4[%dma_start3A_386, %dma_start3A_387] : memref<100000x128xf32, #tpu.memory_space<hbm>> -> memref<100000x128xf32, #tpu.memory_space<hbm>>
        tpu.enqueue_indirect_dma source(%dma_start3A_388 : memref<100000x128xf32, #tpu.memory_space<hbm>>) target(%arg12 : memref<128x128xf32, #tpu.memory_space<vmem>>) offsets(%dma_start3A_385 : memref<128xi32, #tpu.memory_space<vmem>>) semaphore(%arg18 : memref<!tpu.dma_semaphore, #tpu.memory_space<semaphore_mem>>)
      } else {
      }
      %mul3A_245 = arith.constant 5 : i32
      %mul3A_246 = arith.muli %scan3A_217, %mul3A_245 : i32
      %add3A_247 = arith.constant 1 : i32
      %add3A_248 = arith.addi %mul3A_246, %add3A_247 : i32
      %dma_wait3A_249 = arith.constant 0 : i32
      %dma_wait3A_250 = tpu.memref_slice %arg6[%add3A_248, %dma_wait3A_249] : memref<20x128xi32, #tpu.memory_space<vmem>> -> memref<1x128xi32, #tpu.memory_space<vmem>>
      %dma_wait3A_251 = tpu.memref_squeeze %dma_wait3A_250 : memref<1x128xi32, #tpu.memory_space<vmem>> -> memref<128xi32, #tpu.memory_space<vmem>>
      %dma_wait3A_252 = arith.constant 0 : i32
      %dma_wait3A_253 = arith.constant 0 : i32
      %dma_wait3A_254 = tpu.memref_slice %arg4[%dma_wait3A_252, %dma_wait3A_253] : memref<100000x128xf32, #tpu.memory_space<hbm>> -> memref<100000x128xf32, #tpu.memory_space<hbm>>
      tpu.wait_indirect_dma semaphore(%arg15 : memref<!tpu.dma_semaphore, #tpu.memory_space<semaphore_mem>>) src(%dma_wait3A_254 : memref<100000x128xf32, #tpu.memory_space<hbm>>) dst(%arg9 : memref<128x128xf32, #tpu.memory_space<vmem>>)
      %dma_start3A_255 = arith.constant 0 : i32
      %dma_start3A_256 = tpu.memref_slice %arg7[%add3A_248, %dma_start3A_255] : memref<20x128xi32, #tpu.memory_space<vmem>> -> memref<1x128xi32, #tpu.memory_space<vmem>>
      %dma_start3A_257 = tpu.memref_squeeze %dma_start3A_256 : memref<1x128xi32, #tpu.memory_space<vmem>> -> memref<128xi32, #tpu.memory_space<vmem>>
      %dma_start3A_258 = arith.constant 0 : i32
      %dma_start3A_259 = arith.constant 0 : i32
      %dma_start3A_260 = tpu.memref_slice %arg13[%dma_start3A_258, %dma_start3A_259] : memref<2048x128xf32, #tpu.memory_space<vmem_shared>> -> memref<2048x128xf32, #tpu.memory_space<vmem_shared>>
      tpu.enqueue_indirect_dma source(%arg9 : memref<128x128xf32, #tpu.memory_space<vmem>>) target(%dma_start3A_260 : memref<2048x128xf32, #tpu.memory_space<vmem_shared>>) offsets(%dma_start3A_257 : memref<128xi32, #tpu.memory_space<vmem>>) semaphore(%arg20 : memref<!tpu.dma_semaphore, #tpu.memory_space<semaphore_mem>>) {add = true}
      %dma_wait3A_261 = arith.constant 0 : i32
      %dma_wait3A_262 = tpu.memref_slice %arg7[%add3A_248, %dma_wait3A_261] : memref<20x128xi32, #tpu.memory_space<vmem>> -> memref<1x128xi32, #tpu.memory_space<vmem>>
      %dma_wait3A_263 = tpu.memref_squeeze %dma_wait3A_262 : memref<1x128xi32, #tpu.memory_space<vmem>> -> memref<128xi32, #tpu.memory_space<vmem>>
      %dma_wait3A_264 = arith.constant 0 : i32
      %dma_wait3A_265 = arith.constant 0 : i32
      %dma_wait3A_266 = tpu.memref_slice %arg13[%dma_wait3A_264, %dma_wait3A_265] : memref<2048x128xf32, #tpu.memory_space<vmem_shared>> -> memref<2048x128xf32, #tpu.memory_space<vmem_shared>>
      tpu.wait_indirect_dma semaphore(%arg19 : memref<!tpu.dma_semaphore, #tpu.memory_space<semaphore_mem>>) src(%arg8 : memref<128x128xf32, #tpu.memory_space<vmem>>) dst(%dma_wait3A_266 : memref<2048x128xf32, #tpu.memory_space<vmem_shared>>)
      %add3A_267 = arith.constant 5 : i32
      %add3A_268 = arith.addi %add3A_248, %add3A_267 : i32
      %sub3A_269 = arith.constant 1 : i32
      %sub3A_270 = arith.subi %add3A_268, %sub3A_269 : i32
      %lt3A_271 = arith.constant 20 : i32
      %lt3A_272 = arith.cmpi slt, %sub3A_270, %lt3A_271 : i32
      %convert_element_type3A_273 = arith.extui %lt3A_272 : i1 to i32
      %cond3A_274 = arith.constant 0 : i32
      %cond3A_275 = arith.cmpi ne, %convert_element_type3A_273, %cond3A_274 : i32
      scf.if %cond3A_275 {
        %dma_start3A_383 = arith.constant 0 : i32
        %dma_start3A_384 = tpu.memref_slice %arg6[%sub3A_270, %dma_start3A_383] : memref<20x128xi32, #tpu.memory_space<vmem>> -> memref<1x128xi32, #tpu.memory_space<vmem>>
        %dma_start3A_385 = tpu.memref_squeeze %dma_start3A_384 : memref<1x128xi32, #tpu.memory_space<vmem>> -> memref<128xi32, #tpu.memory_space<vmem>>
        %dma_start3A_386 = arith.constant 0 : i32
        %dma_start3A_387 = arith.constant 0 : i32
        %dma_start3A_388 = tpu.memref_slice %arg4[%dma_start3A_386, %dma_start3A_387] : memref<100000x128xf32, #tpu.memory_space<hbm>> -> memref<100000x128xf32, #tpu.memory_space<hbm>>
        tpu.enqueue_indirect_dma source(%dma_start3A_388 : memref<100000x128xf32, #tpu.memory_space<hbm>>) target(%arg8 : memref<128x128xf32, #tpu.memory_space<vmem>>) offsets(%dma_start3A_385 : memref<128xi32, #tpu.memory_space<vmem>>) semaphore(%arg14 : memref<!tpu.dma_semaphore, #tpu.memory_space<semaphore_mem>>)
      } else {
      }
      %mul3A_276 = arith.constant 5 : i32
      %mul3A_277 = arith.muli %scan3A_217, %mul3A_276 : i32
      %add3A_278 = arith.constant 2 : i32
      %add3A_279 = arith.addi %mul3A_277, %add3A_278 : i32
      %dma_wait3A_280 = arith.constant 0 : i32
      %dma_wait3A_281 = tpu.memref_slice %arg6[%add3A_279, %dma_wait3A_280] : memref<20x128xi32, #tpu.memory_space<vmem>> -> memref<1x128xi32, #tpu.memory_space<vmem>>
      %dma_wait3A_282 = tpu.memref_squeeze %dma_wait3A_281 : memref<1x128xi32, #tpu.memory_space<vmem>> -> memref<128xi32, #tpu.memory_space<vmem>>
      %dma_wait3A_283 = arith.constant 0 : i32
      %dma_wait3A_284 = arith.constant 0 : i32
      %dma_wait3A_285 = tpu.memref_slice %arg4[%dma_wait3A_283, %dma_wait3A_284] : memref<100000x128xf32, #tpu.memory_space<hbm>> -> memref<100000x128xf32, #tpu.memory_space<hbm>>
      tpu.wait_indirect_dma semaphore(%arg16 : memref<!tpu.dma_semaphore, #tpu.memory_space<semaphore_mem>>) src(%dma_wait3A_285 : memref<100000x128xf32, #tpu.memory_space<hbm>>) dst(%arg10 : memref<128x128xf32, #tpu.memory_space<vmem>>)
      %dma_start3A_286 = arith.constant 0 : i32
      %dma_start3A_287 = tpu.memref_slice %arg7[%add3A_279, %dma_start3A_286] : memref<20x128xi32, #tpu.memory_space<vmem>> -> memref<1x128xi32, #tpu.memory_space<vmem>>
      %dma_start3A_288 = tpu.memref_squeeze %dma_start3A_287 : memref<1x128xi32, #tpu.memory_space<vmem>> -> memref<128xi32, #tpu.memory_space<vmem>>
      %dma_start3A_289 = arith.constant 0 : i32
      %dma_start3A_290 = arith.constant 0 : i32
      %dma_start3A_291 = tpu.memref_slice %arg13[%dma_start3A_289, %dma_start3A_290] : memref<2048x128xf32, #tpu.memory_space<vmem_shared>> -> memref<2048x128xf32, #tpu.memory_space<vmem_shared>>
      tpu.enqueue_indirect_dma source(%arg10 : memref<128x128xf32, #tpu.memory_space<vmem>>) target(%dma_start3A_291 : memref<2048x128xf32, #tpu.memory_space<vmem_shared>>) offsets(%dma_start3A_288 : memref<128xi32, #tpu.memory_space<vmem>>) semaphore(%arg21 : memref<!tpu.dma_semaphore, #tpu.memory_space<semaphore_mem>>) {add = true}
      %dma_wait3A_292 = arith.constant 0 : i32
      %dma_wait3A_293 = tpu.memref_slice %arg7[%add3A_279, %dma_wait3A_292] : memref<20x128xi32, #tpu.memory_space<vmem>> -> memref<1x128xi32, #tpu.memory_space<vmem>>
      %dma_wait3A_294 = tpu.memref_squeeze %dma_wait3A_293 : memref<1x128xi32, #tpu.memory_space<vmem>> -> memref<128xi32, #tpu.memory_space<vmem>>
      %dma_wait3A_295 = arith.constant 0 : i32
      %dma_wait3A_296 = arith.constant 0 : i32
      %dma_wait3A_297 = tpu.memref_slice %arg13[%dma_wait3A_295, %dma_wait3A_296] : memref<2048x128xf32, #tpu.memory_space<vmem_shared>> -> memref<2048x128xf32, #tpu.memory_space<vmem_shared>>
      tpu.wait_indirect_dma semaphore(%arg20 : memref<!tpu.dma_semaphore, #tpu.memory_space<semaphore_mem>>) src(%arg9 : memref<128x128xf32, #tpu.memory_space<vmem>>) dst(%dma_wait3A_297 : memref<2048x128xf32, #tpu.memory_space<vmem_shared>>)
      %add3A_298 = arith.constant 5 : i32
      %add3A_299 = arith.addi %add3A_279, %add3A_298 : i32
      %sub3A_300 = arith.constant 1 : i32
      %sub3A_301 = arith.subi %add3A_299, %sub3A_300 : i32
      %lt3A_302 = arith.constant 20 : i32
      %lt3A_303 = arith.cmpi slt, %sub3A_301, %lt3A_302 : i32
      %convert_element_type3A_304 = arith.extui %lt3A_303 : i1 to i32
      %cond3A_305 = arith.constant 0 : i32
      %cond3A_306 = arith.cmpi ne, %convert_element_type3A_304, %cond3A_305 : i32
      scf.if %cond3A_306 {
        %dma_start3A_383 = arith.constant 0 : i32
        %dma_start3A_384 = tpu.memref_slice %arg6[%sub3A_301, %dma_start3A_383] : memref<20x128xi32, #tpu.memory_space<vmem>> -> memref<1x128xi32, #tpu.memory_space<vmem>>
        %dma_start3A_385 = tpu.memref_squeeze %dma_start3A_384 : memref<1x128xi32, #tpu.memory_space<vmem>> -> memref<128xi32, #tpu.memory_space<vmem>>
        %dma_start3A_386 = arith.constant 0 : i32
        %dma_start3A_387 = arith.constant 0 : i32
        %dma_start3A_388 = tpu.memref_slice %arg4[%dma_start3A_386, %dma_start3A_387] : memref<100000x128xf32, #tpu.memory_space<hbm>> -> memref<100000x128xf32, #tpu.memory_space<hbm>>
        tpu.enqueue_indirect_dma source(%dma_start3A_388 : memref<100000x128xf32, #tpu.memory_space<hbm>>) target(%arg9 : memref<128x128xf32, #tpu.memory_space<vmem>>) offsets(%dma_start3A_385 : memref<128xi32, #tpu.memory_space<vmem>>) semaphore(%arg15 : memref<!tpu.dma_semaphore, #tpu.memory_space<semaphore_mem>>)
      } else {
      }
      %mul3A_307 = arith.constant 5 : i32
      %mul3A_308 = arith.muli %scan3A_217, %mul3A_307 : i32
      %add3A_309 = arith.constant 3 : i32
      %add3A_310 = arith.addi %mul3A_308, %add3A_309 : i32
      %dma_wait3A_311 = arith.constant 0 : i32
      %dma_wait3A_312 = tpu.memref_slice %arg6[%add3A_310, %dma_wait3A_311] : memref<20x128xi32, #tpu.memory_space<vmem>> -> memref<1x128xi32, #tpu.memory_space<vmem>>
      %dma_wait3A_313 = tpu.memref_squeeze %dma_wait3A_312 : memref<1x128xi32, #tpu.memory_space<vmem>> -> memref<128xi32, #tpu.memory_space<vmem>>
      %dma_wait3A_314 = arith.constant 0 : i32
      %dma_wait3A_315 = arith.constant 0 : i32
      %dma_wait3A_316 = tpu.memref_slice %arg4[%dma_wait3A_314, %dma_wait3A_315] : memref<100000x128xf32, #tpu.memory_space<hbm>> -> memref<100000x128xf32, #tpu.memory_space<hbm>>
      tpu.wait_indirect_dma semaphore(%arg17 : memref<!tpu.dma_semaphore, #tpu.memory_space<semaphore_mem>>) src(%dma_wait3A_316 : memref<100000x128xf32, #tpu.memory_space<hbm>>) dst(%arg11 : memref<128x128xf32, #tpu.memory_space<vmem>>)
      %dma_start3A_317 = arith.constant 0 : i32
      %dma_start3A_318 = tpu.memref_slice %arg7[%add3A_310, %dma_start3A_317] : memref<20x128xi32, #tpu.memory_space<vmem>> -> memref<1x128xi32, #tpu.memory_space<vmem>>
      %dma_start3A_319 = tpu.memref_squeeze %dma_start3A_318 : memref<1x128xi32, #tpu.memory_space<vmem>> -> memref<128xi32, #tpu.memory_space<vmem>>
      %dma_start3A_320 = arith.constant 0 : i32
      %dma_start3A_321 = arith.constant 0 : i32
      %dma_start3A_322 = tpu.memref_slice %arg13[%dma_start3A_320, %dma_start3A_321] : memref<2048x128xf32, #tpu.memory_space<vmem_shared>> -> memref<2048x128xf32, #tpu.memory_space<vmem_shared>>
      tpu.enqueue_indirect_dma source(%arg11 : memref<128x128xf32, #tpu.memory_space<vmem>>) target(%dma_start3A_322 : memref<2048x128xf32, #tpu.memory_space<vmem_shared>>) offsets(%dma_start3A_319 : memref<128xi32, #tpu.memory_space<vmem>>) semaphore(%arg22 : memref<!tpu.dma_semaphore, #tpu.memory_space<semaphore_mem>>) {add = true}
      %dma_wait3A_323 = arith.constant 0 : i32
      %dma_wait3A_324 = tpu.memref_slice %arg7[%add3A_310, %dma_wait3A_323] : memref<20x128xi32, #tpu.memory_space<vmem>> -> memref<1x128xi32, #tpu.memory_space<vmem>>
      %dma_wait3A_325 = tpu.memref_squeeze %dma_wait3A_324 : memref<1x128xi32, #tpu.memory_space<vmem>> -> memref<128xi32, #tpu.memory_space<vmem>>
      %dma_wait3A_326 = arith.constant 0 : i32
      %dma_wait3A_327 = arith.constant 0 : i32
      %dma_wait3A_328 = tpu.memref_slice %arg13[%dma_wait3A_326, %dma_wait3A_327] : memref<2048x128xf32, #tpu.memory_space<vmem_shared>> -> memref<2048x128xf32, #tpu.memory_space<vmem_shared>>
      tpu.wait_indirect_dma semaphore(%arg21 : memref<!tpu.dma_semaphore, #tpu.memory_space<semaphore_mem>>) src(%arg10 : memref<128x128xf32, #tpu.memory_space<vmem>>) dst(%dma_wait3A_328 : memref<2048x128xf32, #tpu.memory_space<vmem_shared>>)
      %add3A_329 = arith.constant 5 : i32
      %add3A_330 = arith.addi %add3A_310, %add3A_329 : i32
      %sub3A_331 = arith.constant 1 : i32
      %sub3A_332 = arith.subi %add3A_330, %sub3A_331 : i32
      %lt3A_333 = arith.constant 20 : i32
      %lt3A_334 = arith.cmpi slt, %sub3A_332, %lt3A_333 : i32
      %convert_element_type3A_335 = arith.extui %lt3A_334 : i1 to i32
      %cond3A_336 = arith.constant 0 : i32
      %cond3A_337 = arith.cmpi ne, %convert_element_type3A_335, %cond3A_336 : i32
      scf.if %cond3A_337 {
        %dma_start3A_383 = arith.constant 0 : i32
        %dma_start3A_384 = tpu.memref_slice %arg6[%sub3A_332, %dma_start3A_383] : memref<20x128xi32, #tpu.memory_space<vmem>> -> memref<1x128xi32, #tpu.memory_space<vmem>>
        %dma_start3A_385 = tpu.memref_squeeze %dma_start3A_384 : memref<1x128xi32, #tpu.memory_space<vmem>> -> memref<128xi32, #tpu.memory_space<vmem>>
        %dma_start3A_386 = arith.constant 0 : i32
        %dma_start3A_387 = arith.constant 0 : i32
        %dma_start3A_388 = tpu.memref_slice %arg4[%dma_start3A_386, %dma_start3A_387] : memref<100000x128xf32, #tpu.memory_space<hbm>> -> memref<100000x128xf32, #tpu.memory_space<hbm>>
        tpu.enqueue_indirect_dma source(%dma_start3A_388 : memref<100000x128xf32, #tpu.memory_space<hbm>>) target(%arg10 : memref<128x128xf32, #tpu.memory_space<vmem>>) offsets(%dma_start3A_385 : memref<128xi32, #tpu.memory_space<vmem>>) semaphore(%arg16 : memref<!tpu.dma_semaphore, #tpu.memory_space<semaphore_mem>>)
      } else {
      }
      %mul3A_338 = arith.constant 5 : i32
      %mul3A_339 = arith.muli %scan3A_217, %mul3A_338 : i32
      %add3A_340 = arith.constant 4 : i32
      %add3A_341 = arith.addi %mul3A_339, %add3A_340 : i32
      %dma_wait3A_342 = arith.constant 0 : i32
      %dma_wait3A_343 = tpu.memref_slice %arg6[%add3A_341, %dma_wait3A_342] : memref<20x128xi32, #tpu.memory_space<vmem>> -> memref<1x128xi32, #tpu.memory_space<vmem>>
      %dma_wait3A_344 = tpu.memref_squeeze %dma_wait3A_343 : memref<1x128xi32, #tpu.memory_space<vmem>> -> memref<128xi32, #tpu.memory_space<vmem>>
      %dma_wait3A_345 = arith.constant 0 : i32
      %dma_wait3A_346 = arith.constant 0 : i32
      %dma_wait3A_347 = tpu.memref_slice %arg4[%dma_wait3A_345, %dma_wait3A_346] : memref<100000x128xf32, #tpu.memory_space<hbm>> -> memref<100000x128xf32, #tpu.memory_space<hbm>>
      tpu.wait_indirect_dma semaphore(%arg18 : memref<!tpu.dma_semaphore, #tpu.memory_space<semaphore_mem>>) src(%dma_wait3A_347 : memref<100000x128xf32, #tpu.memory_space<hbm>>) dst(%arg12 : memref<128x128xf32, #tpu.memory_space<vmem>>)
      %dma_start3A_348 = arith.constant 0 : i32
      %dma_start3A_349 = tpu.memref_slice %arg7[%add3A_341, %dma_start3A_348] : memref<20x128xi32, #tpu.memory_space<vmem>> -> memref<1x128xi32, #tpu.memory_space<vmem>>
      %dma_start3A_350 = tpu.memref_squeeze %dma_start3A_349 : memref<1x128xi32, #tpu.memory_space<vmem>> -> memref<128xi32, #tpu.memory_space<vmem>>
      %dma_start3A_351 = arith.constant 0 : i32
      %dma_start3A_352 = arith.constant 0 : i32
      %dma_start3A_353 = tpu.memref_slice %arg13[%dma_start3A_351, %dma_start3A_352] : memref<2048x128xf32, #tpu.memory_space<vmem_shared>> -> memref<2048x128xf32, #tpu.memory_space<vmem_shared>>
      tpu.enqueue_indirect_dma source(%arg12 : memref<128x128xf32, #tpu.memory_space<vmem>>) target(%dma_start3A_353 : memref<2048x128xf32, #tpu.memory_space<vmem_shared>>) offsets(%dma_start3A_350 : memref<128xi32, #tpu.memory_space<vmem>>) semaphore(%arg23 : memref<!tpu.dma_semaphore, #tpu.memory_space<semaphore_mem>>) {add = true}
      %dma_wait3A_354 = arith.constant 0 : i32
      %dma_wait3A_355 = tpu.memref_slice %arg7[%add3A_341, %dma_wait3A_354] : memref<20x128xi32, #tpu.memory_space<vmem>> -> memref<1x128xi32, #tpu.memory_space<vmem>>
      %dma_wait3A_356 = tpu.memref_squeeze %dma_wait3A_355 : memref<1x128xi32, #tpu.memory_space<vmem>> -> memref<128xi32, #tpu.memory_space<vmem>>
      %dma_wait3A_357 = arith.constant 0 : i32
      %dma_wait3A_358 = arith.constant 0 : i32
      %dma_wait3A_359 = tpu.memref_slice %arg13[%dma_wait3A_357, %dma_wait3A_358] : memref<2048x128xf32, #tpu.memory_space<vmem_shared>> -> memref<2048x128xf32, #tpu.memory_space<vmem_shared>>
      tpu.wait_indirect_dma semaphore(%arg22 : memref<!tpu.dma_semaphore, #tpu.memory_space<semaphore_mem>>) src(%arg11 : memref<128x128xf32, #tpu.memory_space<vmem>>) dst(%dma_wait3A_359 : memref<2048x128xf32, #tpu.memory_space<vmem_shared>>)
      %add3A_360 = arith.constant 5 : i32
      %add3A_361 = arith.addi %add3A_341, %add3A_360 : i32
      %sub3A_362 = arith.constant 1 : i32
      %sub3A_363 = arith.subi %add3A_361, %sub3A_362 : i32
      %lt3A_364 = arith.constant 20 : i32
      %lt3A_365 = arith.cmpi slt, %sub3A_363, %lt3A_364 : i32
      %convert_element_type3A_366 = arith.extui %lt3A_365 : i1 to i32
      %cond3A_367 = arith.constant 0 : i32
      %cond3A_368 = arith.cmpi ne, %convert_element_type3A_366, %cond3A_367 : i32
      scf.if %cond3A_368 {
        %dma_start3A_383 = arith.constant 0 : i32
        %dma_start3A_384 = tpu.memref_slice %arg6[%sub3A_363, %dma_start3A_383] : memref<20x128xi32, #tpu.memory_space<vmem>> -> memref<1x128xi32, #tpu.memory_space<vmem>>
        %dma_start3A_385 = tpu.memref_squeeze %dma_start3A_384 : memref<1x128xi32, #tpu.memory_space<vmem>> -> memref<128xi32, #tpu.memory_space<vmem>>
        %dma_start3A_386 = arith.constant 0 : i32
        %dma_start3A_387 = arith.constant 0 : i32
        %dma_start3A_388 = tpu.memref_slice %arg4[%dma_start3A_386, %dma_start3A_387] : memref<100000x128xf32, #tpu.memory_space<hbm>> -> memref<100000x128xf32, #tpu.memory_space<hbm>>
        tpu.enqueue_indirect_dma source(%dma_start3A_388 : memref<100000x128xf32, #tpu.memory_space<hbm>>) target(%arg11 : memref<128x128xf32, #tpu.memory_space<vmem>>) offsets(%dma_start3A_385 : memref<128xi32, #tpu.memory_space<vmem>>) semaphore(%arg17 : memref<!tpu.dma_semaphore, #tpu.memory_space<semaphore_mem>>)
      } else {
      }
      %eq3A = arith.constant 1 : i32
      %eq3A_369 = arith.cmpi eq, %scan3A_217, %eq3A : i32
      %convert_element_type3A_370 = arith.extui %eq3A_369 : i1 to i32
      %cond3A_371 = arith.constant 0 : i32
      %cond3A_372 = arith.cmpi ne, %convert_element_type3A_370, %cond3A_371 : i32
      scf.if %cond3A_372 {
        %add3A_383 = arith.constant 0 : i32
        %add3A_384 = arith.addi %mul3A_2, %add3A_383 : i32
        %mul3A_385 = arith.constant 128 : i32
        %mul3A_386 = arith.muli %add3A, %mul3A_385 : i32
        %add3A_387 = arith.constant 0 : i32
        %add3A_388 = arith.addi %mul3A_386, %add3A_387 : i32
        %dma_start3A_389 = arith.constant 0 : i32
        %dma_start3A_390 = tpu.memref_slice %arg5[%add3A_388, %dma_start3A_389] : memref<4096x128xf32, #tpu.memory_space<hbm>> -> memref<56x128xf32, #tpu.memory_space<hbm>>
        %dma_start3A_391 = arith.constant 0 : i32
        %dma_start3A_392 = tpu.memref_slice %arg13[%add3A_384, %dma_start3A_391] : memref<2048x128xf32, #tpu.memory_space<vmem_shared>> -> memref<56x128xf32, #tpu.memory_space<vmem_shared>>
        tpu.enqueue_dma source(%dma_start3A_392 : memref<56x128xf32, #tpu.memory_space<vmem_shared>>) target(%dma_start3A_390 : memref<56x128xf32, #tpu.memory_space<hbm>>) target_semaphore(%arg24 : memref<!tpu.dma_semaphore, #tpu.memory_space<semaphore_mem>>)
      } else {
      }
      %eq3A_373 = arith.constant 2 : i32
      %eq3A_374 = arith.cmpi eq, %scan3A_217, %eq3A_373 : i32
      %convert_element_type3A_375 = arith.extui %eq3A_374 : i1 to i32
      %cond3A_376 = arith.constant 0 : i32
      %cond3A_377 = arith.cmpi ne, %convert_element_type3A_375, %cond3A_376 : i32
      scf.if %cond3A_377 {
        %add3A_383 = arith.constant 56 : i32
        %add3A_384 = arith.addi %mul3A_2, %add3A_383 : i32
        %mul3A_385 = arith.constant 128 : i32
        %mul3A_386 = arith.muli %add3A, %mul3A_385 : i32
        %add3A_387 = arith.constant 56 : i32
        %add3A_388 = arith.addi %mul3A_386, %add3A_387 : i32
        %dma_start3A_389 = arith.constant 0 : i32
        %dma_start3A_390 = tpu.memref_slice %arg5[%add3A_388, %dma_start3A_389] : memref<4096x128xf32, #tpu.memory_space<hbm>> -> memref<32x128xf32, #tpu.memory_space<hbm>>
        %dma_start3A_391 = arith.constant 0 : i32
        %dma_start3A_392 = tpu.memref_slice %arg13[%add3A_384, %dma_start3A_391] : memref<2048x128xf32, #tpu.memory_space<vmem_shared>> -> memref<32x128xf32, #tpu.memory_space<vmem_shared>>
        tpu.enqueue_dma source(%dma_start3A_392 : memref<32x128xf32, #tpu.memory_space<vmem_shared>>) target(%dma_start3A_390 : memref<32x128xf32, #tpu.memory_space<hbm>>) target_semaphore(%arg24 : memref<!tpu.dma_semaphore, #tpu.memory_space<semaphore_mem>>)
      } else {
      }
      %eq3A_378 = arith.constant 3 : i32
      %eq3A_379 = arith.cmpi eq, %scan3A_217, %eq3A_378 : i32
      %convert_element_type3A_380 = arith.extui %eq3A_379 : i1 to i32
      %cond3A_381 = arith.constant 0 : i32
      %cond3A_382 = arith.cmpi ne, %convert_element_type3A_380, %cond3A_381 : i32
      scf.if %cond3A_382 {
        %add3A_383 = arith.constant 88 : i32
        %add3A_384 = arith.addi %mul3A_2, %add3A_383 : i32
        %mul3A_385 = arith.constant 128 : i32
        %mul3A_386 = arith.muli %add3A, %mul3A_385 : i32
        %add3A_387 = arith.constant 88 : i32
        %add3A_388 = arith.addi %mul3A_386, %add3A_387 : i32
        %dma_start3A_389 = arith.constant 0 : i32
        %dma_start3A_390 = tpu.memref_slice %arg5[%add3A_388, %dma_start3A_389] : memref<4096x128xf32, #tpu.memory_space<hbm>> -> memref<32x128xf32, #tpu.memory_space<hbm>>
        %dma_start3A_391 = arith.constant 0 : i32
        %dma_start3A_392 = tpu.memref_slice %arg13[%add3A_384, %dma_start3A_391] : memref<2048x128xf32, #tpu.memory_space<vmem_shared>> -> memref<32x128xf32, #tpu.memory_space<vmem_shared>>
        tpu.enqueue_dma source(%dma_start3A_392 : memref<32x128xf32, #tpu.memory_space<vmem_shared>>) target(%dma_start3A_390 : memref<32x128xf32, #tpu.memory_space<hbm>>) target_semaphore(%arg24 : memref<!tpu.dma_semaphore, #tpu.memory_space<semaphore_mem>>)
      } else {
      }
    }
    %scan3A_173 = arith.constant 3 : i32
    %dma_wait3A_174 = arith.constant 0 : i32
    %dma_wait3A_175 = arith.constant 0 : i32
    %dma_wait3A_176 = tpu.memref_slice %arg7[%dma_wait3A_174, %dma_wait3A_175] : memref<20x128xi32, #tpu.memory_space<vmem>> -> memref<1x128xi32, #tpu.memory_space<vmem>>
    %dma_wait3A_177 = tpu.memref_squeeze %dma_wait3A_176 : memref<1x128xi32, #tpu.memory_space<vmem>> -> memref<128xi32, #tpu.memory_space<vmem>>
    %dma_wait3A_178 = arith.constant 0 : i32
    %dma_wait3A_179 = arith.constant 0 : i32
    %dma_wait3A_180 = tpu.memref_slice %arg13[%dma_wait3A_178, %dma_wait3A_179] : memref<2048x128xf32, #tpu.memory_space<vmem_shared>> -> memref<2048x128xf32, #tpu.memory_space<vmem_shared>>
    tpu.wait_indirect_dma semaphore(%arg23 : memref<!tpu.dma_semaphore, #tpu.memory_space<semaphore_mem>>) src(%arg12 : memref<128x128xf32, #tpu.memory_space<vmem>>) dst(%dma_wait3A_180 : memref<2048x128xf32, #tpu.memory_space<vmem_shared>>)
    %add3A_181 = arith.constant 120 : i32
    %add3A_182 = arith.addi %mul3A_2, %add3A_181 : i32
    %mul3A_183 = arith.constant 128 : i32
    %mul3A_184 = arith.muli %add3A, %mul3A_183 : i32
    %add3A_185 = arith.constant 120 : i32
    %add3A_186 = arith.addi %mul3A_184, %add3A_185 : i32
    "tpu.region"() ({
      %run_scoped3A = tpu.sem_alloc : memref<!tpu.dma_semaphore, #tpu.memory_space<semaphore_mem>>
      %dma_start3A_217 = arith.constant 0 : i32
      %dma_start3A_218 = tpu.memref_slice %arg5[%add3A_186, %dma_start3A_217] : memref<4096x128xf32, #tpu.memory_space<hbm>> -> memref<8x128xf32, #tpu.memory_space<hbm>>
      %dma_start3A_219 = arith.constant 0 : i32
      %dma_start3A_220 = tpu.memref_slice %arg13[%add3A_182, %dma_start3A_219] : memref<2048x128xf32, #tpu.memory_space<vmem_shared>> -> memref<8x128xf32, #tpu.memory_space<vmem_shared>>
      tpu.enqueue_dma source(%dma_start3A_220 : memref<8x128xf32, #tpu.memory_space<vmem_shared>>) target(%dma_start3A_218 : memref<8x128xf32, #tpu.memory_space<hbm>>) target_semaphore(%run_scoped3A : memref<!tpu.dma_semaphore, #tpu.memory_space<semaphore_mem>>)
      %dma_wait3A_221 = arith.constant 0 : i32
      %dma_wait3A_222 = tpu.memref_slice %arg5[%add3A_186, %dma_wait3A_221] : memref<4096x128xf32, #tpu.memory_space<hbm>> -> memref<8x128xf32, #tpu.memory_space<hbm>>
      %dma_wait3A_223 = arith.constant 0 : i32
      %dma_wait3A_224 = tpu.memref_slice %arg13[%add3A_182, %dma_wait3A_223] : memref<2048x128xf32, #tpu.memory_space<vmem_shared>> -> memref<8x128xf32, #tpu.memory_space<vmem_shared>>
      tpu.wait_dma2 semaphore(%run_scoped3A : memref<!tpu.dma_semaphore, #tpu.memory_space<semaphore_mem>>) src(%dma_wait3A_224 : memref<8x128xf32, #tpu.memory_space<vmem_shared>>) dst(%dma_wait3A_222 : memref<8x128xf32, #tpu.memory_space<hbm>>)
      tpu.yield
    }) : () -> ()
    %add3A_187 = arith.constant 0 : i32
    %add3A_188 = arith.addi %mul3A_2, %add3A_187 : i32
    %mul3A_189 = arith.constant 128 : i32
    %mul3A_190 = arith.muli %add3A, %mul3A_189 : i32
    %add3A_191 = arith.constant 0 : i32
    %add3A_192 = arith.addi %mul3A_190, %add3A_191 : i32
    %dma_wait3A_193 = arith.constant 0 : i32
    %dma_wait3A_194 = tpu.memref_slice %arg5[%add3A_192, %dma_wait3A_193] : memref<4096x128xf32, #tpu.memory_space<hbm>> -> memref<56x128xf32, #tpu.memory_space<hbm>>
    %dma_wait3A_195 = arith.constant 0 : i32
    %dma_wait3A_196 = tpu.memref_slice %arg13[%add3A_188, %dma_wait3A_195] : memref<2048x128xf32, #tpu.memory_space<vmem_shared>> -> memref<56x128xf32, #tpu.memory_space<vmem_shared>>
    tpu.wait_dma2 semaphore(%arg24 : memref<!tpu.dma_semaphore, #tpu.memory_space<semaphore_mem>>) src(%dma_wait3A_196 : memref<56x128xf32, #tpu.memory_space<vmem_shared>>) dst(%dma_wait3A_194 : memref<56x128xf32, #tpu.memory_space<hbm>>)
    %add3A_197 = arith.constant 56 : i32
    %add3A_198 = arith.addi %mul3A_2, %add3A_197 : i32
    %mul3A_199 = arith.constant 128 : i32
    %mul3A_200 = arith.muli %add3A, %mul3A_199 : i32
    %add3A_201 = arith.constant 56 : i32
    %add3A_202 = arith.addi %mul3A_200, %add3A_201 : i32
    %dma_wait3A_203 = arith.constant 0 : i32
    %dma_wait3A_204 = tpu.memref_slice %arg5[%add3A_202, %dma_wait3A_203] : memref<4096x128xf32, #tpu.memory_space<hbm>> -> memref<32x128xf32, #tpu.memory_space<hbm>>
    %dma_wait3A_205 = arith.constant 0 : i32
    %dma_wait3A_206 = tpu.memref_slice %arg13[%add3A_198, %dma_wait3A_205] : memref<2048x128xf32, #tpu.memory_space<vmem_shared>> -> memref<32x128xf32, #tpu.memory_space<vmem_shared>>
    tpu.wait_dma2 semaphore(%arg24 : memref<!tpu.dma_semaphore, #tpu.memory_space<semaphore_mem>>) src(%dma_wait3A_206 : memref<32x128xf32, #tpu.memory_space<vmem_shared>>) dst(%dma_wait3A_204 : memref<32x128xf32, #tpu.memory_space<hbm>>)
    %add3A_207 = arith.constant 88 : i32
    %add3A_208 = arith.addi %mul3A_2, %add3A_207 : i32
    %mul3A_209 = arith.constant 128 : i32
    %mul3A_210 = arith.muli %add3A, %mul3A_209 : i32
    %add3A_211 = arith.constant 88 : i32
    %add3A_212 = arith.addi %mul3A_210, %add3A_211 : i32
    %dma_wait3A_213 = arith.constant 0 : i32
    %dma_wait3A_214 = tpu.memref_slice %arg5[%add3A_212, %dma_wait3A_213] : memref<4096x128xf32, #tpu.memory_space<hbm>> -> memref<32x128xf32, #tpu.memory_space<hbm>>
    %dma_wait3A_215 = arith.constant 0 : i32
    %dma_wait3A_216 = tpu.memref_slice %arg13[%add3A_208, %dma_wait3A_215] : memref<2048x128xf32, #tpu.memory_space<vmem_shared>> -> memref<32x128xf32, #tpu.memory_space<vmem_shared>>
    tpu.wait_dma2 semaphore(%arg24 : memref<!tpu.dma_semaphore, #tpu.memory_space<semaphore_mem>>) src(%dma_wait3A_216 : memref<32x128xf32, #tpu.memory_space<vmem_shared>>) dst(%dma_wait3A_214 : memref<32x128xf32, #tpu.memory_space<hbm>>)
    return
  }
}

#map = affine_map<(d0, d1) -> (0, 0, 0)>
#map1 = affine_map<(d0, d1) -> (0, 0)>
module attributes {stable_mosaic.version = 14 : i64} {
  func.func @sc_pool(%arg0: i32, %arg1: i32, %arg2: memref<32x20x128xi32, #tpu.memory_space<hbm>>, %arg3: memref<16x20x128xi32, #tpu.memory_space<hbm>>, %arg4: memref<100000x128xf32, #tpu.memory_space<hbm>>, %arg5: memref<4096x128xf32, #tpu.memory_space<hbm>>, %arg6: memref<20x128xi32, #tpu.memory_space<vmem>>, %arg7: memref<20x128xi32, #tpu.memory_space<vmem>>, %arg8: memref<128x128xf32, #tpu.memory_space<vmem>>, %arg9: memref<128x128xf32, #tpu.memory_space<vmem>>, %arg10: memref<128x128xf32, #tpu.memory_space<vmem>>, %arg11: memref<128x128xf32, #tpu.memory_space<vmem>>, %arg12: memref<128x128xf32, #tpu.memory_space<vmem>>, %arg13: memref<2048x128xf32, #tpu.memory_space<vmem_shared>>, %arg14: memref<!tpu.dma_semaphore, #tpu.memory_space<semaphore_mem>>, %arg15: memref<!tpu.dma_semaphore, #tpu.memory_space<semaphore_mem>>, %arg16: memref<!tpu.dma_semaphore, #tpu.memory_space<semaphore_mem>>, %arg17: memref<!tpu.dma_semaphore, #tpu.memory_space<semaphore_mem>>, %arg18: memref<!tpu.dma_semaphore, #tpu.memory_space<semaphore_mem>>, %arg19: memref<!tpu.dma_semaphore, #tpu.memory_space<semaphore_mem>>, %arg20: memref<!tpu.dma_semaphore, #tpu.memory_space<semaphore_mem>>, %arg21: memref<!tpu.dma_semaphore, #tpu.memory_space<semaphore_mem>>, %arg22: memref<!tpu.dma_semaphore, #tpu.memory_space<semaphore_mem>>, %arg23: memref<!tpu.dma_semaphore, #tpu.memory_space<semaphore_mem>>, %arg24: memref<!tpu.dma_semaphore, #tpu.memory_space<semaphore_mem>>) attributes {dimension_semantics = [#tpu.dimension_semantics<core_parallel>, #tpu.dimension_semantics<subcore_parallel>], iteration_bounds = array<i64: 2, 16>, scalar_prefetch = 0 : i64, scratch_operands = 19 : i64, tpu.core_type = #tpu.core_type<sc_vector_subcore>, window_params = [{transform_indices = #map}, {transform_indices = #map}, {transform_indices = #map1}, {transform_indices = #map1}]} {
    %mul3A = arith.constant 16 : i32
    %mul3A_0 = arith.muli %arg0, %mul3A : i32
    %add3A = arith.addi %mul3A_0, %arg1 : i32
    %mul3A_1 = arith.constant 128 : i32
    %mul3A_2 = arith.muli %arg1, %mul3A_1 : i32
    "tpu.region"() ({
      %run_scoped3A = tpu.sem_alloc : memref<!tpu.dma_semaphore, #tpu.memory_space<semaphore_mem>>
      %dma_start3A_217 = arith.constant 0 : i32
      %dma_start3A_218 = arith.constant 0 : i32
      %dma_start3A_219 = tpu.memref_slice %arg2[%add3A, %dma_start3A_217, %dma_start3A_218] : memref<32x20x128xi32, #tpu.memory_space<hbm>> -> memref<1x20x128xi32, #tpu.memory_space<hbm>>
      %dma_start3A_220 = tpu.memref_squeeze %dma_start3A_219 : memref<1x20x128xi32, #tpu.memory_space<hbm>> -> memref<20x128xi32, #tpu.memory_space<hbm>>
      %dma_start3A_221 = arith.constant 0 : i32
      %dma_start3A_222 = arith.constant 0 : i32
      %dma_start3A_223 = tpu.memref_slice %arg2[%add3A, %dma_start3A_221, %dma_start3A_222] : memref<32x20x128xi32, #tpu.memory_space<hbm>> -> memref<1x20x128xi32, #tpu.memory_space<hbm>>
      %dma_start3A_224 = tpu.memref_squeeze %dma_start3A_223 : memref<1x20x128xi32, #tpu.memory_space<hbm>> -> memref<20x128xi32, #tpu.memory_space<hbm>>
      tpu.enqueue_dma source(%dma_start3A_224 : memref<20x128xi32, #tpu.memory_space<hbm>>) target(%arg6 : memref<20x128xi32, #tpu.memory_space<vmem>>) target_semaphore(%run_scoped3A : memref<!tpu.dma_semaphore, #tpu.memory_space<semaphore_mem>>)
      %dma_wait3A_225 = arith.constant 0 : i32
      %dma_wait3A_226 = arith.constant 0 : i32
      %dma_wait3A_227 = tpu.memref_slice %arg2[%add3A, %dma_wait3A_225, %dma_wait3A_226] : memref<32x20x128xi32, #tpu.memory_space<hbm>> -> memref<1x20x128xi32, #tpu.memory_space<hbm>>
      %dma_wait3A_228 = tpu.memref_squeeze %dma_wait3A_227 : memref<1x20x128xi32, #tpu.memory_space<hbm>> -> memref<20x128xi32, #tpu.memory_space<hbm>>
      %dma_wait3A_229 = arith.constant 0 : i32
      %dma_wait3A_230 = arith.constant 0 : i32
      %dma_wait3A_231 = tpu.memref_slice %arg2[%add3A, %dma_wait3A_229, %dma_wait3A_230] : memref<32x20x128xi32, #tpu.memory_space<hbm>> -> memref<1x20x128xi32, #tpu.memory_space<hbm>>
      %dma_wait3A_232 = tpu.memref_squeeze %dma_wait3A_231 : memref<1x20x128xi32, #tpu.memory_space<hbm>> -> memref<20x128xi32, #tpu.memory_space<hbm>>
      tpu.wait_dma2 semaphore(%run_scoped3A : memref<!tpu.dma_semaphore, #tpu.memory_space<semaphore_mem>>) src(%dma_wait3A_232 : memref<20x128xi32, #tpu.memory_space<hbm>>) dst(%arg6 : memref<20x128xi32, #tpu.memory_space<vmem>>)
      tpu.yield
    }) : () -> ()
    %broadcast_in_dim3A = arith.constant 0.000000e+00 : f32
    %broadcast_in_dim3A_3 = vector.broadcast %broadcast_in_dim3A : f32 to vector<16xf32>
    %scan3A = arith.constant 0 : i32
    %scan3A_4 = arith.constant 0 : i32
    %scan3A_5 = arith.constant 128 : i32
    %scan3A_6 = arith.addi %scan3A_4, %scan3A_5 : i32
    %scan3A_7 = arith.constant 1 : i32
    scf.for %scan3A_217 = %scan3A_4 to %scan3A_6 step %scan3A_7  : i32 {
      %swap3A = arith.index_cast %scan3A_217 : i32 to index
      %swap3A_218 = arith.constant 0 : index
      %swap3A_219 = tpu.vector_load %arg8[%swap3A, %swap3A_218] {strides = array<i32>} : memref<128x128xf32, #tpu.memory_space<vmem>>, vector<1x16xf32>,
      %swap3A_220 = vector.shape_cast %swap3A_219 : vector<1x16xf32> to vector<16xf32>
      %swap3A_221 = vector.shape_cast %broadcast_in_dim3A_3 : vector<16xf32> to vector<1x16xf32>
      tpu.vector_store %arg8[%swap3A, %swap3A_218], %swap3A_221 {strides = array<i32>} : memref<128x128xf32, #tpu.memory_space<vmem>>, vector<1x16xf32>,
      %swap3A_222 = arith.index_cast %scan3A_217 : i32 to index
      %swap3A_223 = arith.constant 16 : index
      %swap3A_224 = tpu.vector_load %arg8[%swap3A_222, %swap3A_223] {strides = array<i32>} : memref<128x128xf32, #tpu.memory_space<vmem>>, vector<1x16xf32>,
      %swap3A_225 = vector.shape_cast %swap3A_224 : vector<1x16xf32> to vector<16xf32>
      %swap3A_226 = vector.shape_cast %broadcast_in_dim3A_3 : vector<16xf32> to vector<1x16xf32>
      tpu.vector_store %arg8[%swap3A_222, %swap3A_223], %swap3A_226 {strides = array<i32>} : memref<128x128xf32, #tpu.memory_space<vmem>>, vector<1x16xf32>,
      %swap3A_227 = arith.index_cast %scan3A_217 : i32 to index
      %swap3A_228 = arith.constant 32 : index
      %swap3A_229 = tpu.vector_load %arg8[%swap3A_227, %swap3A_228] {strides = array<i32>} : memref<128x128xf32, #tpu.memory_space<vmem>>, vector<1x16xf32>,
      %swap3A_230 = vector.shape_cast %swap3A_229 : vector<1x16xf32> to vector<16xf32>
      %swap3A_231 = vector.shape_cast %broadcast_in_dim3A_3 : vector<16xf32> to vector<1x16xf32>
      tpu.vector_store %arg8[%swap3A_227, %swap3A_228], %swap3A_231 {strides = array<i32>} : memref<128x128xf32, #tpu.memory_space<vmem>>, vector<1x16xf32>,
      %swap3A_232 = arith.index_cast %scan3A_217 : i32 to index
      %swap3A_233 = arith.constant 48 : index
      %swap3A_234 = tpu.vector_load %arg8[%swap3A_232, %swap3A_233] {strides = array<i32>} : memref<128x128xf32, #tpu.memory_space<vmem>>, vector<1x16xf32>,
      %swap3A_235 = vector.shape_cast %swap3A_234 : vector<1x16xf32> to vector<16xf32>
      %swap3A_236 = vector.shape_cast %broadcast_in_dim3A_3 : vector<16xf32> to vector<1x16xf32>
      tpu.vector_store %arg8[%swap3A_232, %swap3A_233], %swap3A_236 {strides = array<i32>} : memref<128x128xf32, #tpu.memory_space<vmem>>, vector<1x16xf32>,
      %swap3A_237 = arith.index_cast %scan3A_217 : i32 to index
      %swap3A_238 = arith.constant 64 : index
      %swap3A_239 = tpu.vector_load %arg8[%swap3A_237, %swap3A_238] {strides = array<i32>} : memref<128x128xf32, #tpu.memory_space<vmem>>, vector<1x16xf32>,
      %swap3A_240 = vector.shape_cast %swap3A_239 : vector<1x16xf32> to vector<16xf32>
      %swap3A_241 = vector.shape_cast %broadcast_in_dim3A_3 : vector<16xf32> to vector<1x16xf32>
      tpu.vector_store %arg8[%swap3A_237, %swap3A_238], %swap3A_241 {strides = array<i32>} : memref<128x128xf32, #tpu.memory_space<vmem>>, vector<1x16xf32>,
      %swap3A_242 = arith.index_cast %scan3A_217 : i32 to index
      %swap3A_243 = arith.constant 80 : index
      %swap3A_244 = tpu.vector_load %arg8[%swap3A_242, %swap3A_243] {strides = array<i32>} : memref<128x128xf32, #tpu.memory_space<vmem>>, vector<1x16xf32>,
      %swap3A_245 = vector.shape_cast %swap3A_244 : vector<1x16xf32> to vector<16xf32>
      %swap3A_246 = vector.shape_cast %broadcast_in_dim3A_3 : vector<16xf32> to vector<1x16xf32>
      tpu.vector_store %arg8[%swap3A_242, %swap3A_243], %swap3A_246 {strides = array<i32>} : memref<128x128xf32, #tpu.memory_space<vmem>>, vector<1x16xf32>,
      %swap3A_247 = arith.index_cast %scan3A_217 : i32 to index
      %swap3A_248 = arith.constant 96 : index
      %swap3A_249 = tpu.vector_load %arg8[%swap3A_247, %swap3A_248] {strides = array<i32>} : memref<128x128xf32, #tpu.memory_space<vmem>>, vector<1x16xf32>,
      %swap3A_250 = vector.shape_cast %swap3A_249 : vector<1x16xf32> to vector<16xf32>
      %swap3A_251 = vector.shape_cast %broadcast_in_dim3A_3 : vector<16xf32> to vector<1x16xf32>
      tpu.vector_store %arg8[%swap3A_247, %swap3A_248], %swap3A_251 {strides = array<i32>} : memref<128x128xf32, #tpu.memory_space<vmem>>, vector<1x16xf32>,
      %swap3A_252 = arith.index_cast %scan3A_217 : i32 to index
      %swap3A_253 = arith.constant 112 : index
      %swap3A_254 = tpu.vector_load %arg8[%swap3A_252, %swap3A_253] {strides = array<i32>} : memref<128x128xf32, #tpu.memory_space<vmem>>, vector<1x16xf32>,
      %swap3A_255 = vector.shape_cast %swap3A_254 : vector<1x16xf32> to vector<16xf32>
      %swap3A_256 = vector.shape_cast %broadcast_in_dim3A_3 : vector<16xf32> to vector<1x16xf32>
      tpu.vector_store %arg8[%swap3A_252, %swap3A_253], %swap3A_256 {strides = array<i32>} : memref<128x128xf32, #tpu.memory_space<vmem>>, vector<1x16xf32>,
    }
    %scan3A_8 = arith.constant 128 : i32
    "tpu.region"() ({
      %run_scoped3A = tpu.sem_alloc : memref<!tpu.dma_semaphore, #tpu.memory_space<semaphore_mem>>
      %dma_start3A_217 = arith.constant 0 : i32
      %dma_start3A_218 = tpu.memref_slice %arg13[%mul3A_2, %dma_start3A_217] : memref<2048x128xf32, #tpu.memory_space<vmem_shared>> -> memref<128x128xf32, #tpu.memory_space<vmem_shared>>
      %dma_start3A_219 = arith.constant 0 : i32
      %dma_start3A_220 = tpu.memref_slice %arg13[%mul3A_2, %dma_start3A_219] : memref<2048x128xf32, #tpu.memory_space<vmem_shared>> -> memref<128x128xf32, #tpu.memory_space<vmem_shared>>
      tpu.enqueue_dma source(%arg8 : memref<128x128xf32, #tpu.memory_space<vmem>>) target(%dma_start3A_220 : memref<128x128xf32, #tpu.memory_space<vmem_shared>>) target_semaphore(%run_scoped3A : memref<!tpu.dma_semaphore, #tpu.memory_space<semaphore_mem>>)
      %dma_wait3A_221 = arith.constant 0 : i32
      %dma_wait3A_222 = tpu.memref_slice %arg13[%mul3A_2, %dma_wait3A_221] : memref<2048x128xf32, #tpu.memory_space<vmem_shared>> -> memref<128x128xf32, #tpu.memory_space<vmem_shared>>
      %dma_wait3A_223 = arith.constant 0 : i32
      %dma_wait3A_224 = tpu.memref_slice %arg13[%mul3A_2, %dma_wait3A_223] : memref<2048x128xf32, #tpu.memory_space<vmem_shared>> -> memref<128x128xf32, #tpu.memory_space<vmem_shared>>
      tpu.wait_dma2 semaphore(%run_scoped3A : memref<!tpu.dma_semaphore, #tpu.memory_space<semaphore_mem>>) src(%arg8 : memref<128x128xf32, #tpu.memory_space<vmem>>) dst(%dma_wait3A_224 : memref<128x128xf32, #tpu.memory_space<vmem_shared>>)
      tpu.yield
    }) : () -> ()
    %dma_start3A = arith.constant 0 : i32
    %dma_start3A_9 = arith.constant 0 : i32
    %dma_start3A_10 = tpu.memref_slice %arg6[%dma_start3A, %dma_start3A_9] : memref<20x128xi32, #tpu.memory_space<vmem>> -> memref<1x128xi32, #tpu.memory_space<vmem>>
    %dma_start3A_11 = tpu.memref_squeeze %dma_start3A_10 : memref<1x128xi32, #tpu.memory_space<vmem>> -> memref<128xi32, #tpu.memory_space<vmem>>
    %dma_start3A_12 = arith.constant 0 : i32
    %dma_start3A_13 = arith.constant 0 : i32
    %dma_start3A_14 = tpu.memref_slice %arg4[%dma_start3A_12, %dma_start3A_13] : memref<100000x128xf32, #tpu.memory_space<hbm>> -> memref<100000x128xf32, #tpu.memory_space<hbm>>
    tpu.enqueue_indirect_dma source(%dma_start3A_14 : memref<100000x128xf32, #tpu.memory_space<hbm>>) target(%arg8 : memref<128x128xf32, #tpu.memory_space<vmem>>) offsets(%dma_start3A_11 : memref<128xi32, #tpu.memory_space<vmem>>) semaphore(%arg14 : memref<!tpu.dma_semaphore, #tpu.memory_space<semaphore_mem>>)
    %dma_start3A_15 = arith.constant 1 : i32
    %dma_start3A_16 = arith.constant 0 : i32
    %dma_start3A_17 = tpu.memref_slice %arg6[%dma_start3A_15, %dma_start3A_16] : memref<20x128xi32, #tpu.memory_space<vmem>> -> memref<1x128xi32, #tpu.memory_space<vmem>>
    %dma_start3A_18 = tpu.memref_squeeze %dma_start3A_17 : memref<1x128xi32, #tpu.memory_space<vmem>> -> memref<128xi32, #tpu.memory_space<vmem>>
    %dma_start3A_19 = arith.constant 0 : i32
    %dma_start3A_20 = arith.constant 0 : i32
    %dma_start3A_21 = tpu.memref_slice %arg4[%dma_start3A_19, %dma_start3A_20] : memref<100000x128xf32, #tpu.memory_space<hbm>> -> memref<100000x128xf32, #tpu.memory_space<hbm>>
    tpu.enqueue_indirect_dma source(%dma_start3A_21 : memref<100000x128xf32, #tpu.memory_space<hbm>>) target(%arg9 : memref<128x128xf32, #tpu.memory_space<vmem>>) offsets(%dma_start3A_18 : memref<128xi32, #tpu.memory_space<vmem>>) semaphore(%arg15 : memref<!tpu.dma_semaphore, #tpu.memory_space<semaphore_mem>>)
    %dma_start3A_22 = arith.constant 2 : i32
    %dma_start3A_23 = arith.constant 0 : i32
    %dma_start3A_24 = tpu.memref_slice %arg6[%dma_start3A_22, %dma_start3A_23] : memref<20x128xi32, #tpu.memory_space<vmem>> -> memref<1x128xi32, #tpu.memory_space<vmem>>
    %dma_start3A_25 = tpu.memref_squeeze %dma_start3A_24 : memref<1x128xi32, #tpu.memory_space<vmem>> -> memref<128xi32, #tpu.memory_space<vmem>>
    %dma_start3A_26 = arith.constant 0 : i32
    %dma_start3A_27 = arith.constant 0 : i32
    %dma_start3A_28 = tpu.memref_slice %arg4[%dma_start3A_26, %dma_start3A_27] : memref<100000x128xf32, #tpu.memory_space<hbm>> -> memref<100000x128xf32, #tpu.memory_space<hbm>>
    tpu.enqueue_indirect_dma source(%dma_start3A_28 : memref<100000x128xf32, #tpu.memory_space<hbm>>) target(%arg10 : memref<128x128xf32, #tpu.memory_space<vmem>>) offsets(%dma_start3A_25 : memref<128xi32, #tpu.memory_space<vmem>>) semaphore(%arg16 : memref<!tpu.dma_semaphore, #tpu.memory_space<semaphore_mem>>)
    %dma_start3A_29 = arith.constant 3 : i32
    %dma_start3A_30 = arith.constant 0 : i32
    %dma_start3A_31 = tpu.memref_slice %arg6[%dma_start3A_29, %dma_start3A_30] : memref<20x128xi32, #tpu.memory_space<vmem>> -> memref<1x128xi32, #tpu.memory_space<vmem>>
    %dma_start3A_32 = tpu.memref_squeeze %dma_start3A_31 : memref<1x128xi32, #tpu.memory_space<vmem>> -> memref<128xi32, #tpu.memory_space<vmem>>
    %dma_start3A_33 = arith.constant 0 : i32
    %dma_start3A_34 = arith.constant 0 : i32
    %dma_start3A_35 = tpu.memref_slice %arg4[%dma_start3A_33, %dma_start3A_34] : memref<100000x128xf32, #tpu.memory_space<hbm>> -> memref<100000x128xf32, #tpu.memory_space<hbm>>
    tpu.enqueue_indirect_dma source(%dma_start3A_35 : memref<100000x128xf32, #tpu.memory_space<hbm>>) target(%arg11 : memref<128x128xf32, #tpu.memory_space<vmem>>) offsets(%dma_start3A_32 : memref<128xi32, #tpu.memory_space<vmem>>) semaphore(%arg17 : memref<!tpu.dma_semaphore, #tpu.memory_space<semaphore_mem>>)
    %dma_start3A_36 = arith.constant 4 : i32
    %dma_start3A_37 = arith.constant 0 : i32
    %dma_start3A_38 = tpu.memref_slice %arg6[%dma_start3A_36, %dma_start3A_37] : memref<20x128xi32, #tpu.memory_space<vmem>> -> memref<1x128xi32, #tpu.memory_space<vmem>>
    %dma_start3A_39 = tpu.memref_squeeze %dma_start3A_38 : memref<1x128xi32, #tpu.memory_space<vmem>> -> memref<128xi32, #tpu.memory_space<vmem>>
    %dma_start3A_40 = arith.constant 0 : i32
    %dma_start3A_41 = arith.constant 0 : i32
    %dma_start3A_42 = tpu.memref_slice %arg4[%dma_start3A_40, %dma_start3A_41] : memref<100000x128xf32, #tpu.memory_space<hbm>> -> memref<100000x128xf32, #tpu.memory_space<hbm>>
    tpu.enqueue_indirect_dma source(%dma_start3A_42 : memref<100000x128xf32, #tpu.memory_space<hbm>>) target(%arg12 : memref<128x128xf32, #tpu.memory_space<vmem>>) offsets(%dma_start3A_39 : memref<128xi32, #tpu.memory_space<vmem>>) semaphore(%arg18 : memref<!tpu.dma_semaphore, #tpu.memory_space<semaphore_mem>>)
    "tpu.region"() ({
      %run_scoped3A = tpu.sem_alloc : memref<!tpu.dma_semaphore, #tpu.memory_space<semaphore_mem>>
      %dma_start3A_217 = arith.constant 0 : i32
      %dma_start3A_218 = arith.constant 0 : i32
      %dma_start3A_219 = tpu.memref_slice %arg3[%arg1, %dma_start3A_217, %dma_start3A_218] : memref<16x20x128xi32, #tpu.memory_space<hbm>> -> memref<1x20x128xi32, #tpu.memory_space<hbm>>
      %dma_start3A_220 = tpu.memref_squeeze %dma_start3A_219 : memref<1x20x128xi32, #tpu.memory_space<hbm>> -> memref<20x128xi32, #tpu.memory_space<hbm>>
      %dma_start3A_221 = arith.constant 0 : i32
      %dma_start3A_222 = arith.constant 0 : i32
      %dma_start3A_223 = tpu.memref_slice %arg3[%arg1, %dma_start3A_221, %dma_start3A_222] : memref<16x20x128xi32, #tpu.memory_space<hbm>> -> memref<1x20x128xi32, #tpu.memory_space<hbm>>
      %dma_start3A_224 = tpu.memref_squeeze %dma_start3A_223 : memref<1x20x128xi32, #tpu.memory_space<hbm>> -> memref<20x128xi32, #tpu.memory_space<hbm>>
      tpu.enqueue_dma source(%dma_start3A_224 : memref<20x128xi32, #tpu.memory_space<hbm>>) target(%arg7 : memref<20x128xi32, #tpu.memory_space<vmem>>) target_semaphore(%run_scoped3A : memref<!tpu.dma_semaphore, #tpu.memory_space<semaphore_mem>>)
      %dma_wait3A_225 = arith.constant 0 : i32
      %dma_wait3A_226 = arith.constant 0 : i32
      %dma_wait3A_227 = tpu.memref_slice %arg3[%arg1, %dma_wait3A_225, %dma_wait3A_226] : memref<16x20x128xi32, #tpu.memory_space<hbm>> -> memref<1x20x128xi32, #tpu.memory_space<hbm>>
      %dma_wait3A_228 = tpu.memref_squeeze %dma_wait3A_227 : memref<1x20x128xi32, #tpu.memory_space<hbm>> -> memref<20x128xi32, #tpu.memory_space<hbm>>
      %dma_wait3A_229 = arith.constant 0 : i32
      %dma_wait3A_230 = arith.constant 0 : i32
      %dma_wait3A_231 = tpu.memref_slice %arg3[%arg1, %dma_wait3A_229, %dma_wait3A_230] : memref<16x20x128xi32, #tpu.memory_space<hbm>> -> memref<1x20x128xi32, #tpu.memory_space<hbm>>
      %dma_wait3A_232 = tpu.memref_squeeze %dma_wait3A_231 : memref<1x20x128xi32, #tpu.memory_space<hbm>> -> memref<20x128xi32, #tpu.memory_space<hbm>>
      tpu.wait_dma2 semaphore(%run_scoped3A : memref<!tpu.dma_semaphore, #tpu.memory_space<semaphore_mem>>) src(%dma_wait3A_232 : memref<20x128xi32, #tpu.memory_space<hbm>>) dst(%arg7 : memref<20x128xi32, #tpu.memory_space<vmem>>)
      tpu.yield
    }) : () -> ()
    %dma_wait3A = arith.constant 0 : i32
    %dma_wait3A_43 = arith.constant 0 : i32
    %dma_wait3A_44 = tpu.memref_slice %arg6[%dma_wait3A, %dma_wait3A_43] : memref<20x128xi32, #tpu.memory_space<vmem>> -> memref<1x128xi32, #tpu.memory_space<vmem>>
    %dma_wait3A_45 = tpu.memref_squeeze %dma_wait3A_44 : memref<1x128xi32, #tpu.memory_space<vmem>> -> memref<128xi32, #tpu.memory_space<vmem>>
    %dma_wait3A_46 = arith.constant 0 : i32
    %dma_wait3A_47 = arith.constant 0 : i32
    %dma_wait3A_48 = tpu.memref_slice %arg4[%dma_wait3A_46, %dma_wait3A_47] : memref<100000x128xf32, #tpu.memory_space<hbm>> -> memref<100000x128xf32, #tpu.memory_space<hbm>>
    tpu.wait_indirect_dma semaphore(%arg14 : memref<!tpu.dma_semaphore, #tpu.memory_space<semaphore_mem>>) src(%dma_wait3A_48 : memref<100000x128xf32, #tpu.memory_space<hbm>>) dst(%arg8 : memref<128x128xf32, #tpu.memory_space<vmem>>)
    %dma_start3A_49 = arith.constant 0 : i32
    %dma_start3A_50 = arith.constant 0 : i32
    %dma_start3A_51 = tpu.memref_slice %arg7[%dma_start3A_49, %dma_start3A_50] : memref<20x128xi32, #tpu.memory_space<vmem>> -> memref<1x128xi32, #tpu.memory_space<vmem>>
    %dma_start3A_52 = tpu.memref_squeeze %dma_start3A_51 : memref<1x128xi32, #tpu.memory_space<vmem>> -> memref<128xi32, #tpu.memory_space<vmem>>
    %dma_start3A_53 = arith.constant 0 : i32
    %dma_start3A_54 = arith.constant 0 : i32
    %dma_start3A_55 = tpu.memref_slice %arg13[%dma_start3A_53, %dma_start3A_54] : memref<2048x128xf32, #tpu.memory_space<vmem_shared>> -> memref<2048x128xf32, #tpu.memory_space<vmem_shared>>
    tpu.enqueue_indirect_dma source(%arg8 : memref<128x128xf32, #tpu.memory_space<vmem>>) target(%dma_start3A_55 : memref<2048x128xf32, #tpu.memory_space<vmem_shared>>) offsets(%dma_start3A_52 : memref<128xi32, #tpu.memory_space<vmem>>) semaphore(%arg19 : memref<!tpu.dma_semaphore, #tpu.memory_space<semaphore_mem>>) {add = true}
    %dma_wait3A_56 = arith.constant 1 : i32
    %dma_wait3A_57 = arith.constant 0 : i32
    %dma_wait3A_58 = tpu.memref_slice %arg6[%dma_wait3A_56, %dma_wait3A_57] : memref<20x128xi32, #tpu.memory_space<vmem>> -> memref<1x128xi32, #tpu.memory_space<vmem>>
    %dma_wait3A_59 = tpu.memref_squeeze %dma_wait3A_58 : memref<1x128xi32, #tpu.memory_space<vmem>> -> memref<128xi32, #tpu.memory_space<vmem>>
    %dma_wait3A_60 = arith.constant 0 : i32
    %dma_wait3A_61 = arith.constant 0 : i32
    %dma_wait3A_62 = tpu.memref_slice %arg4[%dma_wait3A_60, %dma_wait3A_61] : memref<100000x128xf32, #tpu.memory_space<hbm>> -> memref<100000x128xf32, #tpu.memory_space<hbm>>
    tpu.wait_indirect_dma semaphore(%arg15 : memref<!tpu.dma_semaphore, #tpu.memory_space<semaphore_mem>>) src(%dma_wait3A_62 : memref<100000x128xf32, #tpu.memory_space<hbm>>) dst(%arg9 : memref<128x128xf32, #tpu.memory_space<vmem>>)
    %dma_start3A_63 = arith.constant 1 : i32
    %dma_start3A_64 = arith.constant 0 : i32
    %dma_start3A_65 = tpu.memref_slice %arg7[%dma_start3A_63, %dma_start3A_64] : memref<20x128xi32, #tpu.memory_space<vmem>> -> memref<1x128xi32, #tpu.memory_space<vmem>>
    %dma_start3A_66 = tpu.memref_squeeze %dma_start3A_65 : memref<1x128xi32, #tpu.memory_space<vmem>> -> memref<128xi32, #tpu.memory_space<vmem>>
    %dma_start3A_67 = arith.constant 0 : i32
    %dma_start3A_68 = arith.constant 0 : i32
    %dma_start3A_69 = tpu.memref_slice %arg13[%dma_start3A_67, %dma_start3A_68] : memref<2048x128xf32, #tpu.memory_space<vmem_shared>> -> memref<2048x128xf32, #tpu.memory_space<vmem_shared>>
    tpu.enqueue_indirect_dma source(%arg9 : memref<128x128xf32, #tpu.memory_space<vmem>>) target(%dma_start3A_69 : memref<2048x128xf32, #tpu.memory_space<vmem_shared>>) offsets(%dma_start3A_66 : memref<128xi32, #tpu.memory_space<vmem>>) semaphore(%arg20 : memref<!tpu.dma_semaphore, #tpu.memory_space<semaphore_mem>>) {add = true}
    %dma_wait3A_70 = arith.constant 1 : i32
    %dma_wait3A_71 = arith.constant 0 : i32
    %dma_wait3A_72 = tpu.memref_slice %arg7[%dma_wait3A_70, %dma_wait3A_71] : memref<20x128xi32, #tpu.memory_space<vmem>> -> memref<1x128xi32, #tpu.memory_space<vmem>>
    %dma_wait3A_73 = tpu.memref_squeeze %dma_wait3A_72 : memref<1x128xi32, #tpu.memory_space<vmem>> -> memref<128xi32, #tpu.memory_space<vmem>>
    %dma_wait3A_74 = arith.constant 0 : i32
    %dma_wait3A_75 = arith.constant 0 : i32
    %dma_wait3A_76 = tpu.memref_slice %arg13[%dma_wait3A_74, %dma_wait3A_75] : memref<2048x128xf32, #tpu.memory_space<vmem_shared>> -> memref<2048x128xf32, #tpu.memory_space<vmem_shared>>
    tpu.wait_indirect_dma semaphore(%arg19 : memref<!tpu.dma_semaphore, #tpu.memory_space<semaphore_mem>>) src(%arg8 : memref<128x128xf32, #tpu.memory_space<vmem>>) dst(%dma_wait3A_76 : memref<2048x128xf32, #tpu.memory_space<vmem_shared>>)
    %dma_start3A_77 = arith.constant 5 : i32
    %dma_start3A_78 = arith.constant 0 : i32
    %dma_start3A_79 = tpu.memref_slice %arg6[%dma_start3A_77, %dma_start3A_78] : memref<20x128xi32, #tpu.memory_space<vmem>> -> memref<1x128xi32, #tpu.memory_space<vmem>>
    %dma_start3A_80 = tpu.memref_squeeze %dma_start3A_79 : memref<1x128xi32, #tpu.memory_space<vmem>> -> memref<128xi32, #tpu.memory_space<vmem>>
    %dma_start3A_81 = arith.constant 0 : i32
    %dma_start3A_82 = arith.constant 0 : i32
    %dma_start3A_83 = tpu.memref_slice %arg4[%dma_start3A_81, %dma_start3A_82] : memref<100000x128xf32, #tpu.memory_space<hbm>> -> memref<100000x128xf32, #tpu.memory_space<hbm>>
    tpu.enqueue_indirect_dma source(%dma_start3A_83 : memref<100000x128xf32, #tpu.memory_space<hbm>>) target(%arg8 : memref<128x128xf32, #tpu.memory_space<vmem>>) offsets(%dma_start3A_80 : memref<128xi32, #tpu.memory_space<vmem>>) semaphore(%arg14 : memref<!tpu.dma_semaphore, #tpu.memory_space<semaphore_mem>>)
    %dma_wait3A_84 = arith.constant 2 : i32
    %dma_wait3A_85 = arith.constant 0 : i32
    %dma_wait3A_86 = tpu.memref_slice %arg6[%dma_wait3A_84, %dma_wait3A_85] : memref<20x128xi32, #tpu.memory_space<vmem>> -> memref<1x128xi32, #tpu.memory_space<vmem>>
    %dma_wait3A_87 = tpu.memref_squeeze %dma_wait3A_86 : memref<1x128xi32, #tpu.memory_space<vmem>> -> memref<128xi32, #tpu.memory_space<vmem>>
    %dma_wait3A_88 = arith.constant 0 : i32
    %dma_wait3A_89 = arith.constant 0 : i32
    %dma_wait3A_90 = tpu.memref_slice %arg4[%dma_wait3A_88, %dma_wait3A_89] : memref<100000x128xf32, #tpu.memory_space<hbm>> -> memref<100000x128xf32, #tpu.memory_space<hbm>>
    tpu.wait_indirect_dma semaphore(%arg16 : memref<!tpu.dma_semaphore, #tpu.memory_space<semaphore_mem>>) src(%dma_wait3A_90 : memref<100000x128xf32, #tpu.memory_space<hbm>>) dst(%arg10 : memref<128x128xf32, #tpu.memory_space<vmem>>)
    %dma_start3A_91 = arith.constant 2 : i32
    %dma_start3A_92 = arith.constant 0 : i32
    %dma_start3A_93 = tpu.memref_slice %arg7[%dma_start3A_91, %dma_start3A_92] : memref<20x128xi32, #tpu.memory_space<vmem>> -> memref<1x128xi32, #tpu.memory_space<vmem>>
    %dma_start3A_94 = tpu.memref_squeeze %dma_start3A_93 : memref<1x128xi32, #tpu.memory_space<vmem>> -> memref<128xi32, #tpu.memory_space<vmem>>
    %dma_start3A_95 = arith.constant 0 : i32
    %dma_start3A_96 = arith.constant 0 : i32
    %dma_start3A_97 = tpu.memref_slice %arg13[%dma_start3A_95, %dma_start3A_96] : memref<2048x128xf32, #tpu.memory_space<vmem_shared>> -> memref<2048x128xf32, #tpu.memory_space<vmem_shared>>
    tpu.enqueue_indirect_dma source(%arg10 : memref<128x128xf32, #tpu.memory_space<vmem>>) target(%dma_start3A_97 : memref<2048x128xf32, #tpu.memory_space<vmem_shared>>) offsets(%dma_start3A_94 : memref<128xi32, #tpu.memory_space<vmem>>) semaphore(%arg21 : memref<!tpu.dma_semaphore, #tpu.memory_space<semaphore_mem>>) {add = true}
    %dma_wait3A_98 = arith.constant 2 : i32
    %dma_wait3A_99 = arith.constant 0 : i32
    %dma_wait3A_100 = tpu.memref_slice %arg7[%dma_wait3A_98, %dma_wait3A_99] : memref<20x128xi32, #tpu.memory_space<vmem>> -> memref<1x128xi32, #tpu.memory_space<vmem>>
    %dma_wait3A_101 = tpu.memref_squeeze %dma_wait3A_100 : memref<1x128xi32, #tpu.memory_space<vmem>> -> memref<128xi32, #tpu.memory_space<vmem>>
    %dma_wait3A_102 = arith.constant 0 : i32
    %dma_wait3A_103 = arith.constant 0 : i32
    %dma_wait3A_104 = tpu.memref_slice %arg13[%dma_wait3A_102, %dma_wait3A_103] : memref<2048x128xf32, #tpu.memory_space<vmem_shared>> -> memref<2048x128xf32, #tpu.memory_space<vmem_shared>>
    tpu.wait_indirect_dma semaphore(%arg20 : memref<!tpu.dma_semaphore, #tpu.memory_space<semaphore_mem>>) src(%arg9 : memref<128x128xf32, #tpu.memory_space<vmem>>) dst(%dma_wait3A_104 : memref<2048x128xf32, #tpu.memory_space<vmem_shared>>)
    %dma_start3A_105 = arith.constant 6 : i32
    %dma_start3A_106 = arith.constant 0 : i32
    %dma_start3A_107 = tpu.memref_slice %arg6[%dma_start3A_105, %dma_start3A_106] : memref<20x128xi32, #tpu.memory_space<vmem>> -> memref<1x128xi32, #tpu.memory_space<vmem>>
    %dma_start3A_108 = tpu.memref_squeeze %dma_start3A_107 : memref<1x128xi32, #tpu.memory_space<vmem>> -> memref<128xi32, #tpu.memory_space<vmem>>
    %dma_start3A_109 = arith.constant 0 : i32
    %dma_start3A_110 = arith.constant 0 : i32
    %dma_start3A_111 = tpu.memref_slice %arg4[%dma_start3A_109, %dma_start3A_110] : memref<100000x128xf32, #tpu.memory_space<hbm>> -> memref<100000x128xf32, #tpu.memory_space<hbm>>
    tpu.enqueue_indirect_dma source(%dma_start3A_111 : memref<100000x128xf32, #tpu.memory_space<hbm>>) target(%arg9 : memref<128x128xf32, #tpu.memory_space<vmem>>) offsets(%dma_start3A_108 : memref<128xi32, #tpu.memory_space<vmem>>) semaphore(%arg15 : memref<!tpu.dma_semaphore, #tpu.memory_space<semaphore_mem>>)
    %dma_wait3A_112 = arith.constant 3 : i32
    %dma_wait3A_113 = arith.constant 0 : i32
    %dma_wait3A_114 = tpu.memref_slice %arg6[%dma_wait3A_112, %dma_wait3A_113] : memref<20x128xi32, #tpu.memory_space<vmem>> -> memref<1x128xi32, #tpu.memory_space<vmem>>
    %dma_wait3A_115 = tpu.memref_squeeze %dma_wait3A_114 : memref<1x128xi32, #tpu.memory_space<vmem>> -> memref<128xi32, #tpu.memory_space<vmem>>
    %dma_wait3A_116 = arith.constant 0 : i32
    %dma_wait3A_117 = arith.constant 0 : i32
    %dma_wait3A_118 = tpu.memref_slice %arg4[%dma_wait3A_116, %dma_wait3A_117] : memref<100000x128xf32, #tpu.memory_space<hbm>> -> memref<100000x128xf32, #tpu.memory_space<hbm>>
    tpu.wait_indirect_dma semaphore(%arg17 : memref<!tpu.dma_semaphore, #tpu.memory_space<semaphore_mem>>) src(%dma_wait3A_118 : memref<100000x128xf32, #tpu.memory_space<hbm>>) dst(%arg11 : memref<128x128xf32, #tpu.memory_space<vmem>>)
    %dma_start3A_119 = arith.constant 3 : i32
    %dma_start3A_120 = arith.constant 0 : i32
    %dma_start3A_121 = tpu.memref_slice %arg7[%dma_start3A_119, %dma_start3A_120] : memref<20x128xi32, #tpu.memory_space<vmem>> -> memref<1x128xi32, #tpu.memory_space<vmem>>
    %dma_start3A_122 = tpu.memref_squeeze %dma_start3A_121 : memref<1x128xi32, #tpu.memory_space<vmem>> -> memref<128xi32, #tpu.memory_space<vmem>>
    %dma_start3A_123 = arith.constant 0 : i32
    %dma_start3A_124 = arith.constant 0 : i32
    %dma_start3A_125 = tpu.memref_slice %arg13[%dma_start3A_123, %dma_start3A_124] : memref<2048x128xf32, #tpu.memory_space<vmem_shared>> -> memref<2048x128xf32, #tpu.memory_space<vmem_shared>>
    tpu.enqueue_indirect_dma source(%arg11 : memref<128x128xf32, #tpu.memory_space<vmem>>) target(%dma_start3A_125 : memref<2048x128xf32, #tpu.memory_space<vmem_shared>>) offsets(%dma_start3A_122 : memref<128xi32, #tpu.memory_space<vmem>>) semaphore(%arg22 : memref<!tpu.dma_semaphore, #tpu.memory_space<semaphore_mem>>) {add = true}
    %dma_wait3A_126 = arith.constant 3 : i32
    %dma_wait3A_127 = arith.constant 0 : i32
    %dma_wait3A_128 = tpu.memref_slice %arg7[%dma_wait3A_126, %dma_wait3A_127] : memref<20x128xi32, #tpu.memory_space<vmem>> -> memref<1x128xi32, #tpu.memory_space<vmem>>
    %dma_wait3A_129 = tpu.memref_squeeze %dma_wait3A_128 : memref<1x128xi32, #tpu.memory_space<vmem>> -> memref<128xi32, #tpu.memory_space<vmem>>
    %dma_wait3A_130 = arith.constant 0 : i32
    %dma_wait3A_131 = arith.constant 0 : i32
    %dma_wait3A_132 = tpu.memref_slice %arg13[%dma_wait3A_130, %dma_wait3A_131] : memref<2048x128xf32, #tpu.memory_space<vmem_shared>> -> memref<2048x128xf32, #tpu.memory_space<vmem_shared>>
    tpu.wait_indirect_dma semaphore(%arg21 : memref<!tpu.dma_semaphore, #tpu.memory_space<semaphore_mem>>) src(%arg10 : memref<128x128xf32, #tpu.memory_space<vmem>>) dst(%dma_wait3A_132 : memref<2048x128xf32, #tpu.memory_space<vmem_shared>>)
    %dma_start3A_133 = arith.constant 7 : i32
    %dma_start3A_134 = arith.constant 0 : i32
    %dma_start3A_135 = tpu.memref_slice %arg6[%dma_start3A_133, %dma_start3A_134] : memref<20x128xi32, #tpu.memory_space<vmem>> -> memref<1x128xi32, #tpu.memory_space<vmem>>
    %dma_start3A_136 = tpu.memref_squeeze %dma_start3A_135 : memref<1x128xi32, #tpu.memory_space<vmem>> -> memref<128xi32, #tpu.memory_space<vmem>>
    %dma_start3A_137 = arith.constant 0 : i32
    %dma_start3A_138 = arith.constant 0 : i32
    %dma_start3A_139 = tpu.memref_slice %arg4[%dma_start3A_137, %dma_start3A_138] : memref<100000x128xf32, #tpu.memory_space<hbm>> -> memref<100000x128xf32, #tpu.memory_space<hbm>>
    tpu.enqueue_indirect_dma source(%dma_start3A_139 : memref<100000x128xf32, #tpu.memory_space<hbm>>) target(%arg10 : memref<128x128xf32, #tpu.memory_space<vmem>>) offsets(%dma_start3A_136 : memref<128xi32, #tpu.memory_space<vmem>>) semaphore(%arg16 : memref<!tpu.dma_semaphore, #tpu.memory_space<semaphore_mem>>)
    %dma_wait3A_140 = arith.constant 4 : i32
    %dma_wait3A_141 = arith.constant 0 : i32
    %dma_wait3A_142 = tpu.memref_slice %arg6[%dma_wait3A_140, %dma_wait3A_141] : memref<20x128xi32, #tpu.memory_space<vmem>> -> memref<1x128xi32, #tpu.memory_space<vmem>>
    %dma_wait3A_143 = tpu.memref_squeeze %dma_wait3A_142 : memref<1x128xi32, #tpu.memory_space<vmem>> -> memref<128xi32, #tpu.memory_space<vmem>>
    %dma_wait3A_144 = arith.constant 0 : i32
    %dma_wait3A_145 = arith.constant 0 : i32
    %dma_wait3A_146 = tpu.memref_slice %arg4[%dma_wait3A_144, %dma_wait3A_145] : memref<100000x128xf32, #tpu.memory_space<hbm>> -> memref<100000x128xf32, #tpu.memory_space<hbm>>
    tpu.wait_indirect_dma semaphore(%arg18 : memref<!tpu.dma_semaphore, #tpu.memory_space<semaphore_mem>>) src(%dma_wait3A_146 : memref<100000x128xf32, #tpu.memory_space<hbm>>) dst(%arg12 : memref<128x128xf32, #tpu.memory_space<vmem>>)
    %dma_start3A_147 = arith.constant 4 : i32
    %dma_start3A_148 = arith.constant 0 : i32
    %dma_start3A_149 = tpu.memref_slice %arg7[%dma_start3A_147, %dma_start3A_148] : memref<20x128xi32, #tpu.memory_space<vmem>> -> memref<1x128xi32, #tpu.memory_space<vmem>>
    %dma_start3A_150 = tpu.memref_squeeze %dma_start3A_149 : memref<1x128xi32, #tpu.memory_space<vmem>> -> memref<128xi32, #tpu.memory_space<vmem>>
    %dma_start3A_151 = arith.constant 0 : i32
    %dma_start3A_152 = arith.constant 0 : i32
    %dma_start3A_153 = tpu.memref_slice %arg13[%dma_start3A_151, %dma_start3A_152] : memref<2048x128xf32, #tpu.memory_space<vmem_shared>> -> memref<2048x128xf32, #tpu.memory_space<vmem_shared>>
    tpu.enqueue_indirect_dma source(%arg12 : memref<128x128xf32, #tpu.memory_space<vmem>>) target(%dma_start3A_153 : memref<2048x128xf32, #tpu.memory_space<vmem_shared>>) offsets(%dma_start3A_150 : memref<128xi32, #tpu.memory_space<vmem>>) semaphore(%arg23 : memref<!tpu.dma_semaphore, #tpu.memory_space<semaphore_mem>>) {add = true}
    %dma_wait3A_154 = arith.constant 4 : i32
    %dma_wait3A_155 = arith.constant 0 : i32
    %dma_wait3A_156 = tpu.memref_slice %arg7[%dma_wait3A_154, %dma_wait3A_155] : memref<20x128xi32, #tpu.memory_space<vmem>> -> memref<1x128xi32, #tpu.memory_space<vmem>>
    %dma_wait3A_157 = tpu.memref_squeeze %dma_wait3A_156 : memref<1x128xi32, #tpu.memory_space<vmem>> -> memref<128xi32, #tpu.memory_space<vmem>>
    %dma_wait3A_158 = arith.constant 0 : i32
    %dma_wait3A_159 = arith.constant 0 : i32
    %dma_wait3A_160 = tpu.memref_slice %arg13[%dma_wait3A_158, %dma_wait3A_159] : memref<2048x128xf32, #tpu.memory_space<vmem_shared>> -> memref<2048x128xf32, #tpu.memory_space<vmem_shared>>
    tpu.wait_indirect_dma semaphore(%arg22 : memref<!tpu.dma_semaphore, #tpu.memory_space<semaphore_mem>>) src(%arg11 : memref<128x128xf32, #tpu.memory_space<vmem>>) dst(%dma_wait3A_160 : memref<2048x128xf32, #tpu.memory_space<vmem_shared>>)
    %dma_start3A_161 = arith.constant 8 : i32
    %dma_start3A_162 = arith.constant 0 : i32
    %dma_start3A_163 = tpu.memref_slice %arg6[%dma_start3A_161, %dma_start3A_162] : memref<20x128xi32, #tpu.memory_space<vmem>> -> memref<1x128xi32, #tpu.memory_space<vmem>>
    %dma_start3A_164 = tpu.memref_squeeze %dma_start3A_163 : memref<1x128xi32, #tpu.memory_space<vmem>> -> memref<128xi32, #tpu.memory_space<vmem>>
    %dma_start3A_165 = arith.constant 0 : i32
    %dma_start3A_166 = arith.constant 0 : i32
    %dma_start3A_167 = tpu.memref_slice %arg4[%dma_start3A_165, %dma_start3A_166] : memref<100000x128xf32, #tpu.memory_space<hbm>> -> memref<100000x128xf32, #tpu.memory_space<hbm>>
    tpu.enqueue_indirect_dma source(%dma_start3A_167 : memref<100000x128xf32, #tpu.memory_space<hbm>>) target(%arg11 : memref<128x128xf32, #tpu.memory_space<vmem>>) offsets(%dma_start3A_164 : memref<128xi32, #tpu.memory_space<vmem>>) semaphore(%arg17 : memref<!tpu.dma_semaphore, #tpu.memory_space<semaphore_mem>>)
    %scan3A_168 = arith.constant 0 : i32
    %scan3A_169 = arith.constant 1 : i32
    %scan3A_170 = arith.constant 3 : i32
    %scan3A_171 = arith.addi %scan3A_169, %scan3A_170 : i32
    %scan3A_172 = arith.constant 1 : i32
    scf.for %scan3A_217 = %scan3A_169 to %scan3A_171 step %scan3A_172  : i32 {
      %mul3A_218 = arith.constant 5 : i32
      %mul3A_219 = arith.muli %scan3A_217, %mul3A_218 : i32
      %add3A_220 = arith.constant 0 : i32
      %add3A_221 = arith.addi %mul3A_219, %add3A_220 : i32
      %dma_wait3A_222 = arith.constant 0 : i32
      %dma_wait3A_223 = tpu.memref_slice %arg6[%add3A_221, %dma_wait3A_222] : memref<20x128xi32, #tpu.memory_space<vmem>> -> memref<1x128xi32, #tpu.memory_space<vmem>>
      %dma_wait3A_224 = tpu.memref_squeeze %dma_wait3A_223 : memref<1x128xi32, #tpu.memory_space<vmem>> -> memref<128xi32, #tpu.memory_space<vmem>>
      %dma_wait3A_225 = arith.constant 0 : i32
      %dma_wait3A_226 = arith.constant 0 : i32
      %dma_wait3A_227 = tpu.memref_slice %arg4[%dma_wait3A_225, %dma_wait3A_226] : memref<100000x128xf32, #tpu.memory_space<hbm>> -> memref<100000x128xf32, #tpu.memory_space<hbm>>
      tpu.wait_indirect_dma semaphore(%arg14 : memref<!tpu.dma_semaphore, #tpu.memory_space<semaphore_mem>>) src(%dma_wait3A_227 : memref<100000x128xf32, #tpu.memory_space<hbm>>) dst(%arg8 : memref<128x128xf32, #tpu.memory_space<vmem>>)
      %dma_start3A_228 = arith.constant 0 : i32
      %dma_start3A_229 = tpu.memref_slice %arg7[%add3A_221, %dma_start3A_228] : memref<20x128xi32, #tpu.memory_space<vmem>> -> memref<1x128xi32, #tpu.memory_space<vmem>>
      %dma_start3A_230 = tpu.memref_squeeze %dma_start3A_229 : memref<1x128xi32, #tpu.memory_space<vmem>> -> memref<128xi32, #tpu.memory_space<vmem>>
      %dma_start3A_231 = arith.constant 0 : i32
      %dma_start3A_232 = arith.constant 0 : i32
      %dma_start3A_233 = tpu.memref_slice %arg13[%dma_start3A_231, %dma_start3A_232] : memref<2048x128xf32, #tpu.memory_space<vmem_shared>> -> memref<2048x128xf32, #tpu.memory_space<vmem_shared>>
      tpu.enqueue_indirect_dma source(%arg8 : memref<128x128xf32, #tpu.memory_space<vmem>>) target(%dma_start3A_233 : memref<2048x128xf32, #tpu.memory_space<vmem_shared>>) offsets(%dma_start3A_230 : memref<128xi32, #tpu.memory_space<vmem>>) semaphore(%arg19 : memref<!tpu.dma_semaphore, #tpu.memory_space<semaphore_mem>>) {add = true}
      %dma_wait3A_234 = arith.constant 0 : i32
      %dma_wait3A_235 = tpu.memref_slice %arg7[%add3A_221, %dma_wait3A_234] : memref<20x128xi32, #tpu.memory_space<vmem>> -> memref<1x128xi32, #tpu.memory_space<vmem>>
      %dma_wait3A_236 = tpu.memref_squeeze %dma_wait3A_235 : memref<1x128xi32, #tpu.memory_space<vmem>> -> memref<128xi32, #tpu.memory_space<vmem>>
      %dma_wait3A_237 = arith.constant 0 : i32
      %dma_wait3A_238 = arith.constant 0 : i32
      %dma_wait3A_239 = tpu.memref_slice %arg13[%dma_wait3A_237, %dma_wait3A_238] : memref<2048x128xf32, #tpu.memory_space<vmem_shared>> -> memref<2048x128xf32, #tpu.memory_space<vmem_shared>>
      tpu.wait_indirect_dma semaphore(%arg23 : memref<!tpu.dma_semaphore, #tpu.memory_space<semaphore_mem>>) src(%arg12 : memref<128x128xf32, #tpu.memory_space<vmem>>) dst(%dma_wait3A_239 : memref<2048x128xf32, #tpu.memory_space<vmem_shared>>)
      %add3A_240 = arith.constant 5 : i32
      %add3A_241 = arith.addi %add3A_221, %add3A_240 : i32
      %sub3A = arith.constant 1 : i32
      %sub3A_242 = arith.subi %add3A_241, %sub3A : i32
      %lt3A = arith.constant 20 : i32
      %lt3A_243 = arith.cmpi slt, %sub3A_242, %lt3A : i32
      %convert_element_type3A = arith.extui %lt3A_243 : i1 to i32
      %cond3A = arith.constant 0 : i32
      %cond3A_244 = arith.cmpi ne, %convert_element_type3A, %cond3A : i32
      scf.if %cond3A_244 {
        %dma_start3A_383 = arith.constant 0 : i32
        %dma_start3A_384 = tpu.memref_slice %arg6[%sub3A_242, %dma_start3A_383] : memref<20x128xi32, #tpu.memory_space<vmem>> -> memref<1x128xi32, #tpu.memory_space<vmem>>
        %dma_start3A_385 = tpu.memref_squeeze %dma_start3A_384 : memref<1x128xi32, #tpu.memory_space<vmem>> -> memref<128xi32, #tpu.memory_space<vmem>>
        %dma_start3A_386 = arith.constant 0 : i32
        %dma_start3A_387 = arith.constant 0 : i32
        %dma_start3A_388 = tpu.memref_slice %arg4[%dma_start3A_386, %dma_start3A_387] : memref<100000x128xf32, #tpu.memory_space<hbm>> -> memref<100000x128xf32, #tpu.memory_space<hbm>>
        tpu.enqueue_indirect_dma source(%dma_start3A_388 : memref<100000x128xf32, #tpu.memory_space<hbm>>) target(%arg12 : memref<128x128xf32, #tpu.memory_space<vmem>>) offsets(%dma_start3A_385 : memref<128xi32, #tpu.memory_space<vmem>>) semaphore(%arg18 : memref<!tpu.dma_semaphore, #tpu.memory_space<semaphore_mem>>)
      } else {
      }
      %mul3A_245 = arith.constant 5 : i32
      %mul3A_246 = arith.muli %scan3A_217, %mul3A_245 : i32
      %add3A_247 = arith.constant 1 : i32
      %add3A_248 = arith.addi %mul3A_246, %add3A_247 : i32
      %dma_wait3A_249 = arith.constant 0 : i32
      %dma_wait3A_250 = tpu.memref_slice %arg6[%add3A_248, %dma_wait3A_249] : memref<20x128xi32, #tpu.memory_space<vmem>> -> memref<1x128xi32, #tpu.memory_space<vmem>>
      %dma_wait3A_251 = tpu.memref_squeeze %dma_wait3A_250 : memref<1x128xi32, #tpu.memory_space<vmem>> -> memref<128xi32, #tpu.memory_space<vmem>>
      %dma_wait3A_252 = arith.constant 0 : i32
      %dma_wait3A_253 = arith.constant 0 : i32
      %dma_wait3A_254 = tpu.memref_slice %arg4[%dma_wait3A_252, %dma_wait3A_253] : memref<100000x128xf32, #tpu.memory_space<hbm>> -> memref<100000x128xf32, #tpu.memory_space<hbm>>
      tpu.wait_indirect_dma semaphore(%arg15 : memref<!tpu.dma_semaphore, #tpu.memory_space<semaphore_mem>>) src(%dma_wait3A_254 : memref<100000x128xf32, #tpu.memory_space<hbm>>) dst(%arg9 : memref<128x128xf32, #tpu.memory_space<vmem>>)
      %dma_start3A_255 = arith.constant 0 : i32
      %dma_start3A_256 = tpu.memref_slice %arg7[%add3A_248, %dma_start3A_255] : memref<20x128xi32, #tpu.memory_space<vmem>> -> memref<1x128xi32, #tpu.memory_space<vmem>>
      %dma_start3A_257 = tpu.memref_squeeze %dma_start3A_256 : memref<1x128xi32, #tpu.memory_space<vmem>> -> memref<128xi32, #tpu.memory_space<vmem>>
      %dma_start3A_258 = arith.constant 0 : i32
      %dma_start3A_259 = arith.constant 0 : i32
      %dma_start3A_260 = tpu.memref_slice %arg13[%dma_start3A_258, %dma_start3A_259] : memref<2048x128xf32, #tpu.memory_space<vmem_shared>> -> memref<2048x128xf32, #tpu.memory_space<vmem_shared>>
      tpu.enqueue_indirect_dma source(%arg9 : memref<128x128xf32, #tpu.memory_space<vmem>>) target(%dma_start3A_260 : memref<2048x128xf32, #tpu.memory_space<vmem_shared>>) offsets(%dma_start3A_257 : memref<128xi32, #tpu.memory_space<vmem>>) semaphore(%arg20 : memref<!tpu.dma_semaphore, #tpu.memory_space<semaphore_mem>>) {add = true}
      %dma_wait3A_261 = arith.constant 0 : i32
      %dma_wait3A_262 = tpu.memref_slice %arg7[%add3A_248, %dma_wait3A_261] : memref<20x128xi32, #tpu.memory_space<vmem>> -> memref<1x128xi32, #tpu.memory_space<vmem>>
      %dma_wait3A_263 = tpu.memref_squeeze %dma_wait3A_262 : memref<1x128xi32, #tpu.memory_space<vmem>> -> memref<128xi32, #tpu.memory_space<vmem>>
      %dma_wait3A_264 = arith.constant 0 : i32
      %dma_wait3A_265 = arith.constant 0 : i32
      %dma_wait3A_266 = tpu.memref_slice %arg13[%dma_wait3A_264, %dma_wait3A_265] : memref<2048x128xf32, #tpu.memory_space<vmem_shared>> -> memref<2048x128xf32, #tpu.memory_space<vmem_shared>>
      tpu.wait_indirect_dma semaphore(%arg19 : memref<!tpu.dma_semaphore, #tpu.memory_space<semaphore_mem>>) src(%arg8 : memref<128x128xf32, #tpu.memory_space<vmem>>) dst(%dma_wait3A_266 : memref<2048x128xf32, #tpu.memory_space<vmem_shared>>)
      %add3A_267 = arith.constant 5 : i32
      %add3A_268 = arith.addi %add3A_248, %add3A_267 : i32
      %sub3A_269 = arith.constant 1 : i32
      %sub3A_270 = arith.subi %add3A_268, %sub3A_269 : i32
      %lt3A_271 = arith.constant 20 : i32
      %lt3A_272 = arith.cmpi slt, %sub3A_270, %lt3A_271 : i32
      %convert_element_type3A_273 = arith.extui %lt3A_272 : i1 to i32
      %cond3A_274 = arith.constant 0 : i32
      %cond3A_275 = arith.cmpi ne, %convert_element_type3A_273, %cond3A_274 : i32
      scf.if %cond3A_275 {
        %dma_start3A_383 = arith.constant 0 : i32
        %dma_start3A_384 = tpu.memref_slice %arg6[%sub3A_270, %dma_start3A_383] : memref<20x128xi32, #tpu.memory_space<vmem>> -> memref<1x128xi32, #tpu.memory_space<vmem>>
        %dma_start3A_385 = tpu.memref_squeeze %dma_start3A_384 : memref<1x128xi32, #tpu.memory_space<vmem>> -> memref<128xi32, #tpu.memory_space<vmem>>
        %dma_start3A_386 = arith.constant 0 : i32
        %dma_start3A_387 = arith.constant 0 : i32
        %dma_start3A_388 = tpu.memref_slice %arg4[%dma_start3A_386, %dma_start3A_387] : memref<100000x128xf32, #tpu.memory_space<hbm>> -> memref<100000x128xf32, #tpu.memory_space<hbm>>
        tpu.enqueue_indirect_dma source(%dma_start3A_388 : memref<100000x128xf32, #tpu.memory_space<hbm>>) target(%arg8 : memref<128x128xf32, #tpu.memory_space<vmem>>) offsets(%dma_start3A_385 : memref<128xi32, #tpu.memory_space<vmem>>) semaphore(%arg14 : memref<!tpu.dma_semaphore, #tpu.memory_space<semaphore_mem>>)
      } else {
      }
      %mul3A_276 = arith.constant 5 : i32
      %mul3A_277 = arith.muli %scan3A_217, %mul3A_276 : i32
      %add3A_278 = arith.constant 2 : i32
      %add3A_279 = arith.addi %mul3A_277, %add3A_278 : i32
      %dma_wait3A_280 = arith.constant 0 : i32
      %dma_wait3A_281 = tpu.memref_slice %arg6[%add3A_279, %dma_wait3A_280] : memref<20x128xi32, #tpu.memory_space<vmem>> -> memref<1x128xi32, #tpu.memory_space<vmem>>
      %dma_wait3A_282 = tpu.memref_squeeze %dma_wait3A_281 : memref<1x128xi32, #tpu.memory_space<vmem>> -> memref<128xi32, #tpu.memory_space<vmem>>
      %dma_wait3A_283 = arith.constant 0 : i32
      %dma_wait3A_284 = arith.constant 0 : i32
      %dma_wait3A_285 = tpu.memref_slice %arg4[%dma_wait3A_283, %dma_wait3A_284] : memref<100000x128xf32, #tpu.memory_space<hbm>> -> memref<100000x128xf32, #tpu.memory_space<hbm>>
      tpu.wait_indirect_dma semaphore(%arg16 : memref<!tpu.dma_semaphore, #tpu.memory_space<semaphore_mem>>) src(%dma_wait3A_285 : memref<100000x128xf32, #tpu.memory_space<hbm>>) dst(%arg10 : memref<128x128xf32, #tpu.memory_space<vmem>>)
      %dma_start3A_286 = arith.constant 0 : i32
      %dma_start3A_287 = tpu.memref_slice %arg7[%add3A_279, %dma_start3A_286] : memref<20x128xi32, #tpu.memory_space<vmem>> -> memref<1x128xi32, #tpu.memory_space<vmem>>
      %dma_start3A_288 = tpu.memref_squeeze %dma_start3A_287 : memref<1x128xi32, #tpu.memory_space<vmem>> -> memref<128xi32, #tpu.memory_space<vmem>>
      %dma_start3A_289 = arith.constant 0 : i32
      %dma_start3A_290 = arith.constant 0 : i32
      %dma_start3A_291 = tpu.memref_slice %arg13[%dma_start3A_289, %dma_start3A_290] : memref<2048x128xf32, #tpu.memory_space<vmem_shared>> -> memref<2048x128xf32, #tpu.memory_space<vmem_shared>>
      tpu.enqueue_indirect_dma source(%arg10 : memref<128x128xf32, #tpu.memory_space<vmem>>) target(%dma_start3A_291 : memref<2048x128xf32, #tpu.memory_space<vmem_shared>>) offsets(%dma_start3A_288 : memref<128xi32, #tpu.memory_space<vmem>>) semaphore(%arg21 : memref<!tpu.dma_semaphore, #tpu.memory_space<semaphore_mem>>) {add = true}
      %dma_wait3A_292 = arith.constant 0 : i32
      %dma_wait3A_293 = tpu.memref_slice %arg7[%add3A_279, %dma_wait3A_292] : memref<20x128xi32, #tpu.memory_space<vmem>> -> memref<1x128xi32, #tpu.memory_space<vmem>>
      %dma_wait3A_294 = tpu.memref_squeeze %dma_wait3A_293 : memref<1x128xi32, #tpu.memory_space<vmem>> -> memref<128xi32, #tpu.memory_space<vmem>>
      %dma_wait3A_295 = arith.constant 0 : i32
      %dma_wait3A_296 = arith.constant 0 : i32
      %dma_wait3A_297 = tpu.memref_slice %arg13[%dma_wait3A_295, %dma_wait3A_296] : memref<2048x128xf32, #tpu.memory_space<vmem_shared>> -> memref<2048x128xf32, #tpu.memory_space<vmem_shared>>
      tpu.wait_indirect_dma semaphore(%arg20 : memref<!tpu.dma_semaphore, #tpu.memory_space<semaphore_mem>>) src(%arg9 : memref<128x128xf32, #tpu.memory_space<vmem>>) dst(%dma_wait3A_297 : memref<2048x128xf32, #tpu.memory_space<vmem_shared>>)
      %add3A_298 = arith.constant 5 : i32
      %add3A_299 = arith.addi %add3A_279, %add3A_298 : i32
      %sub3A_300 = arith.constant 1 : i32
      %sub3A_301 = arith.subi %add3A_299, %sub3A_300 : i32
      %lt3A_302 = arith.constant 20 : i32
      %lt3A_303 = arith.cmpi slt, %sub3A_301, %lt3A_302 : i32
      %convert_element_type3A_304 = arith.extui %lt3A_303 : i1 to i32
      %cond3A_305 = arith.constant 0 : i32
      %cond3A_306 = arith.cmpi ne, %convert_element_type3A_304, %cond3A_305 : i32
      scf.if %cond3A_306 {
        %dma_start3A_383 = arith.constant 0 : i32
        %dma_start3A_384 = tpu.memref_slice %arg6[%sub3A_301, %dma_start3A_383] : memref<20x128xi32, #tpu.memory_space<vmem>> -> memref<1x128xi32, #tpu.memory_space<vmem>>
        %dma_start3A_385 = tpu.memref_squeeze %dma_start3A_384 : memref<1x128xi32, #tpu.memory_space<vmem>> -> memref<128xi32, #tpu.memory_space<vmem>>
        %dma_start3A_386 = arith.constant 0 : i32
        %dma_start3A_387 = arith.constant 0 : i32
        %dma_start3A_388 = tpu.memref_slice %arg4[%dma_start3A_386, %dma_start3A_387] : memref<100000x128xf32, #tpu.memory_space<hbm>> -> memref<100000x128xf32, #tpu.memory_space<hbm>>
        tpu.enqueue_indirect_dma source(%dma_start3A_388 : memref<100000x128xf32, #tpu.memory_space<hbm>>) target(%arg9 : memref<128x128xf32, #tpu.memory_space<vmem>>) offsets(%dma_start3A_385 : memref<128xi32, #tpu.memory_space<vmem>>) semaphore(%arg15 : memref<!tpu.dma_semaphore, #tpu.memory_space<semaphore_mem>>)
      } else {
      }
      %mul3A_307 = arith.constant 5 : i32
      %mul3A_308 = arith.muli %scan3A_217, %mul3A_307 : i32
      %add3A_309 = arith.constant 3 : i32
      %add3A_310 = arith.addi %mul3A_308, %add3A_309 : i32
      %dma_wait3A_311 = arith.constant 0 : i32
      %dma_wait3A_312 = tpu.memref_slice %arg6[%add3A_310, %dma_wait3A_311] : memref<20x128xi32, #tpu.memory_space<vmem>> -> memref<1x128xi32, #tpu.memory_space<vmem>>
      %dma_wait3A_313 = tpu.memref_squeeze %dma_wait3A_312 : memref<1x128xi32, #tpu.memory_space<vmem>> -> memref<128xi32, #tpu.memory_space<vmem>>
      %dma_wait3A_314 = arith.constant 0 : i32
      %dma_wait3A_315 = arith.constant 0 : i32
      %dma_wait3A_316 = tpu.memref_slice %arg4[%dma_wait3A_314, %dma_wait3A_315] : memref<100000x128xf32, #tpu.memory_space<hbm>> -> memref<100000x128xf32, #tpu.memory_space<hbm>>
      tpu.wait_indirect_dma semaphore(%arg17 : memref<!tpu.dma_semaphore, #tpu.memory_space<semaphore_mem>>) src(%dma_wait3A_316 : memref<100000x128xf32, #tpu.memory_space<hbm>>) dst(%arg11 : memref<128x128xf32, #tpu.memory_space<vmem>>)
      %dma_start3A_317 = arith.constant 0 : i32
      %dma_start3A_318 = tpu.memref_slice %arg7[%add3A_310, %dma_start3A_317] : memref<20x128xi32, #tpu.memory_space<vmem>> -> memref<1x128xi32, #tpu.memory_space<vmem>>
      %dma_start3A_319 = tpu.memref_squeeze %dma_start3A_318 : memref<1x128xi32, #tpu.memory_space<vmem>> -> memref<128xi32, #tpu.memory_space<vmem>>
      %dma_start3A_320 = arith.constant 0 : i32
      %dma_start3A_321 = arith.constant 0 : i32
      %dma_start3A_322 = tpu.memref_slice %arg13[%dma_start3A_320, %dma_start3A_321] : memref<2048x128xf32, #tpu.memory_space<vmem_shared>> -> memref<2048x128xf32, #tpu.memory_space<vmem_shared>>
      tpu.enqueue_indirect_dma source(%arg11 : memref<128x128xf32, #tpu.memory_space<vmem>>) target(%dma_start3A_322 : memref<2048x128xf32, #tpu.memory_space<vmem_shared>>) offsets(%dma_start3A_319 : memref<128xi32, #tpu.memory_space<vmem>>) semaphore(%arg22 : memref<!tpu.dma_semaphore, #tpu.memory_space<semaphore_mem>>) {add = true}
      %dma_wait3A_323 = arith.constant 0 : i32
      %dma_wait3A_324 = tpu.memref_slice %arg7[%add3A_310, %dma_wait3A_323] : memref<20x128xi32, #tpu.memory_space<vmem>> -> memref<1x128xi32, #tpu.memory_space<vmem>>
      %dma_wait3A_325 = tpu.memref_squeeze %dma_wait3A_324 : memref<1x128xi32, #tpu.memory_space<vmem>> -> memref<128xi32, #tpu.memory_space<vmem>>
      %dma_wait3A_326 = arith.constant 0 : i32
      %dma_wait3A_327 = arith.constant 0 : i32
      %dma_wait3A_328 = tpu.memref_slice %arg13[%dma_wait3A_326, %dma_wait3A_327] : memref<2048x128xf32, #tpu.memory_space<vmem_shared>> -> memref<2048x128xf32, #tpu.memory_space<vmem_shared>>
      tpu.wait_indirect_dma semaphore(%arg21 : memref<!tpu.dma_semaphore, #tpu.memory_space<semaphore_mem>>) src(%arg10 : memref<128x128xf32, #tpu.memory_space<vmem>>) dst(%dma_wait3A_328 : memref<2048x128xf32, #tpu.memory_space<vmem_shared>>)
      %add3A_329 = arith.constant 5 : i32
      %add3A_330 = arith.addi %add3A_310, %add3A_329 : i32
      %sub3A_331 = arith.constant 1 : i32
      %sub3A_332 = arith.subi %add3A_330, %sub3A_331 : i32
      %lt3A_333 = arith.constant 20 : i32
      %lt3A_334 = arith.cmpi slt, %sub3A_332, %lt3A_333 : i32
      %convert_element_type3A_335 = arith.extui %lt3A_334 : i1 to i32
      %cond3A_336 = arith.constant 0 : i32
      %cond3A_337 = arith.cmpi ne, %convert_element_type3A_335, %cond3A_336 : i32
      scf.if %cond3A_337 {
        %dma_start3A_383 = arith.constant 0 : i32
        %dma_start3A_384 = tpu.memref_slice %arg6[%sub3A_332, %dma_start3A_383] : memref<20x128xi32, #tpu.memory_space<vmem>> -> memref<1x128xi32, #tpu.memory_space<vmem>>
        %dma_start3A_385 = tpu.memref_squeeze %dma_start3A_384 : memref<1x128xi32, #tpu.memory_space<vmem>> -> memref<128xi32, #tpu.memory_space<vmem>>
        %dma_start3A_386 = arith.constant 0 : i32
        %dma_start3A_387 = arith.constant 0 : i32
        %dma_start3A_388 = tpu.memref_slice %arg4[%dma_start3A_386, %dma_start3A_387] : memref<100000x128xf32, #tpu.memory_space<hbm>> -> memref<100000x128xf32, #tpu.memory_space<hbm>>
        tpu.enqueue_indirect_dma source(%dma_start3A_388 : memref<100000x128xf32, #tpu.memory_space<hbm>>) target(%arg10 : memref<128x128xf32, #tpu.memory_space<vmem>>) offsets(%dma_start3A_385 : memref<128xi32, #tpu.memory_space<vmem>>) semaphore(%arg16 : memref<!tpu.dma_semaphore, #tpu.memory_space<semaphore_mem>>)
      } else {
      }
      %mul3A_338 = arith.constant 5 : i32
      %mul3A_339 = arith.muli %scan3A_217, %mul3A_338 : i32
      %add3A_340 = arith.constant 4 : i32
      %add3A_341 = arith.addi %mul3A_339, %add3A_340 : i32
      %dma_wait3A_342 = arith.constant 0 : i32
      %dma_wait3A_343 = tpu.memref_slice %arg6[%add3A_341, %dma_wait3A_342] : memref<20x128xi32, #tpu.memory_space<vmem>> -> memref<1x128xi32, #tpu.memory_space<vmem>>
      %dma_wait3A_344 = tpu.memref_squeeze %dma_wait3A_343 : memref<1x128xi32, #tpu.memory_space<vmem>> -> memref<128xi32, #tpu.memory_space<vmem>>
      %dma_wait3A_345 = arith.constant 0 : i32
      %dma_wait3A_346 = arith.constant 0 : i32
      %dma_wait3A_347 = tpu.memref_slice %arg4[%dma_wait3A_345, %dma_wait3A_346] : memref<100000x128xf32, #tpu.memory_space<hbm>> -> memref<100000x128xf32, #tpu.memory_space<hbm>>
      tpu.wait_indirect_dma semaphore(%arg18 : memref<!tpu.dma_semaphore, #tpu.memory_space<semaphore_mem>>) src(%dma_wait3A_347 : memref<100000x128xf32, #tpu.memory_space<hbm>>) dst(%arg12 : memref<128x128xf32, #tpu.memory_space<vmem>>)
      %dma_start3A_348 = arith.constant 0 : i32
      %dma_start3A_349 = tpu.memref_slice %arg7[%add3A_341, %dma_start3A_348] : memref<20x128xi32, #tpu.memory_space<vmem>> -> memref<1x128xi32, #tpu.memory_space<vmem>>
      %dma_start3A_350 = tpu.memref_squeeze %dma_start3A_349 : memref<1x128xi32, #tpu.memory_space<vmem>> -> memref<128xi32, #tpu.memory_space<vmem>>
      %dma_start3A_351 = arith.constant 0 : i32
      %dma_start3A_352 = arith.constant 0 : i32
      %dma_start3A_353 = tpu.memref_slice %arg13[%dma_start3A_351, %dma_start3A_352] : memref<2048x128xf32, #tpu.memory_space<vmem_shared>> -> memref<2048x128xf32, #tpu.memory_space<vmem_shared>>
      tpu.enqueue_indirect_dma source(%arg12 : memref<128x128xf32, #tpu.memory_space<vmem>>) target(%dma_start3A_353 : memref<2048x128xf32, #tpu.memory_space<vmem_shared>>) offsets(%dma_start3A_350 : memref<128xi32, #tpu.memory_space<vmem>>) semaphore(%arg23 : memref<!tpu.dma_semaphore, #tpu.memory_space<semaphore_mem>>) {add = true}
      %dma_wait3A_354 = arith.constant 0 : i32
      %dma_wait3A_355 = tpu.memref_slice %arg7[%add3A_341, %dma_wait3A_354] : memref<20x128xi32, #tpu.memory_space<vmem>> -> memref<1x128xi32, #tpu.memory_space<vmem>>
      %dma_wait3A_356 = tpu.memref_squeeze %dma_wait3A_355 : memref<1x128xi32, #tpu.memory_space<vmem>> -> memref<128xi32, #tpu.memory_space<vmem>>
      %dma_wait3A_357 = arith.constant 0 : i32
      %dma_wait3A_358 = arith.constant 0 : i32
      %dma_wait3A_359 = tpu.memref_slice %arg13[%dma_wait3A_357, %dma_wait3A_358] : memref<2048x128xf32, #tpu.memory_space<vmem_shared>> -> memref<2048x128xf32, #tpu.memory_space<vmem_shared>>
      tpu.wait_indirect_dma semaphore(%arg22 : memref<!tpu.dma_semaphore, #tpu.memory_space<semaphore_mem>>) src(%arg11 : memref<128x128xf32, #tpu.memory_space<vmem>>) dst(%dma_wait3A_359 : memref<2048x128xf32, #tpu.memory_space<vmem_shared>>)
      %add3A_360 = arith.constant 5 : i32
      %add3A_361 = arith.addi %add3A_341, %add3A_360 : i32
      %sub3A_362 = arith.constant 1 : i32
      %sub3A_363 = arith.subi %add3A_361, %sub3A_362 : i32
      %lt3A_364 = arith.constant 20 : i32
      %lt3A_365 = arith.cmpi slt, %sub3A_363, %lt3A_364 : i32
      %convert_element_type3A_366 = arith.extui %lt3A_365 : i1 to i32
      %cond3A_367 = arith.constant 0 : i32
      %cond3A_368 = arith.cmpi ne, %convert_element_type3A_366, %cond3A_367 : i32
      scf.if %cond3A_368 {
        %dma_start3A_383 = arith.constant 0 : i32
        %dma_start3A_384 = tpu.memref_slice %arg6[%sub3A_363, %dma_start3A_383] : memref<20x128xi32, #tpu.memory_space<vmem>> -> memref<1x128xi32, #tpu.memory_space<vmem>>
        %dma_start3A_385 = tpu.memref_squeeze %dma_start3A_384 : memref<1x128xi32, #tpu.memory_space<vmem>> -> memref<128xi32, #tpu.memory_space<vmem>>
        %dma_start3A_386 = arith.constant 0 : i32
        %dma_start3A_387 = arith.constant 0 : i32
        %dma_start3A_388 = tpu.memref_slice %arg4[%dma_start3A_386, %dma_start3A_387] : memref<100000x128xf32, #tpu.memory_space<hbm>> -> memref<100000x128xf32, #tpu.memory_space<hbm>>
        tpu.enqueue_indirect_dma source(%dma_start3A_388 : memref<100000x128xf32, #tpu.memory_space<hbm>>) target(%arg11 : memref<128x128xf32, #tpu.memory_space<vmem>>) offsets(%dma_start3A_385 : memref<128xi32, #tpu.memory_space<vmem>>) semaphore(%arg17 : memref<!tpu.dma_semaphore, #tpu.memory_space<semaphore_mem>>)
      } else {
      }
      %eq3A = arith.constant 1 : i32
      %eq3A_369 = arith.cmpi eq, %scan3A_217, %eq3A : i32
      %convert_element_type3A_370 = arith.extui %eq3A_369 : i1 to i32
      %cond3A_371 = arith.constant 0 : i32
      %cond3A_372 = arith.cmpi ne, %convert_element_type3A_370, %cond3A_371 : i32
      scf.if %cond3A_372 {
        %add3A_383 = arith.constant 0 : i32
        %add3A_384 = arith.addi %mul3A_2, %add3A_383 : i32
        %mul3A_385 = arith.constant 128 : i32
        %mul3A_386 = arith.muli %add3A, %mul3A_385 : i32
        %add3A_387 = arith.constant 0 : i32
        %add3A_388 = arith.addi %mul3A_386, %add3A_387 : i32
        %dma_start3A_389 = arith.constant 0 : i32
        %dma_start3A_390 = tpu.memref_slice %arg5[%add3A_388, %dma_start3A_389] : memref<4096x128xf32, #tpu.memory_space<hbm>> -> memref<56x128xf32, #tpu.memory_space<hbm>>
        %dma_start3A_391 = arith.constant 0 : i32
        %dma_start3A_392 = tpu.memref_slice %arg13[%add3A_384, %dma_start3A_391] : memref<2048x128xf32, #tpu.memory_space<vmem_shared>> -> memref<56x128xf32, #tpu.memory_space<vmem_shared>>
        tpu.enqueue_dma source(%dma_start3A_392 : memref<56x128xf32, #tpu.memory_space<vmem_shared>>) target(%dma_start3A_390 : memref<56x128xf32, #tpu.memory_space<hbm>>) target_semaphore(%arg24 : memref<!tpu.dma_semaphore, #tpu.memory_space<semaphore_mem>>)
      } else {
      }
      %eq3A_373 = arith.constant 2 : i32
      %eq3A_374 = arith.cmpi eq, %scan3A_217, %eq3A_373 : i32
      %convert_element_type3A_375 = arith.extui %eq3A_374 : i1 to i32
      %cond3A_376 = arith.constant 0 : i32
      %cond3A_377 = arith.cmpi ne, %convert_element_type3A_375, %cond3A_376 : i32
      scf.if %cond3A_377 {
        %add3A_383 = arith.constant 56 : i32
        %add3A_384 = arith.addi %mul3A_2, %add3A_383 : i32
        %mul3A_385 = arith.constant 128 : i32
        %mul3A_386 = arith.muli %add3A, %mul3A_385 : i32
        %add3A_387 = arith.constant 56 : i32
        %add3A_388 = arith.addi %mul3A_386, %add3A_387 : i32
        %dma_start3A_389 = arith.constant 0 : i32
        %dma_start3A_390 = tpu.memref_slice %arg5[%add3A_388, %dma_start3A_389] : memref<4096x128xf32, #tpu.memory_space<hbm>> -> memref<32x128xf32, #tpu.memory_space<hbm>>
        %dma_start3A_391 = arith.constant 0 : i32
        %dma_start3A_392 = tpu.memref_slice %arg13[%add3A_384, %dma_start3A_391] : memref<2048x128xf32, #tpu.memory_space<vmem_shared>> -> memref<32x128xf32, #tpu.memory_space<vmem_shared>>
        tpu.enqueue_dma source(%dma_start3A_392 : memref<32x128xf32, #tpu.memory_space<vmem_shared>>) target(%dma_start3A_390 : memref<32x128xf32, #tpu.memory_space<hbm>>) target_semaphore(%arg24 : memref<!tpu.dma_semaphore, #tpu.memory_space<semaphore_mem>>)
      } else {
      }
      %eq3A_378 = arith.constant 3 : i32
      %eq3A_379 = arith.cmpi eq, %scan3A_217, %eq3A_378 : i32
      %convert_element_type3A_380 = arith.extui %eq3A_379 : i1 to i32
      %cond3A_381 = arith.constant 0 : i32
      %cond3A_382 = arith.cmpi ne, %convert_element_type3A_380, %cond3A_381 : i32
      scf.if %cond3A_382 {
        %add3A_383 = arith.constant 88 : i32
        %add3A_384 = arith.addi %mul3A_2, %add3A_383 : i32
        %mul3A_385 = arith.constant 128 : i32
        %mul3A_386 = arith.muli %add3A, %mul3A_385 : i32
        %add3A_387 = arith.constant 88 : i32
        %add3A_388 = arith.addi %mul3A_386, %add3A_387 : i32
        %dma_start3A_389 = arith.constant 0 : i32
        %dma_start3A_390 = tpu.memref_slice %arg5[%add3A_388, %dma_start3A_389] : memref<4096x128xf32, #tpu.memory_space<hbm>> -> memref<32x128xf32, #tpu.memory_space<hbm>>
        %dma_start3A_391 = arith.constant 0 : i32
        %dma_start3A_392 = tpu.memref_slice %arg13[%add3A_384, %dma_start3A_391] : memref<2048x128xf32, #tpu.memory_space<vmem_shared>> -> memref<32x128xf32, #tpu.memory_space<vmem_shared>>
        tpu.enqueue_dma source(%dma_start3A_392 : memref<32x128xf32, #tpu.memory_space<vmem_shared>>) target(%dma_start3A_390 : memref<32x128xf32, #tpu.memory_space<hbm>>) target_semaphore(%arg24 : memref<!tpu.dma_semaphore, #tpu.memory_space<semaphore_mem>>)
      } else {
      }
    }
    %scan3A_173 = arith.constant 3 : i32
    %dma_wait3A_174 = arith.constant 0 : i32
    %dma_wait3A_175 = arith.constant 0 : i32
    %dma_wait3A_176 = tpu.memref_slice %arg7[%dma_wait3A_174, %dma_wait3A_175] : memref<20x128xi32, #tpu.memory_space<vmem>> -> memref<1x128xi32, #tpu.memory_space<vmem>>
    %dma_wait3A_177 = tpu.memref_squeeze %dma_wait3A_176 : memref<1x128xi32, #tpu.memory_space<vmem>> -> memref<128xi32, #tpu.memory_space<vmem>>
    %dma_wait3A_178 = arith.constant 0 : i32
    %dma_wait3A_179 = arith.constant 0 : i32
    %dma_wait3A_180 = tpu.memref_slice %arg13[%dma_wait3A_178, %dma_wait3A_179] : memref<2048x128xf32, #tpu.memory_space<vmem_shared>> -> memref<2048x128xf32, #tpu.memory_space<vmem_shared>>
    tpu.wait_indirect_dma semaphore(%arg23 : memref<!tpu.dma_semaphore, #tpu.memory_space<semaphore_mem>>) src(%arg12 : memref<128x128xf32, #tpu.memory_space<vmem>>) dst(%dma_wait3A_180 : memref<2048x128xf32, #tpu.memory_space<vmem_shared>>)
    %add3A_181 = arith.constant 120 : i32
    %add3A_182 = arith.addi %mul3A_2, %add3A_181 : i32
    %mul3A_183 = arith.constant 128 : i32
    %mul3A_184 = arith.muli %add3A, %mul3A_183 : i32
    %add3A_185 = arith.constant 120 : i32
    %add3A_186 = arith.addi %mul3A_184, %add3A_185 : i32
    "tpu.region"() ({
      %run_scoped3A = tpu.sem_alloc : memref<!tpu.dma_semaphore, #tpu.memory_space<semaphore_mem>>
      %dma_start3A_217 = arith.constant 0 : i32
      %dma_start3A_218 = tpu.memref_slice %arg5[%add3A_186, %dma_start3A_217] : memref<4096x128xf32, #tpu.memory_space<hbm>> -> memref<8x128xf32, #tpu.memory_space<hbm>>
      %dma_start3A_219 = arith.constant 0 : i32
      %dma_start3A_220 = tpu.memref_slice %arg13[%add3A_182, %dma_start3A_219] : memref<2048x128xf32, #tpu.memory_space<vmem_shared>> -> memref<8x128xf32, #tpu.memory_space<vmem_shared>>
      tpu.enqueue_dma source(%dma_start3A_220 : memref<8x128xf32, #tpu.memory_space<vmem_shared>>) target(%dma_start3A_218 : memref<8x128xf32, #tpu.memory_space<hbm>>) target_semaphore(%run_scoped3A : memref<!tpu.dma_semaphore, #tpu.memory_space<semaphore_mem>>)
      %dma_wait3A_221 = arith.constant 0 : i32
      %dma_wait3A_222 = tpu.memref_slice %arg5[%add3A_186, %dma_wait3A_221] : memref<4096x128xf32, #tpu.memory_space<hbm>> -> memref<8x128xf32, #tpu.memory_space<hbm>>
      %dma_wait3A_223 = arith.constant 0 : i32
      %dma_wait3A_224 = tpu.memref_slice %arg13[%add3A_182, %dma_wait3A_223] : memref<2048x128xf32, #tpu.memory_space<vmem_shared>> -> memref<8x128xf32, #tpu.memory_space<vmem_shared>>
      tpu.wait_dma2 semaphore(%run_scoped3A : memref<!tpu.dma_semaphore, #tpu.memory_space<semaphore_mem>>) src(%dma_wait3A_224 : memref<8x128xf32, #tpu.memory_space<vmem_shared>>) dst(%dma_wait3A_222 : memref<8x128xf32, #tpu.memory_space<hbm>>)
      tpu.yield
    }) : () -> ()
    %add3A_187 = arith.constant 0 : i32
    %add3A_188 = arith.addi %mul3A_2, %add3A_187 : i32
    %mul3A_189 = arith.constant 128 : i32
    %mul3A_190 = arith.muli %add3A, %mul3A_189 : i32
    %add3A_191 = arith.constant 0 : i32
    %add3A_192 = arith.addi %mul3A_190, %add3A_191 : i32
    %dma_wait3A_193 = arith.constant 0 : i32
    %dma_wait3A_194 = tpu.memref_slice %arg5[%add3A_192, %dma_wait3A_193] : memref<4096x128xf32, #tpu.memory_space<hbm>> -> memref<56x128xf32, #tpu.memory_space<hbm>>
    %dma_wait3A_195 = arith.constant 0 : i32
    %dma_wait3A_196 = tpu.memref_slice %arg13[%add3A_188, %dma_wait3A_195] : memref<2048x128xf32, #tpu.memory_space<vmem_shared>> -> memref<56x128xf32, #tpu.memory_space<vmem_shared>>
    tpu.wait_dma2 semaphore(%arg24 : memref<!tpu.dma_semaphore, #tpu.memory_space<semaphore_mem>>) src(%dma_wait3A_196 : memref<56x128xf32, #tpu.memory_space<vmem_shared>>) dst(%dma_wait3A_194 : memref<56x128xf32, #tpu.memory_space<hbm>>)
    %add3A_197 = arith.constant 56 : i32
    %add3A_198 = arith.addi %mul3A_2, %add3A_197 : i32
    %mul3A_199 = arith.constant 128 : i32
    %mul3A_200 = arith.muli %add3A, %mul3A_199 : i32
    %add3A_201 = arith.constant 56 : i32
    %add3A_202 = arith.addi %mul3A_200, %add3A_201 : i32
    %dma_wait3A_203 = arith.constant 0 : i32
    %dma_wait3A_204 = tpu.memref_slice %arg5[%add3A_202, %dma_wait3A_203] : memref<4096x128xf32, #tpu.memory_space<hbm>> -> memref<32x128xf32, #tpu.memory_space<hbm>>
    %dma_wait3A_205 = arith.constant 0 : i32
    %dma_wait3A_206 = tpu.memref_slice %arg13[%add3A_198, %dma_wait3A_205] : memref<2048x128xf32, #tpu.memory_space<vmem_shared>> -> memref<32x128xf32, #tpu.memory_space<vmem_shared>>
    tpu.wait_dma2 semaphore(%arg24 : memref<!tpu.dma_semaphore, #tpu.memory_space<semaphore_mem>>) src(%dma_wait3A_206 : memref<32x128xf32, #tpu.memory_space<vmem_shared>>) dst(%dma_wait3A_204 : memref<32x128xf32, #tpu.memory_space<hbm>>)
    %add3A_207 = arith.constant 88 : i32
    %add3A_208 = arith.addi %mul3A_2, %add3A_207 : i32
    %mul3A_209 = arith.constant 128 : i32
    %mul3A_210 = arith.muli %add3A, %mul3A_209 : i32
    %add3A_211 = arith.constant 88 : i32
    %add3A_212 = arith.addi %mul3A_210, %add3A_211 : i32
    %dma_wait3A_213 = arith.constant 0 : i32
    %dma_wait3A_214 = tpu.memref_slice %arg5[%add3A_212, %dma_wait3A_213] : memref<4096x128xf32, #tpu.memory_space<hbm>> -> memref<32x128xf32, #tpu.memory_space<hbm>>
    %dma_wait3A_215 = arith.constant 0 : i32
    %dma_wait3A_216 = tpu.memref_slice %arg13[%add3A_208, %dma_wait3A_215] : memref<2048x128xf32, #tpu.memory_space<vmem_shared>> -> memref<32x128xf32, #tpu.memory_space<vmem_shared>>
    tpu.wait_dma2 semaphore(%arg24 : memref<!tpu.dma_semaphore, #tpu.memory_space<semaphore_mem>>) src(%dma_wait3A_216 : memref<32x128xf32, #tpu.memory_space<vmem_shared>>) dst(%dma_wait3A_214 : memref<32x128xf32, #tpu.memory_space<hbm>>)
    return
  }
}

#map = affine_map<(d0, d1) -> (0, 0, 0)>
#map1 = affine_map<(d0, d1) -> (0, 0)>
module attributes {stable_mosaic.version = 14 : i64} {
  func.func @sc_pool(%arg0: i32, %arg1: i32, %arg2: memref<32x20x128xi32, #tpu.memory_space<hbm>>, %arg3: memref<16x20x128xi32, #tpu.memory_space<hbm>>, %arg4: memref<100000x128xf32, #tpu.memory_space<hbm>>, %arg5: memref<4096x128xf32, #tpu.memory_space<hbm>>, %arg6: memref<20x128xi32, #tpu.memory_space<vmem>>, %arg7: memref<20x128xi32, #tpu.memory_space<vmem>>, %arg8: memref<128x128xf32, #tpu.memory_space<vmem>>, %arg9: memref<128x128xf32, #tpu.memory_space<vmem>>, %arg10: memref<128x128xf32, #tpu.memory_space<vmem>>, %arg11: memref<128x128xf32, #tpu.memory_space<vmem>>, %arg12: memref<128x128xf32, #tpu.memory_space<vmem>>, %arg13: memref<2048x128xf32, #tpu.memory_space<vmem_shared>>, %arg14: memref<!tpu.dma_semaphore, #tpu.memory_space<semaphore_mem>>, %arg15: memref<!tpu.dma_semaphore, #tpu.memory_space<semaphore_mem>>, %arg16: memref<!tpu.dma_semaphore, #tpu.memory_space<semaphore_mem>>, %arg17: memref<!tpu.dma_semaphore, #tpu.memory_space<semaphore_mem>>, %arg18: memref<!tpu.dma_semaphore, #tpu.memory_space<semaphore_mem>>, %arg19: memref<!tpu.dma_semaphore, #tpu.memory_space<semaphore_mem>>, %arg20: memref<!tpu.dma_semaphore, #tpu.memory_space<semaphore_mem>>, %arg21: memref<!tpu.dma_semaphore, #tpu.memory_space<semaphore_mem>>, %arg22: memref<!tpu.dma_semaphore, #tpu.memory_space<semaphore_mem>>, %arg23: memref<!tpu.dma_semaphore, #tpu.memory_space<semaphore_mem>>, %arg24: memref<!tpu.dma_semaphore, #tpu.memory_space<semaphore_mem>>) attributes {dimension_semantics = [#tpu.dimension_semantics<core_parallel>, #tpu.dimension_semantics<subcore_parallel>], iteration_bounds = array<i64: 2, 16>, scalar_prefetch = 0 : i64, scratch_operands = 19 : i64, tpu.core_type = #tpu.core_type<sc_vector_subcore>, window_params = [{transform_indices = #map}, {transform_indices = #map}, {transform_indices = #map1}, {transform_indices = #map1}]} {
    %mul3A = arith.constant 16 : i32
    %mul3A_0 = arith.muli %arg0, %mul3A : i32
    %add3A = arith.addi %mul3A_0, %arg1 : i32
    %mul3A_1 = arith.constant 128 : i32
    %mul3A_2 = arith.muli %arg1, %mul3A_1 : i32
    "tpu.region"() ({
      %run_scoped3A = tpu.sem_alloc : memref<!tpu.dma_semaphore, #tpu.memory_space<semaphore_mem>>
      %dma_start3A_217 = arith.constant 0 : i32
      %dma_start3A_218 = arith.constant 0 : i32
      %dma_start3A_219 = tpu.memref_slice %arg2[%add3A, %dma_start3A_217, %dma_start3A_218] : memref<32x20x128xi32, #tpu.memory_space<hbm>> -> memref<1x20x128xi32, #tpu.memory_space<hbm>>
      %dma_start3A_220 = tpu.memref_squeeze %dma_start3A_219 : memref<1x20x128xi32, #tpu.memory_space<hbm>> -> memref<20x128xi32, #tpu.memory_space<hbm>>
      %dma_start3A_221 = arith.constant 0 : i32
      %dma_start3A_222 = arith.constant 0 : i32
      %dma_start3A_223 = tpu.memref_slice %arg2[%add3A, %dma_start3A_221, %dma_start3A_222] : memref<32x20x128xi32, #tpu.memory_space<hbm>> -> memref<1x20x128xi32, #tpu.memory_space<hbm>>
      %dma_start3A_224 = tpu.memref_squeeze %dma_start3A_223 : memref<1x20x128xi32, #tpu.memory_space<hbm>> -> memref<20x128xi32, #tpu.memory_space<hbm>>
      tpu.enqueue_dma source(%dma_start3A_224 : memref<20x128xi32, #tpu.memory_space<hbm>>) target(%arg6 : memref<20x128xi32, #tpu.memory_space<vmem>>) target_semaphore(%run_scoped3A : memref<!tpu.dma_semaphore, #tpu.memory_space<semaphore_mem>>)
      %dma_wait3A_225 = arith.constant 0 : i32
      %dma_wait3A_226 = arith.constant 0 : i32
      %dma_wait3A_227 = tpu.memref_slice %arg2[%add3A, %dma_wait3A_225, %dma_wait3A_226] : memref<32x20x128xi32, #tpu.memory_space<hbm>> -> memref<1x20x128xi32, #tpu.memory_space<hbm>>
      %dma_wait3A_228 = tpu.memref_squeeze %dma_wait3A_227 : memref<1x20x128xi32, #tpu.memory_space<hbm>> -> memref<20x128xi32, #tpu.memory_space<hbm>>
      %dma_wait3A_229 = arith.constant 0 : i32
      %dma_wait3A_230 = arith.constant 0 : i32
      %dma_wait3A_231 = tpu.memref_slice %arg2[%add3A, %dma_wait3A_229, %dma_wait3A_230] : memref<32x20x128xi32, #tpu.memory_space<hbm>> -> memref<1x20x128xi32, #tpu.memory_space<hbm>>
      %dma_wait3A_232 = tpu.memref_squeeze %dma_wait3A_231 : memref<1x20x128xi32, #tpu.memory_space<hbm>> -> memref<20x128xi32, #tpu.memory_space<hbm>>
      tpu.wait_dma2 semaphore(%run_scoped3A : memref<!tpu.dma_semaphore, #tpu.memory_space<semaphore_mem>>) src(%dma_wait3A_232 : memref<20x128xi32, #tpu.memory_space<hbm>>) dst(%arg6 : memref<20x128xi32, #tpu.memory_space<vmem>>)
      tpu.yield
    }) : () -> ()
    %broadcast_in_dim3A = arith.constant 0.000000e+00 : f32
    %broadcast_in_dim3A_3 = vector.broadcast %broadcast_in_dim3A : f32 to vector<16xf32>
    %scan3A = arith.constant 0 : i32
    %scan3A_4 = arith.constant 0 : i32
    %scan3A_5 = arith.constant 128 : i32
    %scan3A_6 = arith.addi %scan3A_4, %scan3A_5 : i32
    %scan3A_7 = arith.constant 1 : i32
    scf.for %scan3A_217 = %scan3A_4 to %scan3A_6 step %scan3A_7  : i32 {
      %swap3A = arith.index_cast %scan3A_217 : i32 to index
      %swap3A_218 = arith.constant 0 : index
      %swap3A_219 = tpu.vector_load %arg8[%swap3A, %swap3A_218] {strides = array<i32>} : memref<128x128xf32, #tpu.memory_space<vmem>>, vector<1x16xf32>,
      %swap3A_220 = vector.shape_cast %swap3A_219 : vector<1x16xf32> to vector<16xf32>
      %swap3A_221 = vector.shape_cast %broadcast_in_dim3A_3 : vector<16xf32> to vector<1x16xf32>
      tpu.vector_store %arg8[%swap3A, %swap3A_218], %swap3A_221 {strides = array<i32>} : memref<128x128xf32, #tpu.memory_space<vmem>>, vector<1x16xf32>,
      %swap3A_222 = arith.index_cast %scan3A_217 : i32 to index
      %swap3A_223 = arith.constant 16 : index
      %swap3A_224 = tpu.vector_load %arg8[%swap3A_222, %swap3A_223] {strides = array<i32>} : memref<128x128xf32, #tpu.memory_space<vmem>>, vector<1x16xf32>,
      %swap3A_225 = vector.shape_cast %swap3A_224 : vector<1x16xf32> to vector<16xf32>
      %swap3A_226 = vector.shape_cast %broadcast_in_dim3A_3 : vector<16xf32> to vector<1x16xf32>
      tpu.vector_store %arg8[%swap3A_222, %swap3A_223], %swap3A_226 {strides = array<i32>} : memref<128x128xf32, #tpu.memory_space<vmem>>, vector<1x16xf32>,
      %swap3A_227 = arith.index_cast %scan3A_217 : i32 to index
      %swap3A_228 = arith.constant 32 : index
      %swap3A_229 = tpu.vector_load %arg8[%swap3A_227, %swap3A_228] {strides = array<i32>} : memref<128x128xf32, #tpu.memory_space<vmem>>, vector<1x16xf32>,
      %swap3A_230 = vector.shape_cast %swap3A_229 : vector<1x16xf32> to vector<16xf32>
      %swap3A_231 = vector.shape_cast %broadcast_in_dim3A_3 : vector<16xf32> to vector<1x16xf32>
      tpu.vector_store %arg8[%swap3A_227, %swap3A_228], %swap3A_231 {strides = array<i32>} : memref<128x128xf32, #tpu.memory_space<vmem>>, vector<1x16xf32>,
      %swap3A_232 = arith.index_cast %scan3A_217 : i32 to index
      %swap3A_233 = arith.constant 48 : index
      %swap3A_234 = tpu.vector_load %arg8[%swap3A_232, %swap3A_233] {strides = array<i32>} : memref<128x128xf32, #tpu.memory_space<vmem>>, vector<1x16xf32>,
      %swap3A_235 = vector.shape_cast %swap3A_234 : vector<1x16xf32> to vector<16xf32>
      %swap3A_236 = vector.shape_cast %broadcast_in_dim3A_3 : vector<16xf32> to vector<1x16xf32>
      tpu.vector_store %arg8[%swap3A_232, %swap3A_233], %swap3A_236 {strides = array<i32>} : memref<128x128xf32, #tpu.memory_space<vmem>>, vector<1x16xf32>,
      %swap3A_237 = arith.index_cast %scan3A_217 : i32 to index
      %swap3A_238 = arith.constant 64 : index
      %swap3A_239 = tpu.vector_load %arg8[%swap3A_237, %swap3A_238] {strides = array<i32>} : memref<128x128xf32, #tpu.memory_space<vmem>>, vector<1x16xf32>,
      %swap3A_240 = vector.shape_cast %swap3A_239 : vector<1x16xf32> to vector<16xf32>
      %swap3A_241 = vector.shape_cast %broadcast_in_dim3A_3 : vector<16xf32> to vector<1x16xf32>
      tpu.vector_store %arg8[%swap3A_237, %swap3A_238], %swap3A_241 {strides = array<i32>} : memref<128x128xf32, #tpu.memory_space<vmem>>, vector<1x16xf32>,
      %swap3A_242 = arith.index_cast %scan3A_217 : i32 to index
      %swap3A_243 = arith.constant 80 : index
      %swap3A_244 = tpu.vector_load %arg8[%swap3A_242, %swap3A_243] {strides = array<i32>} : memref<128x128xf32, #tpu.memory_space<vmem>>, vector<1x16xf32>,
      %swap3A_245 = vector.shape_cast %swap3A_244 : vector<1x16xf32> to vector<16xf32>
      %swap3A_246 = vector.shape_cast %broadcast_in_dim3A_3 : vector<16xf32> to vector<1x16xf32>
      tpu.vector_store %arg8[%swap3A_242, %swap3A_243], %swap3A_246 {strides = array<i32>} : memref<128x128xf32, #tpu.memory_space<vmem>>, vector<1x16xf32>,
      %swap3A_247 = arith.index_cast %scan3A_217 : i32 to index
      %swap3A_248 = arith.constant 96 : index
      %swap3A_249 = tpu.vector_load %arg8[%swap3A_247, %swap3A_248] {strides = array<i32>} : memref<128x128xf32, #tpu.memory_space<vmem>>, vector<1x16xf32>,
      %swap3A_250 = vector.shape_cast %swap3A_249 : vector<1x16xf32> to vector<16xf32>
      %swap3A_251 = vector.shape_cast %broadcast_in_dim3A_3 : vector<16xf32> to vector<1x16xf32>
      tpu.vector_store %arg8[%swap3A_247, %swap3A_248], %swap3A_251 {strides = array<i32>} : memref<128x128xf32, #tpu.memory_space<vmem>>, vector<1x16xf32>,
      %swap3A_252 = arith.index_cast %scan3A_217 : i32 to index
      %swap3A_253 = arith.constant 112 : index
      %swap3A_254 = tpu.vector_load %arg8[%swap3A_252, %swap3A_253] {strides = array<i32>} : memref<128x128xf32, #tpu.memory_space<vmem>>, vector<1x16xf32>,
      %swap3A_255 = vector.shape_cast %swap3A_254 : vector<1x16xf32> to vector<16xf32>
      %swap3A_256 = vector.shape_cast %broadcast_in_dim3A_3 : vector<16xf32> to vector<1x16xf32>
      tpu.vector_store %arg8[%swap3A_252, %swap3A_253], %swap3A_256 {strides = array<i32>} : memref<128x128xf32, #tpu.memory_space<vmem>>, vector<1x16xf32>,
    }
    %scan3A_8 = arith.constant 128 : i32
    "tpu.region"() ({
      %run_scoped3A = tpu.sem_alloc : memref<!tpu.dma_semaphore, #tpu.memory_space<semaphore_mem>>
      %dma_start3A_217 = arith.constant 0 : i32
      %dma_start3A_218 = tpu.memref_slice %arg13[%mul3A_2, %dma_start3A_217] : memref<2048x128xf32, #tpu.memory_space<vmem_shared>> -> memref<128x128xf32, #tpu.memory_space<vmem_shared>>
      %dma_start3A_219 = arith.constant 0 : i32
      %dma_start3A_220 = tpu.memref_slice %arg13[%mul3A_2, %dma_start3A_219] : memref<2048x128xf32, #tpu.memory_space<vmem_shared>> -> memref<128x128xf32, #tpu.memory_space<vmem_shared>>
      tpu.enqueue_dma source(%arg8 : memref<128x128xf32, #tpu.memory_space<vmem>>) target(%dma_start3A_220 : memref<128x128xf32, #tpu.memory_space<vmem_shared>>) target_semaphore(%run_scoped3A : memref<!tpu.dma_semaphore, #tpu.memory_space<semaphore_mem>>)
      %dma_wait3A_221 = arith.constant 0 : i32
      %dma_wait3A_222 = tpu.memref_slice %arg13[%mul3A_2, %dma_wait3A_221] : memref<2048x128xf32, #tpu.memory_space<vmem_shared>> -> memref<128x128xf32, #tpu.memory_space<vmem_shared>>
      %dma_wait3A_223 = arith.constant 0 : i32
      %dma_wait3A_224 = tpu.memref_slice %arg13[%mul3A_2, %dma_wait3A_223] : memref<2048x128xf32, #tpu.memory_space<vmem_shared>> -> memref<128x128xf32, #tpu.memory_space<vmem_shared>>
      tpu.wait_dma2 semaphore(%run_scoped3A : memref<!tpu.dma_semaphore, #tpu.memory_space<semaphore_mem>>) src(%arg8 : memref<128x128xf32, #tpu.memory_space<vmem>>) dst(%dma_wait3A_224 : memref<128x128xf32, #tpu.memory_space<vmem_shared>>)
      tpu.yield
    }) : () -> ()
    %dma_start3A = arith.constant 0 : i32
    %dma_start3A_9 = arith.constant 0 : i32
    %dma_start3A_10 = tpu.memref_slice %arg6[%dma_start3A, %dma_start3A_9] : memref<20x128xi32, #tpu.memory_space<vmem>> -> memref<1x128xi32, #tpu.memory_space<vmem>>
    %dma_start3A_11 = tpu.memref_squeeze %dma_start3A_10 : memref<1x128xi32, #tpu.memory_space<vmem>> -> memref<128xi32, #tpu.memory_space<vmem>>
    %dma_start3A_12 = arith.constant 0 : i32
    %dma_start3A_13 = arith.constant 0 : i32
    %dma_start3A_14 = tpu.memref_slice %arg4[%dma_start3A_12, %dma_start3A_13] : memref<100000x128xf32, #tpu.memory_space<hbm>> -> memref<100000x128xf32, #tpu.memory_space<hbm>>
    tpu.enqueue_indirect_dma source(%dma_start3A_14 : memref<100000x128xf32, #tpu.memory_space<hbm>>) target(%arg8 : memref<128x128xf32, #tpu.memory_space<vmem>>) offsets(%dma_start3A_11 : memref<128xi32, #tpu.memory_space<vmem>>) semaphore(%arg14 : memref<!tpu.dma_semaphore, #tpu.memory_space<semaphore_mem>>)
    %dma_start3A_15 = arith.constant 1 : i32
    %dma_start3A_16 = arith.constant 0 : i32
    %dma_start3A_17 = tpu.memref_slice %arg6[%dma_start3A_15, %dma_start3A_16] : memref<20x128xi32, #tpu.memory_space<vmem>> -> memref<1x128xi32, #tpu.memory_space<vmem>>
    %dma_start3A_18 = tpu.memref_squeeze %dma_start3A_17 : memref<1x128xi32, #tpu.memory_space<vmem>> -> memref<128xi32, #tpu.memory_space<vmem>>
    %dma_start3A_19 = arith.constant 0 : i32
    %dma_start3A_20 = arith.constant 0 : i32
    %dma_start3A_21 = tpu.memref_slice %arg4[%dma_start3A_19, %dma_start3A_20] : memref<100000x128xf32, #tpu.memory_space<hbm>> -> memref<100000x128xf32, #tpu.memory_space<hbm>>
    tpu.enqueue_indirect_dma source(%dma_start3A_21 : memref<100000x128xf32, #tpu.memory_space<hbm>>) target(%arg9 : memref<128x128xf32, #tpu.memory_space<vmem>>) offsets(%dma_start3A_18 : memref<128xi32, #tpu.memory_space<vmem>>) semaphore(%arg15 : memref<!tpu.dma_semaphore, #tpu.memory_space<semaphore_mem>>)
    %dma_start3A_22 = arith.constant 2 : i32
    %dma_start3A_23 = arith.constant 0 : i32
    %dma_start3A_24 = tpu.memref_slice %arg6[%dma_start3A_22, %dma_start3A_23] : memref<20x128xi32, #tpu.memory_space<vmem>> -> memref<1x128xi32, #tpu.memory_space<vmem>>
    %dma_start3A_25 = tpu.memref_squeeze %dma_start3A_24 : memref<1x128xi32, #tpu.memory_space<vmem>> -> memref<128xi32, #tpu.memory_space<vmem>>
    %dma_start3A_26 = arith.constant 0 : i32
    %dma_start3A_27 = arith.constant 0 : i32
    %dma_start3A_28 = tpu.memref_slice %arg4[%dma_start3A_26, %dma_start3A_27] : memref<100000x128xf32, #tpu.memory_space<hbm>> -> memref<100000x128xf32, #tpu.memory_space<hbm>>
    tpu.enqueue_indirect_dma source(%dma_start3A_28 : memref<100000x128xf32, #tpu.memory_space<hbm>>) target(%arg10 : memref<128x128xf32, #tpu.memory_space<vmem>>) offsets(%dma_start3A_25 : memref<128xi32, #tpu.memory_space<vmem>>) semaphore(%arg16 : memref<!tpu.dma_semaphore, #tpu.memory_space<semaphore_mem>>)
    %dma_start3A_29 = arith.constant 3 : i32
    %dma_start3A_30 = arith.constant 0 : i32
    %dma_start3A_31 = tpu.memref_slice %arg6[%dma_start3A_29, %dma_start3A_30] : memref<20x128xi32, #tpu.memory_space<vmem>> -> memref<1x128xi32, #tpu.memory_space<vmem>>
    %dma_start3A_32 = tpu.memref_squeeze %dma_start3A_31 : memref<1x128xi32, #tpu.memory_space<vmem>> -> memref<128xi32, #tpu.memory_space<vmem>>
    %dma_start3A_33 = arith.constant 0 : i32
    %dma_start3A_34 = arith.constant 0 : i32
    %dma_start3A_35 = tpu.memref_slice %arg4[%dma_start3A_33, %dma_start3A_34] : memref<100000x128xf32, #tpu.memory_space<hbm>> -> memref<100000x128xf32, #tpu.memory_space<hbm>>
    tpu.enqueue_indirect_dma source(%dma_start3A_35 : memref<100000x128xf32, #tpu.memory_space<hbm>>) target(%arg11 : memref<128x128xf32, #tpu.memory_space<vmem>>) offsets(%dma_start3A_32 : memref<128xi32, #tpu.memory_space<vmem>>) semaphore(%arg17 : memref<!tpu.dma_semaphore, #tpu.memory_space<semaphore_mem>>)
    %dma_start3A_36 = arith.constant 4 : i32
    %dma_start3A_37 = arith.constant 0 : i32
    %dma_start3A_38 = tpu.memref_slice %arg6[%dma_start3A_36, %dma_start3A_37] : memref<20x128xi32, #tpu.memory_space<vmem>> -> memref<1x128xi32, #tpu.memory_space<vmem>>
    %dma_start3A_39 = tpu.memref_squeeze %dma_start3A_38 : memref<1x128xi32, #tpu.memory_space<vmem>> -> memref<128xi32, #tpu.memory_space<vmem>>
    %dma_start3A_40 = arith.constant 0 : i32
    %dma_start3A_41 = arith.constant 0 : i32
    %dma_start3A_42 = tpu.memref_slice %arg4[%dma_start3A_40, %dma_start3A_41] : memref<100000x128xf32, #tpu.memory_space<hbm>> -> memref<100000x128xf32, #tpu.memory_space<hbm>>
    tpu.enqueue_indirect_dma source(%dma_start3A_42 : memref<100000x128xf32, #tpu.memory_space<hbm>>) target(%arg12 : memref<128x128xf32, #tpu.memory_space<vmem>>) offsets(%dma_start3A_39 : memref<128xi32, #tpu.memory_space<vmem>>) semaphore(%arg18 : memref<!tpu.dma_semaphore, #tpu.memory_space<semaphore_mem>>)
    "tpu.region"() ({
      %run_scoped3A = tpu.sem_alloc : memref<!tpu.dma_semaphore, #tpu.memory_space<semaphore_mem>>
      %dma_start3A_217 = arith.constant 0 : i32
      %dma_start3A_218 = arith.constant 0 : i32
      %dma_start3A_219 = tpu.memref_slice %arg3[%arg1, %dma_start3A_217, %dma_start3A_218] : memref<16x20x128xi32, #tpu.memory_space<hbm>> -> memref<1x20x128xi32, #tpu.memory_space<hbm>>
      %dma_start3A_220 = tpu.memref_squeeze %dma_start3A_219 : memref<1x20x128xi32, #tpu.memory_space<hbm>> -> memref<20x128xi32, #tpu.memory_space<hbm>>
      %dma_start3A_221 = arith.constant 0 : i32
      %dma_start3A_222 = arith.constant 0 : i32
      %dma_start3A_223 = tpu.memref_slice %arg3[%arg1, %dma_start3A_221, %dma_start3A_222] : memref<16x20x128xi32, #tpu.memory_space<hbm>> -> memref<1x20x128xi32, #tpu.memory_space<hbm>>
      %dma_start3A_224 = tpu.memref_squeeze %dma_start3A_223 : memref<1x20x128xi32, #tpu.memory_space<hbm>> -> memref<20x128xi32, #tpu.memory_space<hbm>>
      tpu.enqueue_dma source(%dma_start3A_224 : memref<20x128xi32, #tpu.memory_space<hbm>>) target(%arg7 : memref<20x128xi32, #tpu.memory_space<vmem>>) target_semaphore(%run_scoped3A : memref<!tpu.dma_semaphore, #tpu.memory_space<semaphore_mem>>)
      %dma_wait3A_225 = arith.constant 0 : i32
      %dma_wait3A_226 = arith.constant 0 : i32
      %dma_wait3A_227 = tpu.memref_slice %arg3[%arg1, %dma_wait3A_225, %dma_wait3A_226] : memref<16x20x128xi32, #tpu.memory_space<hbm>> -> memref<1x20x128xi32, #tpu.memory_space<hbm>>
      %dma_wait3A_228 = tpu.memref_squeeze %dma_wait3A_227 : memref<1x20x128xi32, #tpu.memory_space<hbm>> -> memref<20x128xi32, #tpu.memory_space<hbm>>
      %dma_wait3A_229 = arith.constant 0 : i32
      %dma_wait3A_230 = arith.constant 0 : i32
      %dma_wait3A_231 = tpu.memref_slice %arg3[%arg1, %dma_wait3A_229, %dma_wait3A_230] : memref<16x20x128xi32, #tpu.memory_space<hbm>> -> memref<1x20x128xi32, #tpu.memory_space<hbm>>
      %dma_wait3A_232 = tpu.memref_squeeze %dma_wait3A_231 : memref<1x20x128xi32, #tpu.memory_space<hbm>> -> memref<20x128xi32, #tpu.memory_space<hbm>>
      tpu.wait_dma2 semaphore(%run_scoped3A : memref<!tpu.dma_semaphore, #tpu.memory_space<semaphore_mem>>) src(%dma_wait3A_232 : memref<20x128xi32, #tpu.memory_space<hbm>>) dst(%arg7 : memref<20x128xi32, #tpu.memory_space<vmem>>)
      tpu.yield
    }) : () -> ()
    %dma_wait3A = arith.constant 0 : i32
    %dma_wait3A_43 = arith.constant 0 : i32
    %dma_wait3A_44 = tpu.memref_slice %arg6[%dma_wait3A, %dma_wait3A_43] : memref<20x128xi32, #tpu.memory_space<vmem>> -> memref<1x128xi32, #tpu.memory_space<vmem>>
    %dma_wait3A_45 = tpu.memref_squeeze %dma_wait3A_44 : memref<1x128xi32, #tpu.memory_space<vmem>> -> memref<128xi32, #tpu.memory_space<vmem>>
    %dma_wait3A_46 = arith.constant 0 : i32
    %dma_wait3A_47 = arith.constant 0 : i32
    %dma_wait3A_48 = tpu.memref_slice %arg4[%dma_wait3A_46, %dma_wait3A_47] : memref<100000x128xf32, #tpu.memory_space<hbm>> -> memref<100000x128xf32, #tpu.memory_space<hbm>>
    tpu.wait_indirect_dma semaphore(%arg14 : memref<!tpu.dma_semaphore, #tpu.memory_space<semaphore_mem>>) src(%dma_wait3A_48 : memref<100000x128xf32, #tpu.memory_space<hbm>>) dst(%arg8 : memref<128x128xf32, #tpu.memory_space<vmem>>)
    %dma_start3A_49 = arith.constant 0 : i32
    %dma_start3A_50 = arith.constant 0 : i32
    %dma_start3A_51 = tpu.memref_slice %arg7[%dma_start3A_49, %dma_start3A_50] : memref<20x128xi32, #tpu.memory_space<vmem>> -> memref<1x128xi32, #tpu.memory_space<vmem>>
    %dma_start3A_52 = tpu.memref_squeeze %dma_start3A_51 : memref<1x128xi32, #tpu.memory_space<vmem>> -> memref<128xi32, #tpu.memory_space<vmem>>
    %dma_start3A_53 = arith.constant 0 : i32
    %dma_start3A_54 = arith.constant 0 : i32
    %dma_start3A_55 = tpu.memref_slice %arg13[%dma_start3A_53, %dma_start3A_54] : memref<2048x128xf32, #tpu.memory_space<vmem_shared>> -> memref<2048x128xf32, #tpu.memory_space<vmem_shared>>
    tpu.enqueue_indirect_dma source(%arg8 : memref<128x128xf32, #tpu.memory_space<vmem>>) target(%dma_start3A_55 : memref<2048x128xf32, #tpu.memory_space<vmem_shared>>) offsets(%dma_start3A_52 : memref<128xi32, #tpu.memory_space<vmem>>) semaphore(%arg19 : memref<!tpu.dma_semaphore, #tpu.memory_space<semaphore_mem>>) {add = true}
    %dma_wait3A_56 = arith.constant 1 : i32
    %dma_wait3A_57 = arith.constant 0 : i32
    %dma_wait3A_58 = tpu.memref_slice %arg6[%dma_wait3A_56, %dma_wait3A_57] : memref<20x128xi32, #tpu.memory_space<vmem>> -> memref<1x128xi32, #tpu.memory_space<vmem>>
    %dma_wait3A_59 = tpu.memref_squeeze %dma_wait3A_58 : memref<1x128xi32, #tpu.memory_space<vmem>> -> memref<128xi32, #tpu.memory_space<vmem>>
    %dma_wait3A_60 = arith.constant 0 : i32
    %dma_wait3A_61 = arith.constant 0 : i32
    %dma_wait3A_62 = tpu.memref_slice %arg4[%dma_wait3A_60, %dma_wait3A_61] : memref<100000x128xf32, #tpu.memory_space<hbm>> -> memref<100000x128xf32, #tpu.memory_space<hbm>>
    tpu.wait_indirect_dma semaphore(%arg15 : memref<!tpu.dma_semaphore, #tpu.memory_space<semaphore_mem>>) src(%dma_wait3A_62 : memref<100000x128xf32, #tpu.memory_space<hbm>>) dst(%arg9 : memref<128x128xf32, #tpu.memory_space<vmem>>)
    %dma_start3A_63 = arith.constant 1 : i32
    %dma_start3A_64 = arith.constant 0 : i32
    %dma_start3A_65 = tpu.memref_slice %arg7[%dma_start3A_63, %dma_start3A_64] : memref<20x128xi32, #tpu.memory_space<vmem>> -> memref<1x128xi32, #tpu.memory_space<vmem>>
    %dma_start3A_66 = tpu.memref_squeeze %dma_start3A_65 : memref<1x128xi32, #tpu.memory_space<vmem>> -> memref<128xi32, #tpu.memory_space<vmem>>
    %dma_start3A_67 = arith.constant 0 : i32
    %dma_start3A_68 = arith.constant 0 : i32
    %dma_start3A_69 = tpu.memref_slice %arg13[%dma_start3A_67, %dma_start3A_68] : memref<2048x128xf32, #tpu.memory_space<vmem_shared>> -> memref<2048x128xf32, #tpu.memory_space<vmem_shared>>
    tpu.enqueue_indirect_dma source(%arg9 : memref<128x128xf32, #tpu.memory_space<vmem>>) target(%dma_start3A_69 : memref<2048x128xf32, #tpu.memory_space<vmem_shared>>) offsets(%dma_start3A_66 : memref<128xi32, #tpu.memory_space<vmem>>) semaphore(%arg20 : memref<!tpu.dma_semaphore, #tpu.memory_space<semaphore_mem>>) {add = true}
    %dma_wait3A_70 = arith.constant 1 : i32
    %dma_wait3A_71 = arith.constant 0 : i32
    %dma_wait3A_72 = tpu.memref_slice %arg7[%dma_wait3A_70, %dma_wait3A_71] : memref<20x128xi32, #tpu.memory_space<vmem>> -> memref<1x128xi32, #tpu.memory_space<vmem>>
    %dma_wait3A_73 = tpu.memref_squeeze %dma_wait3A_72 : memref<1x128xi32, #tpu.memory_space<vmem>> -> memref<128xi32, #tpu.memory_space<vmem>>
    %dma_wait3A_74 = arith.constant 0 : i32
    %dma_wait3A_75 = arith.constant 0 : i32
    %dma_wait3A_76 = tpu.memref_slice %arg13[%dma_wait3A_74, %dma_wait3A_75] : memref<2048x128xf32, #tpu.memory_space<vmem_shared>> -> memref<2048x128xf32, #tpu.memory_space<vmem_shared>>
    tpu.wait_indirect_dma semaphore(%arg19 : memref<!tpu.dma_semaphore, #tpu.memory_space<semaphore_mem>>) src(%arg8 : memref<128x128xf32, #tpu.memory_space<vmem>>) dst(%dma_wait3A_76 : memref<2048x128xf32, #tpu.memory_space<vmem_shared>>)
    %dma_start3A_77 = arith.constant 5 : i32
    %dma_start3A_78 = arith.constant 0 : i32
    %dma_start3A_79 = tpu.memref_slice %arg6[%dma_start3A_77, %dma_start3A_78] : memref<20x128xi32, #tpu.memory_space<vmem>> -> memref<1x128xi32, #tpu.memory_space<vmem>>
    %dma_start3A_80 = tpu.memref_squeeze %dma_start3A_79 : memref<1x128xi32, #tpu.memory_space<vmem>> -> memref<128xi32, #tpu.memory_space<vmem>>
    %dma_start3A_81 = arith.constant 0 : i32
    %dma_start3A_82 = arith.constant 0 : i32
    %dma_start3A_83 = tpu.memref_slice %arg4[%dma_start3A_81, %dma_start3A_82] : memref<100000x128xf32, #tpu.memory_space<hbm>> -> memref<100000x128xf32, #tpu.memory_space<hbm>>
    tpu.enqueue_indirect_dma source(%dma_start3A_83 : memref<100000x128xf32, #tpu.memory_space<hbm>>) target(%arg8 : memref<128x128xf32, #tpu.memory_space<vmem>>) offsets(%dma_start3A_80 : memref<128xi32, #tpu.memory_space<vmem>>) semaphore(%arg14 : memref<!tpu.dma_semaphore, #tpu.memory_space<semaphore_mem>>)
    %dma_wait3A_84 = arith.constant 2 : i32
    %dma_wait3A_85 = arith.constant 0 : i32
    %dma_wait3A_86 = tpu.memref_slice %arg6[%dma_wait3A_84, %dma_wait3A_85] : memref<20x128xi32, #tpu.memory_space<vmem>> -> memref<1x128xi32, #tpu.memory_space<vmem>>
    %dma_wait3A_87 = tpu.memref_squeeze %dma_wait3A_86 : memref<1x128xi32, #tpu.memory_space<vmem>> -> memref<128xi32, #tpu.memory_space<vmem>>
    %dma_wait3A_88 = arith.constant 0 : i32
    %dma_wait3A_89 = arith.constant 0 : i32
    %dma_wait3A_90 = tpu.memref_slice %arg4[%dma_wait3A_88, %dma_wait3A_89] : memref<100000x128xf32, #tpu.memory_space<hbm>> -> memref<100000x128xf32, #tpu.memory_space<hbm>>
    tpu.wait_indirect_dma semaphore(%arg16 : memref<!tpu.dma_semaphore, #tpu.memory_space<semaphore_mem>>) src(%dma_wait3A_90 : memref<100000x128xf32, #tpu.memory_space<hbm>>) dst(%arg10 : memref<128x128xf32, #tpu.memory_space<vmem>>)
    %dma_start3A_91 = arith.constant 2 : i32
    %dma_start3A_92 = arith.constant 0 : i32
    %dma_start3A_93 = tpu.memref_slice %arg7[%dma_start3A_91, %dma_start3A_92] : memref<20x128xi32, #tpu.memory_space<vmem>> -> memref<1x128xi32, #tpu.memory_space<vmem>>
    %dma_start3A_94 = tpu.memref_squeeze %dma_start3A_93 : memref<1x128xi32, #tpu.memory_space<vmem>> -> memref<128xi32, #tpu.memory_space<vmem>>
    %dma_start3A_95 = arith.constant 0 : i32
    %dma_start3A_96 = arith.constant 0 : i32
    %dma_start3A_97 = tpu.memref_slice %arg13[%dma_start3A_95, %dma_start3A_96] : memref<2048x128xf32, #tpu.memory_space<vmem_shared>> -> memref<2048x128xf32, #tpu.memory_space<vmem_shared>>
    tpu.enqueue_indirect_dma source(%arg10 : memref<128x128xf32, #tpu.memory_space<vmem>>) target(%dma_start3A_97 : memref<2048x128xf32, #tpu.memory_space<vmem_shared>>) offsets(%dma_start3A_94 : memref<128xi32, #tpu.memory_space<vmem>>) semaphore(%arg21 : memref<!tpu.dma_semaphore, #tpu.memory_space<semaphore_mem>>) {add = true}
    %dma_wait3A_98 = arith.constant 2 : i32
    %dma_wait3A_99 = arith.constant 0 : i32
    %dma_wait3A_100 = tpu.memref_slice %arg7[%dma_wait3A_98, %dma_wait3A_99] : memref<20x128xi32, #tpu.memory_space<vmem>> -> memref<1x128xi32, #tpu.memory_space<vmem>>
    %dma_wait3A_101 = tpu.memref_squeeze %dma_wait3A_100 : memref<1x128xi32, #tpu.memory_space<vmem>> -> memref<128xi32, #tpu.memory_space<vmem>>
    %dma_wait3A_102 = arith.constant 0 : i32
    %dma_wait3A_103 = arith.constant 0 : i32
    %dma_wait3A_104 = tpu.memref_slice %arg13[%dma_wait3A_102, %dma_wait3A_103] : memref<2048x128xf32, #tpu.memory_space<vmem_shared>> -> memref<2048x128xf32, #tpu.memory_space<vmem_shared>>
    tpu.wait_indirect_dma semaphore(%arg20 : memref<!tpu.dma_semaphore, #tpu.memory_space<semaphore_mem>>) src(%arg9 : memref<128x128xf32, #tpu.memory_space<vmem>>) dst(%dma_wait3A_104 : memref<2048x128xf32, #tpu.memory_space<vmem_shared>>)
    %dma_start3A_105 = arith.constant 6 : i32
    %dma_start3A_106 = arith.constant 0 : i32
    %dma_start3A_107 = tpu.memref_slice %arg6[%dma_start3A_105, %dma_start3A_106] : memref<20x128xi32, #tpu.memory_space<vmem>> -> memref<1x128xi32, #tpu.memory_space<vmem>>
    %dma_start3A_108 = tpu.memref_squeeze %dma_start3A_107 : memref<1x128xi32, #tpu.memory_space<vmem>> -> memref<128xi32, #tpu.memory_space<vmem>>
    %dma_start3A_109 = arith.constant 0 : i32
    %dma_start3A_110 = arith.constant 0 : i32
    %dma_start3A_111 = tpu.memref_slice %arg4[%dma_start3A_109, %dma_start3A_110] : memref<100000x128xf32, #tpu.memory_space<hbm>> -> memref<100000x128xf32, #tpu.memory_space<hbm>>
    tpu.enqueue_indirect_dma source(%dma_start3A_111 : memref<100000x128xf32, #tpu.memory_space<hbm>>) target(%arg9 : memref<128x128xf32, #tpu.memory_space<vmem>>) offsets(%dma_start3A_108 : memref<128xi32, #tpu.memory_space<vmem>>) semaphore(%arg15 : memref<!tpu.dma_semaphore, #tpu.memory_space<semaphore_mem>>)
    %dma_wait3A_112 = arith.constant 3 : i32
    %dma_wait3A_113 = arith.constant 0 : i32
    %dma_wait3A_114 = tpu.memref_slice %arg6[%dma_wait3A_112, %dma_wait3A_113] : memref<20x128xi32, #tpu.memory_space<vmem>> -> memref<1x128xi32, #tpu.memory_space<vmem>>
    %dma_wait3A_115 = tpu.memref_squeeze %dma_wait3A_114 : memref<1x128xi32, #tpu.memory_space<vmem>> -> memref<128xi32, #tpu.memory_space<vmem>>
    %dma_wait3A_116 = arith.constant 0 : i32
    %dma_wait3A_117 = arith.constant 0 : i32
    %dma_wait3A_118 = tpu.memref_slice %arg4[%dma_wait3A_116, %dma_wait3A_117] : memref<100000x128xf32, #tpu.memory_space<hbm>> -> memref<100000x128xf32, #tpu.memory_space<hbm>>
    tpu.wait_indirect_dma semaphore(%arg17 : memref<!tpu.dma_semaphore, #tpu.memory_space<semaphore_mem>>) src(%dma_wait3A_118 : memref<100000x128xf32, #tpu.memory_space<hbm>>) dst(%arg11 : memref<128x128xf32, #tpu.memory_space<vmem>>)
    %dma_start3A_119 = arith.constant 3 : i32
    %dma_start3A_120 = arith.constant 0 : i32
    %dma_start3A_121 = tpu.memref_slice %arg7[%dma_start3A_119, %dma_start3A_120] : memref<20x128xi32, #tpu.memory_space<vmem>> -> memref<1x128xi32, #tpu.memory_space<vmem>>
    %dma_start3A_122 = tpu.memref_squeeze %dma_start3A_121 : memref<1x128xi32, #tpu.memory_space<vmem>> -> memref<128xi32, #tpu.memory_space<vmem>>
    %dma_start3A_123 = arith.constant 0 : i32
    %dma_start3A_124 = arith.constant 0 : i32
    %dma_start3A_125 = tpu.memref_slice %arg13[%dma_start3A_123, %dma_start3A_124] : memref<2048x128xf32, #tpu.memory_space<vmem_shared>> -> memref<2048x128xf32, #tpu.memory_space<vmem_shared>>
    tpu.enqueue_indirect_dma source(%arg11 : memref<128x128xf32, #tpu.memory_space<vmem>>) target(%dma_start3A_125 : memref<2048x128xf32, #tpu.memory_space<vmem_shared>>) offsets(%dma_start3A_122 : memref<128xi32, #tpu.memory_space<vmem>>) semaphore(%arg22 : memref<!tpu.dma_semaphore, #tpu.memory_space<semaphore_mem>>) {add = true}
    %dma_wait3A_126 = arith.constant 3 : i32
    %dma_wait3A_127 = arith.constant 0 : i32
    %dma_wait3A_128 = tpu.memref_slice %arg7[%dma_wait3A_126, %dma_wait3A_127] : memref<20x128xi32, #tpu.memory_space<vmem>> -> memref<1x128xi32, #tpu.memory_space<vmem>>
    %dma_wait3A_129 = tpu.memref_squeeze %dma_wait3A_128 : memref<1x128xi32, #tpu.memory_space<vmem>> -> memref<128xi32, #tpu.memory_space<vmem>>
    %dma_wait3A_130 = arith.constant 0 : i32
    %dma_wait3A_131 = arith.constant 0 : i32
    %dma_wait3A_132 = tpu.memref_slice %arg13[%dma_wait3A_130, %dma_wait3A_131] : memref<2048x128xf32, #tpu.memory_space<vmem_shared>> -> memref<2048x128xf32, #tpu.memory_space<vmem_shared>>
    tpu.wait_indirect_dma semaphore(%arg21 : memref<!tpu.dma_semaphore, #tpu.memory_space<semaphore_mem>>) src(%arg10 : memref<128x128xf32, #tpu.memory_space<vmem>>) dst(%dma_wait3A_132 : memref<2048x128xf32, #tpu.memory_space<vmem_shared>>)
    %dma_start3A_133 = arith.constant 7 : i32
    %dma_start3A_134 = arith.constant 0 : i32
    %dma_start3A_135 = tpu.memref_slice %arg6[%dma_start3A_133, %dma_start3A_134] : memref<20x128xi32, #tpu.memory_space<vmem>> -> memref<1x128xi32, #tpu.memory_space<vmem>>
    %dma_start3A_136 = tpu.memref_squeeze %dma_start3A_135 : memref<1x128xi32, #tpu.memory_space<vmem>> -> memref<128xi32, #tpu.memory_space<vmem>>
    %dma_start3A_137 = arith.constant 0 : i32
    %dma_start3A_138 = arith.constant 0 : i32
    %dma_start3A_139 = tpu.memref_slice %arg4[%dma_start3A_137, %dma_start3A_138] : memref<100000x128xf32, #tpu.memory_space<hbm>> -> memref<100000x128xf32, #tpu.memory_space<hbm>>
    tpu.enqueue_indirect_dma source(%dma_start3A_139 : memref<100000x128xf32, #tpu.memory_space<hbm>>) target(%arg10 : memref<128x128xf32, #tpu.memory_space<vmem>>) offsets(%dma_start3A_136 : memref<128xi32, #tpu.memory_space<vmem>>) semaphore(%arg16 : memref<!tpu.dma_semaphore, #tpu.memory_space<semaphore_mem>>)
    %dma_wait3A_140 = arith.constant 4 : i32
    %dma_wait3A_141 = arith.constant 0 : i32
    %dma_wait3A_142 = tpu.memref_slice %arg6[%dma_wait3A_140, %dma_wait3A_141] : memref<20x128xi32, #tpu.memory_space<vmem>> -> memref<1x128xi32, #tpu.memory_space<vmem>>
    %dma_wait3A_143 = tpu.memref_squeeze %dma_wait3A_142 : memref<1x128xi32, #tpu.memory_space<vmem>> -> memref<128xi32, #tpu.memory_space<vmem>>
    %dma_wait3A_144 = arith.constant 0 : i32
    %dma_wait3A_145 = arith.constant 0 : i32
    %dma_wait3A_146 = tpu.memref_slice %arg4[%dma_wait3A_144, %dma_wait3A_145] : memref<100000x128xf32, #tpu.memory_space<hbm>> -> memref<100000x128xf32, #tpu.memory_space<hbm>>
    tpu.wait_indirect_dma semaphore(%arg18 : memref<!tpu.dma_semaphore, #tpu.memory_space<semaphore_mem>>) src(%dma_wait3A_146 : memref<100000x128xf32, #tpu.memory_space<hbm>>) dst(%arg12 : memref<128x128xf32, #tpu.memory_space<vmem>>)
    %dma_start3A_147 = arith.constant 4 : i32
    %dma_start3A_148 = arith.constant 0 : i32
    %dma_start3A_149 = tpu.memref_slice %arg7[%dma_start3A_147, %dma_start3A_148] : memref<20x128xi32, #tpu.memory_space<vmem>> -> memref<1x128xi32, #tpu.memory_space<vmem>>
    %dma_start3A_150 = tpu.memref_squeeze %dma_start3A_149 : memref<1x128xi32, #tpu.memory_space<vmem>> -> memref<128xi32, #tpu.memory_space<vmem>>
    %dma_start3A_151 = arith.constant 0 : i32
    %dma_start3A_152 = arith.constant 0 : i32
    %dma_start3A_153 = tpu.memref_slice %arg13[%dma_start3A_151, %dma_start3A_152] : memref<2048x128xf32, #tpu.memory_space<vmem_shared>> -> memref<2048x128xf32, #tpu.memory_space<vmem_shared>>
    tpu.enqueue_indirect_dma source(%arg12 : memref<128x128xf32, #tpu.memory_space<vmem>>) target(%dma_start3A_153 : memref<2048x128xf32, #tpu.memory_space<vmem_shared>>) offsets(%dma_start3A_150 : memref<128xi32, #tpu.memory_space<vmem>>) semaphore(%arg23 : memref<!tpu.dma_semaphore, #tpu.memory_space<semaphore_mem>>) {add = true}
    %dma_wait3A_154 = arith.constant 4 : i32
    %dma_wait3A_155 = arith.constant 0 : i32
    %dma_wait3A_156 = tpu.memref_slice %arg7[%dma_wait3A_154, %dma_wait3A_155] : memref<20x128xi32, #tpu.memory_space<vmem>> -> memref<1x128xi32, #tpu.memory_space<vmem>>
    %dma_wait3A_157 = tpu.memref_squeeze %dma_wait3A_156 : memref<1x128xi32, #tpu.memory_space<vmem>> -> memref<128xi32, #tpu.memory_space<vmem>>
    %dma_wait3A_158 = arith.constant 0 : i32
    %dma_wait3A_159 = arith.constant 0 : i32
    %dma_wait3A_160 = tpu.memref_slice %arg13[%dma_wait3A_158, %dma_wait3A_159] : memref<2048x128xf32, #tpu.memory_space<vmem_shared>> -> memref<2048x128xf32, #tpu.memory_space<vmem_shared>>
    tpu.wait_indirect_dma semaphore(%arg22 : memref<!tpu.dma_semaphore, #tpu.memory_space<semaphore_mem>>) src(%arg11 : memref<128x128xf32, #tpu.memory_space<vmem>>) dst(%dma_wait3A_160 : memref<2048x128xf32, #tpu.memory_space<vmem_shared>>)
    %dma_start3A_161 = arith.constant 8 : i32
    %dma_start3A_162 = arith.constant 0 : i32
    %dma_start3A_163 = tpu.memref_slice %arg6[%dma_start3A_161, %dma_start3A_162] : memref<20x128xi32, #tpu.memory_space<vmem>> -> memref<1x128xi32, #tpu.memory_space<vmem>>
    %dma_start3A_164 = tpu.memref_squeeze %dma_start3A_163 : memref<1x128xi32, #tpu.memory_space<vmem>> -> memref<128xi32, #tpu.memory_space<vmem>>
    %dma_start3A_165 = arith.constant 0 : i32
    %dma_start3A_166 = arith.constant 0 : i32
    %dma_start3A_167 = tpu.memref_slice %arg4[%dma_start3A_165, %dma_start3A_166] : memref<100000x128xf32, #tpu.memory_space<hbm>> -> memref<100000x128xf32, #tpu.memory_space<hbm>>
    tpu.enqueue_indirect_dma source(%dma_start3A_167 : memref<100000x128xf32, #tpu.memory_space<hbm>>) target(%arg11 : memref<128x128xf32, #tpu.memory_space<vmem>>) offsets(%dma_start3A_164 : memref<128xi32, #tpu.memory_space<vmem>>) semaphore(%arg17 : memref<!tpu.dma_semaphore, #tpu.memory_space<semaphore_mem>>)
    %scan3A_168 = arith.constant 0 : i32
    %scan3A_169 = arith.constant 1 : i32
    %scan3A_170 = arith.constant 3 : i32
    %scan3A_171 = arith.addi %scan3A_169, %scan3A_170 : i32
    %scan3A_172 = arith.constant 1 : i32
    scf.for %scan3A_217 = %scan3A_169 to %scan3A_171 step %scan3A_172  : i32 {
      %mul3A_218 = arith.constant 5 : i32
      %mul3A_219 = arith.muli %scan3A_217, %mul3A_218 : i32
      %add3A_220 = arith.constant 0 : i32
      %add3A_221 = arith.addi %mul3A_219, %add3A_220 : i32
      %dma_wait3A_222 = arith.constant 0 : i32
      %dma_wait3A_223 = tpu.memref_slice %arg6[%add3A_221, %dma_wait3A_222] : memref<20x128xi32, #tpu.memory_space<vmem>> -> memref<1x128xi32, #tpu.memory_space<vmem>>
      %dma_wait3A_224 = tpu.memref_squeeze %dma_wait3A_223 : memref<1x128xi32, #tpu.memory_space<vmem>> -> memref<128xi32, #tpu.memory_space<vmem>>
      %dma_wait3A_225 = arith.constant 0 : i32
      %dma_wait3A_226 = arith.constant 0 : i32
      %dma_wait3A_227 = tpu.memref_slice %arg4[%dma_wait3A_225, %dma_wait3A_226] : memref<100000x128xf32, #tpu.memory_space<hbm>> -> memref<100000x128xf32, #tpu.memory_space<hbm>>
      tpu.wait_indirect_dma semaphore(%arg14 : memref<!tpu.dma_semaphore, #tpu.memory_space<semaphore_mem>>) src(%dma_wait3A_227 : memref<100000x128xf32, #tpu.memory_space<hbm>>) dst(%arg8 : memref<128x128xf32, #tpu.memory_space<vmem>>)
      %dma_start3A_228 = arith.constant 0 : i32
      %dma_start3A_229 = tpu.memref_slice %arg7[%add3A_221, %dma_start3A_228] : memref<20x128xi32, #tpu.memory_space<vmem>> -> memref<1x128xi32, #tpu.memory_space<vmem>>
      %dma_start3A_230 = tpu.memref_squeeze %dma_start3A_229 : memref<1x128xi32, #tpu.memory_space<vmem>> -> memref<128xi32, #tpu.memory_space<vmem>>
      %dma_start3A_231 = arith.constant 0 : i32
      %dma_start3A_232 = arith.constant 0 : i32
      %dma_start3A_233 = tpu.memref_slice %arg13[%dma_start3A_231, %dma_start3A_232] : memref<2048x128xf32, #tpu.memory_space<vmem_shared>> -> memref<2048x128xf32, #tpu.memory_space<vmem_shared>>
      tpu.enqueue_indirect_dma source(%arg8 : memref<128x128xf32, #tpu.memory_space<vmem>>) target(%dma_start3A_233 : memref<2048x128xf32, #tpu.memory_space<vmem_shared>>) offsets(%dma_start3A_230 : memref<128xi32, #tpu.memory_space<vmem>>) semaphore(%arg19 : memref<!tpu.dma_semaphore, #tpu.memory_space<semaphore_mem>>) {add = true}
      %dma_wait3A_234 = arith.constant 0 : i32
      %dma_wait3A_235 = tpu.memref_slice %arg7[%add3A_221, %dma_wait3A_234] : memref<20x128xi32, #tpu.memory_space<vmem>> -> memref<1x128xi32, #tpu.memory_space<vmem>>
      %dma_wait3A_236 = tpu.memref_squeeze %dma_wait3A_235 : memref<1x128xi32, #tpu.memory_space<vmem>> -> memref<128xi32, #tpu.memory_space<vmem>>
      %dma_wait3A_237 = arith.constant 0 : i32
      %dma_wait3A_238 = arith.constant 0 : i32
      %dma_wait3A_239 = tpu.memref_slice %arg13[%dma_wait3A_237, %dma_wait3A_238] : memref<2048x128xf32, #tpu.memory_space<vmem_shared>> -> memref<2048x128xf32, #tpu.memory_space<vmem_shared>>
      tpu.wait_indirect_dma semaphore(%arg23 : memref<!tpu.dma_semaphore, #tpu.memory_space<semaphore_mem>>) src(%arg12 : memref<128x128xf32, #tpu.memory_space<vmem>>) dst(%dma_wait3A_239 : memref<2048x128xf32, #tpu.memory_space<vmem_shared>>)
      %add3A_240 = arith.constant 5 : i32
      %add3A_241 = arith.addi %add3A_221, %add3A_240 : i32
      %sub3A = arith.constant 1 : i32
      %sub3A_242 = arith.subi %add3A_241, %sub3A : i32
      %lt3A = arith.constant 20 : i32
      %lt3A_243 = arith.cmpi slt, %sub3A_242, %lt3A : i32
      %convert_element_type3A = arith.extui %lt3A_243 : i1 to i32
      %cond3A = arith.constant 0 : i32
      %cond3A_244 = arith.cmpi ne, %convert_element_type3A, %cond3A : i32
      scf.if %cond3A_244 {
        %dma_start3A_383 = arith.constant 0 : i32
        %dma_start3A_384 = tpu.memref_slice %arg6[%sub3A_242, %dma_start3A_383] : memref<20x128xi32, #tpu.memory_space<vmem>> -> memref<1x128xi32, #tpu.memory_space<vmem>>
        %dma_start3A_385 = tpu.memref_squeeze %dma_start3A_384 : memref<1x128xi32, #tpu.memory_space<vmem>> -> memref<128xi32, #tpu.memory_space<vmem>>
        %dma_start3A_386 = arith.constant 0 : i32
        %dma_start3A_387 = arith.constant 0 : i32
        %dma_start3A_388 = tpu.memref_slice %arg4[%dma_start3A_386, %dma_start3A_387] : memref<100000x128xf32, #tpu.memory_space<hbm>> -> memref<100000x128xf32, #tpu.memory_space<hbm>>
        tpu.enqueue_indirect_dma source(%dma_start3A_388 : memref<100000x128xf32, #tpu.memory_space<hbm>>) target(%arg12 : memref<128x128xf32, #tpu.memory_space<vmem>>) offsets(%dma_start3A_385 : memref<128xi32, #tpu.memory_space<vmem>>) semaphore(%arg18 : memref<!tpu.dma_semaphore, #tpu.memory_space<semaphore_mem>>)
      } else {
      }
      %mul3A_245 = arith.constant 5 : i32
      %mul3A_246 = arith.muli %scan3A_217, %mul3A_245 : i32
      %add3A_247 = arith.constant 1 : i32
      %add3A_248 = arith.addi %mul3A_246, %add3A_247 : i32
      %dma_wait3A_249 = arith.constant 0 : i32
      %dma_wait3A_250 = tpu.memref_slice %arg6[%add3A_248, %dma_wait3A_249] : memref<20x128xi32, #tpu.memory_space<vmem>> -> memref<1x128xi32, #tpu.memory_space<vmem>>
      %dma_wait3A_251 = tpu.memref_squeeze %dma_wait3A_250 : memref<1x128xi32, #tpu.memory_space<vmem>> -> memref<128xi32, #tpu.memory_space<vmem>>
      %dma_wait3A_252 = arith.constant 0 : i32
      %dma_wait3A_253 = arith.constant 0 : i32
      %dma_wait3A_254 = tpu.memref_slice %arg4[%dma_wait3A_252, %dma_wait3A_253] : memref<100000x128xf32, #tpu.memory_space<hbm>> -> memref<100000x128xf32, #tpu.memory_space<hbm>>
      tpu.wait_indirect_dma semaphore(%arg15 : memref<!tpu.dma_semaphore, #tpu.memory_space<semaphore_mem>>) src(%dma_wait3A_254 : memref<100000x128xf32, #tpu.memory_space<hbm>>) dst(%arg9 : memref<128x128xf32, #tpu.memory_space<vmem>>)
      %dma_start3A_255 = arith.constant 0 : i32
      %dma_start3A_256 = tpu.memref_slice %arg7[%add3A_248, %dma_start3A_255] : memref<20x128xi32, #tpu.memory_space<vmem>> -> memref<1x128xi32, #tpu.memory_space<vmem>>
      %dma_start3A_257 = tpu.memref_squeeze %dma_start3A_256 : memref<1x128xi32, #tpu.memory_space<vmem>> -> memref<128xi32, #tpu.memory_space<vmem>>
      %dma_start3A_258 = arith.constant 0 : i32
      %dma_start3A_259 = arith.constant 0 : i32
      %dma_start3A_260 = tpu.memref_slice %arg13[%dma_start3A_258, %dma_start3A_259] : memref<2048x128xf32, #tpu.memory_space<vmem_shared>> -> memref<2048x128xf32, #tpu.memory_space<vmem_shared>>
      tpu.enqueue_indirect_dma source(%arg9 : memref<128x128xf32, #tpu.memory_space<vmem>>) target(%dma_start3A_260 : memref<2048x128xf32, #tpu.memory_space<vmem_shared>>) offsets(%dma_start3A_257 : memref<128xi32, #tpu.memory_space<vmem>>) semaphore(%arg20 : memref<!tpu.dma_semaphore, #tpu.memory_space<semaphore_mem>>) {add = true}
      %dma_wait3A_261 = arith.constant 0 : i32
      %dma_wait3A_262 = tpu.memref_slice %arg7[%add3A_248, %dma_wait3A_261] : memref<20x128xi32, #tpu.memory_space<vmem>> -> memref<1x128xi32, #tpu.memory_space<vmem>>
      %dma_wait3A_263 = tpu.memref_squeeze %dma_wait3A_262 : memref<1x128xi32, #tpu.memory_space<vmem>> -> memref<128xi32, #tpu.memory_space<vmem>>
      %dma_wait3A_264 = arith.constant 0 : i32
      %dma_wait3A_265 = arith.constant 0 : i32
      %dma_wait3A_266 = tpu.memref_slice %arg13[%dma_wait3A_264, %dma_wait3A_265] : memref<2048x128xf32, #tpu.memory_space<vmem_shared>> -> memref<2048x128xf32, #tpu.memory_space<vmem_shared>>
      tpu.wait_indirect_dma semaphore(%arg19 : memref<!tpu.dma_semaphore, #tpu.memory_space<semaphore_mem>>) src(%arg8 : memref<128x128xf32, #tpu.memory_space<vmem>>) dst(%dma_wait3A_266 : memref<2048x128xf32, #tpu.memory_space<vmem_shared>>)
      %add3A_267 = arith.constant 5 : i32
      %add3A_268 = arith.addi %add3A_248, %add3A_267 : i32
      %sub3A_269 = arith.constant 1 : i32
      %sub3A_270 = arith.subi %add3A_268, %sub3A_269 : i32
      %lt3A_271 = arith.constant 20 : i32
      %lt3A_272 = arith.cmpi slt, %sub3A_270, %lt3A_271 : i32
      %convert_element_type3A_273 = arith.extui %lt3A_272 : i1 to i32
      %cond3A_274 = arith.constant 0 : i32
      %cond3A_275 = arith.cmpi ne, %convert_element_type3A_273, %cond3A_274 : i32
      scf.if %cond3A_275 {
        %dma_start3A_383 = arith.constant 0 : i32
        %dma_start3A_384 = tpu.memref_slice %arg6[%sub3A_270, %dma_start3A_383] : memref<20x128xi32, #tpu.memory_space<vmem>> -> memref<1x128xi32, #tpu.memory_space<vmem>>
        %dma_start3A_385 = tpu.memref_squeeze %dma_start3A_384 : memref<1x128xi32, #tpu.memory_space<vmem>> -> memref<128xi32, #tpu.memory_space<vmem>>
        %dma_start3A_386 = arith.constant 0 : i32
        %dma_start3A_387 = arith.constant 0 : i32
        %dma_start3A_388 = tpu.memref_slice %arg4[%dma_start3A_386, %dma_start3A_387] : memref<100000x128xf32, #tpu.memory_space<hbm>> -> memref<100000x128xf32, #tpu.memory_space<hbm>>
        tpu.enqueue_indirect_dma source(%dma_start3A_388 : memref<100000x128xf32, #tpu.memory_space<hbm>>) target(%arg8 : memref<128x128xf32, #tpu.memory_space<vmem>>) offsets(%dma_start3A_385 : memref<128xi32, #tpu.memory_space<vmem>>) semaphore(%arg14 : memref<!tpu.dma_semaphore, #tpu.memory_space<semaphore_mem>>)
      } else {
      }
      %mul3A_276 = arith.constant 5 : i32
      %mul3A_277 = arith.muli %scan3A_217, %mul3A_276 : i32
      %add3A_278 = arith.constant 2 : i32
      %add3A_279 = arith.addi %mul3A_277, %add3A_278 : i32
      %dma_wait3A_280 = arith.constant 0 : i32
      %dma_wait3A_281 = tpu.memref_slice %arg6[%add3A_279, %dma_wait3A_280] : memref<20x128xi32, #tpu.memory_space<vmem>> -> memref<1x128xi32, #tpu.memory_space<vmem>>
      %dma_wait3A_282 = tpu.memref_squeeze %dma_wait3A_281 : memref<1x128xi32, #tpu.memory_space<vmem>> -> memref<128xi32, #tpu.memory_space<vmem>>
      %dma_wait3A_283 = arith.constant 0 : i32
      %dma_wait3A_284 = arith.constant 0 : i32
      %dma_wait3A_285 = tpu.memref_slice %arg4[%dma_wait3A_283, %dma_wait3A_284] : memref<100000x128xf32, #tpu.memory_space<hbm>> -> memref<100000x128xf32, #tpu.memory_space<hbm>>
      tpu.wait_indirect_dma semaphore(%arg16 : memref<!tpu.dma_semaphore, #tpu.memory_space<semaphore_mem>>) src(%dma_wait3A_285 : memref<100000x128xf32, #tpu.memory_space<hbm>>) dst(%arg10 : memref<128x128xf32, #tpu.memory_space<vmem>>)
      %dma_start3A_286 = arith.constant 0 : i32
      %dma_start3A_287 = tpu.memref_slice %arg7[%add3A_279, %dma_start3A_286] : memref<20x128xi32, #tpu.memory_space<vmem>> -> memref<1x128xi32, #tpu.memory_space<vmem>>
      %dma_start3A_288 = tpu.memref_squeeze %dma_start3A_287 : memref<1x128xi32, #tpu.memory_space<vmem>> -> memref<128xi32, #tpu.memory_space<vmem>>
      %dma_start3A_289 = arith.constant 0 : i32
      %dma_start3A_290 = arith.constant 0 : i32
      %dma_start3A_291 = tpu.memref_slice %arg13[%dma_start3A_289, %dma_start3A_290] : memref<2048x128xf32, #tpu.memory_space<vmem_shared>> -> memref<2048x128xf32, #tpu.memory_space<vmem_shared>>
      tpu.enqueue_indirect_dma source(%arg10 : memref<128x128xf32, #tpu.memory_space<vmem>>) target(%dma_start3A_291 : memref<2048x128xf32, #tpu.memory_space<vmem_shared>>) offsets(%dma_start3A_288 : memref<128xi32, #tpu.memory_space<vmem>>) semaphore(%arg21 : memref<!tpu.dma_semaphore, #tpu.memory_space<semaphore_mem>>) {add = true}
      %dma_wait3A_292 = arith.constant 0 : i32
      %dma_wait3A_293 = tpu.memref_slice %arg7[%add3A_279, %dma_wait3A_292] : memref<20x128xi32, #tpu.memory_space<vmem>> -> memref<1x128xi32, #tpu.memory_space<vmem>>
      %dma_wait3A_294 = tpu.memref_squeeze %dma_wait3A_293 : memref<1x128xi32, #tpu.memory_space<vmem>> -> memref<128xi32, #tpu.memory_space<vmem>>
      %dma_wait3A_295 = arith.constant 0 : i32
      %dma_wait3A_296 = arith.constant 0 : i32
      %dma_wait3A_297 = tpu.memref_slice %arg13[%dma_wait3A_295, %dma_wait3A_296] : memref<2048x128xf32, #tpu.memory_space<vmem_shared>> -> memref<2048x128xf32, #tpu.memory_space<vmem_shared>>
      tpu.wait_indirect_dma semaphore(%arg20 : memref<!tpu.dma_semaphore, #tpu.memory_space<semaphore_mem>>) src(%arg9 : memref<128x128xf32, #tpu.memory_space<vmem>>) dst(%dma_wait3A_297 : memref<2048x128xf32, #tpu.memory_space<vmem_shared>>)
      %add3A_298 = arith.constant 5 : i32
      %add3A_299 = arith.addi %add3A_279, %add3A_298 : i32
      %sub3A_300 = arith.constant 1 : i32
      %sub3A_301 = arith.subi %add3A_299, %sub3A_300 : i32
      %lt3A_302 = arith.constant 20 : i32
      %lt3A_303 = arith.cmpi slt, %sub3A_301, %lt3A_302 : i32
      %convert_element_type3A_304 = arith.extui %lt3A_303 : i1 to i32
      %cond3A_305 = arith.constant 0 : i32
      %cond3A_306 = arith.cmpi ne, %convert_element_type3A_304, %cond3A_305 : i32
      scf.if %cond3A_306 {
        %dma_start3A_383 = arith.constant 0 : i32
        %dma_start3A_384 = tpu.memref_slice %arg6[%sub3A_301, %dma_start3A_383] : memref<20x128xi32, #tpu.memory_space<vmem>> -> memref<1x128xi32, #tpu.memory_space<vmem>>
        %dma_start3A_385 = tpu.memref_squeeze %dma_start3A_384 : memref<1x128xi32, #tpu.memory_space<vmem>> -> memref<128xi32, #tpu.memory_space<vmem>>
        %dma_start3A_386 = arith.constant 0 : i32
        %dma_start3A_387 = arith.constant 0 : i32
        %dma_start3A_388 = tpu.memref_slice %arg4[%dma_start3A_386, %dma_start3A_387] : memref<100000x128xf32, #tpu.memory_space<hbm>> -> memref<100000x128xf32, #tpu.memory_space<hbm>>
        tpu.enqueue_indirect_dma source(%dma_start3A_388 : memref<100000x128xf32, #tpu.memory_space<hbm>>) target(%arg9 : memref<128x128xf32, #tpu.memory_space<vmem>>) offsets(%dma_start3A_385 : memref<128xi32, #tpu.memory_space<vmem>>) semaphore(%arg15 : memref<!tpu.dma_semaphore, #tpu.memory_space<semaphore_mem>>)
      } else {
      }
      %mul3A_307 = arith.constant 5 : i32
      %mul3A_308 = arith.muli %scan3A_217, %mul3A_307 : i32
      %add3A_309 = arith.constant 3 : i32
      %add3A_310 = arith.addi %mul3A_308, %add3A_309 : i32
      %dma_wait3A_311 = arith.constant 0 : i32
      %dma_wait3A_312 = tpu.memref_slice %arg6[%add3A_310, %dma_wait3A_311] : memref<20x128xi32, #tpu.memory_space<vmem>> -> memref<1x128xi32, #tpu.memory_space<vmem>>
      %dma_wait3A_313 = tpu.memref_squeeze %dma_wait3A_312 : memref<1x128xi32, #tpu.memory_space<vmem>> -> memref<128xi32, #tpu.memory_space<vmem>>
      %dma_wait3A_314 = arith.constant 0 : i32
      %dma_wait3A_315 = arith.constant 0 : i32
      %dma_wait3A_316 = tpu.memref_slice %arg4[%dma_wait3A_314, %dma_wait3A_315] : memref<100000x128xf32, #tpu.memory_space<hbm>> -> memref<100000x128xf32, #tpu.memory_space<hbm>>
      tpu.wait_indirect_dma semaphore(%arg17 : memref<!tpu.dma_semaphore, #tpu.memory_space<semaphore_mem>>) src(%dma_wait3A_316 : memref<100000x128xf32, #tpu.memory_space<hbm>>) dst(%arg11 : memref<128x128xf32, #tpu.memory_space<vmem>>)
      %dma_start3A_317 = arith.constant 0 : i32
      %dma_start3A_318 = tpu.memref_slice %arg7[%add3A_310, %dma_start3A_317] : memref<20x128xi32, #tpu.memory_space<vmem>> -> memref<1x128xi32, #tpu.memory_space<vmem>>
      %dma_start3A_319 = tpu.memref_squeeze %dma_start3A_318 : memref<1x128xi32, #tpu.memory_space<vmem>> -> memref<128xi32, #tpu.memory_space<vmem>>
      %dma_start3A_320 = arith.constant 0 : i32
      %dma_start3A_321 = arith.constant 0 : i32
      %dma_start3A_322 = tpu.memref_slice %arg13[%dma_start3A_320, %dma_start3A_321] : memref<2048x128xf32, #tpu.memory_space<vmem_shared>> -> memref<2048x128xf32, #tpu.memory_space<vmem_shared>>
      tpu.enqueue_indirect_dma source(%arg11 : memref<128x128xf32, #tpu.memory_space<vmem>>) target(%dma_start3A_322 : memref<2048x128xf32, #tpu.memory_space<vmem_shared>>) offsets(%dma_start3A_319 : memref<128xi32, #tpu.memory_space<vmem>>) semaphore(%arg22 : memref<!tpu.dma_semaphore, #tpu.memory_space<semaphore_mem>>) {add = true}
      %dma_wait3A_323 = arith.constant 0 : i32
      %dma_wait3A_324 = tpu.memref_slice %arg7[%add3A_310, %dma_wait3A_323] : memref<20x128xi32, #tpu.memory_space<vmem>> -> memref<1x128xi32, #tpu.memory_space<vmem>>
      %dma_wait3A_325 = tpu.memref_squeeze %dma_wait3A_324 : memref<1x128xi32, #tpu.memory_space<vmem>> -> memref<128xi32, #tpu.memory_space<vmem>>
      %dma_wait3A_326 = arith.constant 0 : i32
      %dma_wait3A_327 = arith.constant 0 : i32
      %dma_wait3A_328 = tpu.memref_slice %arg13[%dma_wait3A_326, %dma_wait3A_327] : memref<2048x128xf32, #tpu.memory_space<vmem_shared>> -> memref<2048x128xf32, #tpu.memory_space<vmem_shared>>
      tpu.wait_indirect_dma semaphore(%arg21 : memref<!tpu.dma_semaphore, #tpu.memory_space<semaphore_mem>>) src(%arg10 : memref<128x128xf32, #tpu.memory_space<vmem>>) dst(%dma_wait3A_328 : memref<2048x128xf32, #tpu.memory_space<vmem_shared>>)
      %add3A_329 = arith.constant 5 : i32
      %add3A_330 = arith.addi %add3A_310, %add3A_329 : i32
      %sub3A_331 = arith.constant 1 : i32
      %sub3A_332 = arith.subi %add3A_330, %sub3A_331 : i32
      %lt3A_333 = arith.constant 20 : i32
      %lt3A_334 = arith.cmpi slt, %sub3A_332, %lt3A_333 : i32
      %convert_element_type3A_335 = arith.extui %lt3A_334 : i1 to i32
      %cond3A_336 = arith.constant 0 : i32
      %cond3A_337 = arith.cmpi ne, %convert_element_type3A_335, %cond3A_336 : i32
      scf.if %cond3A_337 {
        %dma_start3A_383 = arith.constant 0 : i32
        %dma_start3A_384 = tpu.memref_slice %arg6[%sub3A_332, %dma_start3A_383] : memref<20x128xi32, #tpu.memory_space<vmem>> -> memref<1x128xi32, #tpu.memory_space<vmem>>
        %dma_start3A_385 = tpu.memref_squeeze %dma_start3A_384 : memref<1x128xi32, #tpu.memory_space<vmem>> -> memref<128xi32, #tpu.memory_space<vmem>>
        %dma_start3A_386 = arith.constant 0 : i32
        %dma_start3A_387 = arith.constant 0 : i32
        %dma_start3A_388 = tpu.memref_slice %arg4[%dma_start3A_386, %dma_start3A_387] : memref<100000x128xf32, #tpu.memory_space<hbm>> -> memref<100000x128xf32, #tpu.memory_space<hbm>>
        tpu.enqueue_indirect_dma source(%dma_start3A_388 : memref<100000x128xf32, #tpu.memory_space<hbm>>) target(%arg10 : memref<128x128xf32, #tpu.memory_space<vmem>>) offsets(%dma_start3A_385 : memref<128xi32, #tpu.memory_space<vmem>>) semaphore(%arg16 : memref<!tpu.dma_semaphore, #tpu.memory_space<semaphore_mem>>)
      } else {
      }
      %mul3A_338 = arith.constant 5 : i32
      %mul3A_339 = arith.muli %scan3A_217, %mul3A_338 : i32
      %add3A_340 = arith.constant 4 : i32
      %add3A_341 = arith.addi %mul3A_339, %add3A_340 : i32
      %dma_wait3A_342 = arith.constant 0 : i32
      %dma_wait3A_343 = tpu.memref_slice %arg6[%add3A_341, %dma_wait3A_342] : memref<20x128xi32, #tpu.memory_space<vmem>> -> memref<1x128xi32, #tpu.memory_space<vmem>>
      %dma_wait3A_344 = tpu.memref_squeeze %dma_wait3A_343 : memref<1x128xi32, #tpu.memory_space<vmem>> -> memref<128xi32, #tpu.memory_space<vmem>>
      %dma_wait3A_345 = arith.constant 0 : i32
      %dma_wait3A_346 = arith.constant 0 : i32
      %dma_wait3A_347 = tpu.memref_slice %arg4[%dma_wait3A_345, %dma_wait3A_346] : memref<100000x128xf32, #tpu.memory_space<hbm>> -> memref<100000x128xf32, #tpu.memory_space<hbm>>
      tpu.wait_indirect_dma semaphore(%arg18 : memref<!tpu.dma_semaphore, #tpu.memory_space<semaphore_mem>>) src(%dma_wait3A_347 : memref<100000x128xf32, #tpu.memory_space<hbm>>) dst(%arg12 : memref<128x128xf32, #tpu.memory_space<vmem>>)
      %dma_start3A_348 = arith.constant 0 : i32
      %dma_start3A_349 = tpu.memref_slice %arg7[%add3A_341, %dma_start3A_348] : memref<20x128xi32, #tpu.memory_space<vmem>> -> memref<1x128xi32, #tpu.memory_space<vmem>>
      %dma_start3A_350 = tpu.memref_squeeze %dma_start3A_349 : memref<1x128xi32, #tpu.memory_space<vmem>> -> memref<128xi32, #tpu.memory_space<vmem>>
      %dma_start3A_351 = arith.constant 0 : i32
      %dma_start3A_352 = arith.constant 0 : i32
      %dma_start3A_353 = tpu.memref_slice %arg13[%dma_start3A_351, %dma_start3A_352] : memref<2048x128xf32, #tpu.memory_space<vmem_shared>> -> memref<2048x128xf32, #tpu.memory_space<vmem_shared>>
      tpu.enqueue_indirect_dma source(%arg12 : memref<128x128xf32, #tpu.memory_space<vmem>>) target(%dma_start3A_353 : memref<2048x128xf32, #tpu.memory_space<vmem_shared>>) offsets(%dma_start3A_350 : memref<128xi32, #tpu.memory_space<vmem>>) semaphore(%arg23 : memref<!tpu.dma_semaphore, #tpu.memory_space<semaphore_mem>>) {add = true}
      %dma_wait3A_354 = arith.constant 0 : i32
      %dma_wait3A_355 = tpu.memref_slice %arg7[%add3A_341, %dma_wait3A_354] : memref<20x128xi32, #tpu.memory_space<vmem>> -> memref<1x128xi32, #tpu.memory_space<vmem>>
      %dma_wait3A_356 = tpu.memref_squeeze %dma_wait3A_355 : memref<1x128xi32, #tpu.memory_space<vmem>> -> memref<128xi32, #tpu.memory_space<vmem>>
      %dma_wait3A_357 = arith.constant 0 : i32
      %dma_wait3A_358 = arith.constant 0 : i32
      %dma_wait3A_359 = tpu.memref_slice %arg13[%dma_wait3A_357, %dma_wait3A_358] : memref<2048x128xf32, #tpu.memory_space<vmem_shared>> -> memref<2048x128xf32, #tpu.memory_space<vmem_shared>>
      tpu.wait_indirect_dma semaphore(%arg22 : memref<!tpu.dma_semaphore, #tpu.memory_space<semaphore_mem>>) src(%arg11 : memref<128x128xf32, #tpu.memory_space<vmem>>) dst(%dma_wait3A_359 : memref<2048x128xf32, #tpu.memory_space<vmem_shared>>)
      %add3A_360 = arith.constant 5 : i32
      %add3A_361 = arith.addi %add3A_341, %add3A_360 : i32
      %sub3A_362 = arith.constant 1 : i32
      %sub3A_363 = arith.subi %add3A_361, %sub3A_362 : i32
      %lt3A_364 = arith.constant 20 : i32
      %lt3A_365 = arith.cmpi slt, %sub3A_363, %lt3A_364 : i32
      %convert_element_type3A_366 = arith.extui %lt3A_365 : i1 to i32
      %cond3A_367 = arith.constant 0 : i32
      %cond3A_368 = arith.cmpi ne, %convert_element_type3A_366, %cond3A_367 : i32
      scf.if %cond3A_368 {
        %dma_start3A_383 = arith.constant 0 : i32
        %dma_start3A_384 = tpu.memref_slice %arg6[%sub3A_363, %dma_start3A_383] : memref<20x128xi32, #tpu.memory_space<vmem>> -> memref<1x128xi32, #tpu.memory_space<vmem>>
        %dma_start3A_385 = tpu.memref_squeeze %dma_start3A_384 : memref<1x128xi32, #tpu.memory_space<vmem>> -> memref<128xi32, #tpu.memory_space<vmem>>
        %dma_start3A_386 = arith.constant 0 : i32
        %dma_start3A_387 = arith.constant 0 : i32
        %dma_start3A_388 = tpu.memref_slice %arg4[%dma_start3A_386, %dma_start3A_387] : memref<100000x128xf32, #tpu.memory_space<hbm>> -> memref<100000x128xf32, #tpu.memory_space<hbm>>
        tpu.enqueue_indirect_dma source(%dma_start3A_388 : memref<100000x128xf32, #tpu.memory_space<hbm>>) target(%arg11 : memref<128x128xf32, #tpu.memory_space<vmem>>) offsets(%dma_start3A_385 : memref<128xi32, #tpu.memory_space<vmem>>) semaphore(%arg17 : memref<!tpu.dma_semaphore, #tpu.memory_space<semaphore_mem>>)
      } else {
      }
      %eq3A = arith.constant 1 : i32
      %eq3A_369 = arith.cmpi eq, %scan3A_217, %eq3A : i32
      %convert_element_type3A_370 = arith.extui %eq3A_369 : i1 to i32
      %cond3A_371 = arith.constant 0 : i32
      %cond3A_372 = arith.cmpi ne, %convert_element_type3A_370, %cond3A_371 : i32
      scf.if %cond3A_372 {
        %add3A_383 = arith.constant 0 : i32
        %add3A_384 = arith.addi %mul3A_2, %add3A_383 : i32
        %mul3A_385 = arith.constant 128 : i32
        %mul3A_386 = arith.muli %add3A, %mul3A_385 : i32
        %add3A_387 = arith.constant 0 : i32
        %add3A_388 = arith.addi %mul3A_386, %add3A_387 : i32
        %dma_start3A_389 = arith.constant 0 : i32
        %dma_start3A_390 = tpu.memref_slice %arg5[%add3A_388, %dma_start3A_389] : memref<4096x128xf32, #tpu.memory_space<hbm>> -> memref<56x128xf32, #tpu.memory_space<hbm>>
        %dma_start3A_391 = arith.constant 0 : i32
        %dma_start3A_392 = tpu.memref_slice %arg13[%add3A_384, %dma_start3A_391] : memref<2048x128xf32, #tpu.memory_space<vmem_shared>> -> memref<56x128xf32, #tpu.memory_space<vmem_shared>>
        tpu.enqueue_dma source(%dma_start3A_392 : memref<56x128xf32, #tpu.memory_space<vmem_shared>>) target(%dma_start3A_390 : memref<56x128xf32, #tpu.memory_space<hbm>>) target_semaphore(%arg24 : memref<!tpu.dma_semaphore, #tpu.memory_space<semaphore_mem>>)
      } else {
      }
      %eq3A_373 = arith.constant 2 : i32
      %eq3A_374 = arith.cmpi eq, %scan3A_217, %eq3A_373 : i32
      %convert_element_type3A_375 = arith.extui %eq3A_374 : i1 to i32
      %cond3A_376 = arith.constant 0 : i32
      %cond3A_377 = arith.cmpi ne, %convert_element_type3A_375, %cond3A_376 : i32
      scf.if %cond3A_377 {
        %add3A_383 = arith.constant 56 : i32
        %add3A_384 = arith.addi %mul3A_2, %add3A_383 : i32
        %mul3A_385 = arith.constant 128 : i32
        %mul3A_386 = arith.muli %add3A, %mul3A_385 : i32
        %add3A_387 = arith.constant 56 : i32
        %add3A_388 = arith.addi %mul3A_386, %add3A_387 : i32
        %dma_start3A_389 = arith.constant 0 : i32
        %dma_start3A_390 = tpu.memref_slice %arg5[%add3A_388, %dma_start3A_389] : memref<4096x128xf32, #tpu.memory_space<hbm>> -> memref<32x128xf32, #tpu.memory_space<hbm>>
        %dma_start3A_391 = arith.constant 0 : i32
        %dma_start3A_392 = tpu.memref_slice %arg13[%add3A_384, %dma_start3A_391] : memref<2048x128xf32, #tpu.memory_space<vmem_shared>> -> memref<32x128xf32, #tpu.memory_space<vmem_shared>>
        tpu.enqueue_dma source(%dma_start3A_392 : memref<32x128xf32, #tpu.memory_space<vmem_shared>>) target(%dma_start3A_390 : memref<32x128xf32, #tpu.memory_space<hbm>>) target_semaphore(%arg24 : memref<!tpu.dma_semaphore, #tpu.memory_space<semaphore_mem>>)
      } else {
      }
      %eq3A_378 = arith.constant 3 : i32
      %eq3A_379 = arith.cmpi eq, %scan3A_217, %eq3A_378 : i32
      %convert_element_type3A_380 = arith.extui %eq3A_379 : i1 to i32
      %cond3A_381 = arith.constant 0 : i32
      %cond3A_382 = arith.cmpi ne, %convert_element_type3A_380, %cond3A_381 : i32
      scf.if %cond3A_382 {
        %add3A_383 = arith.constant 88 : i32
        %add3A_384 = arith.addi %mul3A_2, %add3A_383 : i32
        %mul3A_385 = arith.constant 128 : i32
        %mul3A_386 = arith.muli %add3A, %mul3A_385 : i32
        %add3A_387 = arith.constant 88 : i32
        %add3A_388 = arith.addi %mul3A_386, %add3A_387 : i32
        %dma_start3A_389 = arith.constant 0 : i32
        %dma_start3A_390 = tpu.memref_slice %arg5[%add3A_388, %dma_start3A_389] : memref<4096x128xf32, #tpu.memory_space<hbm>> -> memref<32x128xf32, #tpu.memory_space<hbm>>
        %dma_start3A_391 = arith.constant 0 : i32
        %dma_start3A_392 = tpu.memref_slice %arg13[%add3A_384, %dma_start3A_391] : memref<2048x128xf32, #tpu.memory_space<vmem_shared>> -> memref<32x128xf32, #tpu.memory_space<vmem_shared>>
        tpu.enqueue_dma source(%dma_start3A_392 : memref<32x128xf32, #tpu.memory_space<vmem_shared>>) target(%dma_start3A_390 : memref<32x128xf32, #tpu.memory_space<hbm>>) target_semaphore(%arg24 : memref<!tpu.dma_semaphore, #tpu.memory_space<semaphore_mem>>)
      } else {
      }
    }
    %scan3A_173 = arith.constant 3 : i32
    %dma_wait3A_174 = arith.constant 0 : i32
    %dma_wait3A_175 = arith.constant 0 : i32
    %dma_wait3A_176 = tpu.memref_slice %arg7[%dma_wait3A_174, %dma_wait3A_175] : memref<20x128xi32, #tpu.memory_space<vmem>> -> memref<1x128xi32, #tpu.memory_space<vmem>>
    %dma_wait3A_177 = tpu.memref_squeeze %dma_wait3A_176 : memref<1x128xi32, #tpu.memory_space<vmem>> -> memref<128xi32, #tpu.memory_space<vmem>>
    %dma_wait3A_178 = arith.constant 0 : i32
    %dma_wait3A_179 = arith.constant 0 : i32
    %dma_wait3A_180 = tpu.memref_slice %arg13[%dma_wait3A_178, %dma_wait3A_179] : memref<2048x128xf32, #tpu.memory_space<vmem_shared>> -> memref<2048x128xf32, #tpu.memory_space<vmem_shared>>
    tpu.wait_indirect_dma semaphore(%arg23 : memref<!tpu.dma_semaphore, #tpu.memory_space<semaphore_mem>>) src(%arg12 : memref<128x128xf32, #tpu.memory_space<vmem>>) dst(%dma_wait3A_180 : memref<2048x128xf32, #tpu.memory_space<vmem_shared>>)
    %add3A_181 = arith.constant 120 : i32
    %add3A_182 = arith.addi %mul3A_2, %add3A_181 : i32
    %mul3A_183 = arith.constant 128 : i32
    %mul3A_184 = arith.muli %add3A, %mul3A_183 : i32
    %add3A_185 = arith.constant 120 : i32
    %add3A_186 = arith.addi %mul3A_184, %add3A_185 : i32
    "tpu.region"() ({
      %run_scoped3A = tpu.sem_alloc : memref<!tpu.dma_semaphore, #tpu.memory_space<semaphore_mem>>
      %dma_start3A_217 = arith.constant 0 : i32
      %dma_start3A_218 = tpu.memref_slice %arg5[%add3A_186, %dma_start3A_217] : memref<4096x128xf32, #tpu.memory_space<hbm>> -> memref<8x128xf32, #tpu.memory_space<hbm>>
      %dma_start3A_219 = arith.constant 0 : i32
      %dma_start3A_220 = tpu.memref_slice %arg13[%add3A_182, %dma_start3A_219] : memref<2048x128xf32, #tpu.memory_space<vmem_shared>> -> memref<8x128xf32, #tpu.memory_space<vmem_shared>>
      tpu.enqueue_dma source(%dma_start3A_220 : memref<8x128xf32, #tpu.memory_space<vmem_shared>>) target(%dma_start3A_218 : memref<8x128xf32, #tpu.memory_space<hbm>>) target_semaphore(%run_scoped3A : memref<!tpu.dma_semaphore, #tpu.memory_space<semaphore_mem>>)
      %dma_wait3A_221 = arith.constant 0 : i32
      %dma_wait3A_222 = tpu.memref_slice %arg5[%add3A_186, %dma_wait3A_221] : memref<4096x128xf32, #tpu.memory_space<hbm>> -> memref<8x128xf32, #tpu.memory_space<hbm>>
      %dma_wait3A_223 = arith.constant 0 : i32
      %dma_wait3A_224 = tpu.memref_slice %arg13[%add3A_182, %dma_wait3A_223] : memref<2048x128xf32, #tpu.memory_space<vmem_shared>> -> memref<8x128xf32, #tpu.memory_space<vmem_shared>>
      tpu.wait_dma2 semaphore(%run_scoped3A : memref<!tpu.dma_semaphore, #tpu.memory_space<semaphore_mem>>) src(%dma_wait3A_224 : memref<8x128xf32, #tpu.memory_space<vmem_shared>>) dst(%dma_wait3A_222 : memref<8x128xf32, #tpu.memory_space<hbm>>)
      tpu.yield
    }) : () -> ()
    %add3A_187 = arith.constant 0 : i32
    %add3A_188 = arith.addi %mul3A_2, %add3A_187 : i32
    %mul3A_189 = arith.constant 128 : i32
    %mul3A_190 = arith.muli %add3A, %mul3A_189 : i32
    %add3A_191 = arith.constant 0 : i32
    %add3A_192 = arith.addi %mul3A_190, %add3A_191 : i32
    %dma_wait3A_193 = arith.constant 0 : i32
    %dma_wait3A_194 = tpu.memref_slice %arg5[%add3A_192, %dma_wait3A_193] : memref<4096x128xf32, #tpu.memory_space<hbm>> -> memref<56x128xf32, #tpu.memory_space<hbm>>
    %dma_wait3A_195 = arith.constant 0 : i32
    %dma_wait3A_196 = tpu.memref_slice %arg13[%add3A_188, %dma_wait3A_195] : memref<2048x128xf32, #tpu.memory_space<vmem_shared>> -> memref<56x128xf32, #tpu.memory_space<vmem_shared>>
    tpu.wait_dma2 semaphore(%arg24 : memref<!tpu.dma_semaphore, #tpu.memory_space<semaphore_mem>>) src(%dma_wait3A_196 : memref<56x128xf32, #tpu.memory_space<vmem_shared>>) dst(%dma_wait3A_194 : memref<56x128xf32, #tpu.memory_space<hbm>>)
    %add3A_197 = arith.constant 56 : i32
    %add3A_198 = arith.addi %mul3A_2, %add3A_197 : i32
    %mul3A_199 = arith.constant 128 : i32
    %mul3A_200 = arith.muli %add3A, %mul3A_199 : i32
    %add3A_201 = arith.constant 56 : i32
    %add3A_202 = arith.addi %mul3A_200, %add3A_201 : i32
    %dma_wait3A_203 = arith.constant 0 : i32
    %dma_wait3A_204 = tpu.memref_slice %arg5[%add3A_202, %dma_wait3A_203] : memref<4096x128xf32, #tpu.memory_space<hbm>> -> memref<32x128xf32, #tpu.memory_space<hbm>>
    %dma_wait3A_205 = arith.constant 0 : i32
    %dma_wait3A_206 = tpu.memref_slice %arg13[%add3A_198, %dma_wait3A_205] : memref<2048x128xf32, #tpu.memory_space<vmem_shared>> -> memref<32x128xf32, #tpu.memory_space<vmem_shared>>
    tpu.wait_dma2 semaphore(%arg24 : memref<!tpu.dma_semaphore, #tpu.memory_space<semaphore_mem>>) src(%dma_wait3A_206 : memref<32x128xf32, #tpu.memory_space<vmem_shared>>) dst(%dma_wait3A_204 : memref<32x128xf32, #tpu.memory_space<hbm>>)
    %add3A_207 = arith.constant 88 : i32
    %add3A_208 = arith.addi %mul3A_2, %add3A_207 : i32
    %mul3A_209 = arith.constant 128 : i32
    %mul3A_210 = arith.muli %add3A, %mul3A_209 : i32
    %add3A_211 = arith.constant 88 : i32
    %add3A_212 = arith.addi %mul3A_210, %add3A_211 : i32
    %dma_wait3A_213 = arith.constant 0 : i32
    %dma_wait3A_214 = tpu.memref_slice %arg5[%add3A_212, %dma_wait3A_213] : memref<4096x128xf32, #tpu.memory_space<hbm>> -> memref<32x128xf32, #tpu.memory_space<hbm>>
    %dma_wait3A_215 = arith.constant 0 : i32
    %dma_wait3A_216 = tpu.memref_slice %arg13[%add3A_208, %dma_wait3A_215] : memref<2048x128xf32, #tpu.memory_space<vmem_shared>> -> memref<32x128xf32, #tpu.memory_space<vmem_shared>>
    tpu.wait_dma2 semaphore(%arg24 : memref<!tpu.dma_semaphore, #tpu.memory_space<semaphore_mem>>) src(%dma_wait3A_216 : memref<32x128xf32, #tpu.memory_space<vmem_shared>>) dst(%dma_wait3A_214 : memref<32x128xf32, #tpu.memory_space<hbm>>)
    return
  }
}

#map = affine_map<(d0, d1) -> (0, 0, 0)>
#map1 = affine_map<(d0, d1) -> (0, 0)>
module attributes {stable_mosaic.version = 14 : i64} {
  func.func @sc_pool(%arg0: i32, %arg1: i32, %arg2: memref<32x20x128xi32, #tpu.memory_space<hbm>>, %arg3: memref<16x20x128xi32, #tpu.memory_space<hbm>>, %arg4: memref<100000x128xf32, #tpu.memory_space<hbm>>, %arg5: memref<4096x128xf32, #tpu.memory_space<hbm>>, %arg6: memref<20x128xi32, #tpu.memory_space<vmem>>, %arg7: memref<20x128xi32, #tpu.memory_space<vmem>>, %arg8: memref<128x128xf32, #tpu.memory_space<vmem>>, %arg9: memref<128x128xf32, #tpu.memory_space<vmem>>, %arg10: memref<128x128xf32, #tpu.memory_space<vmem>>, %arg11: memref<128x128xf32, #tpu.memory_space<vmem>>, %arg12: memref<128x128xf32, #tpu.memory_space<vmem>>, %arg13: memref<2048x128xf32, #tpu.memory_space<vmem_shared>>, %arg14: memref<!tpu.dma_semaphore, #tpu.memory_space<semaphore_mem>>, %arg15: memref<!tpu.dma_semaphore, #tpu.memory_space<semaphore_mem>>, %arg16: memref<!tpu.dma_semaphore, #tpu.memory_space<semaphore_mem>>, %arg17: memref<!tpu.dma_semaphore, #tpu.memory_space<semaphore_mem>>, %arg18: memref<!tpu.dma_semaphore, #tpu.memory_space<semaphore_mem>>, %arg19: memref<!tpu.dma_semaphore, #tpu.memory_space<semaphore_mem>>, %arg20: memref<!tpu.dma_semaphore, #tpu.memory_space<semaphore_mem>>, %arg21: memref<!tpu.dma_semaphore, #tpu.memory_space<semaphore_mem>>, %arg22: memref<!tpu.dma_semaphore, #tpu.memory_space<semaphore_mem>>, %arg23: memref<!tpu.dma_semaphore, #tpu.memory_space<semaphore_mem>>, %arg24: memref<!tpu.dma_semaphore, #tpu.memory_space<semaphore_mem>>) attributes {dimension_semantics = [#tpu.dimension_semantics<core_parallel>, #tpu.dimension_semantics<subcore_parallel>], iteration_bounds = array<i64: 2, 16>, scalar_prefetch = 0 : i64, scratch_operands = 19 : i64, tpu.core_type = #tpu.core_type<sc_vector_subcore>, window_params = [{transform_indices = #map}, {transform_indices = #map}, {transform_indices = #map1}, {transform_indices = #map1}]} {
    %mul3A = arith.constant 16 : i32
    %mul3A_0 = arith.muli %arg0, %mul3A : i32
    %add3A = arith.addi %mul3A_0, %arg1 : i32
    %mul3A_1 = arith.constant 128 : i32
    %mul3A_2 = arith.muli %arg1, %mul3A_1 : i32
    "tpu.region"() ({
      %run_scoped3A = tpu.sem_alloc : memref<!tpu.dma_semaphore, #tpu.memory_space<semaphore_mem>>
      %dma_start3A_217 = arith.constant 0 : i32
      %dma_start3A_218 = arith.constant 0 : i32
      %dma_start3A_219 = tpu.memref_slice %arg2[%add3A, %dma_start3A_217, %dma_start3A_218] : memref<32x20x128xi32, #tpu.memory_space<hbm>> -> memref<1x20x128xi32, #tpu.memory_space<hbm>>
      %dma_start3A_220 = tpu.memref_squeeze %dma_start3A_219 : memref<1x20x128xi32, #tpu.memory_space<hbm>> -> memref<20x128xi32, #tpu.memory_space<hbm>>
      %dma_start3A_221 = arith.constant 0 : i32
      %dma_start3A_222 = arith.constant 0 : i32
      %dma_start3A_223 = tpu.memref_slice %arg2[%add3A, %dma_start3A_221, %dma_start3A_222] : memref<32x20x128xi32, #tpu.memory_space<hbm>> -> memref<1x20x128xi32, #tpu.memory_space<hbm>>
      %dma_start3A_224 = tpu.memref_squeeze %dma_start3A_223 : memref<1x20x128xi32, #tpu.memory_space<hbm>> -> memref<20x128xi32, #tpu.memory_space<hbm>>
      tpu.enqueue_dma source(%dma_start3A_224 : memref<20x128xi32, #tpu.memory_space<hbm>>) target(%arg6 : memref<20x128xi32, #tpu.memory_space<vmem>>) target_semaphore(%run_scoped3A : memref<!tpu.dma_semaphore, #tpu.memory_space<semaphore_mem>>)
      %dma_wait3A_225 = arith.constant 0 : i32
      %dma_wait3A_226 = arith.constant 0 : i32
      %dma_wait3A_227 = tpu.memref_slice %arg2[%add3A, %dma_wait3A_225, %dma_wait3A_226] : memref<32x20x128xi32, #tpu.memory_space<hbm>> -> memref<1x20x128xi32, #tpu.memory_space<hbm>>
      %dma_wait3A_228 = tpu.memref_squeeze %dma_wait3A_227 : memref<1x20x128xi32, #tpu.memory_space<hbm>> -> memref<20x128xi32, #tpu.memory_space<hbm>>
      %dma_wait3A_229 = arith.constant 0 : i32
      %dma_wait3A_230 = arith.constant 0 : i32
      %dma_wait3A_231 = tpu.memref_slice %arg2[%add3A, %dma_wait3A_229, %dma_wait3A_230] : memref<32x20x128xi32, #tpu.memory_space<hbm>> -> memref<1x20x128xi32, #tpu.memory_space<hbm>>
      %dma_wait3A_232 = tpu.memref_squeeze %dma_wait3A_231 : memref<1x20x128xi32, #tpu.memory_space<hbm>> -> memref<20x128xi32, #tpu.memory_space<hbm>>
      tpu.wait_dma2 semaphore(%run_scoped3A : memref<!tpu.dma_semaphore, #tpu.memory_space<semaphore_mem>>) src(%dma_wait3A_232 : memref<20x128xi32, #tpu.memory_space<hbm>>) dst(%arg6 : memref<20x128xi32, #tpu.memory_space<vmem>>)
      tpu.yield
    }) : () -> ()
    %broadcast_in_dim3A = arith.constant 0.000000e+00 : f32
    %broadcast_in_dim3A_3 = vector.broadcast %broadcast_in_dim3A : f32 to vector<16xf32>
    %scan3A = arith.constant 0 : i32
    %scan3A_4 = arith.constant 0 : i32
    %scan3A_5 = arith.constant 128 : i32
    %scan3A_6 = arith.addi %scan3A_4, %scan3A_5 : i32
    %scan3A_7 = arith.constant 1 : i32
    scf.for %scan3A_217 = %scan3A_4 to %scan3A_6 step %scan3A_7  : i32 {
      %swap3A = arith.index_cast %scan3A_217 : i32 to index
      %swap3A_218 = arith.constant 0 : index
      %swap3A_219 = tpu.vector_load %arg8[%swap3A, %swap3A_218] {strides = array<i32>} : memref<128x128xf32, #tpu.memory_space<vmem>>, vector<1x16xf32>,
      %swap3A_220 = vector.shape_cast %swap3A_219 : vector<1x16xf32> to vector<16xf32>
      %swap3A_221 = vector.shape_cast %broadcast_in_dim3A_3 : vector<16xf32> to vector<1x16xf32>
      tpu.vector_store %arg8[%swap3A, %swap3A_218], %swap3A_221 {strides = array<i32>} : memref<128x128xf32, #tpu.memory_space<vmem>>, vector<1x16xf32>,
      %swap3A_222 = arith.index_cast %scan3A_217 : i32 to index
      %swap3A_223 = arith.constant 16 : index
      %swap3A_224 = tpu.vector_load %arg8[%swap3A_222, %swap3A_223] {strides = array<i32>} : memref<128x128xf32, #tpu.memory_space<vmem>>, vector<1x16xf32>,
      %swap3A_225 = vector.shape_cast %swap3A_224 : vector<1x16xf32> to vector<16xf32>
      %swap3A_226 = vector.shape_cast %broadcast_in_dim3A_3 : vector<16xf32> to vector<1x16xf32>
      tpu.vector_store %arg8[%swap3A_222, %swap3A_223], %swap3A_226 {strides = array<i32>} : memref<128x128xf32, #tpu.memory_space<vmem>>, vector<1x16xf32>,
      %swap3A_227 = arith.index_cast %scan3A_217 : i32 to index
      %swap3A_228 = arith.constant 32 : index
      %swap3A_229 = tpu.vector_load %arg8[%swap3A_227, %swap3A_228] {strides = array<i32>} : memref<128x128xf32, #tpu.memory_space<vmem>>, vector<1x16xf32>,
      %swap3A_230 = vector.shape_cast %swap3A_229 : vector<1x16xf32> to vector<16xf32>
      %swap3A_231 = vector.shape_cast %broadcast_in_dim3A_3 : vector<16xf32> to vector<1x16xf32>
      tpu.vector_store %arg8[%swap3A_227, %swap3A_228], %swap3A_231 {strides = array<i32>} : memref<128x128xf32, #tpu.memory_space<vmem>>, vector<1x16xf32>,
      %swap3A_232 = arith.index_cast %scan3A_217 : i32 to index
      %swap3A_233 = arith.constant 48 : index
      %swap3A_234 = tpu.vector_load %arg8[%swap3A_232, %swap3A_233] {strides = array<i32>} : memref<128x128xf32, #tpu.memory_space<vmem>>, vector<1x16xf32>,
      %swap3A_235 = vector.shape_cast %swap3A_234 : vector<1x16xf32> to vector<16xf32>
      %swap3A_236 = vector.shape_cast %broadcast_in_dim3A_3 : vector<16xf32> to vector<1x16xf32>
      tpu.vector_store %arg8[%swap3A_232, %swap3A_233], %swap3A_236 {strides = array<i32>} : memref<128x128xf32, #tpu.memory_space<vmem>>, vector<1x16xf32>,
      %swap3A_237 = arith.index_cast %scan3A_217 : i32 to index
      %swap3A_238 = arith.constant 64 : index
      %swap3A_239 = tpu.vector_load %arg8[%swap3A_237, %swap3A_238] {strides = array<i32>} : memref<128x128xf32, #tpu.memory_space<vmem>>, vector<1x16xf32>,
      %swap3A_240 = vector.shape_cast %swap3A_239 : vector<1x16xf32> to vector<16xf32>
      %swap3A_241 = vector.shape_cast %broadcast_in_dim3A_3 : vector<16xf32> to vector<1x16xf32>
      tpu.vector_store %arg8[%swap3A_237, %swap3A_238], %swap3A_241 {strides = array<i32>} : memref<128x128xf32, #tpu.memory_space<vmem>>, vector<1x16xf32>,
      %swap3A_242 = arith.index_cast %scan3A_217 : i32 to index
      %swap3A_243 = arith.constant 80 : index
      %swap3A_244 = tpu.vector_load %arg8[%swap3A_242, %swap3A_243] {strides = array<i32>} : memref<128x128xf32, #tpu.memory_space<vmem>>, vector<1x16xf32>,
      %swap3A_245 = vector.shape_cast %swap3A_244 : vector<1x16xf32> to vector<16xf32>
      %swap3A_246 = vector.shape_cast %broadcast_in_dim3A_3 : vector<16xf32> to vector<1x16xf32>
      tpu.vector_store %arg8[%swap3A_242, %swap3A_243], %swap3A_246 {strides = array<i32>} : memref<128x128xf32, #tpu.memory_space<vmem>>, vector<1x16xf32>,
      %swap3A_247 = arith.index_cast %scan3A_217 : i32 to index
      %swap3A_248 = arith.constant 96 : index
      %swap3A_249 = tpu.vector_load %arg8[%swap3A_247, %swap3A_248] {strides = array<i32>} : memref<128x128xf32, #tpu.memory_space<vmem>>, vector<1x16xf32>,
      %swap3A_250 = vector.shape_cast %swap3A_249 : vector<1x16xf32> to vector<16xf32>
      %swap3A_251 = vector.shape_cast %broadcast_in_dim3A_3 : vector<16xf32> to vector<1x16xf32>
      tpu.vector_store %arg8[%swap3A_247, %swap3A_248], %swap3A_251 {strides = array<i32>} : memref<128x128xf32, #tpu.memory_space<vmem>>, vector<1x16xf32>,
      %swap3A_252 = arith.index_cast %scan3A_217 : i32 to index
      %swap3A_253 = arith.constant 112 : index
      %swap3A_254 = tpu.vector_load %arg8[%swap3A_252, %swap3A_253] {strides = array<i32>} : memref<128x128xf32, #tpu.memory_space<vmem>>, vector<1x16xf32>,
      %swap3A_255 = vector.shape_cast %swap3A_254 : vector<1x16xf32> to vector<16xf32>
      %swap3A_256 = vector.shape_cast %broadcast_in_dim3A_3 : vector<16xf32> to vector<1x16xf32>
      tpu.vector_store %arg8[%swap3A_252, %swap3A_253], %swap3A_256 {strides = array<i32>} : memref<128x128xf32, #tpu.memory_space<vmem>>, vector<1x16xf32>,
    }
    %scan3A_8 = arith.constant 128 : i32
    "tpu.region"() ({
      %run_scoped3A = tpu.sem_alloc : memref<!tpu.dma_semaphore, #tpu.memory_space<semaphore_mem>>
      %dma_start3A_217 = arith.constant 0 : i32
      %dma_start3A_218 = tpu.memref_slice %arg13[%mul3A_2, %dma_start3A_217] : memref<2048x128xf32, #tpu.memory_space<vmem_shared>> -> memref<128x128xf32, #tpu.memory_space<vmem_shared>>
      %dma_start3A_219 = arith.constant 0 : i32
      %dma_start3A_220 = tpu.memref_slice %arg13[%mul3A_2, %dma_start3A_219] : memref<2048x128xf32, #tpu.memory_space<vmem_shared>> -> memref<128x128xf32, #tpu.memory_space<vmem_shared>>
      tpu.enqueue_dma source(%arg8 : memref<128x128xf32, #tpu.memory_space<vmem>>) target(%dma_start3A_220 : memref<128x128xf32, #tpu.memory_space<vmem_shared>>) target_semaphore(%run_scoped3A : memref<!tpu.dma_semaphore, #tpu.memory_space<semaphore_mem>>)
      %dma_wait3A_221 = arith.constant 0 : i32
      %dma_wait3A_222 = tpu.memref_slice %arg13[%mul3A_2, %dma_wait3A_221] : memref<2048x128xf32, #tpu.memory_space<vmem_shared>> -> memref<128x128xf32, #tpu.memory_space<vmem_shared>>
      %dma_wait3A_223 = arith.constant 0 : i32
      %dma_wait3A_224 = tpu.memref_slice %arg13[%mul3A_2, %dma_wait3A_223] : memref<2048x128xf32, #tpu.memory_space<vmem_shared>> -> memref<128x128xf32, #tpu.memory_space<vmem_shared>>
      tpu.wait_dma2 semaphore(%run_scoped3A : memref<!tpu.dma_semaphore, #tpu.memory_space<semaphore_mem>>) src(%arg8 : memref<128x128xf32, #tpu.memory_space<vmem>>) dst(%dma_wait3A_224 : memref<128x128xf32, #tpu.memory_space<vmem_shared>>)
      tpu.yield
    }) : () -> ()
    %dma_start3A = arith.constant 0 : i32
    %dma_start3A_9 = arith.constant 0 : i32
    %dma_start3A_10 = tpu.memref_slice %arg6[%dma_start3A, %dma_start3A_9] : memref<20x128xi32, #tpu.memory_space<vmem>> -> memref<1x128xi32, #tpu.memory_space<vmem>>
    %dma_start3A_11 = tpu.memref_squeeze %dma_start3A_10 : memref<1x128xi32, #tpu.memory_space<vmem>> -> memref<128xi32, #tpu.memory_space<vmem>>
    %dma_start3A_12 = arith.constant 0 : i32
    %dma_start3A_13 = arith.constant 0 : i32
    %dma_start3A_14 = tpu.memref_slice %arg4[%dma_start3A_12, %dma_start3A_13] : memref<100000x128xf32, #tpu.memory_space<hbm>> -> memref<100000x128xf32, #tpu.memory_space<hbm>>
    tpu.enqueue_indirect_dma source(%dma_start3A_14 : memref<100000x128xf32, #tpu.memory_space<hbm>>) target(%arg8 : memref<128x128xf32, #tpu.memory_space<vmem>>) offsets(%dma_start3A_11 : memref<128xi32, #tpu.memory_space<vmem>>) semaphore(%arg14 : memref<!tpu.dma_semaphore, #tpu.memory_space<semaphore_mem>>)
    %dma_start3A_15 = arith.constant 1 : i32
    %dma_start3A_16 = arith.constant 0 : i32
    %dma_start3A_17 = tpu.memref_slice %arg6[%dma_start3A_15, %dma_start3A_16] : memref<20x128xi32, #tpu.memory_space<vmem>> -> memref<1x128xi32, #tpu.memory_space<vmem>>
    %dma_start3A_18 = tpu.memref_squeeze %dma_start3A_17 : memref<1x128xi32, #tpu.memory_space<vmem>> -> memref<128xi32, #tpu.memory_space<vmem>>
    %dma_start3A_19 = arith.constant 0 : i32
    %dma_start3A_20 = arith.constant 0 : i32
    %dma_start3A_21 = tpu.memref_slice %arg4[%dma_start3A_19, %dma_start3A_20] : memref<100000x128xf32, #tpu.memory_space<hbm>> -> memref<100000x128xf32, #tpu.memory_space<hbm>>
    tpu.enqueue_indirect_dma source(%dma_start3A_21 : memref<100000x128xf32, #tpu.memory_space<hbm>>) target(%arg9 : memref<128x128xf32, #tpu.memory_space<vmem>>) offsets(%dma_start3A_18 : memref<128xi32, #tpu.memory_space<vmem>>) semaphore(%arg15 : memref<!tpu.dma_semaphore, #tpu.memory_space<semaphore_mem>>)
    %dma_start3A_22 = arith.constant 2 : i32
    %dma_start3A_23 = arith.constant 0 : i32
    %dma_start3A_24 = tpu.memref_slice %arg6[%dma_start3A_22, %dma_start3A_23] : memref<20x128xi32, #tpu.memory_space<vmem>> -> memref<1x128xi32, #tpu.memory_space<vmem>>
    %dma_start3A_25 = tpu.memref_squeeze %dma_start3A_24 : memref<1x128xi32, #tpu.memory_space<vmem>> -> memref<128xi32, #tpu.memory_space<vmem>>
    %dma_start3A_26 = arith.constant 0 : i32
    %dma_start3A_27 = arith.constant 0 : i32
    %dma_start3A_28 = tpu.memref_slice %arg4[%dma_start3A_26, %dma_start3A_27] : memref<100000x128xf32, #tpu.memory_space<hbm>> -> memref<100000x128xf32, #tpu.memory_space<hbm>>
    tpu.enqueue_indirect_dma source(%dma_start3A_28 : memref<100000x128xf32, #tpu.memory_space<hbm>>) target(%arg10 : memref<128x128xf32, #tpu.memory_space<vmem>>) offsets(%dma_start3A_25 : memref<128xi32, #tpu.memory_space<vmem>>) semaphore(%arg16 : memref<!tpu.dma_semaphore, #tpu.memory_space<semaphore_mem>>)
    %dma_start3A_29 = arith.constant 3 : i32
    %dma_start3A_30 = arith.constant 0 : i32
    %dma_start3A_31 = tpu.memref_slice %arg6[%dma_start3A_29, %dma_start3A_30] : memref<20x128xi32, #tpu.memory_space<vmem>> -> memref<1x128xi32, #tpu.memory_space<vmem>>
    %dma_start3A_32 = tpu.memref_squeeze %dma_start3A_31 : memref<1x128xi32, #tpu.memory_space<vmem>> -> memref<128xi32, #tpu.memory_space<vmem>>
    %dma_start3A_33 = arith.constant 0 : i32
    %dma_start3A_34 = arith.constant 0 : i32
    %dma_start3A_35 = tpu.memref_slice %arg4[%dma_start3A_33, %dma_start3A_34] : memref<100000x128xf32, #tpu.memory_space<hbm>> -> memref<100000x128xf32, #tpu.memory_space<hbm>>
    tpu.enqueue_indirect_dma source(%dma_start3A_35 : memref<100000x128xf32, #tpu.memory_space<hbm>>) target(%arg11 : memref<128x128xf32, #tpu.memory_space<vmem>>) offsets(%dma_start3A_32 : memref<128xi32, #tpu.memory_space<vmem>>) semaphore(%arg17 : memref<!tpu.dma_semaphore, #tpu.memory_space<semaphore_mem>>)
    %dma_start3A_36 = arith.constant 4 : i32
    %dma_start3A_37 = arith.constant 0 : i32
    %dma_start3A_38 = tpu.memref_slice %arg6[%dma_start3A_36, %dma_start3A_37] : memref<20x128xi32, #tpu.memory_space<vmem>> -> memref<1x128xi32, #tpu.memory_space<vmem>>
    %dma_start3A_39 = tpu.memref_squeeze %dma_start3A_38 : memref<1x128xi32, #tpu.memory_space<vmem>> -> memref<128xi32, #tpu.memory_space<vmem>>
    %dma_start3A_40 = arith.constant 0 : i32
    %dma_start3A_41 = arith.constant 0 : i32
    %dma_start3A_42 = tpu.memref_slice %arg4[%dma_start3A_40, %dma_start3A_41] : memref<100000x128xf32, #tpu.memory_space<hbm>> -> memref<100000x128xf32, #tpu.memory_space<hbm>>
    tpu.enqueue_indirect_dma source(%dma_start3A_42 : memref<100000x128xf32, #tpu.memory_space<hbm>>) target(%arg12 : memref<128x128xf32, #tpu.memory_space<vmem>>) offsets(%dma_start3A_39 : memref<128xi32, #tpu.memory_space<vmem>>) semaphore(%arg18 : memref<!tpu.dma_semaphore, #tpu.memory_space<semaphore_mem>>)
    "tpu.region"() ({
      %run_scoped3A = tpu.sem_alloc : memref<!tpu.dma_semaphore, #tpu.memory_space<semaphore_mem>>
      %dma_start3A_217 = arith.constant 0 : i32
      %dma_start3A_218 = arith.constant 0 : i32
      %dma_start3A_219 = tpu.memref_slice %arg3[%arg1, %dma_start3A_217, %dma_start3A_218] : memref<16x20x128xi32, #tpu.memory_space<hbm>> -> memref<1x20x128xi32, #tpu.memory_space<hbm>>
      %dma_start3A_220 = tpu.memref_squeeze %dma_start3A_219 : memref<1x20x128xi32, #tpu.memory_space<hbm>> -> memref<20x128xi32, #tpu.memory_space<hbm>>
      %dma_start3A_221 = arith.constant 0 : i32
      %dma_start3A_222 = arith.constant 0 : i32
      %dma_start3A_223 = tpu.memref_slice %arg3[%arg1, %dma_start3A_221, %dma_start3A_222] : memref<16x20x128xi32, #tpu.memory_space<hbm>> -> memref<1x20x128xi32, #tpu.memory_space<hbm>>
      %dma_start3A_224 = tpu.memref_squeeze %dma_start3A_223 : memref<1x20x128xi32, #tpu.memory_space<hbm>> -> memref<20x128xi32, #tpu.memory_space<hbm>>
      tpu.enqueue_dma source(%dma_start3A_224 : memref<20x128xi32, #tpu.memory_space<hbm>>) target(%arg7 : memref<20x128xi32, #tpu.memory_space<vmem>>) target_semaphore(%run_scoped3A : memref<!tpu.dma_semaphore, #tpu.memory_space<semaphore_mem>>)
      %dma_wait3A_225 = arith.constant 0 : i32
      %dma_wait3A_226 = arith.constant 0 : i32
      %dma_wait3A_227 = tpu.memref_slice %arg3[%arg1, %dma_wait3A_225, %dma_wait3A_226] : memref<16x20x128xi32, #tpu.memory_space<hbm>> -> memref<1x20x128xi32, #tpu.memory_space<hbm>>
      %dma_wait3A_228 = tpu.memref_squeeze %dma_wait3A_227 : memref<1x20x128xi32, #tpu.memory_space<hbm>> -> memref<20x128xi32, #tpu.memory_space<hbm>>
      %dma_wait3A_229 = arith.constant 0 : i32
      %dma_wait3A_230 = arith.constant 0 : i32
      %dma_wait3A_231 = tpu.memref_slice %arg3[%arg1, %dma_wait3A_229, %dma_wait3A_230] : memref<16x20x128xi32, #tpu.memory_space<hbm>> -> memref<1x20x128xi32, #tpu.memory_space<hbm>>
      %dma_wait3A_232 = tpu.memref_squeeze %dma_wait3A_231 : memref<1x20x128xi32, #tpu.memory_space<hbm>> -> memref<20x128xi32, #tpu.memory_space<hbm>>
      tpu.wait_dma2 semaphore(%run_scoped3A : memref<!tpu.dma_semaphore, #tpu.memory_space<semaphore_mem>>) src(%dma_wait3A_232 : memref<20x128xi32, #tpu.memory_space<hbm>>) dst(%arg7 : memref<20x128xi32, #tpu.memory_space<vmem>>)
      tpu.yield
    }) : () -> ()
    %dma_wait3A = arith.constant 0 : i32
    %dma_wait3A_43 = arith.constant 0 : i32
    %dma_wait3A_44 = tpu.memref_slice %arg6[%dma_wait3A, %dma_wait3A_43] : memref<20x128xi32, #tpu.memory_space<vmem>> -> memref<1x128xi32, #tpu.memory_space<vmem>>
    %dma_wait3A_45 = tpu.memref_squeeze %dma_wait3A_44 : memref<1x128xi32, #tpu.memory_space<vmem>> -> memref<128xi32, #tpu.memory_space<vmem>>
    %dma_wait3A_46 = arith.constant 0 : i32
    %dma_wait3A_47 = arith.constant 0 : i32
    %dma_wait3A_48 = tpu.memref_slice %arg4[%dma_wait3A_46, %dma_wait3A_47] : memref<100000x128xf32, #tpu.memory_space<hbm>> -> memref<100000x128xf32, #tpu.memory_space<hbm>>
    tpu.wait_indirect_dma semaphore(%arg14 : memref<!tpu.dma_semaphore, #tpu.memory_space<semaphore_mem>>) src(%dma_wait3A_48 : memref<100000x128xf32, #tpu.memory_space<hbm>>) dst(%arg8 : memref<128x128xf32, #tpu.memory_space<vmem>>)
    %dma_start3A_49 = arith.constant 0 : i32
    %dma_start3A_50 = arith.constant 0 : i32
    %dma_start3A_51 = tpu.memref_slice %arg7[%dma_start3A_49, %dma_start3A_50] : memref<20x128xi32, #tpu.memory_space<vmem>> -> memref<1x128xi32, #tpu.memory_space<vmem>>
    %dma_start3A_52 = tpu.memref_squeeze %dma_start3A_51 : memref<1x128xi32, #tpu.memory_space<vmem>> -> memref<128xi32, #tpu.memory_space<vmem>>
    %dma_start3A_53 = arith.constant 0 : i32
    %dma_start3A_54 = arith.constant 0 : i32
    %dma_start3A_55 = tpu.memref_slice %arg13[%dma_start3A_53, %dma_start3A_54] : memref<2048x128xf32, #tpu.memory_space<vmem_shared>> -> memref<2048x128xf32, #tpu.memory_space<vmem_shared>>
    tpu.enqueue_indirect_dma source(%arg8 : memref<128x128xf32, #tpu.memory_space<vmem>>) target(%dma_start3A_55 : memref<2048x128xf32, #tpu.memory_space<vmem_shared>>) offsets(%dma_start3A_52 : memref<128xi32, #tpu.memory_space<vmem>>) semaphore(%arg19 : memref<!tpu.dma_semaphore, #tpu.memory_space<semaphore_mem>>) {add = true}
    %dma_wait3A_56 = arith.constant 1 : i32
    %dma_wait3A_57 = arith.constant 0 : i32
    %dma_wait3A_58 = tpu.memref_slice %arg6[%dma_wait3A_56, %dma_wait3A_57] : memref<20x128xi32, #tpu.memory_space<vmem>> -> memref<1x128xi32, #tpu.memory_space<vmem>>
    %dma_wait3A_59 = tpu.memref_squeeze %dma_wait3A_58 : memref<1x128xi32, #tpu.memory_space<vmem>> -> memref<128xi32, #tpu.memory_space<vmem>>
    %dma_wait3A_60 = arith.constant 0 : i32
    %dma_wait3A_61 = arith.constant 0 : i32
    %dma_wait3A_62 = tpu.memref_slice %arg4[%dma_wait3A_60, %dma_wait3A_61] : memref<100000x128xf32, #tpu.memory_space<hbm>> -> memref<100000x128xf32, #tpu.memory_space<hbm>>
    tpu.wait_indirect_dma semaphore(%arg15 : memref<!tpu.dma_semaphore, #tpu.memory_space<semaphore_mem>>) src(%dma_wait3A_62 : memref<100000x128xf32, #tpu.memory_space<hbm>>) dst(%arg9 : memref<128x128xf32, #tpu.memory_space<vmem>>)
    %dma_start3A_63 = arith.constant 1 : i32
    %dma_start3A_64 = arith.constant 0 : i32
    %dma_start3A_65 = tpu.memref_slice %arg7[%dma_start3A_63, %dma_start3A_64] : memref<20x128xi32, #tpu.memory_space<vmem>> -> memref<1x128xi32, #tpu.memory_space<vmem>>
    %dma_start3A_66 = tpu.memref_squeeze %dma_start3A_65 : memref<1x128xi32, #tpu.memory_space<vmem>> -> memref<128xi32, #tpu.memory_space<vmem>>
    %dma_start3A_67 = arith.constant 0 : i32
    %dma_start3A_68 = arith.constant 0 : i32
    %dma_start3A_69 = tpu.memref_slice %arg13[%dma_start3A_67, %dma_start3A_68] : memref<2048x128xf32, #tpu.memory_space<vmem_shared>> -> memref<2048x128xf32, #tpu.memory_space<vmem_shared>>
    tpu.enqueue_indirect_dma source(%arg9 : memref<128x128xf32, #tpu.memory_space<vmem>>) target(%dma_start3A_69 : memref<2048x128xf32, #tpu.memory_space<vmem_shared>>) offsets(%dma_start3A_66 : memref<128xi32, #tpu.memory_space<vmem>>) semaphore(%arg20 : memref<!tpu.dma_semaphore, #tpu.memory_space<semaphore_mem>>) {add = true}
    %dma_wait3A_70 = arith.constant 1 : i32
    %dma_wait3A_71 = arith.constant 0 : i32
    %dma_wait3A_72 = tpu.memref_slice %arg7[%dma_wait3A_70, %dma_wait3A_71] : memref<20x128xi32, #tpu.memory_space<vmem>> -> memref<1x128xi32, #tpu.memory_space<vmem>>
    %dma_wait3A_73 = tpu.memref_squeeze %dma_wait3A_72 : memref<1x128xi32, #tpu.memory_space<vmem>> -> memref<128xi32, #tpu.memory_space<vmem>>
    %dma_wait3A_74 = arith.constant 0 : i32
    %dma_wait3A_75 = arith.constant 0 : i32
    %dma_wait3A_76 = tpu.memref_slice %arg13[%dma_wait3A_74, %dma_wait3A_75] : memref<2048x128xf32, #tpu.memory_space<vmem_shared>> -> memref<2048x128xf32, #tpu.memory_space<vmem_shared>>
    tpu.wait_indirect_dma semaphore(%arg19 : memref<!tpu.dma_semaphore, #tpu.memory_space<semaphore_mem>>) src(%arg8 : memref<128x128xf32, #tpu.memory_space<vmem>>) dst(%dma_wait3A_76 : memref<2048x128xf32, #tpu.memory_space<vmem_shared>>)
    %dma_start3A_77 = arith.constant 5 : i32
    %dma_start3A_78 = arith.constant 0 : i32
    %dma_start3A_79 = tpu.memref_slice %arg6[%dma_start3A_77, %dma_start3A_78] : memref<20x128xi32, #tpu.memory_space<vmem>> -> memref<1x128xi32, #tpu.memory_space<vmem>>
    %dma_start3A_80 = tpu.memref_squeeze %dma_start3A_79 : memref<1x128xi32, #tpu.memory_space<vmem>> -> memref<128xi32, #tpu.memory_space<vmem>>
    %dma_start3A_81 = arith.constant 0 : i32
    %dma_start3A_82 = arith.constant 0 : i32
    %dma_start3A_83 = tpu.memref_slice %arg4[%dma_start3A_81, %dma_start3A_82] : memref<100000x128xf32, #tpu.memory_space<hbm>> -> memref<100000x128xf32, #tpu.memory_space<hbm>>
    tpu.enqueue_indirect_dma source(%dma_start3A_83 : memref<100000x128xf32, #tpu.memory_space<hbm>>) target(%arg8 : memref<128x128xf32, #tpu.memory_space<vmem>>) offsets(%dma_start3A_80 : memref<128xi32, #tpu.memory_space<vmem>>) semaphore(%arg14 : memref<!tpu.dma_semaphore, #tpu.memory_space<semaphore_mem>>)
    %dma_wait3A_84 = arith.constant 2 : i32
    %dma_wait3A_85 = arith.constant 0 : i32
    %dma_wait3A_86 = tpu.memref_slice %arg6[%dma_wait3A_84, %dma_wait3A_85] : memref<20x128xi32, #tpu.memory_space<vmem>> -> memref<1x128xi32, #tpu.memory_space<vmem>>
    %dma_wait3A_87 = tpu.memref_squeeze %dma_wait3A_86 : memref<1x128xi32, #tpu.memory_space<vmem>> -> memref<128xi32, #tpu.memory_space<vmem>>
    %dma_wait3A_88 = arith.constant 0 : i32
    %dma_wait3A_89 = arith.constant 0 : i32
    %dma_wait3A_90 = tpu.memref_slice %arg4[%dma_wait3A_88, %dma_wait3A_89] : memref<100000x128xf32, #tpu.memory_space<hbm>> -> memref<100000x128xf32, #tpu.memory_space<hbm>>
    tpu.wait_indirect_dma semaphore(%arg16 : memref<!tpu.dma_semaphore, #tpu.memory_space<semaphore_mem>>) src(%dma_wait3A_90 : memref<100000x128xf32, #tpu.memory_space<hbm>>) dst(%arg10 : memref<128x128xf32, #tpu.memory_space<vmem>>)
    %dma_start3A_91 = arith.constant 2 : i32
    %dma_start3A_92 = arith.constant 0 : i32
    %dma_start3A_93 = tpu.memref_slice %arg7[%dma_start3A_91, %dma_start3A_92] : memref<20x128xi32, #tpu.memory_space<vmem>> -> memref<1x128xi32, #tpu.memory_space<vmem>>
    %dma_start3A_94 = tpu.memref_squeeze %dma_start3A_93 : memref<1x128xi32, #tpu.memory_space<vmem>> -> memref<128xi32, #tpu.memory_space<vmem>>
    %dma_start3A_95 = arith.constant 0 : i32
    %dma_start3A_96 = arith.constant 0 : i32
    %dma_start3A_97 = tpu.memref_slice %arg13[%dma_start3A_95, %dma_start3A_96] : memref<2048x128xf32, #tpu.memory_space<vmem_shared>> -> memref<2048x128xf32, #tpu.memory_space<vmem_shared>>
    tpu.enqueue_indirect_dma source(%arg10 : memref<128x128xf32, #tpu.memory_space<vmem>>) target(%dma_start3A_97 : memref<2048x128xf32, #tpu.memory_space<vmem_shared>>) offsets(%dma_start3A_94 : memref<128xi32, #tpu.memory_space<vmem>>) semaphore(%arg21 : memref<!tpu.dma_semaphore, #tpu.memory_space<semaphore_mem>>) {add = true}
    %dma_wait3A_98 = arith.constant 2 : i32
    %dma_wait3A_99 = arith.constant 0 : i32
    %dma_wait3A_100 = tpu.memref_slice %arg7[%dma_wait3A_98, %dma_wait3A_99] : memref<20x128xi32, #tpu.memory_space<vmem>> -> memref<1x128xi32, #tpu.memory_space<vmem>>
    %dma_wait3A_101 = tpu.memref_squeeze %dma_wait3A_100 : memref<1x128xi32, #tpu.memory_space<vmem>> -> memref<128xi32, #tpu.memory_space<vmem>>
    %dma_wait3A_102 = arith.constant 0 : i32
    %dma_wait3A_103 = arith.constant 0 : i32
    %dma_wait3A_104 = tpu.memref_slice %arg13[%dma_wait3A_102, %dma_wait3A_103] : memref<2048x128xf32, #tpu.memory_space<vmem_shared>> -> memref<2048x128xf32, #tpu.memory_space<vmem_shared>>
    tpu.wait_indirect_dma semaphore(%arg20 : memref<!tpu.dma_semaphore, #tpu.memory_space<semaphore_mem>>) src(%arg9 : memref<128x128xf32, #tpu.memory_space<vmem>>) dst(%dma_wait3A_104 : memref<2048x128xf32, #tpu.memory_space<vmem_shared>>)
    %dma_start3A_105 = arith.constant 6 : i32
    %dma_start3A_106 = arith.constant 0 : i32
    %dma_start3A_107 = tpu.memref_slice %arg6[%dma_start3A_105, %dma_start3A_106] : memref<20x128xi32, #tpu.memory_space<vmem>> -> memref<1x128xi32, #tpu.memory_space<vmem>>
    %dma_start3A_108 = tpu.memref_squeeze %dma_start3A_107 : memref<1x128xi32, #tpu.memory_space<vmem>> -> memref<128xi32, #tpu.memory_space<vmem>>
    %dma_start3A_109 = arith.constant 0 : i32
    %dma_start3A_110 = arith.constant 0 : i32
    %dma_start3A_111 = tpu.memref_slice %arg4[%dma_start3A_109, %dma_start3A_110] : memref<100000x128xf32, #tpu.memory_space<hbm>> -> memref<100000x128xf32, #tpu.memory_space<hbm>>
    tpu.enqueue_indirect_dma source(%dma_start3A_111 : memref<100000x128xf32, #tpu.memory_space<hbm>>) target(%arg9 : memref<128x128xf32, #tpu.memory_space<vmem>>) offsets(%dma_start3A_108 : memref<128xi32, #tpu.memory_space<vmem>>) semaphore(%arg15 : memref<!tpu.dma_semaphore, #tpu.memory_space<semaphore_mem>>)
    %dma_wait3A_112 = arith.constant 3 : i32
    %dma_wait3A_113 = arith.constant 0 : i32
    %dma_wait3A_114 = tpu.memref_slice %arg6[%dma_wait3A_112, %dma_wait3A_113] : memref<20x128xi32, #tpu.memory_space<vmem>> -> memref<1x128xi32, #tpu.memory_space<vmem>>
    %dma_wait3A_115 = tpu.memref_squeeze %dma_wait3A_114 : memref<1x128xi32, #tpu.memory_space<vmem>> -> memref<128xi32, #tpu.memory_space<vmem>>
    %dma_wait3A_116 = arith.constant 0 : i32
    %dma_wait3A_117 = arith.constant 0 : i32
    %dma_wait3A_118 = tpu.memref_slice %arg4[%dma_wait3A_116, %dma_wait3A_117] : memref<100000x128xf32, #tpu.memory_space<hbm>> -> memref<100000x128xf32, #tpu.memory_space<hbm>>
    tpu.wait_indirect_dma semaphore(%arg17 : memref<!tpu.dma_semaphore, #tpu.memory_space<semaphore_mem>>) src(%dma_wait3A_118 : memref<100000x128xf32, #tpu.memory_space<hbm>>) dst(%arg11 : memref<128x128xf32, #tpu.memory_space<vmem>>)
    %dma_start3A_119 = arith.constant 3 : i32
    %dma_start3A_120 = arith.constant 0 : i32
    %dma_start3A_121 = tpu.memref_slice %arg7[%dma_start3A_119, %dma_start3A_120] : memref<20x128xi32, #tpu.memory_space<vmem>> -> memref<1x128xi32, #tpu.memory_space<vmem>>
    %dma_start3A_122 = tpu.memref_squeeze %dma_start3A_121 : memref<1x128xi32, #tpu.memory_space<vmem>> -> memref<128xi32, #tpu.memory_space<vmem>>
    %dma_start3A_123 = arith.constant 0 : i32
    %dma_start3A_124 = arith.constant 0 : i32
    %dma_start3A_125 = tpu.memref_slice %arg13[%dma_start3A_123, %dma_start3A_124] : memref<2048x128xf32, #tpu.memory_space<vmem_shared>> -> memref<2048x128xf32, #tpu.memory_space<vmem_shared>>
    tpu.enqueue_indirect_dma source(%arg11 : memref<128x128xf32, #tpu.memory_space<vmem>>) target(%dma_start3A_125 : memref<2048x128xf32, #tpu.memory_space<vmem_shared>>) offsets(%dma_start3A_122 : memref<128xi32, #tpu.memory_space<vmem>>) semaphore(%arg22 : memref<!tpu.dma_semaphore, #tpu.memory_space<semaphore_mem>>) {add = true}
    %dma_wait3A_126 = arith.constant 3 : i32
    %dma_wait3A_127 = arith.constant 0 : i32
    %dma_wait3A_128 = tpu.memref_slice %arg7[%dma_wait3A_126, %dma_wait3A_127] : memref<20x128xi32, #tpu.memory_space<vmem>> -> memref<1x128xi32, #tpu.memory_space<vmem>>
    %dma_wait3A_129 = tpu.memref_squeeze %dma_wait3A_128 : memref<1x128xi32, #tpu.memory_space<vmem>> -> memref<128xi32, #tpu.memory_space<vmem>>
    %dma_wait3A_130 = arith.constant 0 : i32
    %dma_wait3A_131 = arith.constant 0 : i32
    %dma_wait3A_132 = tpu.memref_slice %arg13[%dma_wait3A_130, %dma_wait3A_131] : memref<2048x128xf32, #tpu.memory_space<vmem_shared>> -> memref<2048x128xf32, #tpu.memory_space<vmem_shared>>
    tpu.wait_indirect_dma semaphore(%arg21 : memref<!tpu.dma_semaphore, #tpu.memory_space<semaphore_mem>>) src(%arg10 : memref<128x128xf32, #tpu.memory_space<vmem>>) dst(%dma_wait3A_132 : memref<2048x128xf32, #tpu.memory_space<vmem_shared>>)
    %dma_start3A_133 = arith.constant 7 : i32
    %dma_start3A_134 = arith.constant 0 : i32
    %dma_start3A_135 = tpu.memref_slice %arg6[%dma_start3A_133, %dma_start3A_134] : memref<20x128xi32, #tpu.memory_space<vmem>> -> memref<1x128xi32, #tpu.memory_space<vmem>>
    %dma_start3A_136 = tpu.memref_squeeze %dma_start3A_135 : memref<1x128xi32, #tpu.memory_space<vmem>> -> memref<128xi32, #tpu.memory_space<vmem>>
    %dma_start3A_137 = arith.constant 0 : i32
    %dma_start3A_138 = arith.constant 0 : i32
    %dma_start3A_139 = tpu.memref_slice %arg4[%dma_start3A_137, %dma_start3A_138] : memref<100000x128xf32, #tpu.memory_space<hbm>> -> memref<100000x128xf32, #tpu.memory_space<hbm>>
    tpu.enqueue_indirect_dma source(%dma_start3A_139 : memref<100000x128xf32, #tpu.memory_space<hbm>>) target(%arg10 : memref<128x128xf32, #tpu.memory_space<vmem>>) offsets(%dma_start3A_136 : memref<128xi32, #tpu.memory_space<vmem>>) semaphore(%arg16 : memref<!tpu.dma_semaphore, #tpu.memory_space<semaphore_mem>>)
    %dma_wait3A_140 = arith.constant 4 : i32
    %dma_wait3A_141 = arith.constant 0 : i32
    %dma_wait3A_142 = tpu.memref_slice %arg6[%dma_wait3A_140, %dma_wait3A_141] : memref<20x128xi32, #tpu.memory_space<vmem>> -> memref<1x128xi32, #tpu.memory_space<vmem>>
    %dma_wait3A_143 = tpu.memref_squeeze %dma_wait3A_142 : memref<1x128xi32, #tpu.memory_space<vmem>> -> memref<128xi32, #tpu.memory_space<vmem>>
    %dma_wait3A_144 = arith.constant 0 : i32
    %dma_wait3A_145 = arith.constant 0 : i32
    %dma_wait3A_146 = tpu.memref_slice %arg4[%dma_wait3A_144, %dma_wait3A_145] : memref<100000x128xf32, #tpu.memory_space<hbm>> -> memref<100000x128xf32, #tpu.memory_space<hbm>>
    tpu.wait_indirect_dma semaphore(%arg18 : memref<!tpu.dma_semaphore, #tpu.memory_space<semaphore_mem>>) src(%dma_wait3A_146 : memref<100000x128xf32, #tpu.memory_space<hbm>>) dst(%arg12 : memref<128x128xf32, #tpu.memory_space<vmem>>)
    %dma_start3A_147 = arith.constant 4 : i32
    %dma_start3A_148 = arith.constant 0 : i32
    %dma_start3A_149 = tpu.memref_slice %arg7[%dma_start3A_147, %dma_start3A_148] : memref<20x128xi32, #tpu.memory_space<vmem>> -> memref<1x128xi32, #tpu.memory_space<vmem>>
    %dma_start3A_150 = tpu.memref_squeeze %dma_start3A_149 : memref<1x128xi32, #tpu.memory_space<vmem>> -> memref<128xi32, #tpu.memory_space<vmem>>
    %dma_start3A_151 = arith.constant 0 : i32
    %dma_start3A_152 = arith.constant 0 : i32
    %dma_start3A_153 = tpu.memref_slice %arg13[%dma_start3A_151, %dma_start3A_152] : memref<2048x128xf32, #tpu.memory_space<vmem_shared>> -> memref<2048x128xf32, #tpu.memory_space<vmem_shared>>
    tpu.enqueue_indirect_dma source(%arg12 : memref<128x128xf32, #tpu.memory_space<vmem>>) target(%dma_start3A_153 : memref<2048x128xf32, #tpu.memory_space<vmem_shared>>) offsets(%dma_start3A_150 : memref<128xi32, #tpu.memory_space<vmem>>) semaphore(%arg23 : memref<!tpu.dma_semaphore, #tpu.memory_space<semaphore_mem>>) {add = true}
    %dma_wait3A_154 = arith.constant 4 : i32
    %dma_wait3A_155 = arith.constant 0 : i32
    %dma_wait3A_156 = tpu.memref_slice %arg7[%dma_wait3A_154, %dma_wait3A_155] : memref<20x128xi32, #tpu.memory_space<vmem>> -> memref<1x128xi32, #tpu.memory_space<vmem>>
    %dma_wait3A_157 = tpu.memref_squeeze %dma_wait3A_156 : memref<1x128xi32, #tpu.memory_space<vmem>> -> memref<128xi32, #tpu.memory_space<vmem>>
    %dma_wait3A_158 = arith.constant 0 : i32
    %dma_wait3A_159 = arith.constant 0 : i32
    %dma_wait3A_160 = tpu.memref_slice %arg13[%dma_wait3A_158, %dma_wait3A_159] : memref<2048x128xf32, #tpu.memory_space<vmem_shared>> -> memref<2048x128xf32, #tpu.memory_space<vmem_shared>>
    tpu.wait_indirect_dma semaphore(%arg22 : memref<!tpu.dma_semaphore, #tpu.memory_space<semaphore_mem>>) src(%arg11 : memref<128x128xf32, #tpu.memory_space<vmem>>) dst(%dma_wait3A_160 : memref<2048x128xf32, #tpu.memory_space<vmem_shared>>)
    %dma_start3A_161 = arith.constant 8 : i32
    %dma_start3A_162 = arith.constant 0 : i32
    %dma_start3A_163 = tpu.memref_slice %arg6[%dma_start3A_161, %dma_start3A_162] : memref<20x128xi32, #tpu.memory_space<vmem>> -> memref<1x128xi32, #tpu.memory_space<vmem>>
    %dma_start3A_164 = tpu.memref_squeeze %dma_start3A_163 : memref<1x128xi32, #tpu.memory_space<vmem>> -> memref<128xi32, #tpu.memory_space<vmem>>
    %dma_start3A_165 = arith.constant 0 : i32
    %dma_start3A_166 = arith.constant 0 : i32
    %dma_start3A_167 = tpu.memref_slice %arg4[%dma_start3A_165, %dma_start3A_166] : memref<100000x128xf32, #tpu.memory_space<hbm>> -> memref<100000x128xf32, #tpu.memory_space<hbm>>
    tpu.enqueue_indirect_dma source(%dma_start3A_167 : memref<100000x128xf32, #tpu.memory_space<hbm>>) target(%arg11 : memref<128x128xf32, #tpu.memory_space<vmem>>) offsets(%dma_start3A_164 : memref<128xi32, #tpu.memory_space<vmem>>) semaphore(%arg17 : memref<!tpu.dma_semaphore, #tpu.memory_space<semaphore_mem>>)
    %scan3A_168 = arith.constant 0 : i32
    %scan3A_169 = arith.constant 1 : i32
    %scan3A_170 = arith.constant 3 : i32
    %scan3A_171 = arith.addi %scan3A_169, %scan3A_170 : i32
    %scan3A_172 = arith.constant 1 : i32
    scf.for %scan3A_217 = %scan3A_169 to %scan3A_171 step %scan3A_172  : i32 {
      %mul3A_218 = arith.constant 5 : i32
      %mul3A_219 = arith.muli %scan3A_217, %mul3A_218 : i32
      %add3A_220 = arith.constant 0 : i32
      %add3A_221 = arith.addi %mul3A_219, %add3A_220 : i32
      %dma_wait3A_222 = arith.constant 0 : i32
      %dma_wait3A_223 = tpu.memref_slice %arg6[%add3A_221, %dma_wait3A_222] : memref<20x128xi32, #tpu.memory_space<vmem>> -> memref<1x128xi32, #tpu.memory_space<vmem>>
      %dma_wait3A_224 = tpu.memref_squeeze %dma_wait3A_223 : memref<1x128xi32, #tpu.memory_space<vmem>> -> memref<128xi32, #tpu.memory_space<vmem>>
      %dma_wait3A_225 = arith.constant 0 : i32
      %dma_wait3A_226 = arith.constant 0 : i32
      %dma_wait3A_227 = tpu.memref_slice %arg4[%dma_wait3A_225, %dma_wait3A_226] : memref<100000x128xf32, #tpu.memory_space<hbm>> -> memref<100000x128xf32, #tpu.memory_space<hbm>>
      tpu.wait_indirect_dma semaphore(%arg14 : memref<!tpu.dma_semaphore, #tpu.memory_space<semaphore_mem>>) src(%dma_wait3A_227 : memref<100000x128xf32, #tpu.memory_space<hbm>>) dst(%arg8 : memref<128x128xf32, #tpu.memory_space<vmem>>)
      %dma_start3A_228 = arith.constant 0 : i32
      %dma_start3A_229 = tpu.memref_slice %arg7[%add3A_221, %dma_start3A_228] : memref<20x128xi32, #tpu.memory_space<vmem>> -> memref<1x128xi32, #tpu.memory_space<vmem>>
      %dma_start3A_230 = tpu.memref_squeeze %dma_start3A_229 : memref<1x128xi32, #tpu.memory_space<vmem>> -> memref<128xi32, #tpu.memory_space<vmem>>
      %dma_start3A_231 = arith.constant 0 : i32
      %dma_start3A_232 = arith.constant 0 : i32
      %dma_start3A_233 = tpu.memref_slice %arg13[%dma_start3A_231, %dma_start3A_232] : memref<2048x128xf32, #tpu.memory_space<vmem_shared>> -> memref<2048x128xf32, #tpu.memory_space<vmem_shared>>
      tpu.enqueue_indirect_dma source(%arg8 : memref<128x128xf32, #tpu.memory_space<vmem>>) target(%dma_start3A_233 : memref<2048x128xf32, #tpu.memory_space<vmem_shared>>) offsets(%dma_start3A_230 : memref<128xi32, #tpu.memory_space<vmem>>) semaphore(%arg19 : memref<!tpu.dma_semaphore, #tpu.memory_space<semaphore_mem>>) {add = true}
      %dma_wait3A_234 = arith.constant 0 : i32
      %dma_wait3A_235 = tpu.memref_slice %arg7[%add3A_221, %dma_wait3A_234] : memref<20x128xi32, #tpu.memory_space<vmem>> -> memref<1x128xi32, #tpu.memory_space<vmem>>
      %dma_wait3A_236 = tpu.memref_squeeze %dma_wait3A_235 : memref<1x128xi32, #tpu.memory_space<vmem>> -> memref<128xi32, #tpu.memory_space<vmem>>
      %dma_wait3A_237 = arith.constant 0 : i32
      %dma_wait3A_238 = arith.constant 0 : i32
      %dma_wait3A_239 = tpu.memref_slice %arg13[%dma_wait3A_237, %dma_wait3A_238] : memref<2048x128xf32, #tpu.memory_space<vmem_shared>> -> memref<2048x128xf32, #tpu.memory_space<vmem_shared>>
      tpu.wait_indirect_dma semaphore(%arg23 : memref<!tpu.dma_semaphore, #tpu.memory_space<semaphore_mem>>) src(%arg12 : memref<128x128xf32, #tpu.memory_space<vmem>>) dst(%dma_wait3A_239 : memref<2048x128xf32, #tpu.memory_space<vmem_shared>>)
      %add3A_240 = arith.constant 5 : i32
      %add3A_241 = arith.addi %add3A_221, %add3A_240 : i32
      %sub3A = arith.constant 1 : i32
      %sub3A_242 = arith.subi %add3A_241, %sub3A : i32
      %lt3A = arith.constant 20 : i32
      %lt3A_243 = arith.cmpi slt, %sub3A_242, %lt3A : i32
      %convert_element_type3A = arith.extui %lt3A_243 : i1 to i32
      %cond3A = arith.constant 0 : i32
      %cond3A_244 = arith.cmpi ne, %convert_element_type3A, %cond3A : i32
      scf.if %cond3A_244 {
        %dma_start3A_383 = arith.constant 0 : i32
        %dma_start3A_384 = tpu.memref_slice %arg6[%sub3A_242, %dma_start3A_383] : memref<20x128xi32, #tpu.memory_space<vmem>> -> memref<1x128xi32, #tpu.memory_space<vmem>>
        %dma_start3A_385 = tpu.memref_squeeze %dma_start3A_384 : memref<1x128xi32, #tpu.memory_space<vmem>> -> memref<128xi32, #tpu.memory_space<vmem>>
        %dma_start3A_386 = arith.constant 0 : i32
        %dma_start3A_387 = arith.constant 0 : i32
        %dma_start3A_388 = tpu.memref_slice %arg4[%dma_start3A_386, %dma_start3A_387] : memref<100000x128xf32, #tpu.memory_space<hbm>> -> memref<100000x128xf32, #tpu.memory_space<hbm>>
        tpu.enqueue_indirect_dma source(%dma_start3A_388 : memref<100000x128xf32, #tpu.memory_space<hbm>>) target(%arg12 : memref<128x128xf32, #tpu.memory_space<vmem>>) offsets(%dma_start3A_385 : memref<128xi32, #tpu.memory_space<vmem>>) semaphore(%arg18 : memref<!tpu.dma_semaphore, #tpu.memory_space<semaphore_mem>>)
      } else {
      }
      %mul3A_245 = arith.constant 5 : i32
      %mul3A_246 = arith.muli %scan3A_217, %mul3A_245 : i32
      %add3A_247 = arith.constant 1 : i32
      %add3A_248 = arith.addi %mul3A_246, %add3A_247 : i32
      %dma_wait3A_249 = arith.constant 0 : i32
      %dma_wait3A_250 = tpu.memref_slice %arg6[%add3A_248, %dma_wait3A_249] : memref<20x128xi32, #tpu.memory_space<vmem>> -> memref<1x128xi32, #tpu.memory_space<vmem>>
      %dma_wait3A_251 = tpu.memref_squeeze %dma_wait3A_250 : memref<1x128xi32, #tpu.memory_space<vmem>> -> memref<128xi32, #tpu.memory_space<vmem>>
      %dma_wait3A_252 = arith.constant 0 : i32
      %dma_wait3A_253 = arith.constant 0 : i32
      %dma_wait3A_254 = tpu.memref_slice %arg4[%dma_wait3A_252, %dma_wait3A_253] : memref<100000x128xf32, #tpu.memory_space<hbm>> -> memref<100000x128xf32, #tpu.memory_space<hbm>>
      tpu.wait_indirect_dma semaphore(%arg15 : memref<!tpu.dma_semaphore, #tpu.memory_space<semaphore_mem>>) src(%dma_wait3A_254 : memref<100000x128xf32, #tpu.memory_space<hbm>>) dst(%arg9 : memref<128x128xf32, #tpu.memory_space<vmem>>)
      %dma_start3A_255 = arith.constant 0 : i32
      %dma_start3A_256 = tpu.memref_slice %arg7[%add3A_248, %dma_start3A_255] : memref<20x128xi32, #tpu.memory_space<vmem>> -> memref<1x128xi32, #tpu.memory_space<vmem>>
      %dma_start3A_257 = tpu.memref_squeeze %dma_start3A_256 : memref<1x128xi32, #tpu.memory_space<vmem>> -> memref<128xi32, #tpu.memory_space<vmem>>
      %dma_start3A_258 = arith.constant 0 : i32
      %dma_start3A_259 = arith.constant 0 : i32
      %dma_start3A_260 = tpu.memref_slice %arg13[%dma_start3A_258, %dma_start3A_259] : memref<2048x128xf32, #tpu.memory_space<vmem_shared>> -> memref<2048x128xf32, #tpu.memory_space<vmem_shared>>
      tpu.enqueue_indirect_dma source(%arg9 : memref<128x128xf32, #tpu.memory_space<vmem>>) target(%dma_start3A_260 : memref<2048x128xf32, #tpu.memory_space<vmem_shared>>) offsets(%dma_start3A_257 : memref<128xi32, #tpu.memory_space<vmem>>) semaphore(%arg20 : memref<!tpu.dma_semaphore, #tpu.memory_space<semaphore_mem>>) {add = true}
      %dma_wait3A_261 = arith.constant 0 : i32
      %dma_wait3A_262 = tpu.memref_slice %arg7[%add3A_248, %dma_wait3A_261] : memref<20x128xi32, #tpu.memory_space<vmem>> -> memref<1x128xi32, #tpu.memory_space<vmem>>
      %dma_wait3A_263 = tpu.memref_squeeze %dma_wait3A_262 : memref<1x128xi32, #tpu.memory_space<vmem>> -> memref<128xi32, #tpu.memory_space<vmem>>
      %dma_wait3A_264 = arith.constant 0 : i32
      %dma_wait3A_265 = arith.constant 0 : i32
      %dma_wait3A_266 = tpu.memref_slice %arg13[%dma_wait3A_264, %dma_wait3A_265] : memref<2048x128xf32, #tpu.memory_space<vmem_shared>> -> memref<2048x128xf32, #tpu.memory_space<vmem_shared>>
      tpu.wait_indirect_dma semaphore(%arg19 : memref<!tpu.dma_semaphore, #tpu.memory_space<semaphore_mem>>) src(%arg8 : memref<128x128xf32, #tpu.memory_space<vmem>>) dst(%dma_wait3A_266 : memref<2048x128xf32, #tpu.memory_space<vmem_shared>>)
      %add3A_267 = arith.constant 5 : i32
      %add3A_268 = arith.addi %add3A_248, %add3A_267 : i32
      %sub3A_269 = arith.constant 1 : i32
      %sub3A_270 = arith.subi %add3A_268, %sub3A_269 : i32
      %lt3A_271 = arith.constant 20 : i32
      %lt3A_272 = arith.cmpi slt, %sub3A_270, %lt3A_271 : i32
      %convert_element_type3A_273 = arith.extui %lt3A_272 : i1 to i32
      %cond3A_274 = arith.constant 0 : i32
      %cond3A_275 = arith.cmpi ne, %convert_element_type3A_273, %cond3A_274 : i32
      scf.if %cond3A_275 {
        %dma_start3A_383 = arith.constant 0 : i32
        %dma_start3A_384 = tpu.memref_slice %arg6[%sub3A_270, %dma_start3A_383] : memref<20x128xi32, #tpu.memory_space<vmem>> -> memref<1x128xi32, #tpu.memory_space<vmem>>
        %dma_start3A_385 = tpu.memref_squeeze %dma_start3A_384 : memref<1x128xi32, #tpu.memory_space<vmem>> -> memref<128xi32, #tpu.memory_space<vmem>>
        %dma_start3A_386 = arith.constant 0 : i32
        %dma_start3A_387 = arith.constant 0 : i32
        %dma_start3A_388 = tpu.memref_slice %arg4[%dma_start3A_386, %dma_start3A_387] : memref<100000x128xf32, #tpu.memory_space<hbm>> -> memref<100000x128xf32, #tpu.memory_space<hbm>>
        tpu.enqueue_indirect_dma source(%dma_start3A_388 : memref<100000x128xf32, #tpu.memory_space<hbm>>) target(%arg8 : memref<128x128xf32, #tpu.memory_space<vmem>>) offsets(%dma_start3A_385 : memref<128xi32, #tpu.memory_space<vmem>>) semaphore(%arg14 : memref<!tpu.dma_semaphore, #tpu.memory_space<semaphore_mem>>)
      } else {
      }
      %mul3A_276 = arith.constant 5 : i32
      %mul3A_277 = arith.muli %scan3A_217, %mul3A_276 : i32
      %add3A_278 = arith.constant 2 : i32
      %add3A_279 = arith.addi %mul3A_277, %add3A_278 : i32
      %dma_wait3A_280 = arith.constant 0 : i32
      %dma_wait3A_281 = tpu.memref_slice %arg6[%add3A_279, %dma_wait3A_280] : memref<20x128xi32, #tpu.memory_space<vmem>> -> memref<1x128xi32, #tpu.memory_space<vmem>>
      %dma_wait3A_282 = tpu.memref_squeeze %dma_wait3A_281 : memref<1x128xi32, #tpu.memory_space<vmem>> -> memref<128xi32, #tpu.memory_space<vmem>>
      %dma_wait3A_283 = arith.constant 0 : i32
      %dma_wait3A_284 = arith.constant 0 : i32
      %dma_wait3A_285 = tpu.memref_slice %arg4[%dma_wait3A_283, %dma_wait3A_284] : memref<100000x128xf32, #tpu.memory_space<hbm>> -> memref<100000x128xf32, #tpu.memory_space<hbm>>
      tpu.wait_indirect_dma semaphore(%arg16 : memref<!tpu.dma_semaphore, #tpu.memory_space<semaphore_mem>>) src(%dma_wait3A_285 : memref<100000x128xf32, #tpu.memory_space<hbm>>) dst(%arg10 : memref<128x128xf32, #tpu.memory_space<vmem>>)
      %dma_start3A_286 = arith.constant 0 : i32
      %dma_start3A_287 = tpu.memref_slice %arg7[%add3A_279, %dma_start3A_286] : memref<20x128xi32, #tpu.memory_space<vmem>> -> memref<1x128xi32, #tpu.memory_space<vmem>>
      %dma_start3A_288 = tpu.memref_squeeze %dma_start3A_287 : memref<1x128xi32, #tpu.memory_space<vmem>> -> memref<128xi32, #tpu.memory_space<vmem>>
      %dma_start3A_289 = arith.constant 0 : i32
      %dma_start3A_290 = arith.constant 0 : i32
      %dma_start3A_291 = tpu.memref_slice %arg13[%dma_start3A_289, %dma_start3A_290] : memref<2048x128xf32, #tpu.memory_space<vmem_shared>> -> memref<2048x128xf32, #tpu.memory_space<vmem_shared>>
      tpu.enqueue_indirect_dma source(%arg10 : memref<128x128xf32, #tpu.memory_space<vmem>>) target(%dma_start3A_291 : memref<2048x128xf32, #tpu.memory_space<vmem_shared>>) offsets(%dma_start3A_288 : memref<128xi32, #tpu.memory_space<vmem>>) semaphore(%arg21 : memref<!tpu.dma_semaphore, #tpu.memory_space<semaphore_mem>>) {add = true}
      %dma_wait3A_292 = arith.constant 0 : i32
      %dma_wait3A_293 = tpu.memref_slice %arg7[%add3A_279, %dma_wait3A_292] : memref<20x128xi32, #tpu.memory_space<vmem>> -> memref<1x128xi32, #tpu.memory_space<vmem>>
      %dma_wait3A_294 = tpu.memref_squeeze %dma_wait3A_293 : memref<1x128xi32, #tpu.memory_space<vmem>> -> memref<128xi32, #tpu.memory_space<vmem>>
      %dma_wait3A_295 = arith.constant 0 : i32
      %dma_wait3A_296 = arith.constant 0 : i32
      %dma_wait3A_297 = tpu.memref_slice %arg13[%dma_wait3A_295, %dma_wait3A_296] : memref<2048x128xf32, #tpu.memory_space<vmem_shared>> -> memref<2048x128xf32, #tpu.memory_space<vmem_shared>>
      tpu.wait_indirect_dma semaphore(%arg20 : memref<!tpu.dma_semaphore, #tpu.memory_space<semaphore_mem>>) src(%arg9 : memref<128x128xf32, #tpu.memory_space<vmem>>) dst(%dma_wait3A_297 : memref<2048x128xf32, #tpu.memory_space<vmem_shared>>)
      %add3A_298 = arith.constant 5 : i32
      %add3A_299 = arith.addi %add3A_279, %add3A_298 : i32
      %sub3A_300 = arith.constant 1 : i32
      %sub3A_301 = arith.subi %add3A_299, %sub3A_300 : i32
      %lt3A_302 = arith.constant 20 : i32
      %lt3A_303 = arith.cmpi slt, %sub3A_301, %lt3A_302 : i32
      %convert_element_type3A_304 = arith.extui %lt3A_303 : i1 to i32
      %cond3A_305 = arith.constant 0 : i32
      %cond3A_306 = arith.cmpi ne, %convert_element_type3A_304, %cond3A_305 : i32
      scf.if %cond3A_306 {
        %dma_start3A_383 = arith.constant 0 : i32
        %dma_start3A_384 = tpu.memref_slice %arg6[%sub3A_301, %dma_start3A_383] : memref<20x128xi32, #tpu.memory_space<vmem>> -> memref<1x128xi32, #tpu.memory_space<vmem>>
        %dma_start3A_385 = tpu.memref_squeeze %dma_start3A_384 : memref<1x128xi32, #tpu.memory_space<vmem>> -> memref<128xi32, #tpu.memory_space<vmem>>
        %dma_start3A_386 = arith.constant 0 : i32
        %dma_start3A_387 = arith.constant 0 : i32
        %dma_start3A_388 = tpu.memref_slice %arg4[%dma_start3A_386, %dma_start3A_387] : memref<100000x128xf32, #tpu.memory_space<hbm>> -> memref<100000x128xf32, #tpu.memory_space<hbm>>
        tpu.enqueue_indirect_dma source(%dma_start3A_388 : memref<100000x128xf32, #tpu.memory_space<hbm>>) target(%arg9 : memref<128x128xf32, #tpu.memory_space<vmem>>) offsets(%dma_start3A_385 : memref<128xi32, #tpu.memory_space<vmem>>) semaphore(%arg15 : memref<!tpu.dma_semaphore, #tpu.memory_space<semaphore_mem>>)
      } else {
      }
      %mul3A_307 = arith.constant 5 : i32
      %mul3A_308 = arith.muli %scan3A_217, %mul3A_307 : i32
      %add3A_309 = arith.constant 3 : i32
      %add3A_310 = arith.addi %mul3A_308, %add3A_309 : i32
      %dma_wait3A_311 = arith.constant 0 : i32
      %dma_wait3A_312 = tpu.memref_slice %arg6[%add3A_310, %dma_wait3A_311] : memref<20x128xi32, #tpu.memory_space<vmem>> -> memref<1x128xi32, #tpu.memory_space<vmem>>
      %dma_wait3A_313 = tpu.memref_squeeze %dma_wait3A_312 : memref<1x128xi32, #tpu.memory_space<vmem>> -> memref<128xi32, #tpu.memory_space<vmem>>
      %dma_wait3A_314 = arith.constant 0 : i32
      %dma_wait3A_315 = arith.constant 0 : i32
      %dma_wait3A_316 = tpu.memref_slice %arg4[%dma_wait3A_314, %dma_wait3A_315] : memref<100000x128xf32, #tpu.memory_space<hbm>> -> memref<100000x128xf32, #tpu.memory_space<hbm>>
      tpu.wait_indirect_dma semaphore(%arg17 : memref<!tpu.dma_semaphore, #tpu.memory_space<semaphore_mem>>) src(%dma_wait3A_316 : memref<100000x128xf32, #tpu.memory_space<hbm>>) dst(%arg11 : memref<128x128xf32, #tpu.memory_space<vmem>>)
      %dma_start3A_317 = arith.constant 0 : i32
      %dma_start3A_318 = tpu.memref_slice %arg7[%add3A_310, %dma_start3A_317] : memref<20x128xi32, #tpu.memory_space<vmem>> -> memref<1x128xi32, #tpu.memory_space<vmem>>
      %dma_start3A_319 = tpu.memref_squeeze %dma_start3A_318 : memref<1x128xi32, #tpu.memory_space<vmem>> -> memref<128xi32, #tpu.memory_space<vmem>>
      %dma_start3A_320 = arith.constant 0 : i32
      %dma_start3A_321 = arith.constant 0 : i32
      %dma_start3A_322 = tpu.memref_slice %arg13[%dma_start3A_320, %dma_start3A_321] : memref<2048x128xf32, #tpu.memory_space<vmem_shared>> -> memref<2048x128xf32, #tpu.memory_space<vmem_shared>>
      tpu.enqueue_indirect_dma source(%arg11 : memref<128x128xf32, #tpu.memory_space<vmem>>) target(%dma_start3A_322 : memref<2048x128xf32, #tpu.memory_space<vmem_shared>>) offsets(%dma_start3A_319 : memref<128xi32, #tpu.memory_space<vmem>>) semaphore(%arg22 : memref<!tpu.dma_semaphore, #tpu.memory_space<semaphore_mem>>) {add = true}
      %dma_wait3A_323 = arith.constant 0 : i32
      %dma_wait3A_324 = tpu.memref_slice %arg7[%add3A_310, %dma_wait3A_323] : memref<20x128xi32, #tpu.memory_space<vmem>> -> memref<1x128xi32, #tpu.memory_space<vmem>>
      %dma_wait3A_325 = tpu.memref_squeeze %dma_wait3A_324 : memref<1x128xi32, #tpu.memory_space<vmem>> -> memref<128xi32, #tpu.memory_space<vmem>>
      %dma_wait3A_326 = arith.constant 0 : i32
      %dma_wait3A_327 = arith.constant 0 : i32
      %dma_wait3A_328 = tpu.memref_slice %arg13[%dma_wait3A_326, %dma_wait3A_327] : memref<2048x128xf32, #tpu.memory_space<vmem_shared>> -> memref<2048x128xf32, #tpu.memory_space<vmem_shared>>
      tpu.wait_indirect_dma semaphore(%arg21 : memref<!tpu.dma_semaphore, #tpu.memory_space<semaphore_mem>>) src(%arg10 : memref<128x128xf32, #tpu.memory_space<vmem>>) dst(%dma_wait3A_328 : memref<2048x128xf32, #tpu.memory_space<vmem_shared>>)
      %add3A_329 = arith.constant 5 : i32
      %add3A_330 = arith.addi %add3A_310, %add3A_329 : i32
      %sub3A_331 = arith.constant 1 : i32
      %sub3A_332 = arith.subi %add3A_330, %sub3A_331 : i32
      %lt3A_333 = arith.constant 20 : i32
      %lt3A_334 = arith.cmpi slt, %sub3A_332, %lt3A_333 : i32
      %convert_element_type3A_335 = arith.extui %lt3A_334 : i1 to i32
      %cond3A_336 = arith.constant 0 : i32
      %cond3A_337 = arith.cmpi ne, %convert_element_type3A_335, %cond3A_336 : i32
      scf.if %cond3A_337 {
        %dma_start3A_383 = arith.constant 0 : i32
        %dma_start3A_384 = tpu.memref_slice %arg6[%sub3A_332, %dma_start3A_383] : memref<20x128xi32, #tpu.memory_space<vmem>> -> memref<1x128xi32, #tpu.memory_space<vmem>>
        %dma_start3A_385 = tpu.memref_squeeze %dma_start3A_384 : memref<1x128xi32, #tpu.memory_space<vmem>> -> memref<128xi32, #tpu.memory_space<vmem>>
        %dma_start3A_386 = arith.constant 0 : i32
        %dma_start3A_387 = arith.constant 0 : i32
        %dma_start3A_388 = tpu.memref_slice %arg4[%dma_start3A_386, %dma_start3A_387] : memref<100000x128xf32, #tpu.memory_space<hbm>> -> memref<100000x128xf32, #tpu.memory_space<hbm>>
        tpu.enqueue_indirect_dma source(%dma_start3A_388 : memref<100000x128xf32, #tpu.memory_space<hbm>>) target(%arg10 : memref<128x128xf32, #tpu.memory_space<vmem>>) offsets(%dma_start3A_385 : memref<128xi32, #tpu.memory_space<vmem>>) semaphore(%arg16 : memref<!tpu.dma_semaphore, #tpu.memory_space<semaphore_mem>>)
      } else {
      }
      %mul3A_338 = arith.constant 5 : i32
      %mul3A_339 = arith.muli %scan3A_217, %mul3A_338 : i32
      %add3A_340 = arith.constant 4 : i32
      %add3A_341 = arith.addi %mul3A_339, %add3A_340 : i32
      %dma_wait3A_342 = arith.constant 0 : i32
      %dma_wait3A_343 = tpu.memref_slice %arg6[%add3A_341, %dma_wait3A_342] : memref<20x128xi32, #tpu.memory_space<vmem>> -> memref<1x128xi32, #tpu.memory_space<vmem>>
      %dma_wait3A_344 = tpu.memref_squeeze %dma_wait3A_343 : memref<1x128xi32, #tpu.memory_space<vmem>> -> memref<128xi32, #tpu.memory_space<vmem>>
      %dma_wait3A_345 = arith.constant 0 : i32
      %dma_wait3A_346 = arith.constant 0 : i32
      %dma_wait3A_347 = tpu.memref_slice %arg4[%dma_wait3A_345, %dma_wait3A_346] : memref<100000x128xf32, #tpu.memory_space<hbm>> -> memref<100000x128xf32, #tpu.memory_space<hbm>>
      tpu.wait_indirect_dma semaphore(%arg18 : memref<!tpu.dma_semaphore, #tpu.memory_space<semaphore_mem>>) src(%dma_wait3A_347 : memref<100000x128xf32, #tpu.memory_space<hbm>>) dst(%arg12 : memref<128x128xf32, #tpu.memory_space<vmem>>)
      %dma_start3A_348 = arith.constant 0 : i32
      %dma_start3A_349 = tpu.memref_slice %arg7[%add3A_341, %dma_start3A_348] : memref<20x128xi32, #tpu.memory_space<vmem>> -> memref<1x128xi32, #tpu.memory_space<vmem>>
      %dma_start3A_350 = tpu.memref_squeeze %dma_start3A_349 : memref<1x128xi32, #tpu.memory_space<vmem>> -> memref<128xi32, #tpu.memory_space<vmem>>
      %dma_start3A_351 = arith.constant 0 : i32
      %dma_start3A_352 = arith.constant 0 : i32
      %dma_start3A_353 = tpu.memref_slice %arg13[%dma_start3A_351, %dma_start3A_352] : memref<2048x128xf32, #tpu.memory_space<vmem_shared>> -> memref<2048x128xf32, #tpu.memory_space<vmem_shared>>
      tpu.enqueue_indirect_dma source(%arg12 : memref<128x128xf32, #tpu.memory_space<vmem>>) target(%dma_start3A_353 : memref<2048x128xf32, #tpu.memory_space<vmem_shared>>) offsets(%dma_start3A_350 : memref<128xi32, #tpu.memory_space<vmem>>) semaphore(%arg23 : memref<!tpu.dma_semaphore, #tpu.memory_space<semaphore_mem>>) {add = true}
      %dma_wait3A_354 = arith.constant 0 : i32
      %dma_wait3A_355 = tpu.memref_slice %arg7[%add3A_341, %dma_wait3A_354] : memref<20x128xi32, #tpu.memory_space<vmem>> -> memref<1x128xi32, #tpu.memory_space<vmem>>
      %dma_wait3A_356 = tpu.memref_squeeze %dma_wait3A_355 : memref<1x128xi32, #tpu.memory_space<vmem>> -> memref<128xi32, #tpu.memory_space<vmem>>
      %dma_wait3A_357 = arith.constant 0 : i32
      %dma_wait3A_358 = arith.constant 0 : i32
      %dma_wait3A_359 = tpu.memref_slice %arg13[%dma_wait3A_357, %dma_wait3A_358] : memref<2048x128xf32, #tpu.memory_space<vmem_shared>> -> memref<2048x128xf32, #tpu.memory_space<vmem_shared>>
      tpu.wait_indirect_dma semaphore(%arg22 : memref<!tpu.dma_semaphore, #tpu.memory_space<semaphore_mem>>) src(%arg11 : memref<128x128xf32, #tpu.memory_space<vmem>>) dst(%dma_wait3A_359 : memref<2048x128xf32, #tpu.memory_space<vmem_shared>>)
      %add3A_360 = arith.constant 5 : i32
      %add3A_361 = arith.addi %add3A_341, %add3A_360 : i32
      %sub3A_362 = arith.constant 1 : i32
      %sub3A_363 = arith.subi %add3A_361, %sub3A_362 : i32
      %lt3A_364 = arith.constant 20 : i32
      %lt3A_365 = arith.cmpi slt, %sub3A_363, %lt3A_364 : i32
      %convert_element_type3A_366 = arith.extui %lt3A_365 : i1 to i32
      %cond3A_367 = arith.constant 0 : i32
      %cond3A_368 = arith.cmpi ne, %convert_element_type3A_366, %cond3A_367 : i32
      scf.if %cond3A_368 {
        %dma_start3A_383 = arith.constant 0 : i32
        %dma_start3A_384 = tpu.memref_slice %arg6[%sub3A_363, %dma_start3A_383] : memref<20x128xi32, #tpu.memory_space<vmem>> -> memref<1x128xi32, #tpu.memory_space<vmem>>
        %dma_start3A_385 = tpu.memref_squeeze %dma_start3A_384 : memref<1x128xi32, #tpu.memory_space<vmem>> -> memref<128xi32, #tpu.memory_space<vmem>>
        %dma_start3A_386 = arith.constant 0 : i32
        %dma_start3A_387 = arith.constant 0 : i32
        %dma_start3A_388 = tpu.memref_slice %arg4[%dma_start3A_386, %dma_start3A_387] : memref<100000x128xf32, #tpu.memory_space<hbm>> -> memref<100000x128xf32, #tpu.memory_space<hbm>>
        tpu.enqueue_indirect_dma source(%dma_start3A_388 : memref<100000x128xf32, #tpu.memory_space<hbm>>) target(%arg11 : memref<128x128xf32, #tpu.memory_space<vmem>>) offsets(%dma_start3A_385 : memref<128xi32, #tpu.memory_space<vmem>>) semaphore(%arg17 : memref<!tpu.dma_semaphore, #tpu.memory_space<semaphore_mem>>)
      } else {
      }
      %eq3A = arith.constant 1 : i32
      %eq3A_369 = arith.cmpi eq, %scan3A_217, %eq3A : i32
      %convert_element_type3A_370 = arith.extui %eq3A_369 : i1 to i32
      %cond3A_371 = arith.constant 0 : i32
      %cond3A_372 = arith.cmpi ne, %convert_element_type3A_370, %cond3A_371 : i32
      scf.if %cond3A_372 {
        %add3A_383 = arith.constant 0 : i32
        %add3A_384 = arith.addi %mul3A_2, %add3A_383 : i32
        %mul3A_385 = arith.constant 128 : i32
        %mul3A_386 = arith.muli %add3A, %mul3A_385 : i32
        %add3A_387 = arith.constant 0 : i32
        %add3A_388 = arith.addi %mul3A_386, %add3A_387 : i32
        %dma_start3A_389 = arith.constant 0 : i32
        %dma_start3A_390 = tpu.memref_slice %arg5[%add3A_388, %dma_start3A_389] : memref<4096x128xf32, #tpu.memory_space<hbm>> -> memref<56x128xf32, #tpu.memory_space<hbm>>
        %dma_start3A_391 = arith.constant 0 : i32
        %dma_start3A_392 = tpu.memref_slice %arg13[%add3A_384, %dma_start3A_391] : memref<2048x128xf32, #tpu.memory_space<vmem_shared>> -> memref<56x128xf32, #tpu.memory_space<vmem_shared>>
        tpu.enqueue_dma source(%dma_start3A_392 : memref<56x128xf32, #tpu.memory_space<vmem_shared>>) target(%dma_start3A_390 : memref<56x128xf32, #tpu.memory_space<hbm>>) target_semaphore(%arg24 : memref<!tpu.dma_semaphore, #tpu.memory_space<semaphore_mem>>)
      } else {
      }
      %eq3A_373 = arith.constant 2 : i32
      %eq3A_374 = arith.cmpi eq, %scan3A_217, %eq3A_373 : i32
      %convert_element_type3A_375 = arith.extui %eq3A_374 : i1 to i32
      %cond3A_376 = arith.constant 0 : i32
      %cond3A_377 = arith.cmpi ne, %convert_element_type3A_375, %cond3A_376 : i32
      scf.if %cond3A_377 {
        %add3A_383 = arith.constant 56 : i32
        %add3A_384 = arith.addi %mul3A_2, %add3A_383 : i32
        %mul3A_385 = arith.constant 128 : i32
        %mul3A_386 = arith.muli %add3A, %mul3A_385 : i32
        %add3A_387 = arith.constant 56 : i32
        %add3A_388 = arith.addi %mul3A_386, %add3A_387 : i32
        %dma_start3A_389 = arith.constant 0 : i32
        %dma_start3A_390 = tpu.memref_slice %arg5[%add3A_388, %dma_start3A_389] : memref<4096x128xf32, #tpu.memory_space<hbm>> -> memref<32x128xf32, #tpu.memory_space<hbm>>
        %dma_start3A_391 = arith.constant 0 : i32
        %dma_start3A_392 = tpu.memref_slice %arg13[%add3A_384, %dma_start3A_391] : memref<2048x128xf32, #tpu.memory_space<vmem_shared>> -> memref<32x128xf32, #tpu.memory_space<vmem_shared>>
        tpu.enqueue_dma source(%dma_start3A_392 : memref<32x128xf32, #tpu.memory_space<vmem_shared>>) target(%dma_start3A_390 : memref<32x128xf32, #tpu.memory_space<hbm>>) target_semaphore(%arg24 : memref<!tpu.dma_semaphore, #tpu.memory_space<semaphore_mem>>)
      } else {
      }
      %eq3A_378 = arith.constant 3 : i32
      %eq3A_379 = arith.cmpi eq, %scan3A_217, %eq3A_378 : i32
      %convert_element_type3A_380 = arith.extui %eq3A_379 : i1 to i32
      %cond3A_381 = arith.constant 0 : i32
      %cond3A_382 = arith.cmpi ne, %convert_element_type3A_380, %cond3A_381 : i32
      scf.if %cond3A_382 {
        %add3A_383 = arith.constant 88 : i32
        %add3A_384 = arith.addi %mul3A_2, %add3A_383 : i32
        %mul3A_385 = arith.constant 128 : i32
        %mul3A_386 = arith.muli %add3A, %mul3A_385 : i32
        %add3A_387 = arith.constant 88 : i32
        %add3A_388 = arith.addi %mul3A_386, %add3A_387 : i32
        %dma_start3A_389 = arith.constant 0 : i32
        %dma_start3A_390 = tpu.memref_slice %arg5[%add3A_388, %dma_start3A_389] : memref<4096x128xf32, #tpu.memory_space<hbm>> -> memref<32x128xf32, #tpu.memory_space<hbm>>
        %dma_start3A_391 = arith.constant 0 : i32
        %dma_start3A_392 = tpu.memref_slice %arg13[%add3A_384, %dma_start3A_391] : memref<2048x128xf32, #tpu.memory_space<vmem_shared>> -> memref<32x128xf32, #tpu.memory_space<vmem_shared>>
        tpu.enqueue_dma source(%dma_start3A_392 : memref<32x128xf32, #tpu.memory_space<vmem_shared>>) target(%dma_start3A_390 : memref<32x128xf32, #tpu.memory_space<hbm>>) target_semaphore(%arg24 : memref<!tpu.dma_semaphore, #tpu.memory_space<semaphore_mem>>)
      } else {
      }
    }
    %scan3A_173 = arith.constant 3 : i32
    %dma_wait3A_174 = arith.constant 0 : i32
    %dma_wait3A_175 = arith.constant 0 : i32
    %dma_wait3A_176 = tpu.memref_slice %arg7[%dma_wait3A_174, %dma_wait3A_175] : memref<20x128xi32, #tpu.memory_space<vmem>> -> memref<1x128xi32, #tpu.memory_space<vmem>>
    %dma_wait3A_177 = tpu.memref_squeeze %dma_wait3A_176 : memref<1x128xi32, #tpu.memory_space<vmem>> -> memref<128xi32, #tpu.memory_space<vmem>>
    %dma_wait3A_178 = arith.constant 0 : i32
    %dma_wait3A_179 = arith.constant 0 : i32
    %dma_wait3A_180 = tpu.memref_slice %arg13[%dma_wait3A_178, %dma_wait3A_179] : memref<2048x128xf32, #tpu.memory_space<vmem_shared>> -> memref<2048x128xf32, #tpu.memory_space<vmem_shared>>
    tpu.wait_indirect_dma semaphore(%arg23 : memref<!tpu.dma_semaphore, #tpu.memory_space<semaphore_mem>>) src(%arg12 : memref<128x128xf32, #tpu.memory_space<vmem>>) dst(%dma_wait3A_180 : memref<2048x128xf32, #tpu.memory_space<vmem_shared>>)
    %add3A_181 = arith.constant 120 : i32
    %add3A_182 = arith.addi %mul3A_2, %add3A_181 : i32
    %mul3A_183 = arith.constant 128 : i32
    %mul3A_184 = arith.muli %add3A, %mul3A_183 : i32
    %add3A_185 = arith.constant 120 : i32
    %add3A_186 = arith.addi %mul3A_184, %add3A_185 : i32
    "tpu.region"() ({
      %run_scoped3A = tpu.sem_alloc : memref<!tpu.dma_semaphore, #tpu.memory_space<semaphore_mem>>
      %dma_start3A_217 = arith.constant 0 : i32
      %dma_start3A_218 = tpu.memref_slice %arg5[%add3A_186, %dma_start3A_217] : memref<4096x128xf32, #tpu.memory_space<hbm>> -> memref<8x128xf32, #tpu.memory_space<hbm>>
      %dma_start3A_219 = arith.constant 0 : i32
      %dma_start3A_220 = tpu.memref_slice %arg13[%add3A_182, %dma_start3A_219] : memref<2048x128xf32, #tpu.memory_space<vmem_shared>> -> memref<8x128xf32, #tpu.memory_space<vmem_shared>>
      tpu.enqueue_dma source(%dma_start3A_220 : memref<8x128xf32, #tpu.memory_space<vmem_shared>>) target(%dma_start3A_218 : memref<8x128xf32, #tpu.memory_space<hbm>>) target_semaphore(%run_scoped3A : memref<!tpu.dma_semaphore, #tpu.memory_space<semaphore_mem>>)
      %dma_wait3A_221 = arith.constant 0 : i32
      %dma_wait3A_222 = tpu.memref_slice %arg5[%add3A_186, %dma_wait3A_221] : memref<4096x128xf32, #tpu.memory_space<hbm>> -> memref<8x128xf32, #tpu.memory_space<hbm>>
      %dma_wait3A_223 = arith.constant 0 : i32
      %dma_wait3A_224 = tpu.memref_slice %arg13[%add3A_182, %dma_wait3A_223] : memref<2048x128xf32, #tpu.memory_space<vmem_shared>> -> memref<8x128xf32, #tpu.memory_space<vmem_shared>>
      tpu.wait_dma2 semaphore(%run_scoped3A : memref<!tpu.dma_semaphore, #tpu.memory_space<semaphore_mem>>) src(%dma_wait3A_224 : memref<8x128xf32, #tpu.memory_space<vmem_shared>>) dst(%dma_wait3A_222 : memref<8x128xf32, #tpu.memory_space<hbm>>)
      tpu.yield
    }) : () -> ()
    %add3A_187 = arith.constant 0 : i32
    %add3A_188 = arith.addi %mul3A_2, %add3A_187 : i32
    %mul3A_189 = arith.constant 128 : i32
    %mul3A_190 = arith.muli %add3A, %mul3A_189 : i32
    %add3A_191 = arith.constant 0 : i32
    %add3A_192 = arith.addi %mul3A_190, %add3A_191 : i32
    %dma_wait3A_193 = arith.constant 0 : i32
    %dma_wait3A_194 = tpu.memref_slice %arg5[%add3A_192, %dma_wait3A_193] : memref<4096x128xf32, #tpu.memory_space<hbm>> -> memref<56x128xf32, #tpu.memory_space<hbm>>
    %dma_wait3A_195 = arith.constant 0 : i32
    %dma_wait3A_196 = tpu.memref_slice %arg13[%add3A_188, %dma_wait3A_195] : memref<2048x128xf32, #tpu.memory_space<vmem_shared>> -> memref<56x128xf32, #tpu.memory_space<vmem_shared>>
    tpu.wait_dma2 semaphore(%arg24 : memref<!tpu.dma_semaphore, #tpu.memory_space<semaphore_mem>>) src(%dma_wait3A_196 : memref<56x128xf32, #tpu.memory_space<vmem_shared>>) dst(%dma_wait3A_194 : memref<56x128xf32, #tpu.memory_space<hbm>>)
    %add3A_197 = arith.constant 56 : i32
    %add3A_198 = arith.addi %mul3A_2, %add3A_197 : i32
    %mul3A_199 = arith.constant 128 : i32
    %mul3A_200 = arith.muli %add3A, %mul3A_199 : i32
    %add3A_201 = arith.constant 56 : i32
    %add3A_202 = arith.addi %mul3A_200, %add3A_201 : i32
    %dma_wait3A_203 = arith.constant 0 : i32
    %dma_wait3A_204 = tpu.memref_slice %arg5[%add3A_202, %dma_wait3A_203] : memref<4096x128xf32, #tpu.memory_space<hbm>> -> memref<32x128xf32, #tpu.memory_space<hbm>>
    %dma_wait3A_205 = arith.constant 0 : i32
    %dma_wait3A_206 = tpu.memref_slice %arg13[%add3A_198, %dma_wait3A_205] : memref<2048x128xf32, #tpu.memory_space<vmem_shared>> -> memref<32x128xf32, #tpu.memory_space<vmem_shared>>
    tpu.wait_dma2 semaphore(%arg24 : memref<!tpu.dma_semaphore, #tpu.memory_space<semaphore_mem>>) src(%dma_wait3A_206 : memref<32x128xf32, #tpu.memory_space<vmem_shared>>) dst(%dma_wait3A_204 : memref<32x128xf32, #tpu.memory_space<hbm>>)
    %add3A_207 = arith.constant 88 : i32
    %add3A_208 = arith.addi %mul3A_2, %add3A_207 : i32
    %mul3A_209 = arith.constant 128 : i32
    %mul3A_210 = arith.muli %add3A, %mul3A_209 : i32
    %add3A_211 = arith.constant 88 : i32
    %add3A_212 = arith.addi %mul3A_210, %add3A_211 : i32
    %dma_wait3A_213 = arith.constant 0 : i32
    %dma_wait3A_214 = tpu.memref_slice %arg5[%add3A_212, %dma_wait3A_213] : memref<4096x128xf32, #tpu.memory_space<hbm>> -> memref<32x128xf32, #tpu.memory_space<hbm>>
    %dma_wait3A_215 = arith.constant 0 : i32
    %dma_wait3A_216 = tpu.memref_slice %arg13[%add3A_208, %dma_wait3A_215] : memref<2048x128xf32, #tpu.memory_space<vmem_shared>> -> memref<32x128xf32, #tpu.memory_space<vmem_shared>>
    tpu.wait_dma2 semaphore(%arg24 : memref<!tpu.dma_semaphore, #tpu.memory_space<semaphore_mem>>) src(%dma_wait3A_216 : memref<32x128xf32, #tpu.memory_space<vmem_shared>>) dst(%dma_wait3A_214 : memref<32x128xf32, #tpu.memory_space<hbm>>)
    return
  }
}

module attributes {stable_mosaic.version = 14 : i64} {
  func.func @_mlp_body(%arg0: i32, %arg1: memref<512x128xf32, #tpu.memory_space<vmem>>, %arg2: memref<128x1024xf32, #tpu.memory_space<vmem>>, %arg3: memref<1x1024xf32, #tpu.memory_space<vmem>>, %arg4: memref<1024x1xf32, #tpu.memory_space<vmem>>, %arg5: memref<1x1xf32, #tpu.memory_space<vmem>>, %arg6: memref<512x1xf32, #tpu.memory_space<vmem>>) attributes {dimension_semantics = [#tpu.dimension_semantics<arbitrary>], iteration_bounds = array<i64: 8>, scalar_prefetch = 0 : i64, scratch_operands = 0 : i64, tpu.core_type = #tpu.core_type<tc>, window_params = [{transform_indices = @transform_0, window_bounds = array<i64: 512, 128>}, {pipeline_mode = #tpu.pipeline_mode<synchronous>, transform_indices = @transform_1, window_bounds = array<i64: 128, 1024>}, {pipeline_mode = #tpu.pipeline_mode<synchronous>, transform_indices = @transform_2, window_bounds = array<i64: 1, 1024>}, {pipeline_mode = #tpu.pipeline_mode<synchronous>, transform_indices = @transform_3, window_bounds = array<i64: 1024, 1>}, {pipeline_mode = #tpu.pipeline_mode<synchronous>, transform_indices = @transform_4, window_bounds = array<i64: 1, 1>}, {transform_indices = @transform_5, window_bounds = array<i64: 512, 1>}]} {
    %get3A = arith.constant 0 : index
    %get3A_0 = arith.constant 0 : index
    %get3A_1 = vector.load %arg1[%get3A, %get3A_0] : memref<512x128xf32, #tpu.memory_space<vmem>>, vector<512x128xf32>
    %mul3A = arith.constant 5.000000e-02 : f32
    %mul3A_2 = vector.broadcast %mul3A : f32 to vector<512x128xf32>
    %mul3A_3 = arith.mulf %get3A_1, %mul3A_2 : vector<512x128xf32>
    %get3A_4 = arith.constant 0 : index
    %get3A_5 = arith.constant 0 : index
    %get3A_6 = vector.load %arg2[%get3A_4, %get3A_5] : memref<128x1024xf32, #tpu.memory_space<vmem>>, vector<128x1024xf32>
    %dot_general3A = arith.constant dense<0.000000e+00> : vector<512x1024xf32>
    %dot_general3A_7 = tpu.matmul %mul3A_3, %get3A_6, %dot_general3A {dimension_numbers = #tpu.dot_dimension_numbers<[1], [0], [0], [1], [0, 0, 1, 1], [], []>, transpose_lhs_hint = false} : vector<512x128xf32>, vector<128x1024xf32>, vector<512x1024xf32> -> vector<512x1024xf32>
    %get3A_8 = arith.constant 0 : index
    %get3A_9 = arith.constant 0 : index
    %get3A_10 = vector.load %arg3[%get3A_8, %get3A_9] : memref<1x1024xf32, #tpu.memory_space<vmem>>, vector<1x1024xf32>
    %add3A = vector.broadcast %get3A_10 : vector<1x1024xf32> to vector<512x1024xf32>
    %add3A_11 = arith.addf %dot_general3A_7, %add3A : vector<512x1024xf32>
    %max3A = arith.constant 0.000000e+00 : f32
    %max3A_12 = vector.broadcast %max3A : f32 to vector<512x1024xf32>
    %max3A_13 = arith.maximumf %add3A_11, %max3A_12 : vector<512x1024xf32>
    %get3A_14 = arith.constant 0 : index
    %get3A_15 = arith.constant 0 : index
    %get3A_16 = vector.load %arg4[%get3A_14, %get3A_15] : memref<1024x1xf32, #tpu.memory_space<vmem>>, vector<1024x1xf32>
    %dot_general3A_17 = arith.constant dense<0.000000e+00> : vector<512x1xf32>
    %dot_general3A_18 = tpu.matmul %max3A_13, %get3A_16, %dot_general3A_17 {dimension_numbers = #tpu.dot_dimension_numbers<[1], [0], [0], [1], [0, 0, 1, 1], [], []>, transpose_lhs_hint = false} : vector<512x1024xf32>, vector<1024x1xf32>, vector<512x1xf32> -> vector<512x1xf32>
    %get3A_19 = arith.constant 0 : index
    %get3A_20 = arith.constant 0 : index
    %get3A_21 = vector.load %arg5[%get3A_19, %get3A_20] : memref<1x1xf32, #tpu.memory_space<vmem>>, vector<1x1xf32>
    %add3A_22 = vector.broadcast %get3A_21 : vector<1x1xf32> to vector<512x1xf32>
    %add3A_23 = arith.addf %dot_general3A_18, %add3A_22 : vector<512x1xf32>
    %logistic3A = arith.negf %add3A_23 : vector<512x1xf32>
    %logistic3A_24 = math.exp %logistic3A : vector<512x1xf32>
    %logistic3A_25 = arith.constant 1.000000e+00 : f32
    %logistic3A_26 = vector.broadcast %logistic3A_25 : f32 to vector<512x1xf32>
    %logistic3A_27 = arith.addf %logistic3A_26, %logistic3A_24 : vector<512x1xf32>
    %logistic3A_28 = arith.divf %logistic3A_26, %logistic3A_27 : vector<512x1xf32>
    %swap3A = arith.constant 0 : index
    %swap3A_29 = arith.constant 0 : index
    %swap3A_30 = vector.load %arg6[%swap3A, %swap3A_29] : memref<512x1xf32, #tpu.memory_space<vmem>>, vector<512x1xf32>
    tpu.vector_store %arg6[%swap3A, %swap3A_29], %logistic3A_28 {strides = array<i32>} : memref<512x1xf32, #tpu.memory_space<vmem>>, vector<512x1xf32>,
    return
  }
  func.func @transform_0(%arg0: i32) -> (i32, i32) {
    %c0_i32 = arith.constant 0 : i32
    %c0_i32_0 = arith.constant 0 : i32
    return %arg0, %c0_i32 : i32, i32
  }
  func.func @transform_1(%arg0: i32) -> (i32, i32) {
    %c0_i32 = arith.constant 0 : i32
    %c0_i32_0 = arith.constant 0 : i32
    %c0_i32_1 = arith.constant 0 : i32
    return %c0_i32, %c0_i32_0 : i32, i32
  }
  func.func @transform_2(%arg0: i32) -> (i32, i32) {
    %c0_i32 = arith.constant 0 : i32
    %c0_i32_0 = arith.constant 0 : i32
    %c0_i32_1 = arith.constant 0 : i32
    return %c0_i32, %c0_i32_0 : i32, i32
  }
  func.func @transform_3(%arg0: i32) -> (i32, i32) {
    %c0_i32 = arith.constant 0 : i32
    %c0_i32_0 = arith.constant 0 : i32
    %c0_i32_1 = arith.constant 0 : i32
    return %c0_i32, %c0_i32_0 : i32, i32
  }
  func.func @transform_4(%arg0: i32) -> (i32, i32) {
    %c0_i32 = arith.constant 0 : i32
    %c0_i32_0 = arith.constant 0 : i32
    %c0_i32_1 = arith.constant 0 : i32
    return %c0_i32, %c0_i32_0 : i32, i32
  }
  func.func @transform_5(%arg0: i32) -> (i32, i32) {
    %c0_i32 = arith.constant 0 : i32
    %c0_i32_0 = arith.constant 0 : i32
    return %arg0, %c0_i32 : i32, i32
  }
}

</mosaic_0001>

<sc_bundles>
// kernel: kernel.10.cloned.1.call-start
scs
__scs_entry_jumppad:
0x0: {  	(pc) =	sbr.rel $0x88, $3  }
0x1: {  	(tag) =	ssettag $0x0;
	lr =	simm.s32 $0x1  }
0x2: {  	[smem:$0x3F9B] =	sst lr;
	_ =	strace $0xD0000000  }
0x3: {  	_ = 	snop  }
0x4: {  	_ = 	snop  }
0x5: {  	_ = 	snop  }
0x6: {  	_ = 	snop  }
0x7: {  	_ = 	snop  }
__scs_overlays_trampoline_lowered:
0x8: {  	[smem:$0x3FAA] =	sst s0  }
0x9: {  	[smem:$0x3FAB] =	sst s1  }
0xa: {  	[smem:$0x3FAC] =	sst s2  }
0xb: {  	[smem:$0x3FAD] =	sst s3  }
0xc: {  	[smem:$0x3FAE] =	sst s4  }
0xd: {  	[smem:$0x3FAF] =	sst s5  }
0xe: {  	[smem:$0x3FB0] =	sst s6  }
0xf: {  	[smem:$0x3FB1] =	sst s7  }
0x10: {  	[smem:$0x3FB2] =	sst s8  }
0x11: {  	[smem:$0x3FB3] =	sst s9;
	s0 =	simm.s32 @!p0 $0x0  }
0x12: {  	s1 =	sld [smem:$0x3F99];
	s0 =	simm.s32 @p0 $0x1  }
0x13: {  	[smem:$0x3FB4] =	sst s0;
	s0 =	simm.s32 @!p1 $0x0  }
0x14: {  	s2 =	sld [smem:$0x3F98];
	s0 =	simm.s32 @p1 $0x1  }
0x15: {  	[smem:$0x3FB5] =	sst s0;
	s0 =	simm.s32 @!p2 $0x0  }
0x16: {  	s3 =	sld [smem:$0x3FDB];
	s0 =	simm.s32 @p2 $0x1  }
0x17: {  	s4 =	simm.s32 $0x1BF5;
	[smem:$0x3FB7] =	sst s0  }
0x18: {  	s0 =	sld [smem:$0x3F9A];
	_ =	swait.ge [sflag:s4], $0x0  }
0x19: {  	s7 =	sld [smem:$0x3F9B]  }
0x1a: {  	s8 =	sadd.s32 $0xFFFFE003, lr  }
0x1b: {  	s9 =	sadd.s32 $0xFFFFFEF7, lr;
	s5 =	simm.s32 $0xFFFFFFFF;
	p2 =	slt.u32 s8, $0xFFFFF086  }
0x1c: {  	p1 =	slt.u32 s9, $0xF7A;
	s5 =	simm.s32 @!p2 $0x0  }
0x1d: {  	s5 =	simm.s32 @p1 $0x1;
	p0 =	seq.s32 s7, s2  }
0x1e: {  	s7 =	smul.u32 @!p0 $0xF7A, s2;
	p2 =	seq.s32 @!p0 s5, $0x0  }
0x1f: {  	s9 =	smul.u32 $0xF7A, s1;
	s8 =	simm.s32 @!p0 $0x1BF5;
	p2 =	por !p2, p0  }
0x20: {  	[sflag:s8] =	ssyncset.s32 @!p0 $0xFFFFF086;
	s6 =	sadd.s32 @!p0 s3, s7;
	s7 =	simm.s32 @!p0 $0x108  }
0x21: {  	s3 =	sadd.s32 s3, s9;
	s6 =	sadd.s32 @!p0 $0x88, s6;
	s7 =	simm.s32 @p2 $0x1082  }
0x22: {  	[simem:s7], [sflag:s8] =	dma.local @!p0 [hbm:s6], $0xF7A  }
0x23: {  	s9 =	sor.u32 $0xD0000000, s2;
	s6 =	simm.s32 $0x108;
	_ =	swait.ge @!p0 [sflag:s8], $0x0  }
0x24: {  	s3 =	sadd.s32 $0x88, s3;
	s6 =	simm.s32 @!p1 $0x1082;
	[sflag:s4] =	ssyncset.s32 $0xFFFFF086  }
0x25: {  	[simem:s6], [sflag:s4] =	dma.local [hbm:s3], $0xF7A  }
0x26: {  	[smem:$0x3F9B] =	sst s1;
	(tag) =	ssettag s2;
	_ =	strace s9  }
0x27: {  	s1 =	sld [smem:$0x3FAB]  }
0x28: {  	s2 =	sld [smem:$0x3FAC]  }
0x29: {  	s4 =	sld [smem:$0x3FAE]  }
0x2a: {  	p0 =	seq.s32 s5, $0x0;
	s5 =	sld [smem:$0x3FAF]  }
0x2b: {  	s6 =	sld [smem:$0x3FB0]  }
0x2c: {  	s7 =	sld [smem:$0x3FB1]  }
0x2d: {  	s3 =	simm.s32 $0x108;
	s8 =	sld [smem:$0x3FB2]  }
0x2e: {  	s3 =	simm.s32 @!p0 $0x1082;
	s9 =	sld [smem:$0x3FB3]  }
0x2f: {  	lr =	sadd.s32 s0, s3;
	s0 =	sld [smem:$0x3FAA]  }
0x30: {  	s3 =	sld [smem:$0x3FAD]  }
0x31: {  	[smem:$0x3FB6] =	sst s10  }
0x32: {  	s10 =	sld [smem:$0x3FB4];
	_ =	sdelay $0x3  }
0x33: {  	p0 =	seq.s32 s10, $0x1;
	s10 =	sld [smem:$0x3FB6];
	_ =	sdelay $0x3  }
0x34: {  	[smem:$0x3FB6] =	sst s10  }
0x35: {  	s10 =	sld [smem:$0x3FB5];
	_ =	sdelay $0x3  }
0x36: {  	p1 =	seq.s32 s10, $0x1;
	s10 =	sld [smem:$0x3FB6];
	_ =	sdelay $0x3  }
0x37: {  	[smem:$0x3FB6] =	sst s10  }
0x38: {  	s10 =	sld [smem:$0x3FB7]  }
0x39: {  	_ = 	snop;
	(pc) =	sbr.ind lr, $3  }
0x3a: {  	_ = 	snop  }
0x3b: {  	_ = 	snop  }
0x3c: {  	p2 =	seq.s32 s10, $0x1;
	s10 =	sld [smem:$0x3FB6]  }
0x3d: {  	_ =	shalt  }
0x3e: {  	_ =	shalt  }
0x3f: {  	_ =	shalt  }
0x40: {  	_ =	shalt  }
0x41: {  	_ =	shalt  }
0x42: {  	_ =	shalt  }
0x43: {  	_ =	shalt  }
0x44: {  	_ =	shalt  }
0x45: {  	_ =	shalt  }
0x46: {  	_ =	shalt  }
0x47: {  	_ =	shalt  }
0x48: {  	_ =	shalt  }
0x49: {  	_ =	shalt  }
0x4a: {  	_ =	shalt  }
0x4b: {  	_ =	shalt  }
0x4c: {  	_ =	shalt  }
0x4d: {  	_ =	shalt  }
0x4e: {  	_ =	shalt  }
0x4f: {  	_ =	shalt  }
0x50: {  	_ =	shalt  }
0x51: {  	_ =	shalt  }
0x52: {  	_ =	shalt  }
0x53: {  	_ =	shalt  }
0x54: {  	_ =	shalt  }
0x55: {  	_ =	shalt  }
0x56: {  	_ =	shalt  }
0x57: {  	_ =	shalt  }
0x58: {  	_ =	shalt  }
0x59: {  	_ =	shalt  }
0x5a: {  	_ =	shalt  }
0x5b: {  	_ =	shalt  }
0x5c: {  	_ =	shalt  }
0x5d: {  	_ =	shalt  }
0x5e: {  	_ =	shalt  }
0x5f: {  	_ =	shalt  }
0x60: {  	_ =	shalt  }
0x61: {  	_ =	shalt  }
0x62: {  	_ =	shalt  }
0x63: {  	_ =	shalt  }
0x64: {  	_ =	shalt  }
0x65: {  	_ =	shalt  }
0x66: {  	_ =	shalt  }
0x67: {  	_ =	shalt  }
0x68: {  	_ =	shalt  }
0x69: {  	_ =	shalt  }
0x6a: {  	_ =	shalt  }
0x6b: {  	_ =	shalt  }
0x6c: {  	_ =	shalt  }
0x6d: {  	_ =	shalt  }
0x6e: {  	_ =	shalt  }
0x6f: {  	_ =	shalt  }
0x70: {  	_ =	shalt  }
0x71: {  	_ =	shalt  }
0x72: {  	_ =	shalt  }
0x73: {  	_ =	shalt  }
0x74: {  	_ =	shalt  }
0x75: {  	_ =	shalt  }
0x76: {  	_ =	shalt  }
0x77: {  	_ =	shalt  }
0x78: {  	_ =	shalt  }
0x79: {  	_ =	shalt  }
0x7a: {  	_ =	shalt  }
0x7b: {  	_ =	shalt  }
0x7c: {  	_ =	shalt  }
0x7d: {  	_ =	shalt  }
0x7e: {  	_ =	shalt  }
0x7f: {  	_ =	shalt  }
0x80: {  	_ =	shalt  }
0x81: {  	_ =	shalt  }
0x82: {  	_ =	shalt  }
0x83: {  	_ =	shalt  }
0x84: {  	_ =	shalt  }
0x85: {  	_ =	shalt  }
0x86: {  	_ =	shalt  }
0x87: {  	_ =	shalt  }
.Lfunc_end0:
.L_simem_size_0:
called_computation_lowered:
.L_overlay_start_0:
0x88: {  	s2 =	sld [smem:$0x3FD9]  }
0x89: {  	s3 =	sld [smem:$0x3FFE];
	_ =	sdelay $0x1  }
0x8a: {  	s1 =	srdreg.scid  }
0x8b: {  	s0 =	sand.u32 $0x1, s1  }
0x8c: {  	s17 =	sshll.u32 s0, $0xA;
	s2 =	sadd.s32 s3, s2  }
0x8d: {  	s2 =	sadd.s32 s2, s17  }
0x8e: {  	[smem:$0x3FC2] =	sst s2  }
0x8f: {  	_ = 	snop  }
0x90: {  	s18 =	sld [smem:$0x3FC8];
	(tm) =	ssettm $0x1  }
0x91: {  	s19 =	sld [smem:$0x3FFB];
	_ =	sdelay $0x3  }
0x92: {  	_ =	strace s19  }
0x93: {  	s2 =	sld [smem:$0x3FFC];
	_ =	sdelay $0x3  }
0x94: {  	_ =	strace s2  }
0x95: {  	s2 =	sld [smem:$0x3FFD];
	_ =	sdelay $0x3  }
0x96: {  	_ =	strace s2  }
0x97: {  	_ =	strace $0x8FFFFFFF  }
0x98: {  	s20 =	sld [smem:$0x3FDB];
	_ =	sdelay $0x1  }
0x99: {  	s4 =	simm.s32 $_scs_section_size  }
0x9a: {  	s5 =	simm.s32 $_size__tile_overlayer_lowered;
	s6 =	simm.s32 $_tile_overlayer_lowered  }
0x9b: {  	s7 =	simm.s32 $0x1BFF;
	s21 =	sshll.u32 s6, $0x1;
	s4 =	sadd.s32 s4, s20  }
0x9c: {  	s22 =	simm.s32 $0x0;
	s5 =	sshll.u32 s5, $0x1;
	s6 =	sadd.s32 s21, s4  }
0x9d: {  	[timem:s22], [sflag:s7] =	dma.local [hbm:s6], s5  }
0x9e: {  	_ =	swait.ge [sflag:s7], s5  }
0x9f: {  	s5 =	ssub.s32 $0x0, s5;
	[sflag:s7] =	ssyncset.done $0x0  }
0xa0: {  	[sflag:s7] =	ssyncadd.s32 s5;
	_ =	sdelay $0x1  }
0xa1: {  	s23 =	simm.s32 $0x1B8B  }
0xa2: {  	_ =	swait.ge [sflag:s23], $0x1  }
0xa3: {  	[sflag:s23] =	ssyncset.done $0x0  }
0xa4: {  	[sflag:s23] =	ssyncadd.s32 $0xFFFFFFFF  }
0xa5: {  	s5 =	sld [smem:$0x0]  }
0xa6: {  	s6 =	sand.u32 $0xFFFFFFFE, s1  }
0xa7: {  	p0 =	sne.s32 s1, s6  }
0xa8: {  	s6 =	sshll.u32 @p0 s6, $0xE  }
0xa9: {  	s6 =	sadd.s32 @p0 $0x11B8D, s6;
	s7 =	sshll.u32 @p0 s5, $0x11  }
0xaa: {  	s6 =	sor.u32 @p0 s7, s6  }
0xab: {  	[sflag:s6] =	ssyncadd.remote.s32 @p0 $0x1;
	_ =	sdelay $0x1  }
0xac: {  	s6 =	simm.s32 @p0 $0x1B8D  }
0xad: {  	_ =	swait.eq @p0 [sflag:s6], $0x1  }
0xae: {  	[sflag:s6] =	ssyncadd.s32 @p0 $0xFFFFFFFF  }
0xaf: {  	s7 =	sshll.u32 @!p0 s1, $0xE  }
0xb0: {  	s7 =	sor.u32 @!p0 $0x4000, s7;
	s6 =	simm.s32 @!p0 $0x1B8D  }
0xb1: {  	s5 =	sshll.u32 @!p0 s5, $0x11;
	s7 =	sadd.s32 @!p0 $0x11B8D, s7;
	_ =	swait.eq @!p0 [sflag:s6], $0x1  }
0xb2: {  	s5 =	sor.u32 @!p0 s5, s7;
	[sflag:s6] =	ssyncadd.s32 @!p0 $0xFFFFFFFF  }
0xb3: {  	s25 =	simm.s32 $0x1B8E;
	s24 =	sld [smem:$0x3FFE];
	[sflag:s5] =	ssyncadd.remote.s32 @!p0 $0x1  }
0xb4: {  	s26 =	simm.s32 $execute0_lowered;
	[smem:$0x3FD2] =	sst s25  }
0xb5: {  	s6 =	sshll.u32 s26, $0x1;
	_ =	strace $0x8000004F;
	[dreg:$0x1] =	wrdreg $0xFFFFFFFF  }
0xb6: {  	s28 =	simm.s32 $_size_execute0_lowered;
	s4 =	sadd.s32 s4, s6;
	[dreg:$0x0] =	wrdreg $0x0  }
0xb7: {  	s6 =	sshll.u32 s28, $0x1;
	[dreg:$0x2] =	wrdreg s4  }
0xb8: {  	[dreg:$0x3] =	wrdreg s6  }
0xb9: {  	[dreg:$0x4] =	wrdreg $0xC0  }
0xba: {  	_ =	task [dreg:s22], $0x5FFFF  }
0xbb: {  	[dreg:$0x1] =	wrdreg $0xFFFFFFFF  }
0xbc: {  	[dreg:$0x0] =	wrdreg $0x60  }
0xbd: {  	[dreg:$0x2] =	wrdreg s24  }
0xbe: {  	[dreg:$0x3] =	wrdreg s18  }
0xbf: {  	[dreg:$0x4] =	wrdreg $0x158000  }
0xc0: {  	[dreg:$0x5] =	wrdreg $0x9  }
0xc1: {  	_ =	task.clear_ibuf [dreg:s22], $0x6FFFF;
	_ =	strace $0x9000004F  }
0xc2: {  	s29 =	simm.s32 $0x9;
	_ =	strace $0x80000051  }
0xc3: {  	_ =	swait.ge [sflag:s29], $0x1  }
0xc4: {  	[sflag:s29] =	ssyncadd.s32 $0xFFFFFFFF  }
0xc5: {  	_ =	strace $0x90000051  }
0xc6: {  	_ =	sfence  }
0xc7: {  	s30 =	sld [smem:$0x0];
	_ =	sdelay $0x2  }
0xc8: {  	s31 =	sshll.u32 s1, $0xD;
	s1 =	sshrl.u32 s1, $0x2  }
0xc9: {  	s4 =	sand.u32 $0x4000, s31;
	s1 =	sadd.s32 s1, s30  }
0xca: {  	s0 =	sor.u32 s4, s0;
	s1 =	sshll.u32 s1, $0x11  }
0xcb: {  	s0 =	sor.u32 s1, s0  }
0xcc: {  	s0 =	sadd.s32 $0x8F2B, s0  }
0xcd: {  	[sflag:s0] =	ssyncadd.remote.s32 $0x1  }
0xce: {  	_ =	sfence.sel $0xFFFF  }
0xcf: {  	[dreg:$0x0] =	wrdreg $0xFFFFFFFF;
	(pc) =	sbr.abs _section_cstart, $3  }
0xd0: {  	[dreg:$0x1] =	wrdreg $0xFFFFFFFF  }
0xd1: {  	_ =	task.clear_ibuf [dreg:s22], $0x2FFFF;
	_ =	strace $0x9FFFFFFF  }
0xd2: {  	(tm) =	ssettm $0x7FFFFFFF  }
0xd3: {  	_ =	shalt  }
tec
execute0_lowered:
.L_overlay_start_1:
0x0: {  	(tag) =	ssettag $0x1  }
0x1: {  	s1 =	rddreg [dreg:$0x0]  }
0x2: {  	s0 =	srdreg.scid;
	s2 =	rddreg [dreg:$0x1]  }
0x3: {  	s8 =	stileid.u32;
	s3 =	rddreg [dreg:$0x2]  }
0x4: {  	s13 =	simm.s32 $0xC;
	s14 =	simm.s32 $0x1800;
	s15 =	simm.s32 $0x80  }
0x5: {  	s16 =	simm.s32 $0x5800;
	s28 =	simm.s32 $0x1;
	s29 =	simm.s32 $0x2  }
0x6: {  	s31 =	simm.s32 $0x6;
	s17 =	simm.s32 $0x3;
	s0 =	sand.u32 $0x1, s0  }
0x7: {  	s30 =	simm.s32 $0x4;
	s7 =	smul.u32 $0x180, s8;
	s4 =	sshll.u32 s0, $0x4  }
0x8: {  	s0 =	ssub.s32 $0x2, s0;
	s5 =	sor.u32 s8, s4;
	s4 =	simm.s32 $0x0  }
0x9: {  	s7 =	sadd.s32 s7, s1;
	s18 =	sshrl.u32 s0, $0x1;
	s8 =	sshll.u32 s8, $0xE  }
0xa: {  	s6 =	smul.u32 $0x180, s5;
	[smem:$0x7FF] =	sst s4;
	s5 =	sshll.u32 s5, $0xB  }
0xb: {  	s0 =	ssub.s32 s0, s18;
	s20 =	sadd.s32 $0x5000, s7;
	s18 =	simm.s32 $0x9800  }
0xc: {  	s7 =	simm.s32 $0xB;
	_ =	strace $0x80000050;
	[dreg:$0x5] =	wrdreg s20  }
0xd: {  	s0 =	smax.u32 s0, $0x1;
	s20 =	simm.s32 $0xD800;
	s6 =	sadd.s32 s6, s1  }
0xe: {  	s1 =	sadd.s32 s5, s1;
	[dreg:$0xa] =	wrdreg s0;
	s0 =	simm.s32 $0x8  }
0xf: {  	s5 =	simm.s32 $0xA;
	s19 =	sadd.s32 $0x3C800, s6;
	s6 =	sadd.s32 s8, s3  }
0x10: {  	s22 =	sadd.s32 $0x3FB80, s1;
	s23 =	sadd.s32 $0x3F800, s1;
	[dreg:$0x4] =	wrdreg s19  }
0x11: {  	s25 =	sadd.s32 $0x3FD80, s1;
	s1 =	sadd.s32 $0x3FF80, s1;
	[dreg:$0x6] =	wrdreg s22  }
0x12: {  	s8 =	simm.s32 $0x0;
	s21 =	sadd.s32 $0x1C00, s6;
	[dreg:$0x7] =	wrdreg s23  }
0x13: {  	s24 =	sadd.s32 $0x2C00, s6;
	[dreg:$0x8] =	wrdreg s25;
	s26 =	sadd.s32 $0x3C00, s6  }
0x14: {  	[dreg:$0x9] =	wrdreg s1;
	s22 =	simm.s32 $0x11800;
	s19 =	simm.s32 $0x7  }
0x15: {  	s1 =	simm.s32 $0x5;
	s23 =	sshrl.u32 s21, $0x3;
	s24 =	sshrl.u32 s24, $0x3  }
0x16: {  	v0 =	vimm.f32 $0.0e+00;
	s25 =	sshrl.u32 s26, $0x3;
	s26 =	simm.s32 $0xC00;
	s21 =	simm.s32 $0x9  }
.LBB2_1:
0x17: {  	s9 =	rddreg [dreg:$0x4]  }
0x18: {  	[tilespmem:s4], [sflag:$0xC] =	stream.linear.gather [hbm4b:s9+s4], $0xA00, $0x38;
	[tilespmem:$0x19800] =	vst v63  }
0x19: {  	_ =	swait.ge [sflag:s13], $0xA00  }
0x1a: {  	[sflag:s13] =	ssyncset.done $0x0  }
0x1b: {  	s10 =	simm.s32 $0x200;
	s9 =	simm.s32 $0x0;
	[sflag:s13] =	ssyncadd.s32 $0xFFFFF600  }
.LBB2_2:
0x1c: {  	p0 =	sne.s32 s10, $0xFE00;
	[tilespmem:s9+$0x1870] =	vst v0  }
0x1d: {  	[tilespmem:s9+$0x1800] =	vst v0  }
0x1e: {  	[tilespmem:s9+$0x1810] =	vst v0  }
.Ltmp0:
0x1f: {  	[tilespmem:s9+$0x1820] =	vst v0;
	(pc) =	sbr.rel @p0 .LBB2_2-.Ltmp0, $4  }
0x20: {  	[tilespmem:s9+$0x1830] =	vst v0  }
0x21: {  	[tilespmem:s9+$0x1840] =	vst v0  }
0x22: {  	[tilespmem:s9+$0x1850] =	vst v0  }
0x23: {  	[tilespmem:s9+$0x1860] =	vst v0;
	s9 =	sshra.s32 s10, $0x2;
	s10 =	sadd.s32 $0x200, s10  }
0x24: {  	[tilespmem:s9+$0x1870] =	vst v0  }
0x25: {  	[tilespmem:s9+$0x1800] =	vst v0  }
0x26: {  	[tilespmem:s9+$0x1810] =	vst v0  }
0x27: {  	[tilespmem:s9+$0x1820] =	vst v0  }
0x28: {  	[tilespmem:s9+$0x1830] =	vst v0  }
0x29: {  	[tilespmem:s9+$0x1840] =	vst v0  }
0x2a: {  	[tilespmem:s9+$0x1850] =	vst v0  }
0x2b: {  	[tilespmem:s9+$0x1860] =	vst v0  }
0x2c: {  	[spmem:s6] =	stream.linear.scatter [tilespmem:s14], [sflag:$0xC], $0x4000, $0x38;
	[tilespmem:$0x19800] =	vst v63  }
0x2d: {  	_ =	swait.ge [sflag:s13], $0x4000  }
0x2e: {  	[sflag:s13] =	ssyncset.done $0x0  }
0x2f: {  	[sflag:s13] =	ssyncadd.s32 $0xFFFFC000  }
0x30: {  	[tilespmem:s14], [sflag:$0x1] =	stream.indirect.gather [hbm4b:s2+s15], $0x80, s4, s15, $0xb8;
	[tilespmem:$0x19800] =	vst v63  }
0x31: {  	_ = 	snop  }
0x32: {  	[tilespmem:s16], [sflag:$0x2] =	stream.indirect.gather [hbm4b:s2+s15], $0x80, s15, s15, $0xb8;
	[tilespmem:$0x19800] =	vst v63  }
0x33: {  	s10 =	simm.s32 $0x100  }
0x34: {  	[tilespmem:s18], [sflag:$0x3] =	stream.indirect.gather [hbm4b:s2+s15], $0x80, s10, s15, $0xb8;
	[tilespmem:$0x19800] =	vst v63  }
0x35: {  	s11 =	simm.s32 $0x180  }
0x36: {  	[tilespmem:s20], [sflag:$0x4] =	stream.indirect.gather [hbm4b:s2+s15], $0x80, s11, s15, $0xb8;
	[tilespmem:$0x19800] =	vst v63  }
0x37: {  	s12 =	simm.s32 $0x200  }
0x38: {  	[tilespmem:s22], [sflag:$0x5] =	stream.indirect.gather [hbm4b:s2+s15], $0x80, s12, s15, $0xb8;
	[tilespmem:$0x19800] =	vst v63  }
0x39: {  	s10 =	rddreg [dreg:$0x5]  }
0x3a: {  	[tilespmem:s26], [sflag:$0xC] =	stream.linear.gather [hbm4b:s10+s4], $0xA00, $0x38;
	[tilespmem:$0x19800] =	vst v63  }
0x3b: {  	_ =	swait.ge [sflag:s13], $0xA00  }
0x3c: {  	[sflag:s13] =	ssyncset.done $0x0  }
0x3d: {  	[sflag:s13] =	ssyncadd.s32 $0xFFFFF600  }
0x3e: {  	_ =	swait.ge [sflag:s28], $0x4000  }
0x3f: {  	[sflag:s28] =	ssyncset.done $0x0  }
0x40: {  	[sflag:s28] =	ssyncadd.s32 $0xFFFFC000  }
0x41: {  	[spmem:s3] =	stream.indirect.scatter.add.f32 [tilespmem:s14], [sflag:$0x6], $0x80, s26, s15, $0xb8;
	[tilespmem:$0x19800] =	vst v63  }
0x42: {  	_ =	swait.ge [sflag:s29], $0x4000  }
0x43: {  	[sflag:s29] =	ssyncset.done $0x0  }
0x44: {  	s11 =	simm.s32 $0xC80;
	[sflag:s29] =	ssyncadd.s32 $0xFFFFC000  }
0x45: {  	[spmem:s3] =	stream.indirect.scatter.add.f32 [tilespmem:s16], [sflag:$0x7], $0x80, s11, s15, $0xb8;
	[tilespmem:$0x19800] =	vst v63  }
0x46: {  	_ =	swait.ge [sflag:s31], $0x4000  }
0x47: {  	[sflag:s31] =	ssyncset.done $0x0  }
0x48: {  	s12 =	simm.s32 $0x280;
	[sflag:s31] =	ssyncadd.s32 $0xFFFFC000  }
0x49: {  	[tilespmem:s14], [sflag:$0x1] =	stream.indirect.gather [hbm4b:s2+s15], $0x80, s12, s15, $0xb8;
	[tilespmem:$0x19800] =	vst v63  }
0x4a: {  	_ =	swait.ge [sflag:s17], $0x4000  }
0x4b: {  	[sflag:s17] =	ssyncset.done $0x0  }
0x4c: {  	s10 =	simm.s32 $0xD00;
	[sflag:s17] =	ssyncadd.s32 $0xFFFFC000  }
0x4d: {  	[spmem:s3] =	stream.indirect.scatter.add.f32 [tilespmem:s18], [sflag:$0x8], $0x80, s10, s15, $0xb8;
	[tilespmem:$0x19800] =	vst v63  }
0x4e: {  	_ =	swait.ge [sflag:s19], $0x4000  }
0x4f: {  	[sflag:s19] =	ssyncset.done $0x0  }
0x50: {  	s11 =	simm.s32 $0x300;
	[sflag:s19] =	ssyncadd.s32 $0xFFFFC000  }
0x51: {  	[tilespmem:s16], [sflag:$0x2] =	stream.indirect.gather [hbm4b:s2+s15], $0x80, s11, s15, $0xb8;
	[tilespmem:$0x19800] =	vst v63  }
0x52: {  	_ =	swait.ge [sflag:s30], $0x4000  }
0x53: {  	[sflag:s30] =	ssyncset.done $0x0  }
0x54: {  	s12 =	simm.s32 $0xD80;
	[sflag:s30] =	ssyncadd.s32 $0xFFFFC000  }
0x55: {  	[spmem:s3] =	stream.indirect.scatter.add.f32 [tilespmem:s20], [sflag:$0x9], $0x80, s12, s15, $0xb8;
	[tilespmem:$0x19800] =	vst v63  }
0x56: {  	_ =	swait.ge [sflag:s0], $0x4000  }
0x57: {  	[sflag:s0] =	ssyncset.done $0x0  }
0x58: {  	s10 =	simm.s32 $0x380;
	[sflag:s0] =	ssyncadd.s32 $0xFFFFC000  }
0x59: {  	[tilespmem:s18], [sflag:$0x3] =	stream.indirect.gather [hbm4b:s2+s15], $0x80, s10, s15, $0xb8;
	[tilespmem:$0x19800] =	vst v63  }
0x5a: {  	_ =	swait.ge [sflag:s1], $0x4000  }
0x5b: {  	[sflag:s1] =	ssyncset.done $0x0  }
0x5c: {  	s11 =	simm.s32 $0xE00;
	[sflag:s1] =	ssyncadd.s32 $0xFFFFC000  }
0x5d: {  	[spmem:s3] =	stream.indirect.scatter.add.f32 [tilespmem:s22], [sflag:$0xA], $0x80, s11, s15, $0xb8;
	[tilespmem:$0x19800] =	vst v63  }
0x5e: {  	_ =	swait.ge [sflag:s21], $0x4000  }
0x5f: {  	[sflag:s21] =	ssyncset.done $0x0  }
0x60: {  	s12 =	simm.s32 $0x400;
	[sflag:s21] =	ssyncadd.s32 $0xFFFFC000  }
0x61: {  	[tilespmem:s20], [sflag:$0x4] =	stream.indirect.gather [hbm4b:s2+s15], $0x80, s12, s15, $0xb8;
	[tilespmem:$0x19800] =	vst v63  }
0x62: {  	_ =	swait.ge [sflag:s28], $0x4000  }
0x63: {  	[sflag:s28] =	ssyncset.done $0x0  }
0x64: {  	s10 =	simm.s32 $0xE80;
	[sflag:s28] =	ssyncadd.s32 $0xFFFFC000  }
0x65: {  	[spmem:s3] =	stream.indirect.scatter.add.f32 [tilespmem:s14], [sflag:$0x6], $0x80, s10, s15, $0xb8;
	[tilespmem:$0x19800] =	vst v63  }
0x66: {  	_ =	swait.ge [sflag:s5], $0x4000  }
0x67: {  	[sflag:s5] =	ssyncset.done $0x0  }
0x68: {  	s11 =	simm.s32 $0x480;
	[sflag:s5] =	ssyncadd.s32 $0xFFFFC000  }
0x69: {  	[tilespmem:s22], [sflag:$0x5] =	stream.indirect.gather [hbm4b:s2+s15], $0x80, s11, s15, $0xb8;
	[tilespmem:$0x19800] =	vst v63  }
0x6a: {  	_ =	swait.ge [sflag:s29], $0x4000  }
0x6b: {  	[sflag:s29] =	ssyncset.done $0x0  }
0x6c: {  	s12 =	simm.s32 $0xF00;
	[sflag:s29] =	ssyncadd.s32 $0xFFFFC000  }
0x6d: {  	[spmem:s3] =	stream.indirect.scatter.add.f32 [tilespmem:s16], [sflag:$0x7], $0x80, s12, s15, $0xb8;
	[tilespmem:$0x19800] =	vst v63  }
0x6e: {  	_ =	swait.ge [sflag:s31], $0x4000  }
0x6f: {  	[sflag:s31] =	ssyncset.done $0x0  }
0x70: {  	s10 =	simm.s32 $0x500;
	[sflag:s31] =	ssyncadd.s32 $0xFFFFC000  }
0x71: {  	[tilespmem:s14], [sflag:$0x1] =	stream.indirect.gather [hbm4b:s2+s15], $0x80, s10, s15, $0xb8;
	[tilespmem:$0x19800] =	vst v63  }
0x72: {  	_ =	swait.ge [sflag:s17], $0x4000  }
0x73: {  	[sflag:s17] =	ssyncset.done $0x0  }
0x74: {  	s11 =	simm.s32 $0xF80;
	[sflag:s17] =	ssyncadd.s32 $0xFFFFC000  }
0x75: {  	[spmem:s3] =	stream.indirect.scatter.add.f32 [tilespmem:s18], [sflag:$0x8], $0x80, s11, s15, $0xb8;
	[tilespmem:$0x19800] =	vst v63  }
0x76: {  	_ =	swait.ge [sflag:s19], $0x4000  }
0x77: {  	[sflag:s19] =	ssyncset.done $0x0  }
0x78: {  	s12 =	simm.s32 $0x580;
	[sflag:s19] =	ssyncadd.s32 $0xFFFFC000  }
0x79: {  	[tilespmem:s16], [sflag:$0x2] =	stream.indirect.gather [hbm4b:s2+s15], $0x80, s12, s15, $0xb8;
	[tilespmem:$0x19800] =	vst v63  }
0x7a: {  	_ =	swait.ge [sflag:s30], $0x4000  }
0x7b: {  	[sflag:s30] =	ssyncset.done $0x0  }
0x7c: {  	s10 =	simm.s32 $0x1000;
	[sflag:s30] =	ssyncadd.s32 $0xFFFFC000  }
0x7d: {  	[spmem:s3] =	stream.indirect.scatter.add.f32 [tilespmem:s20], [sflag:$0x9], $0x80, s10, s15, $0xb8;
	[tilespmem:$0x19800] =	vst v63  }
0x7e: {  	_ =	swait.ge [sflag:s0], $0x4000  }
0x7f: {  	[sflag:s0] =	ssyncset.done $0x0  }
0x80: {  	s11 =	simm.s32 $0x600;
	[sflag:s0] =	ssyncadd.s32 $0xFFFFC000  }
0x81: {  	[tilespmem:s18], [sflag:$0x3] =	stream.indirect.gather [hbm4b:s2+s15], $0x80, s11, s15, $0xb8;
	[tilespmem:$0x19800] =	vst v63  }
0x82: {  	_ =	swait.ge [sflag:s1], $0x4000  }
0x83: {  	[sflag:s1] =	ssyncset.done $0x0  }
0x84: {  	s12 =	simm.s32 $0x1080;
	[sflag:s1] =	ssyncadd.s32 $0xFFFFC000  }
0x85: {  	[spmem:s3] =	stream.indirect.scatter.add.f32 [tilespmem:s22], [sflag:$0xA], $0x80, s12, s15, $0xb8;
	[tilespmem:$0x19800] =	vst v63  }
0x86: {  	_ =	swait.ge [sflag:s21], $0x4000  }
0x87: {  	s11 =	stileid.u32;
	[sflag:s21] =	ssyncset.done $0x0  }
0x88: {  	s10 =	simm.s32 $0x680;
	s9 =	sshll.u32 s11, $0x6;
	[sflag:s21] =	ssyncadd.s32 $0xFFFFC000  }
0x89: {  	[tilespmem:s20], [sflag:$0x4] =	stream.indirect.gather [hbm4b:s2+s15], $0x80, s10, s15, $0xb8;
	[tilespmem:$0x19800] =	vst v63  }
0x8a: {  	s11 =	sshrl.u32 s6, $0x3;
	s12 =	rddreg [dreg:$0x7];
	s10 =	sor.u32 $0x1C0B, s9  }
0x8b: {  	[hbm:s12], [sflag:s10] =	dma.local [spmem:s11], $0x380  }
0x8c: {  	_ =	swait.ge [sflag:s28], $0x4000  }
0x8d: {  	[sflag:s28] =	ssyncset.done $0x0  }
0x8e: {  	s12 =	simm.s32 $0x1100;
	[sflag:s28] =	ssyncadd.s32 $0xFFFFC000  }
0x8f: {  	[spmem:s3] =	stream.indirect.scatter.add.f32 [tilespmem:s14], [sflag:$0x6], $0x80, s12, s15, $0xb8;
	[tilespmem:$0x19800] =	vst v63  }
0x90: {  	_ =	swait.ge [sflag:s5], $0x4000  }
0x91: {  	[sflag:s5] =	ssyncset.done $0x0  }
0x92: {  	s12 =	simm.s32 $0x700;
	[sflag:s5] =	ssyncadd.s32 $0xFFFFC000  }
0x93: {  	[tilespmem:s22], [sflag:$0x5] =	stream.indirect.gather [hbm4b:s2+s15], $0x80, s12, s15, $0xb8;
	[tilespmem:$0x19800] =	vst v63  }
0x94: {  	_ =	swait.ge [sflag:s29], $0x4000  }
0x95: {  	[sflag:s29] =	ssyncset.done $0x0  }
0x96: {  	s12 =	simm.s32 $0x1180;
	[sflag:s29] =	ssyncadd.s32 $0xFFFFC000  }
0x97: {  	[spmem:s3] =	stream.indirect.scatter.add.f32 [tilespmem:s16], [sflag:$0x7], $0x80, s12, s15, $0xb8;
	[tilespmem:$0x19800] =	vst v63  }
0x98: {  	_ =	swait.ge [sflag:s31], $0x4000  }
0x99: {  	[sflag:s31] =	ssyncset.done $0x0  }
0x9a: {  	s12 =	simm.s32 $0x780;
	[sflag:s31] =	ssyncadd.s32 $0xFFFFC000  }
0x9b: {  	[tilespmem:s14], [sflag:$0x1] =	stream.indirect.gather [hbm4b:s2+s15], $0x80, s12, s15, $0xb8;
	[tilespmem:$0x19800] =	vst v63  }
0x9c: {  	_ =	swait.ge [sflag:s17], $0x4000  }
0x9d: {  	[sflag:s17] =	ssyncset.done $0x0  }
0x9e: {  	s12 =	simm.s32 $0x1200;
	[sflag:s17] =	ssyncadd.s32 $0xFFFFC000  }
0x9f: {  	[spmem:s3] =	stream.indirect.scatter.add.f32 [tilespmem:s18], [sflag:$0x8], $0x80, s12, s15, $0xb8;
	[tilespmem:$0x19800] =	vst v63  }
0xa0: {  	_ =	swait.ge [sflag:s19], $0x4000  }
0xa1: {  	[sflag:s19] =	ssyncset.done $0x0  }
0xa2: {  	s12 =	simm.s32 $0x800;
	[sflag:s19] =	ssyncadd.s32 $0xFFFFC000  }
0xa3: {  	[tilespmem:s16], [sflag:$0x2] =	stream.indirect.gather [hbm4b:s2+s15], $0x80, s12, s15, $0xb8;
	[tilespmem:$0x19800] =	vst v63  }
0xa4: {  	_ =	swait.ge [sflag:s30], $0x4000  }
0xa5: {  	[sflag:s30] =	ssyncset.done $0x0  }
0xa6: {  	s12 =	simm.s32 $0x1280;
	[sflag:s30] =	ssyncadd.s32 $0xFFFFC000  }
0xa7: {  	[spmem:s3] =	stream.indirect.scatter.add.f32 [tilespmem:s20], [sflag:$0x9], $0x80, s12, s15, $0xb8;
	[tilespmem:$0x19800] =	vst v63  }
0xa8: {  	_ =	swait.ge [sflag:s0], $0x4000  }
0xa9: {  	[sflag:s0] =	ssyncset.done $0x0  }
0xaa: {  	s12 =	simm.s32 $0x880;
	[sflag:s0] =	ssyncadd.s32 $0xFFFFC000  }
0xab: {  	[tilespmem:s18], [sflag:$0x3] =	stream.indirect.gather [hbm4b:s2+s15], $0x80, s12, s15, $0xb8;
	[tilespmem:$0x19800] =	vst v63  }
0xac: {  	_ =	swait.ge [sflag:s1], $0x4000  }
0xad: {  	[sflag:s1] =	ssyncset.done $0x0  }
0xae: {  	s12 =	simm.s32 $0x1300;
	[sflag:s1] =	ssyncadd.s32 $0xFFFFC000  }
0xaf: {  	[spmem:s3] =	stream.indirect.scatter.add.f32 [tilespmem:s22], [sflag:$0xA], $0x80, s12, s15, $0xb8;
	[tilespmem:$0x19800] =	vst v63  }
0xb0: {  	_ =	swait.ge [sflag:s21], $0x4000  }
0xb1: {  	[sflag:s21] =	ssyncset.done $0x0  }
0xb2: {  	s12 =	simm.s32 $0x900;
	[sflag:s21] =	ssyncadd.s32 $0xFFFFC000  }
0xb3: {  	[tilespmem:s20], [sflag:$0x4] =	stream.indirect.gather [hbm4b:s2+s15], $0x80, s12, s15, $0xb8;
	[tilespmem:$0x19800] =	vst v63  }
0xb4: {  	s12 =	rddreg [dreg:$0x6]  }
0xb5: {  	[hbm:s12], [sflag:s10] =	dma.local [spmem:s23], $0x200  }
0xb6: {  	_ =	swait.ge [sflag:s28], $0x4000  }
0xb7: {  	[sflag:s28] =	ssyncset.done $0x0  }
0xb8: {  	s12 =	simm.s32 $0x1380;
	[sflag:s28] =	ssyncadd.s32 $0xFFFFC000  }
0xb9: {  	[spmem:s3] =	stream.indirect.scatter.add.f32 [tilespmem:s14], [sflag:$0x6], $0x80, s12, s15, $0xb8;
	[tilespmem:$0x19800] =	vst v63  }
0xba: {  	_ =	swait.ge [sflag:s5], $0x4000  }
0xbb: {  	[sflag:s5] =	ssyncset.done $0x0  }
0xbc: {  	s12 =	simm.s32 $0x980;
	[sflag:s5] =	ssyncadd.s32 $0xFFFFC000  }
0xbd: {  	[tilespmem:s22], [sflag:$0x5] =	stream.indirect.gather [hbm4b:s2+s15], $0x80, s12, s15, $0xb8;
	[tilespmem:$0x19800] =	vst v63  }
0xbe: {  	_ =	swait.ge [sflag:s29], $0x4000  }
0xbf: {  	[sflag:s29] =	ssyncset.done $0x0  }
0xc0: {  	s12 =	simm.s32 $0x1400;
	[sflag:s29] =	ssyncadd.s32 $0xFFFFC000  }
0xc1: {  	[spmem:s3] =	stream.indirect.scatter.add.f32 [tilespmem:s16], [sflag:$0x7], $0x80, s12, s15, $0xb8;
	[tilespmem:$0x19800] =	vst v63  }
0xc2: {  	_ =	swait.ge [sflag:s31], $0x4000  }
0xc3: {  	[sflag:s31] =	ssyncset.done $0x0  }
0xc4: {  	[sflag:s31] =	ssyncadd.s32 $0xFFFFC000  }
0xc5: {  	_ =	swait.ge [sflag:s17], $0x4000  }
0xc6: {  	[sflag:s17] =	ssyncset.done $0x0  }
0xc7: {  	s12 =	simm.s32 $0x1480;
	[sflag:s17] =	ssyncadd.s32 $0xFFFFC000  }
0xc8: {  	[spmem:s3] =	stream.indirect.scatter.add.f32 [tilespmem:s18], [sflag:$0x8], $0x80, s12, s15, $0xb8;
	[tilespmem:$0x19800] =	vst v63  }
0xc9: {  	_ =	swait.ge [sflag:s19], $0x4000  }
0xca: {  	[sflag:s19] =	ssyncset.done $0x0  }
0xcb: {  	[sflag:s19] =	ssyncadd.s32 $0xFFFFC000  }
0xcc: {  	_ =	swait.ge [sflag:s30], $0x4000  }
0xcd: {  	[sflag:s30] =	ssyncset.done $0x0  }
0xce: {  	s12 =	simm.s32 $0x1500;
	[sflag:s30] =	ssyncadd.s32 $0xFFFFC000  }
0xcf: {  	[spmem:s3] =	stream.indirect.scatter.add.f32 [tilespmem:s20], [sflag:$0x9], $0x80, s12, s15, $0xb8;
	[tilespmem:$0x19800] =	vst v63  }
0xd0: {  	_ =	swait.ge [sflag:s0], $0x4000  }
0xd1: {  	[sflag:s0] =	ssyncset.done $0x0  }
0xd2: {  	[sflag:s0] =	ssyncadd.s32 $0xFFFFC000  }
0xd3: {  	_ =	swait.ge [sflag:s1], $0x4000  }
0xd4: {  	[sflag:s1] =	ssyncset.done $0x0  }
0xd5: {  	s12 =	simm.s32 $0x1580;
	[sflag:s1] =	ssyncadd.s32 $0xFFFFC000  }
0xd6: {  	[spmem:s3] =	stream.indirect.scatter.add.f32 [tilespmem:s22], [sflag:$0xA], $0x80, s12, s15, $0xb8;
	[tilespmem:$0x19800] =	vst v63  }
0xd7: {  	_ =	swait.ge [sflag:s21], $0x4000  }
0xd8: {  	[sflag:s21] =	ssyncset.done $0x0  }
0xd9: {  	s12 =	rddreg [dreg:$0x8];
	[sflag:s21] =	ssyncadd.s32 $0xFFFFC000  }
0xda: {  	[hbm:s12], [sflag:s10] =	dma.local [spmem:s24], $0x200  }
0xdb: {  	_ =	swait.ge [sflag:s5], $0x4000  }
0xdc: {  	[sflag:s5] =	ssyncset.done $0x0  }
0xdd: {  	s9 =	sor.u32 $0x1C0C, s9;
	s11 =	rddreg [dreg:$0x9];
	[sflag:s5] =	ssyncadd.s32 $0xFFFFC000  }
0xde: {  	[hbm:s11], [sflag:s9] =	dma.local [spmem:s25], $0x80  }
0xdf: {  	_ =	swait.ge [sflag:s13], $0x80  }
0xe0: {  	[sflag:s13] =	ssyncset.done $0x0  }
0xe1: {  	[sflag:s13] =	ssyncadd.s32 $0xFFFFFF80  }
0xe2: {  	_ =	swait.ge [sflag:s7], $0x380  }
0xe3: {  	[sflag:s7] =	ssyncset.done $0x0  }
0xe4: {  	[sflag:s7] =	ssyncadd.s32 $0xFFFFFC80  }
0xe5: {  	_ =	swait.ge [sflag:s7], $0x200  }
0xe6: {  	[sflag:s7] =	ssyncset.done $0x0  }
0xe7: {  	[sflag:s7] =	ssyncadd.s32 $0xFFFFFE00  }
0xe8: {  	_ =	swait.ge [sflag:s7], $0x200  }
0xe9: {  	s8 =	sadd.s32 $0x1, s8;
	s12 =	rddreg [dreg:$0xa]  }
0xea: {  	p0 =	sne.s32 s8, s12  }
.Ltmp1:
0xeb: {  	_ = 	snop;
	(pc) =	sbr.rel @p0 .LBB2_1-.Ltmp1, $3  }
0xec: {  	_ =	sdelay $0x1  }
0xed: {  	[sflag:s7] =	ssyncset.done $0x0  }
0xee: {  	[sflag:s7] =	ssyncadd.s32 $0xFFFFFE00  }
0xef: {  	_ =	sfence.sel $0x180000  }
0xf0: {  	[bflag:$0x0] =	sbarrier.arrive $0xFFFF  }
0xf1: {  	_ =	strace $0x90000050  }
0xf2: {  	s0 =	stileid.u32;
	[bflag:$0x2] =	sbarrier.arrive $0xFFFF  }
0xf3: {  	p0 =	sne.s32 s0, $0x0;
	s0 =	rddreg [dreg:$0x3]  }
0xf4: {  	s0 =	sadd.s32 @!p0 $0x100000, s0  }
0xf5: {  	[sflag:s0] =	ssyncadd.tile.s32 @!p0 $0x1;
	_ =	shalt  }
.Lfunc_end2:
_tile_overlayer_lowered:
.L_overlay_start_2:
0xf6: {  	(tag) =	ssettag $0x2  }
0xf7: {  	s0 =	rddreg [dreg:$0x0];
	s2 =	stileid.u32  }
0xf8: {  	s1 =	rddreg [dreg:$0x1];
	p0 =	sne.s32 s2, $0x0  }
0xf9: {  	s3 =	rddreg [dreg:$0x2];
	[bflag:$0x3] =	sbarrier.arrive $0xFFFF;
	s2 =	simm.s32 @!p0 $0x1C0C  }
0xfa: {  	[timem:s3], [sflag:s2] =	dma.local @!p0 [hbm:s0], s1  }
0xfb: {  	s0 =	simm.s32 @!p0 $0xC  }
0xfc: {  	_ =	swait.ge @!p0 [sflag:s0], s1  }
0xfd: {  	s1 =	ssub.s32 @!p0 $0x0, s1;
	[sflag:s0] =	ssyncset.done @!p0 $0x0  }
0xfe: {  	[sflag:s0] =	ssyncadd.s32 @!p0 s1  }
0xff: {  	[bflag:$0x3] =	sbarrier.arrive $0xFFFF  }
0x100: {  	_ =	shalt  }

// kernel: kernel.13.cloned.1.call-start
scs
__scs_entry_jumppad:
0x0: {  	(pc) =	sbr.rel $0x88, $3  }
0x1: {  	(tag) =	ssettag $0x0;
	lr =	simm.s32 $0x1  }
0x2: {  	[smem:$0x3F9B] =	sst lr;
	_ =	strace $0xD0000000  }
0x3: {  	_ = 	snop  }
0x4: {  	_ = 	snop  }
0x5: {  	_ = 	snop  }
0x6: {  	_ = 	snop  }
0x7: {  	_ = 	snop  }
__scs_overlays_trampoline_lowered:
0x8: {  	[smem:$0x3FAA] =	sst s0  }
0x9: {  	[smem:$0x3FAB] =	sst s1  }
0xa: {  	[smem:$0x3FAC] =	sst s2  }
0xb: {  	[smem:$0x3FAD] =	sst s3  }
0xc: {  	[smem:$0x3FAE] =	sst s4  }
0xd: {  	[smem:$0x3FAF] =	sst s5  }
0xe: {  	[smem:$0x3FB0] =	sst s6  }
0xf: {  	[smem:$0x3FB1] =	sst s7  }
0x10: {  	[smem:$0x3FB2] =	sst s8  }
0x11: {  	[smem:$0x3FB3] =	sst s9;
	s0 =	simm.s32 @!p0 $0x0  }
0x12: {  	s1 =	sld [smem:$0x3F99];
	s0 =	simm.s32 @p0 $0x1  }
0x13: {  	[smem:$0x3FB4] =	sst s0;
	s0 =	simm.s32 @!p1 $0x0  }
0x14: {  	s2 =	sld [smem:$0x3F98];
	s0 =	simm.s32 @p1 $0x1  }
0x15: {  	[smem:$0x3FB5] =	sst s0;
	s0 =	simm.s32 @!p2 $0x0  }
0x16: {  	s3 =	sld [smem:$0x3FDB];
	s0 =	simm.s32 @p2 $0x1  }
0x17: {  	s4 =	simm.s32 $0x1BF5;
	[smem:$0x3FB7] =	sst s0  }
0x18: {  	s0 =	sld [smem:$0x3F9A];
	_ =	swait.ge [sflag:s4], $0x0  }
0x19: {  	s7 =	sld [smem:$0x3F9B]  }
0x1a: {  	s8 =	sadd.s32 $0xFFFFE003, lr  }
0x1b: {  	s9 =	sadd.s32 $0xFFFFFEF7, lr;
	s5 =	simm.s32 $0xFFFFFFFF;
	p2 =	slt.u32 s8, $0xFFFFF086  }
0x1c: {  	p1 =	slt.u32 s9, $0xF7A;
	s5 =	simm.s32 @!p2 $0x0  }
0x1d: {  	s5 =	simm.s32 @p1 $0x1;
	p0 =	seq.s32 s7, s2  }
0x1e: {  	s7 =	smul.u32 @!p0 $0xF7A, s2;
	p2 =	seq.s32 @!p0 s5, $0x0  }
0x1f: {  	s9 =	smul.u32 $0xF7A, s1;
	s8 =	simm.s32 @!p0 $0x1BF5;
	p2 =	por !p2, p0  }
0x20: {  	[sflag:s8] =	ssyncset.s32 @!p0 $0xFFFFF086;
	s6 =	sadd.s32 @!p0 s3, s7;
	s7 =	simm.s32 @!p0 $0x108  }
0x21: {  	s3 =	sadd.s32 s3, s9;
	s6 =	sadd.s32 @!p0 $0x88, s6;
	s7 =	simm.s32 @p2 $0x1082  }
0x22: {  	[simem:s7], [sflag:s8] =	dma.local @!p0 [hbm:s6], $0xF7A  }
0x23: {  	s9 =	sor.u32 $0xD0000000, s2;
	s6 =	simm.s32 $0x108;
	_ =	swait.ge @!p0 [sflag:s8], $0x0  }
0x24: {  	s3 =	sadd.s32 $0x88, s3;
	s6 =	simm.s32 @!p1 $0x1082;
	[sflag:s4] =	ssyncset.s32 $0xFFFFF086  }
0x25: {  	[simem:s6], [sflag:s4] =	dma.local [hbm:s3], $0xF7A  }
0x26: {  	[smem:$0x3F9B] =	sst s1;
	(tag) =	ssettag s2;
	_ =	strace s9  }
0x27: {  	s1 =	sld [smem:$0x3FAB]  }
0x28: {  	s2 =	sld [smem:$0x3FAC]  }
0x29: {  	s4 =	sld [smem:$0x3FAE]  }
0x2a: {  	p0 =	seq.s32 s5, $0x0;
	s5 =	sld [smem:$0x3FAF]  }
0x2b: {  	s6 =	sld [smem:$0x3FB0]  }
0x2c: {  	s7 =	sld [smem:$0x3FB1]  }
0x2d: {  	s3 =	simm.s32 $0x108;
	s8 =	sld [smem:$0x3FB2]  }
0x2e: {  	s3 =	simm.s32 @!p0 $0x1082;
	s9 =	sld [smem:$0x3FB3]  }
0x2f: {  	lr =	sadd.s32 s0, s3;
	s0 =	sld [smem:$0x3FAA]  }
0x30: {  	s3 =	sld [smem:$0x3FAD]  }
0x31: {  	[smem:$0x3FB6] =	sst s10  }
0x32: {  	s10 =	sld [smem:$0x3FB4];
	_ =	sdelay $0x3  }
0x33: {  	p0 =	seq.s32 s10, $0x1;
	s10 =	sld [smem:$0x3FB6];
	_ =	sdelay $0x3  }
0x34: {  	[smem:$0x3FB6] =	sst s10  }
0x35: {  	s10 =	sld [smem:$0x3FB5];
	_ =	sdelay $0x3  }
0x36: {  	p1 =	seq.s32 s10, $0x1;
	s10 =	sld [smem:$0x3FB6];
	_ =	sdelay $0x3  }
0x37: {  	[smem:$0x3FB6] =	sst s10  }
0x38: {  	s10 =	sld [smem:$0x3FB7]  }
0x39: {  	_ = 	snop;
	(pc) =	sbr.ind lr, $3  }
0x3a: {  	_ = 	snop  }
0x3b: {  	_ = 	snop  }
0x3c: {  	p2 =	seq.s32 s10, $0x1;
	s10 =	sld [smem:$0x3FB6]  }
0x3d: {  	_ =	shalt  }
0x3e: {  	_ =	shalt  }
0x3f: {  	_ =	shalt  }
0x40: {  	_ =	shalt  }
0x41: {  	_ =	shalt  }
0x42: {  	_ =	shalt  }
0x43: {  	_ =	shalt  }
0x44: {  	_ =	shalt  }
0x45: {  	_ =	shalt  }
0x46: {  	_ =	shalt  }
0x47: {  	_ =	shalt  }
0x48: {  	_ =	shalt  }
0x49: {  	_ =	shalt  }
0x4a: {  	_ =	shalt  }
0x4b: {  	_ =	shalt  }
0x4c: {  	_ =	shalt  }
0x4d: {  	_ =	shalt  }
0x4e: {  	_ =	shalt  }
0x4f: {  	_ =	shalt  }
0x50: {  	_ =	shalt  }
0x51: {  	_ =	shalt  }
0x52: {  	_ =	shalt  }
0x53: {  	_ =	shalt  }
0x54: {  	_ =	shalt  }
0x55: {  	_ =	shalt  }
0x56: {  	_ =	shalt  }
0x57: {  	_ =	shalt  }
0x58: {  	_ =	shalt  }
0x59: {  	_ =	shalt  }
0x5a: {  	_ =	shalt  }
0x5b: {  	_ =	shalt  }
0x5c: {  	_ =	shalt  }
0x5d: {  	_ =	shalt  }
0x5e: {  	_ =	shalt  }
0x5f: {  	_ =	shalt  }
0x60: {  	_ =	shalt  }
0x61: {  	_ =	shalt  }
0x62: {  	_ =	shalt  }
0x63: {  	_ =	shalt  }
0x64: {  	_ =	shalt  }
0x65: {  	_ =	shalt  }
0x66: {  	_ =	shalt  }
0x67: {  	_ =	shalt  }
0x68: {  	_ =	shalt  }
0x69: {  	_ =	shalt  }
0x6a: {  	_ =	shalt  }
0x6b: {  	_ =	shalt  }
0x6c: {  	_ =	shalt  }
0x6d: {  	_ =	shalt  }
0x6e: {  	_ =	shalt  }
0x6f: {  	_ =	shalt  }
0x70: {  	_ =	shalt  }
0x71: {  	_ =	shalt  }
0x72: {  	_ =	shalt  }
0x73: {  	_ =	shalt  }
0x74: {  	_ =	shalt  }
0x75: {  	_ =	shalt  }
0x76: {  	_ =	shalt  }
0x77: {  	_ =	shalt  }
0x78: {  	_ =	shalt  }
0x79: {  	_ =	shalt  }
0x7a: {  	_ =	shalt  }
0x7b: {  	_ =	shalt  }
0x7c: {  	_ =	shalt  }
0x7d: {  	_ =	shalt  }
0x7e: {  	_ =	shalt  }
0x7f: {  	_ =	shalt  }
0x80: {  	_ =	shalt  }
0x81: {  	_ =	shalt  }
0x82: {  	_ =	shalt  }
0x83: {  	_ =	shalt  }
0x84: {  	_ =	shalt  }
0x85: {  	_ =	shalt  }
0x86: {  	_ =	shalt  }
0x87: {  	_ =	shalt  }
.Lfunc_end0:
.L_simem_size_0:
called_computation.1_lowered:
.L_overlay_start_0:
0x88: {  	s2 =	sld [smem:$0x3FD9]  }
0x89: {  	s3 =	sld [smem:$0x3FFE];
	_ =	sdelay $0x1  }
0x8a: {  	s1 =	srdreg.scid  }
0x8b: {  	s0 =	sand.u32 $0x1, s1  }
0x8c: {  	s17 =	sshll.u32 s0, $0xA;
	s2 =	sadd.s32 s3, s2  }
0x8d: {  	s2 =	sadd.s32 s2, s17  }
0x8e: {  	[smem:$0x3FC2] =	sst s2  }
0x8f: {  	_ = 	snop  }
0x90: {  	s2 =	sld [smem:$0x3FC8];
	(tm) =	ssettm $0x1  }
0x91: {  	s18 =	sld [smem:$0x3FFB];
	_ =	sdelay $0x3  }
0x92: {  	_ =	strace s18  }
0x93: {  	s3 =	sld [smem:$0x3FFC];
	_ =	sdelay $0x3  }
0x94: {  	_ =	strace s3  }
0x95: {  	s3 =	sld [smem:$0x3FFD];
	_ =	sdelay $0x3  }
0x96: {  	_ =	strace s3  }
0x97: {  	_ =	strace $0x8FFFFFFF  }
0x98: {  	s19 =	sld [smem:$0x3FDB];
	_ =	sdelay $0x1  }
0x99: {  	s4 =	simm.s32 $_scs_section_size  }
0x9a: {  	s5 =	simm.s32 $_size__tile_overlayer_lowered;
	s6 =	simm.s32 $_tile_overlayer_lowered  }
0x9b: {  	s22 =	simm.s32 $0x1BFF;
	s21 =	sshll.u32 s6, $0x1;
	s3 =	sadd.s32 s4, s19  }
0x9c: {  	s7 =	simm.s32 $0x0;
	s20 =	sshll.u32 s5, $0x1;
	s5 =	sadd.s32 s21, s3  }
0x9d: {  	[timem:s7], [sflag:s22] =	dma.local [hbm:s5], s20  }
0x9e: {  	_ =	swait.ge [sflag:s22], s20  }
0x9f: {  	s4 =	ssub.s32 $0x0, s20;
	[sflag:s22] =	ssyncset.done $0x0  }
0xa0: {  	[sflag:s22] =	ssyncadd.s32 s4;
	_ =	sdelay $0x1  }
0xa1: {  	s23 =	simm.s32 $0x1B8B  }
0xa2: {  	_ =	swait.ge [sflag:s23], $0x1  }
0xa3: {  	[sflag:s23] =	ssyncset.done $0x0  }
0xa4: {  	s25 =	simm.s32 $0x1B8E;
	s24 =	sld [smem:$0x3FFE];
	[sflag:s23] =	ssyncadd.s32 $0xFFFFFFFF  }
0xa5: {  	s26 =	simm.s32 $execute0_lowered;
	[smem:$0x3FD2] =	sst s25  }
0xa6: {  	s5 =	sshll.u32 s26, $0x1;
	_ =	strace $0x80000046;
	[dreg:$0x1] =	wrdreg $0xFFFFFFFF  }
0xa7: {  	s28 =	simm.s32 $_size_execute0_lowered;
	s3 =	sadd.s32 s3, s5;
	[dreg:$0x0] =	wrdreg $0x0  }
0xa8: {  	s5 =	sshll.u32 s28, $0x1;
	[dreg:$0x2] =	wrdreg s3  }
0xa9: {  	[dreg:$0x3] =	wrdreg s5  }
0xaa: {  	[dreg:$0x4] =	wrdreg $0xC0  }
0xab: {  	_ =	task [dreg:s7], $0x5FFFF  }
0xac: {  	[dreg:$0x1] =	wrdreg $0xFFFFFFFF  }
0xad: {  	[dreg:$0x0] =	wrdreg $0x60  }
0xae: {  	[dreg:$0x2] =	wrdreg s24  }
0xaf: {  	[dreg:$0x3] =	wrdreg s2  }
0xb0: {  	[dreg:$0x4] =	wrdreg $0x158000  }
0xb1: {  	[dreg:$0x5] =	wrdreg $0xA  }
0xb2: {  	_ =	task.clear_ibuf [dreg:s7], $0x6FFFF;
	_ =	strace $0x90000046  }
0xb3: {  	s29 =	simm.s32 $0xA;
	_ =	strace $0x80000048  }
0xb4: {  	_ =	swait.ge [sflag:s29], $0x1  }
0xb5: {  	[sflag:s29] =	ssyncadd.s32 $0xFFFFFFFF  }
0xb6: {  	_ =	strace $0x90000048  }
0xb7: {  	_ =	sfence  }
0xb8: {  	s30 =	sld [smem:$0x0];
	_ =	sdelay $0x2  }
0xb9: {  	s31 =	sshll.u32 s1, $0xD;
	s1 =	sshrl.u32 s1, $0x2  }
0xba: {  	s3 =	sand.u32 $0x4000, s31;
	s1 =	sadd.s32 s1, s30  }
0xbb: {  	s0 =	sor.u32 s3, s0;
	s1 =	sshll.u32 s1, $0x11  }
0xbc: {  	s0 =	sor.u32 s1, s0  }
0xbd: {  	s0 =	sadd.s32 $0x8F2B, s0  }
0xbe: {  	[sflag:s0] =	ssyncadd.remote.s32 $0x1  }
0xbf: {  	_ =	sfence.sel $0xFFFF  }
0xc0: {  	[dreg:$0x0] =	wrdreg $0xFFFFFFFF;
	(pc) =	sbr.abs _section_cstart, $3  }
0xc1: {  	[dreg:$0x1] =	wrdreg $0xFFFFFFFF  }
0xc2: {  	_ =	task.clear_ibuf [dreg:s7], $0x2FFFF;
	_ =	strace $0x9FFFFFFF  }
0xc3: {  	(tm) =	ssettm $0x7FFFFFFF  }
tec
execute0_lowered:
.L_overlay_start_1:
0x0: {  	(tag) =	ssettag $0x1  }
0x1: {  	s1 =	rddreg [dreg:$0x0]  }
0x2: {  	s0 =	srdreg.scid;
	s2 =	rddreg [dreg:$0x1]  }
0x3: {  	s8 =	stileid.u32;
	s3 =	rddreg [dreg:$0x2]  }
0x4: {  	s13 =	simm.s32 $0xC;
	s14 =	simm.s32 $0x1800;
	s15 =	simm.s32 $0x80  }
0x5: {  	s16 =	simm.s32 $0x5800;
	s28 =	simm.s32 $0x1;
	s29 =	simm.s32 $0x2  }
0x6: {  	s31 =	simm.s32 $0x6;
	s17 =	simm.s32 $0x3;
	s0 =	sand.u32 $0x1, s0  }
0x7: {  	s30 =	simm.s32 $0x4;
	s7 =	smul.u32 $0x180, s8;
	s4 =	sshll.u32 s0, $0x4  }
0x8: {  	s0 =	ssub.s32 $0x2, s0;
	s5 =	sor.u32 s8, s4;
	s4 =	simm.s32 $0x0  }
0x9: {  	s7 =	sadd.s32 s7, s1;
	s18 =	sshrl.u32 s0, $0x1;
	s8 =	sshll.u32 s8, $0xE  }
0xa: {  	s6 =	smul.u32 $0x180, s5;
	[smem:$0x7FF] =	sst s4;
	s5 =	sshll.u32 s5, $0xB  }
0xb: {  	s0 =	ssub.s32 s0, s18;
	s20 =	sadd.s32 $0x5000, s7;
	s18 =	simm.s32 $0x9800  }
0xc: {  	s7 =	simm.s32 $0xB;
	_ =	strace $0x80000047;
	[dreg:$0x5] =	wrdreg s20  }
0xd: {  	s0 =	smax.u32 s0, $0x1;
	s20 =	simm.s32 $0xD800;
	s6 =	sadd.s32 s6, s1  }
0xe: {  	s1 =	sadd.s32 s5, s1;
	[dreg:$0xa] =	wrdreg s0;
	s0 =	simm.s32 $0x8  }
0xf: {  	s5 =	simm.s32 $0xA;
	s19 =	sadd.s32 $0x2000, s6;
	s6 =	sadd.s32 s8, s3  }
0x10: {  	s22 =	sadd.s32 $0x6B80, s1;
	s23 =	sadd.s32 $0x6800, s1;
	[dreg:$0x4] =	wrdreg s19  }
0x11: {  	s25 =	sadd.s32 $0x6D80, s1;
	s1 =	sadd.s32 $0x6F80, s1;
	[dreg:$0x6] =	wrdreg s22  }
0x12: {  	s8 =	simm.s32 $0x0;
	s21 =	sadd.s32 $0x1C00, s6;
	[dreg:$0x7] =	wrdreg s23  }
0x13: {  	s24 =	sadd.s32 $0x2C00, s6;
	[dreg:$0x8] =	wrdreg s25;
	s26 =	sadd.s32 $0x3C00, s6  }
0x14: {  	[dreg:$0x9] =	wrdreg s1;
	s22 =	simm.s32 $0x11800;
	s19 =	simm.s32 $0x7  }
0x15: {  	s1 =	simm.s32 $0x5;
	s23 =	sshrl.u32 s21, $0x3;
	s24 =	sshrl.u32 s24, $0x3  }
0x16: {  	v0 =	vimm.f32 $0.0e+00;
	s25 =	sshrl.u32 s26, $0x3;
	s26 =	simm.s32 $0xC00;
	s21 =	simm.s32 $0x9  }
.LBB2_1:
0x17: {  	s9 =	rddreg [dreg:$0x4]  }
0x18: {  	[tilespmem:s4], [sflag:$0xC] =	stream.linear.gather [hbm4b:s9+s4], $0xA00, $0x38;
	[tilespmem:$0x19800] =	vst v63  }
0x19: {  	_ =	swait.ge [sflag:s13], $0xA00  }
0x1a: {  	[sflag:s13] =	ssyncset.done $0x0  }
0x1b: {  	s10 =	simm.s32 $0x200;
	s9 =	simm.s32 $0x0;
	[sflag:s13] =	ssyncadd.s32 $0xFFFFF600  }
.LBB2_2:
0x1c: {  	p0 =	sne.s32 s10, $0xFE00;
	[tilespmem:s9+$0x1870] =	vst v0  }
0x1d: {  	[tilespmem:s9+$0x1800] =	vst v0  }
0x1e: {  	[tilespmem:s9+$0x1810] =	vst v0  }
.Ltmp0:
0x1f: {  	[tilespmem:s9+$0x1820] =	vst v0;
	(pc) =	sbr.rel @p0 .LBB2_2-.Ltmp0, $4  }
0x20: {  	[tilespmem:s9+$0x1830] =	vst v0  }
0x21: {  	[tilespmem:s9+$0x1840] =	vst v0  }
0x22: {  	[tilespmem:s9+$0x1850] =	vst v0  }
0x23: {  	[tilespmem:s9+$0x1860] =	vst v0;
	s9 =	sshra.s32 s10, $0x2;
	s10 =	sadd.s32 $0x200, s10  }
0x24: {  	[tilespmem:s9+$0x1870] =	vst v0  }
0x25: {  	[tilespmem:s9+$0x1800] =	vst v0  }
0x26: {  	[tilespmem:s9+$0x1810] =	vst v0  }
0x27: {  	[tilespmem:s9+$0x1820] =	vst v0  }
0x28: {  	[tilespmem:s9+$0x1830] =	vst v0  }
0x29: {  	[tilespmem:s9+$0x1840] =	vst v0  }
0x2a: {  	[tilespmem:s9+$0x1850] =	vst v0  }
0x2b: {  	[tilespmem:s9+$0x1860] =	vst v0  }
0x2c: {  	[spmem:s6] =	stream.linear.scatter [tilespmem:s14], [sflag:$0xC], $0x4000, $0x38;
	[tilespmem:$0x19800] =	vst v63  }
0x2d: {  	_ =	swait.ge [sflag:s13], $0x4000  }
0x2e: {  	[sflag:s13] =	ssyncset.done $0x0  }
0x2f: {  	[sflag:s13] =	ssyncadd.s32 $0xFFFFC000  }
0x30: {  	[tilespmem:s14], [sflag:$0x1] =	stream.indirect.gather [hbm4b:s2+s15], $0x80, s4, s15, $0xb8;
	[tilespmem:$0x19800] =	vst v63  }
0x31: {  	_ = 	snop  }
0x32: {  	[tilespmem:s16], [sflag:$0x2] =	stream.indirect.gather [hbm4b:s2+s15], $0x80, s15, s15, $0xb8;
	[tilespmem:$0x19800] =	vst v63  }
0x33: {  	s10 =	simm.s32 $0x100  }
0x34: {  	[tilespmem:s18], [sflag:$0x3] =	stream.indirect.gather [hbm4b:s2+s15], $0x80, s10, s15, $0xb8;
	[tilespmem:$0x19800] =	vst v63  }
0x35: {  	s11 =	simm.s32 $0x180  }
0x36: {  	[tilespmem:s20], [sflag:$0x4] =	stream.indirect.gather [hbm4b:s2+s15], $0x80, s11, s15, $0xb8;
	[tilespmem:$0x19800] =	vst v63  }
0x37: {  	s12 =	simm.s32 $0x200  }
0x38: {  	[tilespmem:s22], [sflag:$0x5] =	stream.indirect.gather [hbm4b:s2+s15], $0x80, s12, s15, $0xb8;
	[tilespmem:$0x19800] =	vst v63  }
0x39: {  	s10 =	rddreg [dreg:$0x5]  }
0x3a: {  	[tilespmem:s26], [sflag:$0xC] =	stream.linear.gather [hbm4b:s10+s4], $0xA00, $0x38;
	[tilespmem:$0x19800] =	vst v63  }
0x3b: {  	_ =	swait.ge [sflag:s13], $0xA00  }
0x3c: {  	[sflag:s13] =	ssyncset.done $0x0  }
0x3d: {  	[sflag:s13] =	ssyncadd.s32 $0xFFFFF600  }
0x3e: {  	_ =	swait.ge [sflag:s28], $0x4000  }
0x3f: {  	[sflag:s28] =	ssyncset.done $0x0  }
0x40: {  	[sflag:s28] =	ssyncadd.s32 $0xFFFFC000  }
0x41: {  	[spmem:s3] =	stream.indirect.scatter.add.f32 [tilespmem:s14], [sflag:$0x6], $0x80, s26, s15, $0xb8;
	[tilespmem:$0x19800] =	vst v63  }
0x42: {  	_ =	swait.ge [sflag:s29], $0x4000  }
0x43: {  	[sflag:s29] =	ssyncset.done $0x0  }
0x44: {  	s11 =	simm.s32 $0xC80;
	[sflag:s29] =	ssyncadd.s32 $0xFFFFC000  }
0x45: {  	[spmem:s3] =	stream.indirect.scatter.add.f32 [tilespmem:s16], [sflag:$0x7], $0x80, s11, s15, $0xb8;
	[tilespmem:$0x19800] =	vst v63  }
0x46: {  	_ =	swait.ge [sflag:s31], $0x4000  }
0x47: {  	[sflag:s31] =	ssyncset.done $0x0  }
0x48: {  	s12 =	simm.s32 $0x280;
	[sflag:s31] =	ssyncadd.s32 $0xFFFFC000  }
0x49: {  	[tilespmem:s14], [sflag:$0x1] =	stream.indirect.gather [hbm4b:s2+s15], $0x80, s12, s15, $0xb8;
	[tilespmem:$0x19800] =	vst v63  }
0x4a: {  	_ =	swait.ge [sflag:s17], $0x4000  }
0x4b: {  	[sflag:s17] =	ssyncset.done $0x0  }
0x4c: {  	s10 =	simm.s32 $0xD00;
	[sflag:s17] =	ssyncadd.s32 $0xFFFFC000  }
0x4d: {  	[spmem:s3] =	stream.indirect.scatter.add.f32 [tilespmem:s18], [sflag:$0x8], $0x80, s10, s15, $0xb8;
	[tilespmem:$0x19800] =	vst v63  }
0x4e: {  	_ =	swait.ge [sflag:s19], $0x4000  }
0x4f: {  	[sflag:s19] =	ssyncset.done $0x0  }
0x50: {  	s11 =	simm.s32 $0x300;
	[sflag:s19] =	ssyncadd.s32 $0xFFFFC000  }
0x51: {  	[tilespmem:s16], [sflag:$0x2] =	stream.indirect.gather [hbm4b:s2+s15], $0x80, s11, s15, $0xb8;
	[tilespmem:$0x19800] =	vst v63  }
0x52: {  	_ =	swait.ge [sflag:s30], $0x4000  }
0x53: {  	[sflag:s30] =	ssyncset.done $0x0  }
0x54: {  	s12 =	simm.s32 $0xD80;
	[sflag:s30] =	ssyncadd.s32 $0xFFFFC000  }
0x55: {  	[spmem:s3] =	stream.indirect.scatter.add.f32 [tilespmem:s20], [sflag:$0x9], $0x80, s12, s15, $0xb8;
	[tilespmem:$0x19800] =	vst v63  }
0x56: {  	_ =	swait.ge [sflag:s0], $0x4000  }
0x57: {  	[sflag:s0] =	ssyncset.done $0x0  }
0x58: {  	s10 =	simm.s32 $0x380;
	[sflag:s0] =	ssyncadd.s32 $0xFFFFC000  }
0x59: {  	[tilespmem:s18], [sflag:$0x3] =	stream.indirect.gather [hbm4b:s2+s15], $0x80, s10, s15, $0xb8;
	[tilespmem:$0x19800] =	vst v63  }
0x5a: {  	_ =	swait.ge [sflag:s1], $0x4000  }
0x5b: {  	[sflag:s1] =	ssyncset.done $0x0  }
0x5c: {  	s11 =	simm.s32 $0xE00;
	[sflag:s1] =	ssyncadd.s32 $0xFFFFC000  }
0x5d: {  	[spmem:s3] =	stream.indirect.scatter.add.f32 [tilespmem:s22], [sflag:$0xA], $0x80, s11, s15, $0xb8;
	[tilespmem:$0x19800] =	vst v63  }
0x5e: {  	_ =	swait.ge [sflag:s21], $0x4000  }
0x5f: {  	[sflag:s21] =	ssyncset.done $0x0  }
0x60: {  	s12 =	simm.s32 $0x400;
	[sflag:s21] =	ssyncadd.s32 $0xFFFFC000  }
0x61: {  	[tilespmem:s20], [sflag:$0x4] =	stream.indirect.gather [hbm4b:s2+s15], $0x80, s12, s15, $0xb8;
	[tilespmem:$0x19800] =	vst v63  }
0x62: {  	_ =	swait.ge [sflag:s28], $0x4000  }
0x63: {  	[sflag:s28] =	ssyncset.done $0x0  }
0x64: {  	s10 =	simm.s32 $0xE80;
	[sflag:s28] =	ssyncadd.s32 $0xFFFFC000  }
0x65: {  	[spmem:s3] =	stream.indirect.scatter.add.f32 [tilespmem:s14], [sflag:$0x6], $0x80, s10, s15, $0xb8;
	[tilespmem:$0x19800] =	vst v63  }
0x66: {  	_ =	swait.ge [sflag:s5], $0x4000  }
0x67: {  	[sflag:s5] =	ssyncset.done $0x0  }
0x68: {  	s11 =	simm.s32 $0x480;
	[sflag:s5] =	ssyncadd.s32 $0xFFFFC000  }
0x69: {  	[tilespmem:s22], [sflag:$0x5] =	stream.indirect.gather [hbm4b:s2+s15], $0x80, s11, s15, $0xb8;
	[tilespmem:$0x19800] =	vst v63  }
0x6a: {  	_ =	swait.ge [sflag:s29], $0x4000  }
0x6b: {  	[sflag:s29] =	ssyncset.done $0x0  }
0x6c: {  	s12 =	simm.s32 $0xF00;
	[sflag:s29] =	ssyncadd.s32 $0xFFFFC000  }
0x6d: {  	[spmem:s3] =	stream.indirect.scatter.add.f32 [tilespmem:s16], [sflag:$0x7], $0x80, s12, s15, $0xb8;
	[tilespmem:$0x19800] =	vst v63  }
0x6e: {  	_ =	swait.ge [sflag:s31], $0x4000  }
0x6f: {  	[sflag:s31] =	ssyncset.done $0x0  }
0x70: {  	s10 =	simm.s32 $0x500;
	[sflag:s31] =	ssyncadd.s32 $0xFFFFC000  }
0x71: {  	[tilespmem:s14], [sflag:$0x1] =	stream.indirect.gather [hbm4b:s2+s15], $0x80, s10, s15, $0xb8;
	[tilespmem:$0x19800] =	vst v63  }
0x72: {  	_ =	swait.ge [sflag:s17], $0x4000  }
0x73: {  	[sflag:s17] =	ssyncset.done $0x0  }
0x74: {  	s11 =	simm.s32 $0xF80;
	[sflag:s17] =	ssyncadd.s32 $0xFFFFC000  }
0x75: {  	[spmem:s3] =	stream.indirect.scatter.add.f32 [tilespmem:s18], [sflag:$0x8], $0x80, s11, s15, $0xb8;
	[tilespmem:$0x19800] =	vst v63  }
0x76: {  	_ =	swait.ge [sflag:s19], $0x4000  }
0x77: {  	[sflag:s19] =	ssyncset.done $0x0  }
0x78: {  	s12 =	simm.s32 $0x580;
	[sflag:s19] =	ssyncadd.s32 $0xFFFFC000  }
0x79: {  	[tilespmem:s16], [sflag:$0x2] =	stream.indirect.gather [hbm4b:s2+s15], $0x80, s12, s15, $0xb8;
	[tilespmem:$0x19800] =	vst v63  }
0x7a: {  	_ =	swait.ge [sflag:s30], $0x4000  }
0x7b: {  	[sflag:s30] =	ssyncset.done $0x0  }
0x7c: {  	s10 =	simm.s32 $0x1000;
	[sflag:s30] =	ssyncadd.s32 $0xFFFFC000  }
0x7d: {  	[spmem:s3] =	stream.indirect.scatter.add.f32 [tilespmem:s20], [sflag:$0x9], $0x80, s10, s15, $0xb8;
	[tilespmem:$0x19800] =	vst v63  }
0x7e: {  	_ =	swait.ge [sflag:s0], $0x4000  }
0x7f: {  	[sflag:s0] =	ssyncset.done $0x0  }
0x80: {  	s11 =	simm.s32 $0x600;
	[sflag:s0] =	ssyncadd.s32 $0xFFFFC000  }
0x81: {  	[tilespmem:s18], [sflag:$0x3] =	stream.indirect.gather [hbm4b:s2+s15], $0x80, s11, s15, $0xb8;
	[tilespmem:$0x19800] =	vst v63  }
0x82: {  	_ =	swait.ge [sflag:s1], $0x4000  }
0x83: {  	[sflag:s1] =	ssyncset.done $0x0  }
0x84: {  	s12 =	simm.s32 $0x1080;
	[sflag:s1] =	ssyncadd.s32 $0xFFFFC000  }
0x85: {  	[spmem:s3] =	stream.indirect.scatter.add.f32 [tilespmem:s22], [sflag:$0xA], $0x80, s12, s15, $0xb8;
	[tilespmem:$0x19800] =	vst v63  }
0x86: {  	_ =	swait.ge [sflag:s21], $0x4000  }
0x87: {  	s11 =	stileid.u32;
	[sflag:s21] =	ssyncset.done $0x0  }
0x88: {  	s10 =	simm.s32 $0x680;
	s9 =	sshll.u32 s11, $0x6;
	[sflag:s21] =	ssyncadd.s32 $0xFFFFC000  }
0x89: {  	[tilespmem:s20], [sflag:$0x4] =	stream.indirect.gather [hbm4b:s2+s15], $0x80, s10, s15, $0xb8;
	[tilespmem:$0x19800] =	vst v63  }
0x8a: {  	s11 =	sshrl.u32 s6, $0x3;
	s12 =	rddreg [dreg:$0x7];
	s10 =	sor.u32 $0x1C0B, s9  }
0x8b: {  	[hbm:s12], [sflag:s10] =	dma.local [spmem:s11], $0x380  }
0x8c: {  	_ =	swait.ge [sflag:s28], $0x4000  }
0x8d: {  	[sflag:s28] =	ssyncset.done $0x0  }
0x8e: {  	s12 =	simm.s32 $0x1100;
	[sflag:s28] =	ssyncadd.s32 $0xFFFFC000  }
0x8f: {  	[spmem:s3] =	stream.indirect.scatter.add.f32 [tilespmem:s14], [sflag:$0x6], $0x80, s12, s15, $0xb8;
	[tilespmem:$0x19800] =	vst v63  }
0x90: {  	_ =	swait.ge [sflag:s5], $0x4000  }
0x91: {  	[sflag:s5] =	ssyncset.done $0x0  }
0x92: {  	s12 =	simm.s32 $0x700;
	[sflag:s5] =	ssyncadd.s32 $0xFFFFC000  }
0x93: {  	[tilespmem:s22], [sflag:$0x5] =	stream.indirect.gather [hbm4b:s2+s15], $0x80, s12, s15, $0xb8;
	[tilespmem:$0x19800] =	vst v63  }
0x94: {  	_ =	swait.ge [sflag:s29], $0x4000  }
0x95: {  	[sflag:s29] =	ssyncset.done $0x0  }
0x96: {  	s12 =	simm.s32 $0x1180;
	[sflag:s29] =	ssyncadd.s32 $0xFFFFC000  }
0x97: {  	[spmem:s3] =	stream.indirect.scatter.add.f32 [tilespmem:s16], [sflag:$0x7], $0x80, s12, s15, $0xb8;
	[tilespmem:$0x19800] =	vst v63  }
0x98: {  	_ =	swait.ge [sflag:s31], $0x4000  }
0x99: {  	[sflag:s31] =	ssyncset.done $0x0  }
0x9a: {  	s12 =	simm.s32 $0x780;
	[sflag:s31] =	ssyncadd.s32 $0xFFFFC000  }
0x9b: {  	[tilespmem:s14], [sflag:$0x1] =	stream.indirect.gather [hbm4b:s2+s15], $0x80, s12, s15, $0xb8;
	[tilespmem:$0x19800] =	vst v63  }
0x9c: {  	_ =	swait.ge [sflag:s17], $0x4000  }
0x9d: {  	[sflag:s17] =	ssyncset.done $0x0  }
0x9e: {  	s12 =	simm.s32 $0x1200;
	[sflag:s17] =	ssyncadd.s32 $0xFFFFC000  }
0x9f: {  	[spmem:s3] =	stream.indirect.scatter.add.f32 [tilespmem:s18], [sflag:$0x8], $0x80, s12, s15, $0xb8;
	[tilespmem:$0x19800] =	vst v63  }
0xa0: {  	_ =	swait.ge [sflag:s19], $0x4000  }
0xa1: {  	[sflag:s19] =	ssyncset.done $0x0  }
0xa2: {  	s12 =	simm.s32 $0x800;
	[sflag:s19] =	ssyncadd.s32 $0xFFFFC000  }
0xa3: {  	[tilespmem:s16], [sflag:$0x2] =	stream.indirect.gather [hbm4b:s2+s15], $0x80, s12, s15, $0xb8;
	[tilespmem:$0x19800] =	vst v63  }
0xa4: {  	_ =	swait.ge [sflag:s30], $0x4000  }
0xa5: {  	[sflag:s30] =	ssyncset.done $0x0  }
0xa6: {  	s12 =	simm.s32 $0x1280;
	[sflag:s30] =	ssyncadd.s32 $0xFFFFC000  }
0xa7: {  	[spmem:s3] =	stream.indirect.scatter.add.f32 [tilespmem:s20], [sflag:$0x9], $0x80, s12, s15, $0xb8;
	[tilespmem:$0x19800] =	vst v63  }
0xa8: {  	_ =	swait.ge [sflag:s0], $0x4000  }
0xa9: {  	[sflag:s0] =	ssyncset.done $0x0  }
0xaa: {  	s12 =	simm.s32 $0x880;
	[sflag:s0] =	ssyncadd.s32 $0xFFFFC000  }
0xab: {  	[tilespmem:s18], [sflag:$0x3] =	stream.indirect.gather [hbm4b:s2+s15], $0x80, s12, s15, $0xb8;
	[tilespmem:$0x19800] =	vst v63  }
0xac: {  	_ =	swait.ge [sflag:s1], $0x4000  }
0xad: {  	[sflag:s1] =	ssyncset.done $0x0  }
0xae: {  	s12 =	simm.s32 $0x1300;
	[sflag:s1] =	ssyncadd.s32 $0xFFFFC000  }
0xaf: {  	[spmem:s3] =	stream.indirect.scatter.add.f32 [tilespmem:s22], [sflag:$0xA], $0x80, s12, s15, $0xb8;
	[tilespmem:$0x19800] =	vst v63  }
0xb0: {  	_ =	swait.ge [sflag:s21], $0x4000  }
0xb1: {  	[sflag:s21] =	ssyncset.done $0x0  }
0xb2: {  	s12 =	simm.s32 $0x900;
	[sflag:s21] =	ssyncadd.s32 $0xFFFFC000  }
0xb3: {  	[tilespmem:s20], [sflag:$0x4] =	stream.indirect.gather [hbm4b:s2+s15], $0x80, s12, s15, $0xb8;
	[tilespmem:$0x19800] =	vst v63  }
0xb4: {  	s12 =	rddreg [dreg:$0x6]  }
0xb5: {  	[hbm:s12], [sflag:s10] =	dma.local [spmem:s23], $0x200  }
0xb6: {  	_ =	swait.ge [sflag:s28], $0x4000  }
0xb7: {  	[sflag:s28] =	ssyncset.done $0x0  }
0xb8: {  	s12 =	simm.s32 $0x1380;
	[sflag:s28] =	ssyncadd.s32 $0xFFFFC000  }
0xb9: {  	[spmem:s3] =	stream.indirect.scatter.add.f32 [tilespmem:s14], [sflag:$0x6], $0x80, s12, s15, $0xb8;
	[tilespmem:$0x19800] =	vst v63  }
0xba: {  	_ =	swait.ge [sflag:s5], $0x4000  }
0xbb: {  	[sflag:s5] =	ssyncset.done $0x0  }
0xbc: {  	s12 =	simm.s32 $0x980;
	[sflag:s5] =	ssyncadd.s32 $0xFFFFC000  }
0xbd: {  	[tilespmem:s22], [sflag:$0x5] =	stream.indirect.gather [hbm4b:s2+s15], $0x80, s12, s15, $0xb8;
	[tilespmem:$0x19800] =	vst v63  }
0xbe: {  	_ =	swait.ge [sflag:s29], $0x4000  }
0xbf: {  	[sflag:s29] =	ssyncset.done $0x0  }
0xc0: {  	s12 =	simm.s32 $0x1400;
	[sflag:s29] =	ssyncadd.s32 $0xFFFFC000  }
0xc1: {  	[spmem:s3] =	stream.indirect.scatter.add.f32 [tilespmem:s16], [sflag:$0x7], $0x80, s12, s15, $0xb8;
	[tilespmem:$0x19800] =	vst v63  }
0xc2: {  	_ =	swait.ge [sflag:s31], $0x4000  }
0xc3: {  	[sflag:s31] =	ssyncset.done $0x0  }
0xc4: {  	[sflag:s31] =	ssyncadd.s32 $0xFFFFC000  }
0xc5: {  	_ =	swait.ge [sflag:s17], $0x4000  }
0xc6: {  	[sflag:s17] =	ssyncset.done $0x0  }
0xc7: {  	s12 =	simm.s32 $0x1480;
	[sflag:s17] =	ssyncadd.s32 $0xFFFFC000  }
0xc8: {  	[spmem:s3] =	stream.indirect.scatter.add.f32 [tilespmem:s18], [sflag:$0x8], $0x80, s12, s15, $0xb8;
	[tilespmem:$0x19800] =	vst v63  }
0xc9: {  	_ =	swait.ge [sflag:s19], $0x4000  }
0xca: {  	[sflag:s19] =	ssyncset.done $0x0  }
0xcb: {  	[sflag:s19] =	ssyncadd.s32 $0xFFFFC000  }
0xcc: {  	_ =	swait.ge [sflag:s30], $0x4000  }
0xcd: {  	[sflag:s30] =	ssyncset.done $0x0  }
0xce: {  	s12 =	simm.s32 $0x1500;
	[sflag:s30] =	ssyncadd.s32 $0xFFFFC000  }
0xcf: {  	[spmem:s3] =	stream.indirect.scatter.add.f32 [tilespmem:s20], [sflag:$0x9], $0x80, s12, s15, $0xb8;
	[tilespmem:$0x19800] =	vst v63  }
0xd0: {  	_ =	swait.ge [sflag:s0], $0x4000  }
0xd1: {  	[sflag:s0] =	ssyncset.done $0x0  }
0xd2: {  	[sflag:s0] =	ssyncadd.s32 $0xFFFFC000  }
0xd3: {  	_ =	swait.ge [sflag:s1], $0x4000  }
0xd4: {  	[sflag:s1] =	ssyncset.done $0x0  }
0xd5: {  	s12 =	simm.s32 $0x1580;
	[sflag:s1] =	ssyncadd.s32 $0xFFFFC000  }
0xd6: {  	[spmem:s3] =	stream.indirect.scatter.add.f32 [tilespmem:s22], [sflag:$0xA], $0x80, s12, s15, $0xb8;
	[tilespmem:$0x19800] =	vst v63  }
0xd7: {  	_ =	swait.ge [sflag:s21], $0x4000  }
0xd8: {  	[sflag:s21] =	ssyncset.done $0x0  }
0xd9: {  	s12 =	rddreg [dreg:$0x8];
	[sflag:s21] =	ssyncadd.s32 $0xFFFFC000  }
0xda: {  	[hbm:s12], [sflag:s10] =	dma.local [spmem:s24], $0x200  }
0xdb: {  	_ =	swait.ge [sflag:s5], $0x4000  }
0xdc: {  	[sflag:s5] =	ssyncset.done $0x0  }
0xdd: {  	s9 =	sor.u32 $0x1C0C, s9;
	s11 =	rddreg [dreg:$0x9];
	[sflag:s5] =	ssyncadd.s32 $0xFFFFC000  }
0xde: {  	[hbm:s11], [sflag:s9] =	dma.local [spmem:s25], $0x80  }
0xdf: {  	_ =	swait.ge [sflag:s13], $0x80  }
0xe0: {  	[sflag:s13] =	ssyncset.done $0x0  }
0xe1: {  	[sflag:s13] =	ssyncadd.s32 $0xFFFFFF80  }
0xe2: {  	_ =	swait.ge [sflag:s7], $0x380  }
0xe3: {  	[sflag:s7] =	ssyncset.done $0x0  }
0xe4: {  	[sflag:s7] =	ssyncadd.s32 $0xFFFFFC80  }
0xe5: {  	_ =	swait.ge [sflag:s7], $0x200  }
0xe6: {  	[sflag:s7] =	ssyncset.done $0x0  }
0xe7: {  	[sflag:s7] =	ssyncadd.s32 $0xFFFFFE00  }
0xe8: {  	_ =	swait.ge [sflag:s7], $0x200  }
0xe9: {  	s8 =	sadd.s32 $0x1, s8;
	s12 =	rddreg [dreg:$0xa]  }
0xea: {  	p0 =	sne.s32 s8, s12  }
.Ltmp1:
0xeb: {  	_ = 	snop;
	(pc) =	sbr.rel @p0 .LBB2_1-.Ltmp1, $3  }
0xec: {  	_ =	sdelay $0x1  }
0xed: {  	[sflag:s7] =	ssyncset.done $0x0  }
0xee: {  	[sflag:s7] =	ssyncadd.s32 $0xFFFFFE00  }
0xef: {  	_ =	sfence.sel $0x180000  }
0xf0: {  	[bflag:$0x0] =	sbarrier.arrive $0xFFFF  }
0xf1: {  	_ =	strace $0x90000047  }
0xf2: {  	s0 =	stileid.u32;
	[bflag:$0x2] =	sbarrier.arrive $0xFFFF  }
0xf3: {  	p0 =	sne.s32 s0, $0x0;
	s0 =	rddreg [dreg:$0x3]  }
0xf4: {  	s0 =	sadd.s32 @!p0 $0x100000, s0  }
0xf5: {  	[sflag:s0] =	ssyncadd.tile.s32 @!p0 $0x1;
	_ =	shalt  }
.Lfunc_end2:
_tile_overlayer_lowered:
.L_overlay_start_2:
0xf6: {  	(tag) =	ssettag $0x2  }
0xf7: {  	s0 =	rddreg [dreg:$0x0];
	s2 =	stileid.u32  }
0xf8: {  	s1 =	rddreg [dreg:$0x1];
	p0 =	sne.s32 s2, $0x0  }
0xf9: {  	s3 =	rddreg [dreg:$0x2];
	[bflag:$0x3] =	sbarrier.arrive $0xFFFF;
	s2 =	simm.s32 @!p0 $0x1C0C  }
0xfa: {  	[timem:s3], [sflag:s2] =	dma.local @!p0 [hbm:s0], s1  }
0xfb: {  	s0 =	simm.s32 @!p0 $0xC  }
0xfc: {  	_ =	swait.ge @!p0 [sflag:s0], s1  }
0xfd: {  	s1 =	ssub.s32 @!p0 $0x0, s1;
	[sflag:s0] =	ssyncset.done @!p0 $0x0  }
0xfe: {  	[sflag:s0] =	ssyncadd.s32 @!p0 s1  }
0xff: {  	[bflag:$0x3] =	sbarrier.arrive $0xFFFF  }
0x100: {  	_ =	shalt  }

// kernel: kernel.16.cloned.1.call-start
scs
__scs_entry_jumppad:
0x0: {  	(pc) =	sbr.rel $0x88, $3  }
0x1: {  	(tag) =	ssettag $0x0;
	lr =	simm.s32 $0x1  }
0x2: {  	[smem:$0x3F9B] =	sst lr;
	_ =	strace $0xD0000000  }
0x3: {  	_ = 	snop  }
0x4: {  	_ = 	snop  }
0x5: {  	_ = 	snop  }
0x6: {  	_ = 	snop  }
0x7: {  	_ = 	snop  }
__scs_overlays_trampoline_lowered:
0x8: {  	[smem:$0x3FAA] =	sst s0  }
0x9: {  	[smem:$0x3FAB] =	sst s1  }
0xa: {  	[smem:$0x3FAC] =	sst s2  }
0xb: {  	[smem:$0x3FAD] =	sst s3  }
0xc: {  	[smem:$0x3FAE] =	sst s4  }
0xd: {  	[smem:$0x3FAF] =	sst s5  }
0xe: {  	[smem:$0x3FB0] =	sst s6  }
0xf: {  	[smem:$0x3FB1] =	sst s7  }
0x10: {  	[smem:$0x3FB2] =	sst s8  }
0x11: {  	[smem:$0x3FB3] =	sst s9;
	s0 =	simm.s32 @!p0 $0x0  }
0x12: {  	s1 =	sld [smem:$0x3F99];
	s0 =	simm.s32 @p0 $0x1  }
0x13: {  	[smem:$0x3FB4] =	sst s0;
	s0 =	simm.s32 @!p1 $0x0  }
0x14: {  	s2 =	sld [smem:$0x3F98];
	s0 =	simm.s32 @p1 $0x1  }
0x15: {  	[smem:$0x3FB5] =	sst s0;
	s0 =	simm.s32 @!p2 $0x0  }
0x16: {  	s3 =	sld [smem:$0x3FDB];
	s0 =	simm.s32 @p2 $0x1  }
0x17: {  	s4 =	simm.s32 $0x1BF5;
	[smem:$0x3FB7] =	sst s0  }
0x18: {  	s0 =	sld [smem:$0x3F9A];
	_ =	swait.ge [sflag:s4], $0x0  }
0x19: {  	s7 =	sld [smem:$0x3F9B]  }
0x1a: {  	s8 =	sadd.s32 $0xFFFFE003, lr  }
0x1b: {  	s9 =	sadd.s32 $0xFFFFFEF7, lr;
	s5 =	simm.s32 $0xFFFFFFFF;
	p2 =	slt.u32 s8, $0xFFFFF086  }
0x1c: {  	p1 =	slt.u32 s9, $0xF7A;
	s5 =	simm.s32 @!p2 $0x0  }
0x1d: {  	s5 =	simm.s32 @p1 $0x1;
	p0 =	seq.s32 s7, s2  }
0x1e: {  	s7 =	smul.u32 @!p0 $0xF7A, s2;
	p2 =	seq.s32 @!p0 s5, $0x0  }
0x1f: {  	s9 =	smul.u32 $0xF7A, s1;
	s8 =	simm.s32 @!p0 $0x1BF5;
	p2 =	por !p2, p0  }
0x20: {  	[sflag:s8] =	ssyncset.s32 @!p0 $0xFFFFF086;
	s6 =	sadd.s32 @!p0 s3, s7;
	s7 =	simm.s32 @!p0 $0x108  }
0x21: {  	s3 =	sadd.s32 s3, s9;
	s6 =	sadd.s32 @!p0 $0x88, s6;
	s7 =	simm.s32 @p2 $0x1082  }
0x22: {  	[simem:s7], [sflag:s8] =	dma.local @!p0 [hbm:s6], $0xF7A  }
0x23: {  	s9 =	sor.u32 $0xD0000000, s2;
	s6 =	simm.s32 $0x108;
	_ =	swait.ge @!p0 [sflag:s8], $0x0  }
0x24: {  	s3 =	sadd.s32 $0x88, s3;
	s6 =	simm.s32 @!p1 $0x1082;
	[sflag:s4] =	ssyncset.s32 $0xFFFFF086  }
0x25: {  	[simem:s6], [sflag:s4] =	dma.local [hbm:s3], $0xF7A  }
0x26: {  	[smem:$0x3F9B] =	sst s1;
	(tag) =	ssettag s2;
	_ =	strace s9  }
0x27: {  	s1 =	sld [smem:$0x3FAB]  }
0x28: {  	s2 =	sld [smem:$0x3FAC]  }
0x29: {  	s4 =	sld [smem:$0x3FAE]  }
0x2a: {  	p0 =	seq.s32 s5, $0x0;
	s5 =	sld [smem:$0x3FAF]  }
0x2b: {  	s6 =	sld [smem:$0x3FB0]  }
0x2c: {  	s7 =	sld [smem:$0x3FB1]  }
0x2d: {  	s3 =	simm.s32 $0x108;
	s8 =	sld [smem:$0x3FB2]  }
0x2e: {  	s3 =	simm.s32 @!p0 $0x1082;
	s9 =	sld [smem:$0x3FB3]  }
0x2f: {  	lr =	sadd.s32 s0, s3;
	s0 =	sld [smem:$0x3FAA]  }
0x30: {  	s3 =	sld [smem:$0x3FAD]  }
0x31: {  	[smem:$0x3FB6] =	sst s10  }
0x32: {  	s10 =	sld [smem:$0x3FB4];
	_ =	sdelay $0x3  }
0x33: {  	p0 =	seq.s32 s10, $0x1;
	s10 =	sld [smem:$0x3FB6];
	_ =	sdelay $0x3  }
0x34: {  	[smem:$0x3FB6] =	sst s10  }
0x35: {  	s10 =	sld [smem:$0x3FB5];
	_ =	sdelay $0x3  }
0x36: {  	p1 =	seq.s32 s10, $0x1;
	s10 =	sld [smem:$0x3FB6];
	_ =	sdelay $0x3  }
0x37: {  	[smem:$0x3FB6] =	sst s10  }
0x38: {  	s10 =	sld [smem:$0x3FB7]  }
0x39: {  	_ = 	snop;
	(pc) =	sbr.ind lr, $3  }
0x3a: {  	_ = 	snop  }
0x3b: {  	_ = 	snop  }
0x3c: {  	p2 =	seq.s32 s10, $0x1;
	s10 =	sld [smem:$0x3FB6]  }
0x3d: {  	_ =	shalt  }
0x3e: {  	_ =	shalt  }
0x3f: {  	_ =	shalt  }
0x40: {  	_ =	shalt  }
0x41: {  	_ =	shalt  }
0x42: {  	_ =	shalt  }
0x43: {  	_ =	shalt  }
0x44: {  	_ =	shalt  }
0x45: {  	_ =	shalt  }
0x46: {  	_ =	shalt  }
0x47: {  	_ =	shalt  }
0x48: {  	_ =	shalt  }
0x49: {  	_ =	shalt  }
0x4a: {  	_ =	shalt  }
0x4b: {  	_ =	shalt  }
0x4c: {  	_ =	shalt  }
0x4d: {  	_ =	shalt  }
0x4e: {  	_ =	shalt  }
0x4f: {  	_ =	shalt  }
0x50: {  	_ =	shalt  }
0x51: {  	_ =	shalt  }
0x52: {  	_ =	shalt  }
0x53: {  	_ =	shalt  }
0x54: {  	_ =	shalt  }
0x55: {  	_ =	shalt  }
0x56: {  	_ =	shalt  }
0x57: {  	_ =	shalt  }
0x58: {  	_ =	shalt  }
0x59: {  	_ =	shalt  }
0x5a: {  	_ =	shalt  }
0x5b: {  	_ =	shalt  }
0x5c: {  	_ =	shalt  }
0x5d: {  	_ =	shalt  }
0x5e: {  	_ =	shalt  }
0x5f: {  	_ =	shalt  }
0x60: {  	_ =	shalt  }
0x61: {  	_ =	shalt  }
0x62: {  	_ =	shalt  }
0x63: {  	_ =	shalt  }
0x64: {  	_ =	shalt  }
0x65: {  	_ =	shalt  }
0x66: {  	_ =	shalt  }
0x67: {  	_ =	shalt  }
0x68: {  	_ =	shalt  }
0x69: {  	_ =	shalt  }
0x6a: {  	_ =	shalt  }
0x6b: {  	_ =	shalt  }
0x6c: {  	_ =	shalt  }
0x6d: {  	_ =	shalt  }
0x6e: {  	_ =	shalt  }
0x6f: {  	_ =	shalt  }
0x70: {  	_ =	shalt  }
0x71: {  	_ =	shalt  }
0x72: {  	_ =	shalt  }
0x73: {  	_ =	shalt  }
0x74: {  	_ =	shalt  }
0x75: {  	_ =	shalt  }
0x76: {  	_ =	shalt  }
0x77: {  	_ =	shalt  }
0x78: {  	_ =	shalt  }
0x79: {  	_ =	shalt  }
0x7a: {  	_ =	shalt  }
0x7b: {  	_ =	shalt  }
0x7c: {  	_ =	shalt  }
0x7d: {  	_ =	shalt  }
0x7e: {  	_ =	shalt  }
0x7f: {  	_ =	shalt  }
0x80: {  	_ =	shalt  }
0x81: {  	_ =	shalt  }
0x82: {  	_ =	shalt  }
0x83: {  	_ =	shalt  }
0x84: {  	_ =	shalt  }
0x85: {  	_ =	shalt  }
0x86: {  	_ =	shalt  }
0x87: {  	_ =	shalt  }
.Lfunc_end0:
.L_simem_size_0:
called_computation.2_lowered:
.L_overlay_start_0:
0x88: {  	s2 =	sld [smem:$0x3FD9]  }
0x89: {  	s3 =	sld [smem:$0x3FFE];
	_ =	sdelay $0x1  }
0x8a: {  	s1 =	srdreg.scid  }
0x8b: {  	s0 =	sand.u32 $0x1, s1  }
0x8c: {  	s17 =	sshll.u32 s0, $0xA;
	s2 =	sadd.s32 s3, s2  }
0x8d: {  	s2 =	sadd.s32 s2, s17  }
0x8e: {  	[smem:$0x3FC2] =	sst s2  }
0x8f: {  	_ = 	snop  }
0x90: {  	s18 =	sld [smem:$0x3FC8];
	(tm) =	ssettm $0x1  }
0x91: {  	s19 =	sld [smem:$0x3FFB];
	_ =	sdelay $0x3  }
0x92: {  	_ =	strace s19  }
0x93: {  	s2 =	sld [smem:$0x3FFC];
	_ =	sdelay $0x3  }
0x94: {  	_ =	strace s2  }
0x95: {  	s2 =	sld [smem:$0x3FFD];
	_ =	sdelay $0x3  }
0x96: {  	_ =	strace s2  }
0x97: {  	_ =	strace $0x8FFFFFFF  }
0x98: {  	s20 =	sld [smem:$0x3FDB];
	_ =	sdelay $0x1  }
0x99: {  	s4 =	simm.s32 $_scs_section_size  }
0x9a: {  	s5 =	simm.s32 $_size__tile_overlayer_lowered;
	s6 =	simm.s32 $_tile_overlayer_lowered  }
0x9b: {  	s7 =	simm.s32 $0x1BFF;
	s21 =	sshll.u32 s6, $0x1;
	s4 =	sadd.s32 s4, s20  }
0x9c: {  	s22 =	simm.s32 $0x0;
	s5 =	sshll.u32 s5, $0x1;
	s6 =	sadd.s32 s21, s4  }
0x9d: {  	[timem:s22], [sflag:s7] =	dma.local [hbm:s6], s5  }
0x9e: {  	_ =	swait.ge [sflag:s7], s5  }
0x9f: {  	s5 =	ssub.s32 $0x0, s5;
	[sflag:s7] =	ssyncset.done $0x0  }
0xa0: {  	[sflag:s7] =	ssyncadd.s32 s5;
	_ =	sdelay $0x1  }
0xa1: {  	s23 =	simm.s32 $0x1B8B  }
0xa2: {  	_ =	swait.ge [sflag:s23], $0x1  }
0xa3: {  	[sflag:s23] =	ssyncset.done $0x0  }
0xa4: {  	[sflag:s23] =	ssyncadd.s32 $0xFFFFFFFF  }
0xa5: {  	s5 =	sld [smem:$0x0]  }
0xa6: {  	s6 =	sand.u32 $0xFFFFFFFE, s1  }
0xa7: {  	p0 =	sne.s32 s1, s6  }
0xa8: {  	s6 =	sshll.u32 @p0 s6, $0xE  }
0xa9: {  	s6 =	sadd.s32 @p0 $0x11B8D, s6;
	s7 =	sshll.u32 @p0 s5, $0x11  }
0xaa: {  	s6 =	sor.u32 @p0 s7, s6  }
0xab: {  	[sflag:s6] =	ssyncadd.remote.s32 @p0 $0x1;
	_ =	sdelay $0x1  }
0xac: {  	s6 =	simm.s32 @p0 $0x1B8D  }
0xad: {  	_ =	swait.eq @p0 [sflag:s6], $0x1  }
0xae: {  	[sflag:s6] =	ssyncadd.s32 @p0 $0xFFFFFFFF  }
0xaf: {  	s7 =	sshll.u32 @!p0 s1, $0xE  }
0xb0: {  	s7 =	sor.u32 @!p0 $0x4000, s7;
	s6 =	simm.s32 @!p0 $0x1B8D  }
0xb1: {  	s5 =	sshll.u32 @!p0 s5, $0x11;
	s7 =	sadd.s32 @!p0 $0x11B8D, s7;
	_ =	swait.eq @!p0 [sflag:s6], $0x1  }
0xb2: {  	s5 =	sor.u32 @!p0 s5, s7;
	[sflag:s6] =	ssyncadd.s32 @!p0 $0xFFFFFFFF  }
0xb3: {  	s25 =	simm.s32 $0x1B8E;
	s24 =	sld [smem:$0x3FFE];
	[sflag:s5] =	ssyncadd.remote.s32 @!p0 $0x1  }
0xb4: {  	s26 =	simm.s32 $execute0_lowered;
	[smem:$0x3FD2] =	sst s25  }
0xb5: {  	s6 =	sshll.u32 s26, $0x1;
	_ =	strace $0x80000049;
	[dreg:$0x1] =	wrdreg $0xFFFFFFFF  }
0xb6: {  	s28 =	simm.s32 $_size_execute0_lowered;
	s4 =	sadd.s32 s4, s6;
	[dreg:$0x0] =	wrdreg $0x0  }
0xb7: {  	s6 =	sshll.u32 s28, $0x1;
	[dreg:$0x2] =	wrdreg s4  }
0xb8: {  	[dreg:$0x3] =	wrdreg s6  }
0xb9: {  	[dreg:$0x4] =	wrdreg $0xC0  }
0xba: {  	_ =	task [dreg:s22], $0x5FFFF  }
0xbb: {  	[dreg:$0x1] =	wrdreg $0xFFFFFFFF  }
0xbc: {  	[dreg:$0x0] =	wrdreg $0x60  }
0xbd: {  	[dreg:$0x2] =	wrdreg s24  }
0xbe: {  	[dreg:$0x3] =	wrdreg s18  }
0xbf: {  	[dreg:$0x4] =	wrdreg $0x158000  }
0xc0: {  	[dreg:$0x5] =	wrdreg $0xB  }
0xc1: {  	_ =	task.clear_ibuf [dreg:s22], $0x6FFFF;
	_ =	strace $0x90000049  }
0xc2: {  	s29 =	simm.s32 $0xB;
	_ =	strace $0x8000004B  }
0xc3: {  	_ =	swait.ge [sflag:s29], $0x1  }
0xc4: {  	[sflag:s29] =	ssyncadd.s32 $0xFFFFFFFF  }
0xc5: {  	_ =	strace $0x9000004B  }
0xc6: {  	_ =	sfence  }
0xc7: {  	s30 =	sld [smem:$0x0];
	_ =	sdelay $0x2  }
0xc8: {  	s31 =	sshll.u32 s1, $0xD;
	s1 =	sshrl.u32 s1, $0x2  }
0xc9: {  	s4 =	sand.u32 $0x4000, s31;
	s1 =	sadd.s32 s1, s30  }
0xca: {  	s0 =	sor.u32 s4, s0;
	s1 =	sshll.u32 s1, $0x11  }
0xcb: {  	s0 =	sor.u32 s1, s0  }
0xcc: {  	s0 =	sadd.s32 $0x8F2B, s0  }
0xcd: {  	[sflag:s0] =	ssyncadd.remote.s32 $0x1  }
0xce: {  	_ =	sfence.sel $0xFFFF  }
0xcf: {  	[dreg:$0x0] =	wrdreg $0xFFFFFFFF;
	(pc) =	sbr.abs _section_cstart, $3  }
0xd0: {  	[dreg:$0x1] =	wrdreg $0xFFFFFFFF  }
0xd1: {  	_ =	task.clear_ibuf [dreg:s22], $0x2FFFF;
	_ =	strace $0x9FFFFFFF  }
0xd2: {  	(tm) =	ssettm $0x7FFFFFFF  }
0xd3: {  	_ =	shalt  }
tec
execute0_lowered:
.L_overlay_start_1:
0x0: {  	(tag) =	ssettag $0x1  }
0x1: {  	s1 =	rddreg [dreg:$0x0]  }
0x2: {  	s0 =	srdreg.scid;
	s2 =	rddreg [dreg:$0x1]  }
0x3: {  	s8 =	stileid.u32;
	s3 =	rddreg [dreg:$0x2]  }
0x4: {  	s13 =	simm.s32 $0xC;
	s14 =	simm.s32 $0x1800;
	s15 =	simm.s32 $0x80  }
0x5: {  	s16 =	simm.s32 $0x5800;
	s28 =	simm.s32 $0x1;
	s29 =	simm.s32 $0x2  }
0x6: {  	s31 =	simm.s32 $0x6;
	s17 =	simm.s32 $0x3;
	s0 =	sand.u32 $0x1, s0  }
0x7: {  	s30 =	simm.s32 $0x4;
	s7 =	smul.u32 $0x180, s8;
	s4 =	sshll.u32 s0, $0x4  }
0x8: {  	s0 =	ssub.s32 $0x2, s0;
	s5 =	sor.u32 s8, s4;
	s4 =	simm.s32 $0x0  }
0x9: {  	s7 =	sadd.s32 s7, s1;
	s18 =	sshrl.u32 s0, $0x1;
	s8 =	sshll.u32 s8, $0xE  }
0xa: {  	s6 =	smul.u32 $0x180, s5;
	[smem:$0x7FF] =	sst s4;
	s5 =	sshll.u32 s5, $0xB  }
0xb: {  	s0 =	ssub.s32 s0, s18;
	s20 =	sadd.s32 $0x5000, s7;
	s18 =	simm.s32 $0x9800  }
0xc: {  	s7 =	simm.s32 $0xB;
	_ =	strace $0x8000004A;
	[dreg:$0x5] =	wrdreg s20  }
0xd: {  	s0 =	smax.u32 s0, $0x1;
	s20 =	simm.s32 $0xD800;
	s6 =	sadd.s32 s6, s1  }
0xe: {  	s1 =	sadd.s32 s5, s1;
	[dreg:$0xa] =	wrdreg s0;
	s0 =	simm.s32 $0x8  }
0xf: {  	s5 =	simm.s32 $0xA;
	s19 =	sadd.s32 $0x16800, s6;
	s6 =	sadd.s32 s8, s3  }
0x10: {  	s22 =	sadd.s32 $0x19B80, s1;
	s23 =	sadd.s32 $0x19800, s1;
	[dreg:$0x4] =	wrdreg s19  }
0x11: {  	s25 =	sadd.s32 $0x19D80, s1;
	s1 =	sadd.s32 $0x19F80, s1;
	[dreg:$0x6] =	wrdreg s22  }
0x12: {  	s8 =	simm.s32 $0x0;
	s21 =	sadd.s32 $0x1C00, s6;
	[dreg:$0x7] =	wrdreg s23  }
0x13: {  	s24 =	sadd.s32 $0x2C00, s6;
	[dreg:$0x8] =	wrdreg s25;
	s26 =	sadd.s32 $0x3C00, s6  }
0x14: {  	[dreg:$0x9] =	wrdreg s1;
	s22 =	simm.s32 $0x11800;
	s19 =	simm.s32 $0x7  }
0x15: {  	s1 =	simm.s32 $0x5;
	s23 =	sshrl.u32 s21, $0x3;
	s24 =	sshrl.u32 s24, $0x3  }
0x16: {  	v0 =	vimm.f32 $0.0e+00;
	s25 =	sshrl.u32 s26, $0x3;
	s26 =	simm.s32 $0xC00;
	s21 =	simm.s32 $0x9  }
.LBB2_1:
0x17: {  	s9 =	rddreg [dreg:$0x4]  }
0x18: {  	[tilespmem:s4], [sflag:$0xC] =	stream.linear.gather [hbm4b:s9+s4], $0xA00, $0x38;
	[tilespmem:$0x19800] =	vst v63  }
0x19: {  	_ =	swait.ge [sflag:s13], $0xA00  }
0x1a: {  	[sflag:s13] =	ssyncset.done $0x0  }
0x1b: {  	s10 =	simm.s32 $0x200;
	s9 =	simm.s32 $0x0;
	[sflag:s13] =	ssyncadd.s32 $0xFFFFF600  }
.LBB2_2:
0x1c: {  	p0 =	sne.s32 s10, $0xFE00;
	[tilespmem:s9+$0x1870] =	vst v0  }
0x1d: {  	[tilespmem:s9+$0x1800] =	vst v0  }
0x1e: {  	[tilespmem:s9+$0x1810] =	vst v0  }
.Ltmp0:
0x1f: {  	[tilespmem:s9+$0x1820] =	vst v0;
	(pc) =	sbr.rel @p0 .LBB2_2-.Ltmp0, $4  }
0x20: {  	[tilespmem:s9+$0x1830] =	vst v0  }
0x21: {  	[tilespmem:s9+$0x1840] =	vst v0  }
0x22: {  	[tilespmem:s9+$0x1850] =	vst v0  }
0x23: {  	[tilespmem:s9+$0x1860] =	vst v0;
	s9 =	sshra.s32 s10, $0x2;
	s10 =	sadd.s32 $0x200, s10  }
0x24: {  	[tilespmem:s9+$0x1870] =	vst v0  }
0x25: {  	[tilespmem:s9+$0x1800] =	vst v0  }
0x26: {  	[tilespmem:s9+$0x1810] =	vst v0  }
0x27: {  	[tilespmem:s9+$0x1820] =	vst v0  }
0x28: {  	[tilespmem:s9+$0x1830] =	vst v0  }
0x29: {  	[tilespmem:s9+$0x1840] =	vst v0  }
0x2a: {  	[tilespmem:s9+$0x1850] =	vst v0  }
0x2b: {  	[tilespmem:s9+$0x1860] =	vst v0  }
0x2c: {  	[spmem:s6] =	stream.linear.scatter [tilespmem:s14], [sflag:$0xC], $0x4000, $0x38;
	[tilespmem:$0x19800] =	vst v63  }
0x2d: {  	_ =	swait.ge [sflag:s13], $0x4000  }
0x2e: {  	[sflag:s13] =	ssyncset.done $0x0  }
0x2f: {  	[sflag:s13] =	ssyncadd.s32 $0xFFFFC000  }
0x30: {  	[tilespmem:s14], [sflag:$0x1] =	stream.indirect.gather [hbm4b:s2+s15], $0x80, s4, s15, $0xb8;
	[tilespmem:$0x19800] =	vst v63  }
0x31: {  	_ = 	snop  }
0x32: {  	[tilespmem:s16], [sflag:$0x2] =	stream.indirect.gather [hbm4b:s2+s15], $0x80, s15, s15, $0xb8;
	[tilespmem:$0x19800] =	vst v63  }
0x33: {  	s10 =	simm.s32 $0x100  }
0x34: {  	[tilespmem:s18], [sflag:$0x3] =	stream.indirect.gather [hbm4b:s2+s15], $0x80, s10, s15, $0xb8;
	[tilespmem:$0x19800] =	vst v63  }
0x35: {  	s11 =	simm.s32 $0x180  }
0x36: {  	[tilespmem:s20], [sflag:$0x4] =	stream.indirect.gather [hbm4b:s2+s15], $0x80, s11, s15, $0xb8;
	[tilespmem:$0x19800] =	vst v63  }
0x37: {  	s12 =	simm.s32 $0x200  }
0x38: {  	[tilespmem:s22], [sflag:$0x5] =	stream.indirect.gather [hbm4b:s2+s15], $0x80, s12, s15, $0xb8;
	[tilespmem:$0x19800] =	vst v63  }
0x39: {  	s10 =	rddreg [dreg:$0x5]  }
0x3a: {  	[tilespmem:s26], [sflag:$0xC] =	stream.linear.gather [hbm4b:s10+s4], $0xA00, $0x38;
	[tilespmem:$0x19800] =	vst v63  }
0x3b: {  	_ =	swait.ge [sflag:s13], $0xA00  }
0x3c: {  	[sflag:s13] =	ssyncset.done $0x0  }
0x3d: {  	[sflag:s13] =	ssyncadd.s32 $0xFFFFF600  }
0x3e: {  	_ =	swait.ge [sflag:s28], $0x4000  }
0x3f: {  	[sflag:s28] =	ssyncset.done $0x0  }
0x40: {  	[sflag:s28] =	ssyncadd.s32 $0xFFFFC000  }
0x41: {  	[spmem:s3] =	stream.indirect.scatter.add.f32 [tilespmem:s14], [sflag:$0x6], $0x80, s26, s15, $0xb8;
	[tilespmem:$0x19800] =	vst v63  }
0x42: {  	_ =	swait.ge [sflag:s29], $0x4000  }
0x43: {  	[sflag:s29] =	ssyncset.done $0x0  }
0x44: {  	s11 =	simm.s32 $0xC80;
	[sflag:s29] =	ssyncadd.s32 $0xFFFFC000  }
0x45: {  	[spmem:s3] =	stream.indirect.scatter.add.f32 [tilespmem:s16], [sflag:$0x7], $0x80, s11, s15, $0xb8;
	[tilespmem:$0x19800] =	vst v63  }
0x46: {  	_ =	swait.ge [sflag:s31], $0x4000  }
0x47: {  	[sflag:s31] =	ssyncset.done $0x0  }
0x48: {  	s12 =	simm.s32 $0x280;
	[sflag:s31] =	ssyncadd.s32 $0xFFFFC000  }
0x49: {  	[tilespmem:s14], [sflag:$0x1] =	stream.indirect.gather [hbm4b:s2+s15], $0x80, s12, s15, $0xb8;
	[tilespmem:$0x19800] =	vst v63  }
0x4a: {  	_ =	swait.ge [sflag:s17], $0x4000  }
0x4b: {  	[sflag:s17] =	ssyncset.done $0x0  }
0x4c: {  	s10 =	simm.s32 $0xD00;
	[sflag:s17] =	ssyncadd.s32 $0xFFFFC000  }
0x4d: {  	[spmem:s3] =	stream.indirect.scatter.add.f32 [tilespmem:s18], [sflag:$0x8], $0x80, s10, s15, $0xb8;
	[tilespmem:$0x19800] =	vst v63  }
0x4e: {  	_ =	swait.ge [sflag:s19], $0x4000  }
0x4f: {  	[sflag:s19] =	ssyncset.done $0x0  }
0x50: {  	s11 =	simm.s32 $0x300;
	[sflag:s19] =	ssyncadd.s32 $0xFFFFC000  }
0x51: {  	[tilespmem:s16], [sflag:$0x2] =	stream.indirect.gather [hbm4b:s2+s15], $0x80, s11, s15, $0xb8;
	[tilespmem:$0x19800] =	vst v63  }
0x52: {  	_ =	swait.ge [sflag:s30], $0x4000  }
0x53: {  	[sflag:s30] =	ssyncset.done $0x0  }
0x54: {  	s12 =	simm.s32 $0xD80;
	[sflag:s30] =	ssyncadd.s32 $0xFFFFC000  }
0x55: {  	[spmem:s3] =	stream.indirect.scatter.add.f32 [tilespmem:s20], [sflag:$0x9], $0x80, s12, s15, $0xb8;
	[tilespmem:$0x19800] =	vst v63  }
0x56: {  	_ =	swait.ge [sflag:s0], $0x4000  }
0x57: {  	[sflag:s0] =	ssyncset.done $0x0  }
0x58: {  	s10 =	simm.s32 $0x380;
	[sflag:s0] =	ssyncadd.s32 $0xFFFFC000  }
0x59: {  	[tilespmem:s18], [sflag:$0x3] =	stream.indirect.gather [hbm4b:s2+s15], $0x80, s10, s15, $0xb8;
	[tilespmem:$0x19800] =	vst v63  }
0x5a: {  	_ =	swait.ge [sflag:s1], $0x4000  }
0x5b: {  	[sflag:s1] =	ssyncset.done $0x0  }
0x5c: {  	s11 =	simm.s32 $0xE00;
	[sflag:s1] =	ssyncadd.s32 $0xFFFFC000  }
0x5d: {  	[spmem:s3] =	stream.indirect.scatter.add.f32 [tilespmem:s22], [sflag:$0xA], $0x80, s11, s15, $0xb8;
	[tilespmem:$0x19800] =	vst v63  }
0x5e: {  	_ =	swait.ge [sflag:s21], $0x4000  }
0x5f: {  	[sflag:s21] =	ssyncset.done $0x0  }
0x60: {  	s12 =	simm.s32 $0x400;
	[sflag:s21] =	ssyncadd.s32 $0xFFFFC000  }
0x61: {  	[tilespmem:s20], [sflag:$0x4] =	stream.indirect.gather [hbm4b:s2+s15], $0x80, s12, s15, $0xb8;
	[tilespmem:$0x19800] =	vst v63  }
0x62: {  	_ =	swait.ge [sflag:s28], $0x4000  }
0x63: {  	[sflag:s28] =	ssyncset.done $0x0  }
0x64: {  	s10 =	simm.s32 $0xE80;
	[sflag:s28] =	ssyncadd.s32 $0xFFFFC000  }
0x65: {  	[spmem:s3] =	stream.indirect.scatter.add.f32 [tilespmem:s14], [sflag:$0x6], $0x80, s10, s15, $0xb8;
	[tilespmem:$0x19800] =	vst v63  }
0x66: {  	_ =	swait.ge [sflag:s5], $0x4000  }
0x67: {  	[sflag:s5] =	ssyncset.done $0x0  }
0x68: {  	s11 =	simm.s32 $0x480;
	[sflag:s5] =	ssyncadd.s32 $0xFFFFC000  }
0x69: {  	[tilespmem:s22], [sflag:$0x5] =	stream.indirect.gather [hbm4b:s2+s15], $0x80, s11, s15, $0xb8;
	[tilespmem:$0x19800] =	vst v63  }
0x6a: {  	_ =	swait.ge [sflag:s29], $0x4000  }
0x6b: {  	[sflag:s29] =	ssyncset.done $0x0  }
0x6c: {  	s12 =	simm.s32 $0xF00;
	[sflag:s29] =	ssyncadd.s32 $0xFFFFC000  }
0x6d: {  	[spmem:s3] =	stream.indirect.scatter.add.f32 [tilespmem:s16], [sflag:$0x7], $0x80, s12, s15, $0xb8;
	[tilespmem:$0x19800] =	vst v63  }
0x6e: {  	_ =	swait.ge [sflag:s31], $0x4000  }
0x6f: {  	[sflag:s31] =	ssyncset.done $0x0  }
0x70: {  	s10 =	simm.s32 $0x500;
	[sflag:s31] =	ssyncadd.s32 $0xFFFFC000  }
0x71: {  	[tilespmem:s14], [sflag:$0x1] =	stream.indirect.gather [hbm4b:s2+s15], $0x80, s10, s15, $0xb8;
	[tilespmem:$0x19800] =	vst v63  }
0x72: {  	_ =	swait.ge [sflag:s17], $0x4000  }
0x73: {  	[sflag:s17] =	ssyncset.done $0x0  }
0x74: {  	s11 =	simm.s32 $0xF80;
	[sflag:s17] =	ssyncadd.s32 $0xFFFFC000  }
0x75: {  	[spmem:s3] =	stream.indirect.scatter.add.f32 [tilespmem:s18], [sflag:$0x8], $0x80, s11, s15, $0xb8;
	[tilespmem:$0x19800] =	vst v63  }
0x76: {  	_ =	swait.ge [sflag:s19], $0x4000  }
0x77: {  	[sflag:s19] =	ssyncset.done $0x0  }
0x78: {  	s12 =	simm.s32 $0x580;
	[sflag:s19] =	ssyncadd.s32 $0xFFFFC000  }
0x79: {  	[tilespmem:s16], [sflag:$0x2] =	stream.indirect.gather [hbm4b:s2+s15], $0x80, s12, s15, $0xb8;
	[tilespmem:$0x19800] =	vst v63  }
0x7a: {  	_ =	swait.ge [sflag:s30], $0x4000  }
0x7b: {  	[sflag:s30] =	ssyncset.done $0x0  }
0x7c: {  	s10 =	simm.s32 $0x1000;
	[sflag:s30] =	ssyncadd.s32 $0xFFFFC000  }
0x7d: {  	[spmem:s3] =	stream.indirect.scatter.add.f32 [tilespmem:s20], [sflag:$0x9], $0x80, s10, s15, $0xb8;
	[tilespmem:$0x19800] =	vst v63  }
0x7e: {  	_ =	swait.ge [sflag:s0], $0x4000  }
0x7f: {  	[sflag:s0] =	ssyncset.done $0x0  }
0x80: {  	s11 =	simm.s32 $0x600;
	[sflag:s0] =	ssyncadd.s32 $0xFFFFC000  }
0x81: {  	[tilespmem:s18], [sflag:$0x3] =	stream.indirect.gather [hbm4b:s2+s15], $0x80, s11, s15, $0xb8;
	[tilespmem:$0x19800] =	vst v63  }
0x82: {  	_ =	swait.ge [sflag:s1], $0x4000  }
0x83: {  	[sflag:s1] =	ssyncset.done $0x0  }
0x84: {  	s12 =	simm.s32 $0x1080;
	[sflag:s1] =	ssyncadd.s32 $0xFFFFC000  }
0x85: {  	[spmem:s3] =	stream.indirect.scatter.add.f32 [tilespmem:s22], [sflag:$0xA], $0x80, s12, s15, $0xb8;
	[tilespmem:$0x19800] =	vst v63  }
0x86: {  	_ =	swait.ge [sflag:s21], $0x4000  }
0x87: {  	s11 =	stileid.u32;
	[sflag:s21] =	ssyncset.done $0x0  }
0x88: {  	s10 =	simm.s32 $0x680;
	s9 =	sshll.u32 s11, $0x6;
	[sflag:s21] =	ssyncadd.s32 $0xFFFFC000  }
0x89: {  	[tilespmem:s20], [sflag:$0x4] =	stream.indirect.gather [hbm4b:s2+s15], $0x80, s10, s15, $0xb8;
	[tilespmem:$0x19800] =	vst v63  }
0x8a: {  	s11 =	sshrl.u32 s6, $0x3;
	s12 =	rddreg [dreg:$0x7];
	s10 =	sor.u32 $0x1C0B, s9  }
0x8b: {  	[hbm:s12], [sflag:s10] =	dma.local [spmem:s11], $0x380  }
0x8c: {  	_ =	swait.ge [sflag:s28], $0x4000  }
0x8d: {  	[sflag:s28] =	ssyncset.done $0x0  }
0x8e: {  	s12 =	simm.s32 $0x1100;
	[sflag:s28] =	ssyncadd.s32 $0xFFFFC000  }
0x8f: {  	[spmem:s3] =	stream.indirect.scatter.add.f32 [tilespmem:s14], [sflag:$0x6], $0x80, s12, s15, $0xb8;
	[tilespmem:$0x19800] =	vst v63  }
0x90: {  	_ =	swait.ge [sflag:s5], $0x4000  }
0x91: {  	[sflag:s5] =	ssyncset.done $0x0  }
0x92: {  	s12 =	simm.s32 $0x700;
	[sflag:s5] =	ssyncadd.s32 $0xFFFFC000  }
0x93: {  	[tilespmem:s22], [sflag:$0x5] =	stream.indirect.gather [hbm4b:s2+s15], $0x80, s12, s15, $0xb8;
	[tilespmem:$0x19800] =	vst v63  }
0x94: {  	_ =	swait.ge [sflag:s29], $0x4000  }
0x95: {  	[sflag:s29] =	ssyncset.done $0x0  }
0x96: {  	s12 =	simm.s32 $0x1180;
	[sflag:s29] =	ssyncadd.s32 $0xFFFFC000  }
0x97: {  	[spmem:s3] =	stream.indirect.scatter.add.f32 [tilespmem:s16], [sflag:$0x7], $0x80, s12, s15, $0xb8;
	[tilespmem:$0x19800] =	vst v63  }
0x98: {  	_ =	swait.ge [sflag:s31], $0x4000  }
0x99: {  	[sflag:s31] =	ssyncset.done $0x0  }
0x9a: {  	s12 =	simm.s32 $0x780;
	[sflag:s31] =	ssyncadd.s32 $0xFFFFC000  }
0x9b: {  	[tilespmem:s14], [sflag:$0x1] =	stream.indirect.gather [hbm4b:s2+s15], $0x80, s12, s15, $0xb8;
	[tilespmem:$0x19800] =	vst v63  }
0x9c: {  	_ =	swait.ge [sflag:s17], $0x4000  }
0x9d: {  	[sflag:s17] =	ssyncset.done $0x0  }
0x9e: {  	s12 =	simm.s32 $0x1200;
	[sflag:s17] =	ssyncadd.s32 $0xFFFFC000  }
0x9f: {  	[spmem:s3] =	stream.indirect.scatter.add.f32 [tilespmem:s18], [sflag:$0x8], $0x80, s12, s15, $0xb8;
	[tilespmem:$0x19800] =	vst v63  }
0xa0: {  	_ =	swait.ge [sflag:s19], $0x4000  }
0xa1: {  	[sflag:s19] =	ssyncset.done $0x0  }
0xa2: {  	s12 =	simm.s32 $0x800;
	[sflag:s19] =	ssyncadd.s32 $0xFFFFC000  }
0xa3: {  	[tilespmem:s16], [sflag:$0x2] =	stream.indirect.gather [hbm4b:s2+s15], $0x80, s12, s15, $0xb8;
	[tilespmem:$0x19800] =	vst v63  }
0xa4: {  	_ =	swait.ge [sflag:s30], $0x4000  }
0xa5: {  	[sflag:s30] =	ssyncset.done $0x0  }
0xa6: {  	s12 =	simm.s32 $0x1280;
	[sflag:s30] =	ssyncadd.s32 $0xFFFFC000  }
0xa7: {  	[spmem:s3] =	stream.indirect.scatter.add.f32 [tilespmem:s20], [sflag:$0x9], $0x80, s12, s15, $0xb8;
	[tilespmem:$0x19800] =	vst v63  }
0xa8: {  	_ =	swait.ge [sflag:s0], $0x4000  }
0xa9: {  	[sflag:s0] =	ssyncset.done $0x0  }
0xaa: {  	s12 =	simm.s32 $0x880;
	[sflag:s0] =	ssyncadd.s32 $0xFFFFC000  }
0xab: {  	[tilespmem:s18], [sflag:$0x3] =	stream.indirect.gather [hbm4b:s2+s15], $0x80, s12, s15, $0xb8;
	[tilespmem:$0x19800] =	vst v63  }
0xac: {  	_ =	swait.ge [sflag:s1], $0x4000  }
0xad: {  	[sflag:s1] =	ssyncset.done $0x0  }
0xae: {  	s12 =	simm.s32 $0x1300;
	[sflag:s1] =	ssyncadd.s32 $0xFFFFC000  }
0xaf: {  	[spmem:s3] =	stream.indirect.scatter.add.f32 [tilespmem:s22], [sflag:$0xA], $0x80, s12, s15, $0xb8;
	[tilespmem:$0x19800] =	vst v63  }
0xb0: {  	_ =	swait.ge [sflag:s21], $0x4000  }
0xb1: {  	[sflag:s21] =	ssyncset.done $0x0  }
0xb2: {  	s12 =	simm.s32 $0x900;
	[sflag:s21] =	ssyncadd.s32 $0xFFFFC000  }
0xb3: {  	[tilespmem:s20], [sflag:$0x4] =	stream.indirect.gather [hbm4b:s2+s15], $0x80, s12, s15, $0xb8;
	[tilespmem:$0x19800] =	vst v63  }
0xb4: {  	s12 =	rddreg [dreg:$0x6]  }
0xb5: {  	[hbm:s12], [sflag:s10] =	dma.local [spmem:s23], $0x200  }
0xb6: {  	_ =	swait.ge [sflag:s28], $0x4000  }
0xb7: {  	[sflag:s28] =	ssyncset.done $0x0  }
0xb8: {  	s12 =	simm.s32 $0x1380;
	[sflag:s28] =	ssyncadd.s32 $0xFFFFC000  }
0xb9: {  	[spmem:s3] =	stream.indirect.scatter.add.f32 [tilespmem:s14], [sflag:$0x6], $0x80, s12, s15, $0xb8;
	[tilespmem:$0x19800] =	vst v63  }
0xba: {  	_ =	swait.ge [sflag:s5], $0x4000  }
0xbb: {  	[sflag:s5] =	ssyncset.done $0x0  }
0xbc: {  	s12 =	simm.s32 $0x980;
	[sflag:s5] =	ssyncadd.s32 $0xFFFFC000  }
0xbd: {  	[tilespmem:s22], [sflag:$0x5] =	stream.indirect.gather [hbm4b:s2+s15], $0x80, s12, s15, $0xb8;
	[tilespmem:$0x19800] =	vst v63  }
0xbe: {  	_ =	swait.ge [sflag:s29], $0x4000  }
0xbf: {  	[sflag:s29] =	ssyncset.done $0x0  }
0xc0: {  	s12 =	simm.s32 $0x1400;
	[sflag:s29] =	ssyncadd.s32 $0xFFFFC000  }
0xc1: {  	[spmem:s3] =	stream.indirect.scatter.add.f32 [tilespmem:s16], [sflag:$0x7], $0x80, s12, s15, $0xb8;
	[tilespmem:$0x19800] =	vst v63  }
0xc2: {  	_ =	swait.ge [sflag:s31], $0x4000  }
0xc3: {  	[sflag:s31] =	ssyncset.done $0x0  }
0xc4: {  	[sflag:s31] =	ssyncadd.s32 $0xFFFFC000  }
0xc5: {  	_ =	swait.ge [sflag:s17], $0x4000  }
0xc6: {  	[sflag:s17] =	ssyncset.done $0x0  }
0xc7: {  	s12 =	simm.s32 $0x1480;
	[sflag:s17] =	ssyncadd.s32 $0xFFFFC000  }
0xc8: {  	[spmem:s3] =	stream.indirect.scatter.add.f32 [tilespmem:s18], [sflag:$0x8], $0x80, s12, s15, $0xb8;
	[tilespmem:$0x19800] =	vst v63  }
0xc9: {  	_ =	swait.ge [sflag:s19], $0x4000  }
0xca: {  	[sflag:s19] =	ssyncset.done $0x0  }
0xcb: {  	[sflag:s19] =	ssyncadd.s32 $0xFFFFC000  }
0xcc: {  	_ =	swait.ge [sflag:s30], $0x4000  }
0xcd: {  	[sflag:s30] =	ssyncset.done $0x0  }
0xce: {  	s12 =	simm.s32 $0x1500;
	[sflag:s30] =	ssyncadd.s32 $0xFFFFC000  }
0xcf: {  	[spmem:s3] =	stream.indirect.scatter.add.f32 [tilespmem:s20], [sflag:$0x9], $0x80, s12, s15, $0xb8;
	[tilespmem:$0x19800] =	vst v63  }
0xd0: {  	_ =	swait.ge [sflag:s0], $0x4000  }
0xd1: {  	[sflag:s0] =	ssyncset.done $0x0  }
0xd2: {  	[sflag:s0] =	ssyncadd.s32 $0xFFFFC000  }
0xd3: {  	_ =	swait.ge [sflag:s1], $0x4000  }
0xd4: {  	[sflag:s1] =	ssyncset.done $0x0  }
0xd5: {  	s12 =	simm.s32 $0x1580;
	[sflag:s1] =	ssyncadd.s32 $0xFFFFC000  }
0xd6: {  	[spmem:s3] =	stream.indirect.scatter.add.f32 [tilespmem:s22], [sflag:$0xA], $0x80, s12, s15, $0xb8;
	[tilespmem:$0x19800] =	vst v63  }
0xd7: {  	_ =	swait.ge [sflag:s21], $0x4000  }
0xd8: {  	[sflag:s21] =	ssyncset.done $0x0  }
0xd9: {  	s12 =	rddreg [dreg:$0x8];
	[sflag:s21] =	ssyncadd.s32 $0xFFFFC000  }
0xda: {  	[hbm:s12], [sflag:s10] =	dma.local [spmem:s24], $0x200  }
0xdb: {  	_ =	swait.ge [sflag:s5], $0x4000  }
0xdc: {  	[sflag:s5] =	ssyncset.done $0x0  }
0xdd: {  	s9 =	sor.u32 $0x1C0C, s9;
	s11 =	rddreg [dreg:$0x9];
	[sflag:s5] =	ssyncadd.s32 $0xFFFFC000  }
0xde: {  	[hbm:s11], [sflag:s9] =	dma.local [spmem:s25], $0x80  }
0xdf: {  	_ =	swait.ge [sflag:s13], $0x80  }
0xe0: {  	[sflag:s13] =	ssyncset.done $0x0  }
0xe1: {  	[sflag:s13] =	ssyncadd.s32 $0xFFFFFF80  }
0xe2: {  	_ =	swait.ge [sflag:s7], $0x380  }
0xe3: {  	[sflag:s7] =	ssyncset.done $0x0  }
0xe4: {  	[sflag:s7] =	ssyncadd.s32 $0xFFFFFC80  }
0xe5: {  	_ =	swait.ge [sflag:s7], $0x200  }
0xe6: {  	[sflag:s7] =	ssyncset.done $0x0  }
0xe7: {  	[sflag:s7] =	ssyncadd.s32 $0xFFFFFE00  }
0xe8: {  	_ =	swait.ge [sflag:s7], $0x200  }
0xe9: {  	s8 =	sadd.s32 $0x1, s8;
	s12 =	rddreg [dreg:$0xa]  }
0xea: {  	p0 =	sne.s32 s8, s12  }
.Ltmp1:
0xeb: {  	_ = 	snop;
	(pc) =	sbr.rel @p0 .LBB2_1-.Ltmp1, $3  }
0xec: {  	_ =	sdelay $0x1  }
0xed: {  	[sflag:s7] =	ssyncset.done $0x0  }
0xee: {  	[sflag:s7] =	ssyncadd.s32 $0xFFFFFE00  }
0xef: {  	_ =	sfence.sel $0x180000  }
0xf0: {  	[bflag:$0x0] =	sbarrier.arrive $0xFFFF  }
0xf1: {  	_ =	strace $0x9000004A  }
0xf2: {  	s0 =	stileid.u32;
	[bflag:$0x2] =	sbarrier.arrive $0xFFFF  }
0xf3: {  	p0 =	sne.s32 s0, $0x0;
	s0 =	rddreg [dreg:$0x3]  }
0xf4: {  	s0 =	sadd.s32 @!p0 $0x100000, s0  }
0xf5: {  	[sflag:s0] =	ssyncadd.tile.s32 @!p0 $0x1;
	_ =	shalt  }
.Lfunc_end2:
_tile_overlayer_lowered:
.L_overlay_start_2:
0xf6: {  	(tag) =	ssettag $0x2  }
0xf7: {  	s0 =	rddreg [dreg:$0x0];
	s2 =	stileid.u32  }
0xf8: {  	s1 =	rddreg [dreg:$0x1];
	p0 =	sne.s32 s2, $0x0  }
0xf9: {  	s3 =	rddreg [dreg:$0x2];
	[bflag:$0x3] =	sbarrier.arrive $0xFFFF;
	s2 =	simm.s32 @!p0 $0x1C0C  }
0xfa: {  	[timem:s3], [sflag:s2] =	dma.local @!p0 [hbm:s0], s1  }
0xfb: {  	s0 =	simm.s32 @!p0 $0xC  }
0xfc: {  	_ =	swait.ge @!p0 [sflag:s0], s1  }
0xfd: {  	s1 =	ssub.s32 @!p0 $0x0, s1;
	[sflag:s0] =	ssyncset.done @!p0 $0x0  }
0xfe: {  	[sflag:s0] =	ssyncadd.s32 @!p0 s1  }
0xff: {  	[bflag:$0x3] =	sbarrier.arrive $0xFFFF  }
0x100: {  	_ =	shalt  }

// kernel: kernel.19.cloned.1.call-start
scs
__scs_entry_jumppad:
0x0: {  	(pc) =	sbr.rel $0x88, $3  }
0x1: {  	(tag) =	ssettag $0x0;
	lr =	simm.s32 $0x1  }
0x2: {  	[smem:$0x3F9B] =	sst lr;
	_ =	strace $0xD0000000  }
0x3: {  	_ = 	snop  }
0x4: {  	_ = 	snop  }
0x5: {  	_ = 	snop  }
0x6: {  	_ = 	snop  }
0x7: {  	_ = 	snop  }
__scs_overlays_trampoline_lowered:
0x8: {  	[smem:$0x3FAA] =	sst s0  }
0x9: {  	[smem:$0x3FAB] =	sst s1  }
0xa: {  	[smem:$0x3FAC] =	sst s2  }
0xb: {  	[smem:$0x3FAD] =	sst s3  }
0xc: {  	[smem:$0x3FAE] =	sst s4  }
0xd: {  	[smem:$0x3FAF] =	sst s5  }
0xe: {  	[smem:$0x3FB0] =	sst s6  }
0xf: {  	[smem:$0x3FB1] =	sst s7  }
0x10: {  	[smem:$0x3FB2] =	sst s8  }
0x11: {  	[smem:$0x3FB3] =	sst s9;
	s0 =	simm.s32 @!p0 $0x0  }
0x12: {  	s1 =	sld [smem:$0x3F99];
	s0 =	simm.s32 @p0 $0x1  }
0x13: {  	[smem:$0x3FB4] =	sst s0;
	s0 =	simm.s32 @!p1 $0x0  }
0x14: {  	s2 =	sld [smem:$0x3F98];
	s0 =	simm.s32 @p1 $0x1  }
0x15: {  	[smem:$0x3FB5] =	sst s0;
	s0 =	simm.s32 @!p2 $0x0  }
0x16: {  	s3 =	sld [smem:$0x3FDB];
	s0 =	simm.s32 @p2 $0x1  }
0x17: {  	s4 =	simm.s32 $0x1BF5;
	[smem:$0x3FB7] =	sst s0  }
0x18: {  	s0 =	sld [smem:$0x3F9A];
	_ =	swait.ge [sflag:s4], $0x0  }
0x19: {  	s7 =	sld [smem:$0x3F9B]  }
0x1a: {  	s8 =	sadd.s32 $0xFFFFE003, lr  }
0x1b: {  	s9 =	sadd.s32 $0xFFFFFEF7, lr;
	s5 =	simm.s32 $0xFFFFFFFF;
	p2 =	slt.u32 s8, $0xFFFFF086  }
0x1c: {  	p1 =	slt.u32 s9, $0xF7A;
	s5 =	simm.s32 @!p2 $0x0  }
0x1d: {  	s5 =	simm.s32 @p1 $0x1;
	p0 =	seq.s32 s7, s2  }
0x1e: {  	s7 =	smul.u32 @!p0 $0xF7A, s2;
	p2 =	seq.s32 @!p0 s5, $0x0  }
0x1f: {  	s9 =	smul.u32 $0xF7A, s1;
	s8 =	simm.s32 @!p0 $0x1BF5;
	p2 =	por !p2, p0  }
0x20: {  	[sflag:s8] =	ssyncset.s32 @!p0 $0xFFFFF086;
	s6 =	sadd.s32 @!p0 s3, s7;
	s7 =	simm.s32 @!p0 $0x108  }
0x21: {  	s3 =	sadd.s32 s3, s9;
	s6 =	sadd.s32 @!p0 $0x88, s6;
	s7 =	simm.s32 @p2 $0x1082  }
0x22: {  	[simem:s7], [sflag:s8] =	dma.local @!p0 [hbm:s6], $0xF7A  }
0x23: {  	s9 =	sor.u32 $0xD0000000, s2;
	s6 =	simm.s32 $0x108;
	_ =	swait.ge @!p0 [sflag:s8], $0x0  }
0x24: {  	s3 =	sadd.s32 $0x88, s3;
	s6 =	simm.s32 @!p1 $0x1082;
	[sflag:s4] =	ssyncset.s32 $0xFFFFF086  }
0x25: {  	[simem:s6], [sflag:s4] =	dma.local [hbm:s3], $0xF7A  }
0x26: {  	[smem:$0x3F9B] =	sst s1;
	(tag) =	ssettag s2;
	_ =	strace s9  }
0x27: {  	s1 =	sld [smem:$0x3FAB]  }
0x28: {  	s2 =	sld [smem:$0x3FAC]  }
0x29: {  	s4 =	sld [smem:$0x3FAE]  }
0x2a: {  	p0 =	seq.s32 s5, $0x0;
	s5 =	sld [smem:$0x3FAF]  }
0x2b: {  	s6 =	sld [smem:$0x3FB0]  }
0x2c: {  	s7 =	sld [smem:$0x3FB1]  }
0x2d: {  	s3 =	simm.s32 $0x108;
	s8 =	sld [smem:$0x3FB2]  }
0x2e: {  	s3 =	simm.s32 @!p0 $0x1082;
	s9 =	sld [smem:$0x3FB3]  }
0x2f: {  	lr =	sadd.s32 s0, s3;
	s0 =	sld [smem:$0x3FAA]  }
0x30: {  	s3 =	sld [smem:$0x3FAD]  }
0x31: {  	[smem:$0x3FB6] =	sst s10  }
0x32: {  	s10 =	sld [smem:$0x3FB4];
	_ =	sdelay $0x3  }
0x33: {  	p0 =	seq.s32 s10, $0x1;
	s10 =	sld [smem:$0x3FB6];
	_ =	sdelay $0x3  }
0x34: {  	[smem:$0x3FB6] =	sst s10  }
0x35: {  	s10 =	sld [smem:$0x3FB5];
	_ =	sdelay $0x3  }
0x36: {  	p1 =	seq.s32 s10, $0x1;
	s10 =	sld [smem:$0x3FB6];
	_ =	sdelay $0x3  }
0x37: {  	[smem:$0x3FB6] =	sst s10  }
0x38: {  	s10 =	sld [smem:$0x3FB7]  }
0x39: {  	_ = 	snop;
	(pc) =	sbr.ind lr, $3  }
0x3a: {  	_ = 	snop  }
0x3b: {  	_ = 	snop  }
0x3c: {  	p2 =	seq.s32 s10, $0x1;
	s10 =	sld [smem:$0x3FB6]  }
0x3d: {  	_ =	shalt  }
0x3e: {  	_ =	shalt  }
0x3f: {  	_ =	shalt  }
0x40: {  	_ =	shalt  }
0x41: {  	_ =	shalt  }
0x42: {  	_ =	shalt  }
0x43: {  	_ =	shalt  }
0x44: {  	_ =	shalt  }
0x45: {  	_ =	shalt  }
0x46: {  	_ =	shalt  }
0x47: {  	_ =	shalt  }
0x48: {  	_ =	shalt  }
0x49: {  	_ =	shalt  }
0x4a: {  	_ =	shalt  }
0x4b: {  	_ =	shalt  }
0x4c: {  	_ =	shalt  }
0x4d: {  	_ =	shalt  }
0x4e: {  	_ =	shalt  }
0x4f: {  	_ =	shalt  }
0x50: {  	_ =	shalt  }
0x51: {  	_ =	shalt  }
0x52: {  	_ =	shalt  }
0x53: {  	_ =	shalt  }
0x54: {  	_ =	shalt  }
0x55: {  	_ =	shalt  }
0x56: {  	_ =	shalt  }
0x57: {  	_ =	shalt  }
0x58: {  	_ =	shalt  }
0x59: {  	_ =	shalt  }
0x5a: {  	_ =	shalt  }
0x5b: {  	_ =	shalt  }
0x5c: {  	_ =	shalt  }
0x5d: {  	_ =	shalt  }
0x5e: {  	_ =	shalt  }
0x5f: {  	_ =	shalt  }
0x60: {  	_ =	shalt  }
0x61: {  	_ =	shalt  }
0x62: {  	_ =	shalt  }
0x63: {  	_ =	shalt  }
0x64: {  	_ =	shalt  }
0x65: {  	_ =	shalt  }
0x66: {  	_ =	shalt  }
0x67: {  	_ =	shalt  }
0x68: {  	_ =	shalt  }
0x69: {  	_ =	shalt  }
0x6a: {  	_ =	shalt  }
0x6b: {  	_ =	shalt  }
0x6c: {  	_ =	shalt  }
0x6d: {  	_ =	shalt  }
0x6e: {  	_ =	shalt  }
0x6f: {  	_ =	shalt  }
0x70: {  	_ =	shalt  }
0x71: {  	_ =	shalt  }
0x72: {  	_ =	shalt  }
0x73: {  	_ =	shalt  }
0x74: {  	_ =	shalt  }
0x75: {  	_ =	shalt  }
0x76: {  	_ =	shalt  }
0x77: {  	_ =	shalt  }
0x78: {  	_ =	shalt  }
0x79: {  	_ =	shalt  }
0x7a: {  	_ =	shalt  }
0x7b: {  	_ =	shalt  }
0x7c: {  	_ =	shalt  }
0x7d: {  	_ =	shalt  }
0x7e: {  	_ =	shalt  }
0x7f: {  	_ =	shalt  }
0x80: {  	_ =	shalt  }
0x81: {  	_ =	shalt  }
0x82: {  	_ =	shalt  }
0x83: {  	_ =	shalt  }
0x84: {  	_ =	shalt  }
0x85: {  	_ =	shalt  }
0x86: {  	_ =	shalt  }
0x87: {  	_ =	shalt  }
.Lfunc_end0:
.L_simem_size_0:
called_computation.3_lowered:
.L_overlay_start_0:
0x88: {  	s2 =	sld [smem:$0x3FD9]  }
0x89: {  	s3 =	sld [smem:$0x3FFE];
	_ =	sdelay $0x1  }
0x8a: {  	s1 =	srdreg.scid  }
0x8b: {  	s0 =	sand.u32 $0x1, s1  }
0x8c: {  	s17 =	sshll.u32 s0, $0xA;
	s2 =	sadd.s32 s3, s2  }
0x8d: {  	s2 =	sadd.s32 s2, s17  }
0x8e: {  	[smem:$0x3FC2] =	sst s2  }
0x8f: {  	_ = 	snop  }
0x90: {  	s18 =	sld [smem:$0x3FC8];
	(tm) =	ssettm $0x1  }
0x91: {  	s19 =	sld [smem:$0x3FFB];
	_ =	sdelay $0x3  }
0x92: {  	_ =	strace s19  }
0x93: {  	s2 =	sld [smem:$0x3FFC];
	_ =	sdelay $0x3  }
0x94: {  	_ =	strace s2  }
0x95: {  	s2 =	sld [smem:$0x3FFD];
	_ =	sdelay $0x3  }
0x96: {  	_ =	strace s2  }
0x97: {  	_ =	strace $0x8FFFFFFF  }
0x98: {  	s20 =	sld [smem:$0x3FDB];
	_ =	sdelay $0x1  }
0x99: {  	s4 =	simm.s32 $_scs_section_size  }
0x9a: {  	s5 =	simm.s32 $_size__tile_overlayer_lowered;
	s6 =	simm.s32 $_tile_overlayer_lowered  }
0x9b: {  	s7 =	simm.s32 $0x1BFF;
	s21 =	sshll.u32 s6, $0x1;
	s4 =	sadd.s32 s4, s20  }
0x9c: {  	s22 =	simm.s32 $0x0;
	s5 =	sshll.u32 s5, $0x1;
	s6 =	sadd.s32 s21, s4  }
0x9d: {  	[timem:s22], [sflag:s7] =	dma.local [hbm:s6], s5  }
0x9e: {  	_ =	swait.ge [sflag:s7], s5  }
0x9f: {  	s5 =	ssub.s32 $0x0, s5;
	[sflag:s7] =	ssyncset.done $0x0  }
0xa0: {  	[sflag:s7] =	ssyncadd.s32 s5;
	_ =	sdelay $0x1  }
0xa1: {  	s23 =	simm.s32 $0x1B8B  }
0xa2: {  	_ =	swait.ge [sflag:s23], $0x1  }
0xa3: {  	[sflag:s23] =	ssyncset.done $0x0  }
0xa4: {  	[sflag:s23] =	ssyncadd.s32 $0xFFFFFFFF  }
0xa5: {  	s5 =	sld [smem:$0x0]  }
0xa6: {  	s6 =	sand.u32 $0xFFFFFFFE, s1  }
0xa7: {  	p0 =	sne.s32 s1, s6  }
0xa8: {  	s6 =	sshll.u32 @p0 s6, $0xE  }
0xa9: {  	s6 =	sadd.s32 @p0 $0x11B8D, s6;
	s7 =	sshll.u32 @p0 s5, $0x11  }
0xaa: {  	s6 =	sor.u32 @p0 s7, s6  }
0xab: {  	[sflag:s6] =	ssyncadd.remote.s32 @p0 $0x1;
	_ =	sdelay $0x1  }
0xac: {  	s6 =	simm.s32 @p0 $0x1B8D  }
0xad: {  	_ =	swait.eq @p0 [sflag:s6], $0x1  }
0xae: {  	[sflag:s6] =	ssyncadd.s32 @p0 $0xFFFFFFFF  }
0xaf: {  	s7 =	sshll.u32 @!p0 s1, $0xE  }
0xb0: {  	s7 =	sor.u32 @!p0 $0x4000, s7;
	s6 =	simm.s32 @!p0 $0x1B8D  }
0xb1: {  	s5 =	sshll.u32 @!p0 s5, $0x11;
	s7 =	sadd.s32 @!p0 $0x11B8D, s7;
	_ =	swait.eq @!p0 [sflag:s6], $0x1  }
0xb2: {  	s5 =	sor.u32 @!p0 s5, s7;
	[sflag:s6] =	ssyncadd.s32 @!p0 $0xFFFFFFFF  }
0xb3: {  	s25 =	simm.s32 $0x1B8E;
	s24 =	sld [smem:$0x3FFE];
	[sflag:s5] =	ssyncadd.remote.s32 @!p0 $0x1  }
0xb4: {  	s26 =	simm.s32 $execute0_lowered;
	[smem:$0x3FD2] =	sst s25  }
0xb5: {  	s6 =	sshll.u32 s26, $0x1;
	_ =	strace $0x8000004C;
	[dreg:$0x1] =	wrdreg $0xFFFFFFFF  }
0xb6: {  	s28 =	simm.s32 $_size_execute0_lowered;
	s4 =	sadd.s32 s4, s6;
	[dreg:$0x0] =	wrdreg $0x0  }
0xb7: {  	s6 =	sshll.u32 s28, $0x1;
	[dreg:$0x2] =	wrdreg s4  }
0xb8: {  	[dreg:$0x3] =	wrdreg s6  }
0xb9: {  	[dreg:$0x4] =	wrdreg $0xC0  }
0xba: {  	_ =	task [dreg:s22], $0x5FFFF  }
0xbb: {  	[dreg:$0x1] =	wrdreg $0xFFFFFFFF  }
0xbc: {  	[dreg:$0x0] =	wrdreg $0x60  }
0xbd: {  	[dreg:$0x2] =	wrdreg s24  }
0xbe: {  	[dreg:$0x3] =	wrdreg s18  }
0xbf: {  	[dreg:$0x4] =	wrdreg $0x158000  }
0xc0: {  	[dreg:$0x5] =	wrdreg $0xC  }
0xc1: {  	_ =	task.clear_ibuf [dreg:s22], $0x6FFFF;
	_ =	strace $0x9000004C  }
0xc2: {  	s29 =	simm.s32 $0xC;
	_ =	strace $0x8000004E  }
0xc3: {  	_ =	swait.ge [sflag:s29], $0x1  }
0xc4: {  	[sflag:s29] =	ssyncadd.s32 $0xFFFFFFFF  }
0xc5: {  	_ =	strace $0x9000004E  }
0xc6: {  	_ =	sfence  }
0xc7: {  	s30 =	sld [smem:$0x0];
	_ =	sdelay $0x2  }
0xc8: {  	s31 =	sshll.u32 s1, $0xD;
	s1 =	sshrl.u32 s1, $0x2  }
0xc9: {  	s4 =	sand.u32 $0x4000, s31;
	s1 =	sadd.s32 s1, s30  }
0xca: {  	s0 =	sor.u32 s4, s0;
	s1 =	sshll.u32 s1, $0x11  }
0xcb: {  	s0 =	sor.u32 s1, s0  }
0xcc: {  	s0 =	sadd.s32 $0x8F2B, s0  }
0xcd: {  	[sflag:s0] =	ssyncadd.remote.s32 $0x1  }
0xce: {  	_ =	sfence.sel $0xFFFF  }
0xcf: {  	[dreg:$0x0] =	wrdreg $0xFFFFFFFF;
	(pc) =	sbr.abs _section_cstart, $3  }
0xd0: {  	[dreg:$0x1] =	wrdreg $0xFFFFFFFF  }
0xd1: {  	_ =	task.clear_ibuf [dreg:s22], $0x2FFFF;
	_ =	strace $0x9FFFFFFF  }
0xd2: {  	(tm) =	ssettm $0x7FFFFFFF  }
0xd3: {  	_ =	shalt  }
tec
execute0_lowered:
.L_overlay_start_1:
0x0: {  	(tag) =	ssettag $0x1  }
0x1: {  	s1 =	rddreg [dreg:$0x0]  }
0x2: {  	s0 =	srdreg.scid;
	s2 =	rddreg [dreg:$0x1]  }
0x3: {  	s8 =	stileid.u32;
	s3 =	rddreg [dreg:$0x2]  }
0x4: {  	s13 =	simm.s32 $0xC;
	s14 =	simm.s32 $0x1800;
	s15 =	simm.s32 $0x80  }
0x5: {  	s16 =	simm.s32 $0x5800;
	s28 =	simm.s32 $0x1;
	s29 =	simm.s32 $0x2  }
0x6: {  	s31 =	simm.s32 $0x6;
	s17 =	simm.s32 $0x3;
	s0 =	sand.u32 $0x1, s0  }
0x7: {  	s30 =	simm.s32 $0x4;
	s7 =	smul.u32 $0x180, s8;
	s4 =	sshll.u32 s0, $0x4  }
0x8: {  	s0 =	ssub.s32 $0x2, s0;
	s5 =	sor.u32 s8, s4;
	s4 =	simm.s32 $0x0  }
0x9: {  	s7 =	sadd.s32 s7, s1;
	s18 =	sshrl.u32 s0, $0x1;
	s8 =	sshll.u32 s8, $0xE  }
0xa: {  	s6 =	smul.u32 $0x180, s5;
	[smem:$0x7FF] =	sst s4;
	s5 =	sshll.u32 s5, $0xB  }
0xb: {  	s0 =	ssub.s32 s0, s18;
	s20 =	sadd.s32 $0x5000, s7;
	s18 =	simm.s32 $0x9800  }
0xc: {  	s7 =	simm.s32 $0xB;
	_ =	strace $0x8000004D;
	[dreg:$0x5] =	wrdreg s20  }
0xd: {  	s0 =	smax.u32 s0, $0x1;
	s20 =	simm.s32 $0xD800;
	s6 =	sadd.s32 s6, s1  }
0xe: {  	s1 =	sadd.s32 s5, s1;
	[dreg:$0xa] =	wrdreg s0;
	s0 =	simm.s32 $0x8  }
0xf: {  	s5 =	simm.s32 $0xA;
	s19 =	sadd.s32 $0x29800, s6;
	s6 =	sadd.s32 s8, s3  }
0x10: {  	s22 =	sadd.s32 $0x2CB80, s1;
	s23 =	sadd.s32 $0x2C800, s1;
	[dreg:$0x4] =	wrdreg s19  }
0x11: {  	s25 =	sadd.s32 $0x2CD80, s1;
	s1 =	sadd.s32 $0x2CF80, s1;
	[dreg:$0x6] =	wrdreg s22  }
0x12: {  	s8 =	simm.s32 $0x0;
	s21 =	sadd.s32 $0x1C00, s6;
	[dreg:$0x7] =	wrdreg s23  }
0x13: {  	s24 =	sadd.s32 $0x2C00, s6;
	[dreg:$0x8] =	wrdreg s25;
	s26 =	sadd.s32 $0x3C00, s6  }
0x14: {  	[dreg:$0x9] =	wrdreg s1;
	s22 =	simm.s32 $0x11800;
	s19 =	simm.s32 $0x7  }
0x15: {  	s1 =	simm.s32 $0x5;
	s23 =	sshrl.u32 s21, $0x3;
	s24 =	sshrl.u32 s24, $0x3  }
0x16: {  	v0 =	vimm.f32 $0.0e+00;
	s25 =	sshrl.u32 s26, $0x3;
	s26 =	simm.s32 $0xC00;
	s21 =	simm.s32 $0x9  }
.LBB2_1:
0x17: {  	s9 =	rddreg [dreg:$0x4]  }
0x18: {  	[tilespmem:s4], [sflag:$0xC] =	stream.linear.gather [hbm4b:s9+s4], $0xA00, $0x38;
	[tilespmem:$0x19800] =	vst v63  }
0x19: {  	_ =	swait.ge [sflag:s13], $0xA00  }
0x1a: {  	[sflag:s13] =	ssyncset.done $0x0  }
0x1b: {  	s10 =	simm.s32 $0x200;
	s9 =	simm.s32 $0x0;
	[sflag:s13] =	ssyncadd.s32 $0xFFFFF600  }
.LBB2_2:
0x1c: {  	p0 =	sne.s32 s10, $0xFE00;
	[tilespmem:s9+$0x1870] =	vst v0  }
0x1d: {  	[tilespmem:s9+$0x1800] =	vst v0  }
0x1e: {  	[tilespmem:s9+$0x1810] =	vst v0  }
.Ltmp0:
0x1f: {  	[tilespmem:s9+$0x1820] =	vst v0;
	(pc) =	sbr.rel @p0 .LBB2_2-.Ltmp0, $4  }
0x20: {  	[tilespmem:s9+$0x1830] =	vst v0  }
0x21: {  	[tilespmem:s9+$0x1840] =	vst v0  }
0x22: {  	[tilespmem:s9+$0x1850] =	vst v0  }
0x23: {  	[tilespmem:s9+$0x1860] =	vst v0;
	s9 =	sshra.s32 s10, $0x2;
	s10 =	sadd.s32 $0x200, s10  }
0x24: {  	[tilespmem:s9+$0x1870] =	vst v0  }
0x25: {  	[tilespmem:s9+$0x1800] =	vst v0  }
0x26: {  	[tilespmem:s9+$0x1810] =	vst v0  }
0x27: {  	[tilespmem:s9+$0x1820] =	vst v0  }
0x28: {  	[tilespmem:s9+$0x1830] =	vst v0  }
0x29: {  	[tilespmem:s9+$0x1840] =	vst v0  }
0x2a: {  	[tilespmem:s9+$0x1850] =	vst v0  }
0x2b: {  	[tilespmem:s9+$0x1860] =	vst v0  }
0x2c: {  	[spmem:s6] =	stream.linear.scatter [tilespmem:s14], [sflag:$0xC], $0x4000, $0x38;
	[tilespmem:$0x19800] =	vst v63  }
0x2d: {  	_ =	swait.ge [sflag:s13], $0x4000  }
0x2e: {  	[sflag:s13] =	ssyncset.done $0x0  }
0x2f: {  	[sflag:s13] =	ssyncadd.s32 $0xFFFFC000  }
0x30: {  	[tilespmem:s14], [sflag:$0x1] =	stream.indirect.gather [hbm4b:s2+s15], $0x80, s4, s15, $0xb8;
	[tilespmem:$0x19800] =	vst v63  }
0x31: {  	_ = 	snop  }
0x32: {  	[tilespmem:s16], [sflag:$0x2] =	stream.indirect.gather [hbm4b:s2+s15], $0x80, s15, s15, $0xb8;
	[tilespmem:$0x19800] =	vst v63  }
0x33: {  	s10 =	simm.s32 $0x100  }
0x34: {  	[tilespmem:s18], [sflag:$0x3] =	stream.indirect.gather [hbm4b:s2+s15], $0x80, s10, s15, $0xb8;
	[tilespmem:$0x19800] =	vst v63  }
0x35: {  	s11 =	simm.s32 $0x180  }
0x36: {  	[tilespmem:s20], [sflag:$0x4] =	stream.indirect.gather [hbm4b:s2+s15], $0x80, s11, s15, $0xb8;
	[tilespmem:$0x19800] =	vst v63  }
0x37: {  	s12 =	simm.s32 $0x200  }
0x38: {  	[tilespmem:s22], [sflag:$0x5] =	stream.indirect.gather [hbm4b:s2+s15], $0x80, s12, s15, $0xb8;
	[tilespmem:$0x19800] =	vst v63  }
0x39: {  	s10 =	rddreg [dreg:$0x5]  }
0x3a: {  	[tilespmem:s26], [sflag:$0xC] =	stream.linear.gather [hbm4b:s10+s4], $0xA00, $0x38;
	[tilespmem:$0x19800] =	vst v63  }
0x3b: {  	_ =	swait.ge [sflag:s13], $0xA00  }
0x3c: {  	[sflag:s13] =	ssyncset.done $0x0  }
0x3d: {  	[sflag:s13] =	ssyncadd.s32 $0xFFFFF600  }
0x3e: {  	_ =	swait.ge [sflag:s28], $0x4000  }
0x3f: {  	[sflag:s28] =	ssyncset.done $0x0  }
0x40: {  	[sflag:s28] =	ssyncadd.s32 $0xFFFFC000  }
0x41: {  	[spmem:s3] =	stream.indirect.scatter.add.f32 [tilespmem:s14], [sflag:$0x6], $0x80, s26, s15, $0xb8;
	[tilespmem:$0x19800] =	vst v63  }
0x42: {  	_ =	swait.ge [sflag:s29], $0x4000  }
0x43: {  	[sflag:s29] =	ssyncset.done $0x0  }
0x44: {  	s11 =	simm.s32 $0xC80;
	[sflag:s29] =	ssyncadd.s32 $0xFFFFC000  }
0x45: {  	[spmem:s3] =	stream.indirect.scatter.add.f32 [tilespmem:s16], [sflag:$0x7], $0x80, s11, s15, $0xb8;
	[tilespmem:$0x19800] =	vst v63  }
0x46: {  	_ =	swait.ge [sflag:s31], $0x4000  }
0x47: {  	[sflag:s31] =	ssyncset.done $0x0  }
0x48: {  	s12 =	simm.s32 $0x280;
	[sflag:s31] =	ssyncadd.s32 $0xFFFFC000  }
0x49: {  	[tilespmem:s14], [sflag:$0x1] =	stream.indirect.gather [hbm4b:s2+s15], $0x80, s12, s15, $0xb8;
	[tilespmem:$0x19800] =	vst v63  }
0x4a: {  	_ =	swait.ge [sflag:s17], $0x4000  }
0x4b: {  	[sflag:s17] =	ssyncset.done $0x0  }
0x4c: {  	s10 =	simm.s32 $0xD00;
	[sflag:s17] =	ssyncadd.s32 $0xFFFFC000  }
0x4d: {  	[spmem:s3] =	stream.indirect.scatter.add.f32 [tilespmem:s18], [sflag:$0x8], $0x80, s10, s15, $0xb8;
	[tilespmem:$0x19800] =	vst v63  }
0x4e: {  	_ =	swait.ge [sflag:s19], $0x4000  }
0x4f: {  	[sflag:s19] =	ssyncset.done $0x0  }
0x50: {  	s11 =	simm.s32 $0x300;
	[sflag:s19] =	ssyncadd.s32 $0xFFFFC000  }
0x51: {  	[tilespmem:s16], [sflag:$0x2] =	stream.indirect.gather [hbm4b:s2+s15], $0x80, s11, s15, $0xb8;
	[tilespmem:$0x19800] =	vst v63  }
0x52: {  	_ =	swait.ge [sflag:s30], $0x4000  }
0x53: {  	[sflag:s30] =	ssyncset.done $0x0  }
0x54: {  	s12 =	simm.s32 $0xD80;
	[sflag:s30] =	ssyncadd.s32 $0xFFFFC000  }
0x55: {  	[spmem:s3] =	stream.indirect.scatter.add.f32 [tilespmem:s20], [sflag:$0x9], $0x80, s12, s15, $0xb8;
	[tilespmem:$0x19800] =	vst v63  }
0x56: {  	_ =	swait.ge [sflag:s0], $0x4000  }
0x57: {  	[sflag:s0] =	ssyncset.done $0x0  }
0x58: {  	s10 =	simm.s32 $0x380;
	[sflag:s0] =	ssyncadd.s32 $0xFFFFC000  }
0x59: {  	[tilespmem:s18], [sflag:$0x3] =	stream.indirect.gather [hbm4b:s2+s15], $0x80, s10, s15, $0xb8;
	[tilespmem:$0x19800] =	vst v63  }
0x5a: {  	_ =	swait.ge [sflag:s1], $0x4000  }
0x5b: {  	[sflag:s1] =	ssyncset.done $0x0  }
0x5c: {  	s11 =	simm.s32 $0xE00;
	[sflag:s1] =	ssyncadd.s32 $0xFFFFC000  }
0x5d: {  	[spmem:s3] =	stream.indirect.scatter.add.f32 [tilespmem:s22], [sflag:$0xA], $0x80, s11, s15, $0xb8;
	[tilespmem:$0x19800] =	vst v63  }
0x5e: {  	_ =	swait.ge [sflag:s21], $0x4000  }
0x5f: {  	[sflag:s21] =	ssyncset.done $0x0  }
0x60: {  	s12 =	simm.s32 $0x400;
	[sflag:s21] =	ssyncadd.s32 $0xFFFFC000  }
0x61: {  	[tilespmem:s20], [sflag:$0x4] =	stream.indirect.gather [hbm4b:s2+s15], $0x80, s12, s15, $0xb8;
	[tilespmem:$0x19800] =	vst v63  }
0x62: {  	_ =	swait.ge [sflag:s28], $0x4000  }
0x63: {  	[sflag:s28] =	ssyncset.done $0x0  }
0x64: {  	s10 =	simm.s32 $0xE80;
	[sflag:s28] =	ssyncadd.s32 $0xFFFFC000  }
0x65: {  	[spmem:s3] =	stream.indirect.scatter.add.f32 [tilespmem:s14], [sflag:$0x6], $0x80, s10, s15, $0xb8;
	[tilespmem:$0x19800] =	vst v63  }
0x66: {  	_ =	swait.ge [sflag:s5], $0x4000  }
0x67: {  	[sflag:s5] =	ssyncset.done $0x0  }
0x68: {  	s11 =	simm.s32 $0x480;
	[sflag:s5] =	ssyncadd.s32 $0xFFFFC000  }
0x69: {  	[tilespmem:s22], [sflag:$0x5] =	stream.indirect.gather [hbm4b:s2+s15], $0x80, s11, s15, $0xb8;
	[tilespmem:$0x19800] =	vst v63  }
0x6a: {  	_ =	swait.ge [sflag:s29], $0x4000  }
0x6b: {  	[sflag:s29] =	ssyncset.done $0x0  }
0x6c: {  	s12 =	simm.s32 $0xF00;
	[sflag:s29] =	ssyncadd.s32 $0xFFFFC000  }
0x6d: {  	[spmem:s3] =	stream.indirect.scatter.add.f32 [tilespmem:s16], [sflag:$0x7], $0x80, s12, s15, $0xb8;
	[tilespmem:$0x19800] =	vst v63  }
0x6e: {  	_ =	swait.ge [sflag:s31], $0x4000  }
0x6f: {  	[sflag:s31] =	ssyncset.done $0x0  }
0x70: {  	s10 =	simm.s32 $0x500;
	[sflag:s31] =	ssyncadd.s32 $0xFFFFC000  }
0x71: {  	[tilespmem:s14], [sflag:$0x1] =	stream.indirect.gather [hbm4b:s2+s15], $0x80, s10, s15, $0xb8;
	[tilespmem:$0x19800] =	vst v63  }
0x72: {  	_ =	swait.ge [sflag:s17], $0x4000  }
0x73: {  	[sflag:s17] =	ssyncset.done $0x0  }
0x74: {  	s11 =	simm.s32 $0xF80;
	[sflag:s17] =	ssyncadd.s32 $0xFFFFC000  }
0x75: {  	[spmem:s3] =	stream.indirect.scatter.add.f32 [tilespmem:s18], [sflag:$0x8], $0x80, s11, s15, $0xb8;
	[tilespmem:$0x19800] =	vst v63  }
0x76: {  	_ =	swait.ge [sflag:s19], $0x4000  }
0x77: {  	[sflag:s19] =	ssyncset.done $0x0  }
0x78: {  	s12 =	simm.s32 $0x580;
	[sflag:s19] =	ssyncadd.s32 $0xFFFFC000  }
0x79: {  	[tilespmem:s16], [sflag:$0x2] =	stream.indirect.gather [hbm4b:s2+s15], $0x80, s12, s15, $0xb8;
	[tilespmem:$0x19800] =	vst v63  }
0x7a: {  	_ =	swait.ge [sflag:s30], $0x4000  }
0x7b: {  	[sflag:s30] =	ssyncset.done $0x0  }
0x7c: {  	s10 =	simm.s32 $0x1000;
	[sflag:s30] =	ssyncadd.s32 $0xFFFFC000  }
0x7d: {  	[spmem:s3] =	stream.indirect.scatter.add.f32 [tilespmem:s20], [sflag:$0x9], $0x80, s10, s15, $0xb8;
	[tilespmem:$0x19800] =	vst v63  }
0x7e: {  	_ =	swait.ge [sflag:s0], $0x4000  }
0x7f: {  	[sflag:s0] =	ssyncset.done $0x0  }
0x80: {  	s11 =	simm.s32 $0x600;
	[sflag:s0] =	ssyncadd.s32 $0xFFFFC000  }
0x81: {  	[tilespmem:s18], [sflag:$0x3] =	stream.indirect.gather [hbm4b:s2+s15], $0x80, s11, s15, $0xb8;
	[tilespmem:$0x19800] =	vst v63  }
0x82: {  	_ =	swait.ge [sflag:s1], $0x4000  }
0x83: {  	[sflag:s1] =	ssyncset.done $0x0  }
0x84: {  	s12 =	simm.s32 $0x1080;
	[sflag:s1] =	ssyncadd.s32 $0xFFFFC000  }
0x85: {  	[spmem:s3] =	stream.indirect.scatter.add.f32 [tilespmem:s22], [sflag:$0xA], $0x80, s12, s15, $0xb8;
	[tilespmem:$0x19800] =	vst v63  }
0x86: {  	_ =	swait.ge [sflag:s21], $0x4000  }
0x87: {  	s11 =	stileid.u32;
	[sflag:s21] =	ssyncset.done $0x0  }
0x88: {  	s10 =	simm.s32 $0x680;
	s9 =	sshll.u32 s11, $0x6;
	[sflag:s21] =	ssyncadd.s32 $0xFFFFC000  }
0x89: {  	[tilespmem:s20], [sflag:$0x4] =	stream.indirect.gather [hbm4b:s2+s15], $0x80, s10, s15, $0xb8;
	[tilespmem:$0x19800] =	vst v63  }
0x8a: {  	s11 =	sshrl.u32 s6, $0x3;
	s12 =	rddreg [dreg:$0x7];
	s10 =	sor.u32 $0x1C0B, s9  }
0x8b: {  	[hbm:s12], [sflag:s10] =	dma.local [spmem:s11], $0x380  }
0x8c: {  	_ =	swait.ge [sflag:s28], $0x4000  }
0x8d: {  	[sflag:s28] =	ssyncset.done $0x0  }
0x8e: {  	s12 =	simm.s32 $0x1100;
	[sflag:s28] =	ssyncadd.s32 $0xFFFFC000  }
0x8f: {  	[spmem:s3] =	stream.indirect.scatter.add.f32 [tilespmem:s14], [sflag:$0x6], $0x80, s12, s15, $0xb8;
	[tilespmem:$0x19800] =	vst v63  }
0x90: {  	_ =	swait.ge [sflag:s5], $0x4000  }
0x91: {  	[sflag:s5] =	ssyncset.done $0x0  }
0x92: {  	s12 =	simm.s32 $0x700;
	[sflag:s5] =	ssyncadd.s32 $0xFFFFC000  }
0x93: {  	[tilespmem:s22], [sflag:$0x5] =	stream.indirect.gather [hbm4b:s2+s15], $0x80, s12, s15, $0xb8;
	[tilespmem:$0x19800] =	vst v63  }
0x94: {  	_ =	swait.ge [sflag:s29], $0x4000  }
0x95: {  	[sflag:s29] =	ssyncset.done $0x0  }
0x96: {  	s12 =	simm.s32 $0x1180;
	[sflag:s29] =	ssyncadd.s32 $0xFFFFC000  }
0x97: {  	[spmem:s3] =	stream.indirect.scatter.add.f32 [tilespmem:s16], [sflag:$0x7], $0x80, s12, s15, $0xb8;
	[tilespmem:$0x19800] =	vst v63  }
0x98: {  	_ =	swait.ge [sflag:s31], $0x4000  }
0x99: {  	[sflag:s31] =	ssyncset.done $0x0  }
0x9a: {  	s12 =	simm.s32 $0x780;
	[sflag:s31] =	ssyncadd.s32 $0xFFFFC000  }
0x9b: {  	[tilespmem:s14], [sflag:$0x1] =	stream.indirect.gather [hbm4b:s2+s15], $0x80, s12, s15, $0xb8;
	[tilespmem:$0x19800] =	vst v63  }
0x9c: {  	_ =	swait.ge [sflag:s17], $0x4000  }
0x9d: {  	[sflag:s17] =	ssyncset.done $0x0  }
0x9e: {  	s12 =	simm.s32 $0x1200;
	[sflag:s17] =	ssyncadd.s32 $0xFFFFC000  }
0x9f: {  	[spmem:s3] =	stream.indirect.scatter.add.f32 [tilespmem:s18], [sflag:$0x8], $0x80, s12, s15, $0xb8;
	[tilespmem:$0x19800] =	vst v63  }
0xa0: {  	_ =	swait.ge [sflag:s19], $0x4000  }
0xa1: {  	[sflag:s19] =	ssyncset.done $0x0  }
0xa2: {  	s12 =	simm.s32 $0x800;
	[sflag:s19] =	ssyncadd.s32 $0xFFFFC000  }
0xa3: {  	[tilespmem:s16], [sflag:$0x2] =	stream.indirect.gather [hbm4b:s2+s15], $0x80, s12, s15, $0xb8;
	[tilespmem:$0x19800] =	vst v63  }
0xa4: {  	_ =	swait.ge [sflag:s30], $0x4000  }
0xa5: {  	[sflag:s30] =	ssyncset.done $0x0  }
0xa6: {  	s12 =	simm.s32 $0x1280;
	[sflag:s30] =	ssyncadd.s32 $0xFFFFC000  }
0xa7: {  	[spmem:s3] =	stream.indirect.scatter.add.f32 [tilespmem:s20], [sflag:$0x9], $0x80, s12, s15, $0xb8;
	[tilespmem:$0x19800] =	vst v63  }
0xa8: {  	_ =	swait.ge [sflag:s0], $0x4000  }
0xa9: {  	[sflag:s0] =	ssyncset.done $0x0  }
0xaa: {  	s12 =	simm.s32 $0x880;
	[sflag:s0] =	ssyncadd.s32 $0xFFFFC000  }
0xab: {  	[tilespmem:s18], [sflag:$0x3] =	stream.indirect.gather [hbm4b:s2+s15], $0x80, s12, s15, $0xb8;
	[tilespmem:$0x19800] =	vst v63  }
0xac: {  	_ =	swait.ge [sflag:s1], $0x4000  }
0xad: {  	[sflag:s1] =	ssyncset.done $0x0  }
0xae: {  	s12 =	simm.s32 $0x1300;
	[sflag:s1] =	ssyncadd.s32 $0xFFFFC000  }
0xaf: {  	[spmem:s3] =	stream.indirect.scatter.add.f32 [tilespmem:s22], [sflag:$0xA], $0x80, s12, s15, $0xb8;
	[tilespmem:$0x19800] =	vst v63  }
0xb0: {  	_ =	swait.ge [sflag:s21], $0x4000  }
0xb1: {  	[sflag:s21] =	ssyncset.done $0x0  }
0xb2: {  	s12 =	simm.s32 $0x900;
	[sflag:s21] =	ssyncadd.s32 $0xFFFFC000  }
0xb3: {  	[tilespmem:s20], [sflag:$0x4] =	stream.indirect.gather [hbm4b:s2+s15], $0x80, s12, s15, $0xb8;
	[tilespmem:$0x19800] =	vst v63  }
0xb4: {  	s12 =	rddreg [dreg:$0x6]  }
0xb5: {  	[hbm:s12], [sflag:s10] =	dma.local [spmem:s23], $0x200  }
0xb6: {  	_ =	swait.ge [sflag:s28], $0x4000  }
0xb7: {  	[sflag:s28] =	ssyncset.done $0x0  }
0xb8: {  	s12 =	simm.s32 $0x1380;
	[sflag:s28] =	ssyncadd.s32 $0xFFFFC000  }
0xb9: {  	[spmem:s3] =	stream.indirect.scatter.add.f32 [tilespmem:s14], [sflag:$0x6], $0x80, s12, s15, $0xb8;
	[tilespmem:$0x19800] =	vst v63  }
0xba: {  	_ =	swait.ge [sflag:s5], $0x4000  }
0xbb: {  	[sflag:s5] =	ssyncset.done $0x0  }
0xbc: {  	s12 =	simm.s32 $0x980;
	[sflag:s5] =	ssyncadd.s32 $0xFFFFC000  }
0xbd: {  	[tilespmem:s22], [sflag:$0x5] =	stream.indirect.gather [hbm4b:s2+s15], $0x80, s12, s15, $0xb8;
	[tilespmem:$0x19800] =	vst v63  }
0xbe: {  	_ =	swait.ge [sflag:s29], $0x4000  }
0xbf: {  	[sflag:s29] =	ssyncset.done $0x0  }
0xc0: {  	s12 =	simm.s32 $0x1400;
	[sflag:s29] =	ssyncadd.s32 $0xFFFFC000  }
0xc1: {  	[spmem:s3] =	stream.indirect.scatter.add.f32 [tilespmem:s16], [sflag:$0x7], $0x80, s12, s15, $0xb8;
	[tilespmem:$0x19800] =	vst v63  }
0xc2: {  	_ =	swait.ge [sflag:s31], $0x4000  }
0xc3: {  	[sflag:s31] =	ssyncset.done $0x0  }
0xc4: {  	[sflag:s31] =	ssyncadd.s32 $0xFFFFC000  }
0xc5: {  	_ =	swait.ge [sflag:s17], $0x4000  }
0xc6: {  	[sflag:s17] =	ssyncset.done $0x0  }
0xc7: {  	s12 =	simm.s32 $0x1480;
	[sflag:s17] =	ssyncadd.s32 $0xFFFFC000  }
0xc8: {  	[spmem:s3] =	stream.indirect.scatter.add.f32 [tilespmem:s18], [sflag:$0x8], $0x80, s12, s15, $0xb8;
	[tilespmem:$0x19800] =	vst v63  }
0xc9: {  	_ =	swait.ge [sflag:s19], $0x4000  }
0xca: {  	[sflag:s19] =	ssyncset.done $0x0  }
0xcb: {  	[sflag:s19] =	ssyncadd.s32 $0xFFFFC000  }
0xcc: {  	_ =	swait.ge [sflag:s30], $0x4000  }
0xcd: {  	[sflag:s30] =	ssyncset.done $0x0  }
0xce: {  	s12 =	simm.s32 $0x1500;
	[sflag:s30] =	ssyncadd.s32 $0xFFFFC000  }
0xcf: {  	[spmem:s3] =	stream.indirect.scatter.add.f32 [tilespmem:s20], [sflag:$0x9], $0x80, s12, s15, $0xb8;
	[tilespmem:$0x19800] =	vst v63  }
0xd0: {  	_ =	swait.ge [sflag:s0], $0x4000  }
0xd1: {  	[sflag:s0] =	ssyncset.done $0x0  }
0xd2: {  	[sflag:s0] =	ssyncadd.s32 $0xFFFFC000  }
0xd3: {  	_ =	swait.ge [sflag:s1], $0x4000  }
0xd4: {  	[sflag:s1] =	ssyncset.done $0x0  }
0xd5: {  	s12 =	simm.s32 $0x1580;
	[sflag:s1] =	ssyncadd.s32 $0xFFFFC000  }
0xd6: {  	[spmem:s3] =	stream.indirect.scatter.add.f32 [tilespmem:s22], [sflag:$0xA], $0x80, s12, s15, $0xb8;
	[tilespmem:$0x19800] =	vst v63  }
0xd7: {  	_ =	swait.ge [sflag:s21], $0x4000  }
0xd8: {  	[sflag:s21] =	ssyncset.done $0x0  }
0xd9: {  	s12 =	rddreg [dreg:$0x8];
	[sflag:s21] =	ssyncadd.s32 $0xFFFFC000  }
0xda: {  	[hbm:s12], [sflag:s10] =	dma.local [spmem:s24], $0x200  }
0xdb: {  	_ =	swait.ge [sflag:s5], $0x4000  }
0xdc: {  	[sflag:s5] =	ssyncset.done $0x0  }
0xdd: {  	s9 =	sor.u32 $0x1C0C, s9;
	s11 =	rddreg [dreg:$0x9];
	[sflag:s5] =	ssyncadd.s32 $0xFFFFC000  }
0xde: {  	[hbm:s11], [sflag:s9] =	dma.local [spmem:s25], $0x80  }
0xdf: {  	_ =	swait.ge [sflag:s13], $0x80  }
0xe0: {  	[sflag:s13] =	ssyncset.done $0x0  }
0xe1: {  	[sflag:s13] =	ssyncadd.s32 $0xFFFFFF80  }
0xe2: {  	_ =	swait.ge [sflag:s7], $0x380  }
0xe3: {  	[sflag:s7] =	ssyncset.done $0x0  }
0xe4: {  	[sflag:s7] =	ssyncadd.s32 $0xFFFFFC80  }
0xe5: {  	_ =	swait.ge [sflag:s7], $0x200  }
0xe6: {  	[sflag:s7] =	ssyncset.done $0x0  }
0xe7: {  	[sflag:s7] =	ssyncadd.s32 $0xFFFFFE00  }
0xe8: {  	_ =	swait.ge [sflag:s7], $0x200  }
0xe9: {  	s8 =	sadd.s32 $0x1, s8;
	s12 =	rddreg [dreg:$0xa]  }
0xea: {  	p0 =	sne.s32 s8, s12  }
.Ltmp1:
0xeb: {  	_ = 	snop;
	(pc) =	sbr.rel @p0 .LBB2_1-.Ltmp1, $3  }
0xec: {  	_ =	sdelay $0x1  }
0xed: {  	[sflag:s7] =	ssyncset.done $0x0  }
0xee: {  	[sflag:s7] =	ssyncadd.s32 $0xFFFFFE00  }
0xef: {  	_ =	sfence.sel $0x180000  }
0xf0: {  	[bflag:$0x0] =	sbarrier.arrive $0xFFFF  }
0xf1: {  	_ =	strace $0x9000004D  }
0xf2: {  	s0 =	stileid.u32;
	[bflag:$0x2] =	sbarrier.arrive $0xFFFF  }
0xf3: {  	p0 =	sne.s32 s0, $0x0;
	s0 =	rddreg [dreg:$0x3]  }
0xf4: {  	s0 =	sadd.s32 @!p0 $0x100000, s0  }
0xf5: {  	[sflag:s0] =	ssyncadd.tile.s32 @!p0 $0x1;
	_ =	shalt  }
.Lfunc_end2:
_tile_overlayer_lowered:
.L_overlay_start_2:
0xf6: {  	(tag) =	ssettag $0x2  }
0xf7: {  	s0 =	rddreg [dreg:$0x0];
	s2 =	stileid.u32  }
0xf8: {  	s1 =	rddreg [dreg:$0x1];
	p0 =	sne.s32 s2, $0x0  }
0xf9: {  	s3 =	rddreg [dreg:$0x2];
	[bflag:$0x3] =	sbarrier.arrive $0xFFFF;
	s2 =	simm.s32 @!p0 $0x1C0C  }
0xfa: {  	[timem:s3], [sflag:s2] =	dma.local @!p0 [hbm:s0], s1  }
0xfb: {  	s0 =	simm.s32 @!p0 $0xC  }
0xfc: {  	_ =	swait.ge @!p0 [sflag:s0], s1  }
0xfd: {  	s1 =	ssub.s32 @!p0 $0x0, s1;
	[sflag:s0] =	ssyncset.done @!p0 $0x0  }
0xfe: {  	[sflag:s0] =	ssyncadd.s32 @!p0 s1  }
0xff: {  	[bflag:$0x3] =	sbarrier.arrive $0xFFFF  }
0x100: {  	_ =	shalt  }

</sc_bundles>
